<compile_context>
chip_gen: v7x
topology: tpu7x:2x2x1
jax: 0.10.2.dev20260603
libtpu: 0.0.44.dev20260713+nightly
codegen_flags: <defaults>
</compile_context>

<pallas_src>
import functools

import jax
import jax.numpy as jnp
from jax import lax
from jax.experimental import pallas as pl
from jax.experimental.pallas import tpu as pltpu

_K = 256
_LANE = 128


def _rup(n, m):
    return (n + m - 1) // m * m


def _mm_body(a_ref, b_ref, bias_ref, o_ref):
    o_ref[...] = (
        jnp.dot(a_ref[...], b_ref[...], preferred_element_type=jnp.float32)
        + bias_ref[...]
    )


def _mm(a, b, bias=None):
    m, k = a.shape
    n = b.shape[1]
    if bias is None:
        bias = jnp.zeros((n,), jnp.float32)
    return pl.pallas_call(
        _mm_body,
        out_shape=jax.ShapeDtypeStruct((m, n), jnp.float32),
    )(a, b, bias.reshape(1, n))


def _qsns_body(pooled_ref, ah_ref, wq_ref, bq_ref, ws1_ref, ws2_ref, o_ref):
    q = (
        jnp.dot(pooled_ref[...], wq_ref[...], preferred_element_type=jnp.float32)
        + bq_ref[...]
    )
    qs = jnp.dot(q, ws1_ref[...], preferred_element_type=jnp.float32)
    ns = jnp.dot(ah_ref[...], ws2_ref[...], preferred_element_type=jnp.float32)
    o_ref[:, 0:1] = qs
    o_ref[:, 1:2] = ns


def _qsns(pooled, ah, Wq, bq, ws1, ws2):
    n = pooled.shape[0]
    return pl.pallas_call(
        _qsns_body,
        out_shape=jax.ShapeDtypeStruct((n, 2), jnp.float32),
    )(pooled, ah, Wq, bq.reshape(1, -1), ws1, ws2)


def _topk_body(n_nodes, k, pre_ref, ch_ref, x_out_ref, idx_out_ref, f2_ref,
               rm_ref):
    rows, lanes = pre_ref.shape
    ri = lax.broadcasted_iota(jnp.int32, (rows, lanes), 0)
    ci = lax.broadcasted_iota(jnp.int32, (rows, lanes), 1)
    flat = ri * lanes + ci
    f2 = jnp.where(flat < n_nodes, jax.nn.sigmoid(pre_ref[...]), -jnp.inf)
    f2_ref[...] = f2
    rm_ref[...] = jnp.max(f2, axis=1, keepdims=True)
    riota = lax.broadcasted_iota(jnp.int32, (rows, 1), 0).astype(jnp.float32)
    ciota = lax.broadcasted_iota(jnp.int32, (1, lanes), 1).astype(jnp.float32)

    def body(i, carry):
        rm = rm_ref[...]
        m = jnp.max(rm)
        rf = jnp.min(jnp.where(rm == m, riota, jnp.float32(rows)))
        r = rf.astype(jnp.int32)
        rowv = f2_ref[pl.ds(r, 1), :]
        cf = jnp.min(jnp.where(rowv == m, ciota, jnp.float32(lanes)))
        idx = r * lanes + cf.astype(jnp.int32)
        x_out_ref[pl.ds(i, 1), :] = ch_ref[pl.ds(idx, 1), :] * m
        idx_out_ref[pl.ds(i, 1), :] = jnp.zeros((1, _LANE), jnp.int32) + idx
        rowv2 = jnp.where(ciota == cf, -jnp.inf, rowv)
        f2_ref[pl.ds(r, 1), :] = rowv2
        rm_ref[pl.ds(r, 1), :] = jnp.max(rowv2).reshape(1, 1)
        return carry

    lax.fori_loop(0, k, body, 0)


def _topk(pre, cluster_h, k):
    n = cluster_h.shape[0]
    rows = _rup(_rup(n, _LANE) // _LANE, 8)
    pre_p = jnp.zeros((rows * _LANE,), jnp.float32).at[:n].set(pre)
    pre_p = pre_p.reshape(rows, _LANE)
    x_out, idx_out = pl.pallas_call(
        functools.partial(_topk_body, n, k),
        out_shape=(
            jax.ShapeDtypeStruct((k, cluster_h.shape[1]), jnp.float32),
            jax.ShapeDtypeStruct((k, _LANE), jnp.int32),
        ),
        scratch_shapes=[
            pltpu.VMEM((rows, _LANE), jnp.float32),
            pltpu.VMEM((rows, 1), jnp.float32),
        ],
    )(pre_p, cluster_h)
    return x_out, idx_out[:, 0]


def kernel(x, edge_index, edge_weight, node_graph_index, Wg, bg, Wq, bq, Ws, bs,
           Wls, bls, Wlas, blas, Wlan):
    num_nodes, d = x.shape
    u = Wg.shape[1]
    k = _K

    loop = jnp.arange(num_nodes, dtype=edge_index.dtype)
    row = jnp.concatenate([edge_index[0], loop])
    col = jnp.concatenate([edge_index[1], loop])
    w = jnp.concatenate([edge_weight, jnp.ones((num_nodes,), x.dtype)])

    deg = jax.ops.segment_sum(w, row, num_segments=num_nodes)
    dinv = jnp.where(deg > 0, lax.rsqrt(deg), 0.0)
    nw = dinv[row] * w * dinv[col]
    hg = _mm(x, Wg)
    attention_h = jax.ops.segment_sum(nw[:, None] * hg[col], row,
                                      num_segments=num_nodes) + bg

    pooled = jax.ops.segment_max(attention_h[col], row, num_segments=num_nodes)
    qsns = _qsns(pooled, attention_h, Wq, bq, Ws[:u], Ws[u:])
    score = qsns[row, 0] + qsns[col, 1] + bs[0]
    score = jax.nn.leaky_relu(score, negative_slope=0.2)

    smax = jax.ops.segment_max(score, row, num_segments=num_nodes)
    sexp = jnp.exp(score - smax[row])
    ssum = jax.ops.segment_sum(sexp, row, num_segments=num_nodes)
    alpha = sexp / ssum[row]

    cluster_h = jax.ops.segment_sum(alpha[:, None] * attention_h[col], row,
                                    num_segments=num_nodes)

    wcat = jnp.concatenate([Wls, Wlas, Wlan], axis=1)
    bcat = jnp.concatenate([bls, blas, jnp.zeros((1,), jnp.float32)])
    lin = _mm(cluster_h, wcat, bcat)
    aggr = deg * lin[:, 1] - jax.ops.segment_sum(w * lin[:, 2][col], row,
                                                 num_segments=num_nodes)
    pre = lin[:, 0] + aggr

    topk_x, topk_idx = _topk(pre, cluster_h, k)
    topk_graph = node_graph_index[topk_idx]

    rev = jnp.full((num_nodes,), -1, dtype=jnp.int32)
    rev = rev.at[topk_idx].set(jnp.arange(k, dtype=jnp.int32))
    arow = rev[row]
    valid = arow >= 0
    arow_c = jnp.where(valid, arow, 0)
    aval = jnp.where(valid, alpha, 0.0)
    npad = _rup(num_nodes, _LANE)
    S = jnp.zeros((k, npad), x.dtype).at[arow_c, col].add(aval)
    T = jax.ops.segment_sum(w[:, None] * S.T[col], row, num_segments=npad)
    pooled_adj = _mm(S, T)

    return topk_x, pooled_adj, topk_graph

# --- scband reference (transcript-rebuilt; emitter-appended) ---
"""Pipeline reference for scband-asap-79972291052239 (READ-ONLY COPY).

The authoritative reference and input builder live on the scoring server;
editing this copy changes nothing except your own understanding.
"""

import jax, jax.numpy as jnp
import numpy as np

N = 10000
E = 160000
D = 128
U = 128
K = 256


def _glorot(key, shape):
    lim = np.sqrt(6.0 / (shape[0] + shape[1]))
    return jax.random.uniform(key, shape, jnp.float32, -lim, lim)


def setup_inputs(seed: int = 0):
    key = jax.random.key(seed)
    ks = jax.random.split(key, 16)
    x = jax.random.normal(ks[0], (N, D), dtype=jnp.float32)
    edge_index = jax.random.randint(ks[1], (2, E), 0, N, dtype=jnp.int32)
    edge_weight = jax.random.uniform(ks[2], (E,), dtype=jnp.float32)
    node_graph_index = jnp.zeros((N,), dtype=jnp.int32)
    Wg = _glorot(ks[3], (D, U)); bg = jnp.zeros((U,), jnp.float32)
    Wq = _glorot(ks[4], (U, U)); bq = jnp.zeros((U,), jnp.float32)
    Ws = _glorot(ks[5], (2 * U, 1)); bs = jnp.zeros((1,), jnp.float32)
    Wls = _glorot(ks[6], (U, 1)); bls = jnp.zeros((1,), jnp.float32)
    Wlas = _glorot(ks[7], (U, 1)); blas = jnp.zeros((1,), jnp.float32)
    Wlan = _glorot(ks[8], (U, 1))
    return {"x": x, "edge_index": edge_index, "edge_weight": edge_weight,
            "node_graph_index": node_graph_index, "Wg": Wg, "bg": bg,
            "Wq": Wq, "bq": bq, "Ws": Ws, "bs": bs, "Wls": Wls, "bls": bls,
            "Wlas": Wlas, "blas": blas, "Wlan": Wlan}


def _asap(x, edge_index, edge_weight, node_graph_index, Wg, bg, Wq, bq, Ws, bs,
          Wls, bls, Wlas, blas, Wlan):
    num_nodes = x.shape[0]
    # add self loops (fill_weight=1.0), matching tf_geometric add_self_loop_edge
    loop = jnp.arange(num_nodes, dtype=edge_index.dtype)
    row = jnp.concatenate([edge_index[0], loop])
    col = jnp.concatenate([edge_index[1], loop])
    w = jnp.concatenate([edge_weight, jnp.ones((num_nodes,), x.dtype)])

    # GCN (symmetric renormalized adjacency) for attention features
    deg = jax.ops.segment_sum(w, row, num_segments=num_nodes)
    dinv = jnp.where(deg > 0, jax.lax.rsqrt(deg), 0.0)
    nw = dinv[row] * w * dinv[col]
    attention_h = jax.ops.segment_sum(nw[:, None] * (x @ Wg)[col], row,
                                      num_segments=num_nodes) + bg

    # master query: max-pool over cluster (ego-network) then linear
    neigh = attention_h[col]
    pooled = jax.ops.segment_max(neigh, row, num_segments=num_nodes)
    query = pooled @ Wq + bq

    # edge attention scores + segment softmax over each cluster (row)
    score = jnp.concatenate([query[row], neigh], axis=-1) @ Ws + bs
    score = jax.nn.leaky_relu(score[:, 0], negative_slope=0.2)
    smax = jax.ops.segment_max(score, row, num_segments=num_nodes)
    sexp = jnp.exp(score - smax[row])
    ssum = jax.ops.segment_sum(sexp, row, num_segments=num_nodes)
    alpha = sexp / ssum[row]
    # no dropout: training=None and drop_rate=0.0

    # cluster representation
    cluster_h = jax.ops.segment_sum(alpha[:, None] * neigh, row,
                                    num_segments=num_nodes)

    # LEConv fitness: sigmoid(x W1 + sum_j w_ij (x_i W2 - x_j W3))
    self_h = cluster_h @ Wls + bls
    aggr_self_h = cluster_h @ Wlas + blas
    aggr_neigh_h = cluster_h @ Wlan
    aggr = jax.ops.segment_sum(w[:, None] * (aggr_self_h[row] - aggr_neigh_h[col]),
                               row, num_segments=num_nodes)
    fitness = jax.nn.sigmoid(self_h + aggr)[:, 0]

    # top-k pooling (single graph: node_graph_index all zeros -> global top_k)
    topk_fit, topk_idx = jax.lax.top_k(fitness, K)
    topk_x = cluster_h[topk_idx] * topk_fit[:, None]
    topk_graph = node_graph_index[topk_idx]

    # graph coarsening: A' = S A S^T, S = attention assignment rows of selected clusters
    rev = jnp.full((num_nodes,), -1, dtype=jnp.int32)
    rev = rev.at[topk_idx].set(jnp.arange(K, dtype=jnp.int32))
    arow = rev[row]
    valid = arow >= 0
    arow_c = jnp.where(valid, arow, 0)
    aval = jnp.where(valid, alpha, 0.0)
    S = jnp.zeros((K, num_nodes), x.dtype).at[arow_c, col].add(aval)
    T = jax.ops.segment_sum(w[:, None] * S.T[col], row, num_segments=num_nodes)
    pooled_adj = S @ T  # dense [K, K] coarsened adjacency (same values as sparse output)
    return topk_x, pooled_adj, topk_graph


def reference(x, edge_index, edge_weight, node_graph_index, Wg, bg, Wq, bq, Ws, bs,
              Wls, bls, Wlas, blas, Wlan):
    return _asap(x, edge_index, edge_weight, node_graph_index, Wg, bg, Wq, bq,
                 Ws, bs, Wls, bls, Wlas, blas, Wlan)

if __name__ == "__main__":
    import jax
    _d = setup_inputs()
    print(jax.jit(kernel)(*tuple(_d.values())))

</pallas_src>

<mosaic_0001>
module attributes {stable_mosaic.version = 14 : i64} {
  func.func @_mm_body(%arg0: memref<10000x128xf32, #tpu.memory_space<vmem>>, %arg1: memref<128x128xf32, #tpu.memory_space<vmem>>, %arg2: memref<1x128xf32, #tpu.memory_space<vmem>>, %arg3: memref<10000x128xf32, #tpu.memory_space<vmem>>) attributes {dimension_semantics = [], scalar_prefetch = 0 : i64, scratch_operands = 0 : i64, tpu.core_type = #tpu.core_type<tc>} {
    %get3A = arith.constant 0 : index
    %get3A_0 = arith.constant 0 : index
    %get3A_1 = vector.load %arg0[%get3A, %get3A_0] : memref<10000x128xf32, #tpu.memory_space<vmem>>, vector<10000x128xf32>
    %get3A_2 = arith.constant 0 : index
    %get3A_3 = arith.constant 0 : index
    %get3A_4 = vector.load %arg1[%get3A_2, %get3A_3] : memref<128x128xf32, #tpu.memory_space<vmem>>, vector<128x128xf32>
    %dot_general3A = arith.constant dense<0.000000e+00> : vector<10000x128xf32>
    %dot_general3A_5 = tpu.matmul %get3A_1, %get3A_4, %dot_general3A {dimension_numbers = #tpu.dot_dimension_numbers<[1], [0], [0], [1], [0, 0, 1, 1], [], []>, transpose_lhs_hint = false} : vector<10000x128xf32>, vector<128x128xf32>, vector<10000x128xf32> -> vector<10000x128xf32>
    %get3A_6 = arith.constant 0 : index
    %get3A_7 = arith.constant 0 : index
    %get3A_8 = vector.load %arg2[%get3A_6, %get3A_7] : memref<1x128xf32, #tpu.memory_space<vmem>>, vector<1x128xf32>
    %add3A = vector.broadcast %get3A_8 : vector<1x128xf32> to vector<10000x128xf32>
    %add3A_9 = arith.addf %dot_general3A_5, %add3A : vector<10000x128xf32>
    %swap3A = arith.constant 0 : index
    %swap3A_10 = arith.constant 0 : index
    %swap3A_11 = vector.load %arg3[%swap3A, %swap3A_10] : memref<10000x128xf32, #tpu.memory_space<vmem>>, vector<10000x128xf32>
    tpu.vector_store %arg3[%swap3A, %swap3A_10], %add3A_9 {strides = array<i32>} : memref<10000x128xf32, #tpu.memory_space<vmem>>, vector<10000x128xf32>,
    return
  }
}

module attributes {stable_mosaic.version = 14 : i64} {
  func.func @_qsns_body(%arg0: memref<10000x128xf32, #tpu.memory_space<vmem>>, %arg1: memref<10000x128xf32, #tpu.memory_space<vmem>>, %arg2: memref<128x128xf32, #tpu.memory_space<vmem>>, %arg3: memref<1x128xf32, #tpu.memory_space<vmem>>, %arg4: memref<128x1xf32, #tpu.memory_space<vmem>>, %arg5: memref<128x1xf32, #tpu.memory_space<vmem>>, %arg6: memref<10000x2xf32, #tpu.memory_space<vmem>>) attributes {dimension_semantics = [], scalar_prefetch = 0 : i64, scratch_operands = 0 : i64, tpu.core_type = #tpu.core_type<tc>} {
    %get3A = arith.constant 0 : index
    %get3A_0 = arith.constant 0 : index
    %get3A_1 = vector.load %arg0[%get3A, %get3A_0] : memref<10000x128xf32, #tpu.memory_space<vmem>>, vector<10000x128xf32>
    %get3A_2 = arith.constant 0 : index
    %get3A_3 = arith.constant 0 : index
    %get3A_4 = vector.load %arg2[%get3A_2, %get3A_3] : memref<128x128xf32, #tpu.memory_space<vmem>>, vector<128x128xf32>
    %dot_general3A = arith.constant dense<0.000000e+00> : vector<10000x128xf32>
    %dot_general3A_5 = tpu.matmul %get3A_1, %get3A_4, %dot_general3A {dimension_numbers = #tpu.dot_dimension_numbers<[1], [0], [0], [1], [0, 0, 1, 1], [], []>, transpose_lhs_hint = false} : vector<10000x128xf32>, vector<128x128xf32>, vector<10000x128xf32> -> vector<10000x128xf32>
    %get3A_6 = arith.constant 0 : index
    %get3A_7 = arith.constant 0 : index
    %get3A_8 = vector.load %arg3[%get3A_6, %get3A_7] : memref<1x128xf32, #tpu.memory_space<vmem>>, vector<1x128xf32>
    %add3A = vector.broadcast %get3A_8 : vector<1x128xf32> to vector<10000x128xf32>
    %add3A_9 = arith.addf %dot_general3A_5, %add3A : vector<10000x128xf32>
    %get3A_10 = arith.constant 0 : index
    %get3A_11 = arith.constant 0 : index
    %get3A_12 = vector.load %arg4[%get3A_10, %get3A_11] : memref<128x1xf32, #tpu.memory_space<vmem>>, vector<128x1xf32>
    %dot_general3A_13 = arith.constant dense<0.000000e+00> : vector<10000x1xf32>
    %dot_general3A_14 = tpu.matmul %add3A_9, %get3A_12, %dot_general3A_13 {dimension_numbers = #tpu.dot_dimension_numbers<[1], [0], [0], [1], [0, 0, 1, 1], [], []>, transpose_lhs_hint = false} : vector<10000x128xf32>, vector<128x1xf32>, vector<10000x1xf32> -> vector<10000x1xf32>
    %get3A_15 = arith.constant 0 : index
    %get3A_16 = arith.constant 0 : index
    %get3A_17 = vector.load %arg1[%get3A_15, %get3A_16] : memref<10000x128xf32, #tpu.memory_space<vmem>>, vector<10000x128xf32>
    %get3A_18 = arith.constant 0 : index
    %get3A_19 = arith.constant 0 : index
    %get3A_20 = vector.load %arg5[%get3A_18, %get3A_19] : memref<128x1xf32, #tpu.memory_space<vmem>>, vector<128x1xf32>
    %dot_general3A_21 = arith.constant dense<0.000000e+00> : vector<10000x1xf32>
    %dot_general3A_22 = tpu.matmul %get3A_17, %get3A_20, %dot_general3A_21 {dimension_numbers = #tpu.dot_dimension_numbers<[1], [0], [0], [1], [0, 0, 1, 1], [], []>, transpose_lhs_hint = false} : vector<10000x128xf32>, vector<128x1xf32>, vector<10000x1xf32> -> vector<10000x1xf32>
    %swap3A = arith.constant 0 : index
    %swap3A_23 = arith.constant 0 : index
    %swap3A_24 = vector.load %arg6[%swap3A, %swap3A_23] : memref<10000x2xf32, #tpu.memory_space<vmem>>, vector<10000x1xf32>
    tpu.vector_store %arg6[%swap3A, %swap3A_23], %dot_general3A_14 {strides = array<i32>} : memref<10000x2xf32, #tpu.memory_space<vmem>>, vector<10000x1xf32>,
    %swap3A_25 = arith.constant 0 : index
    %swap3A_26 = arith.constant 1 : index
    %swap3A_27 = vector.load %arg6[%swap3A_25, %swap3A_26] : memref<10000x2xf32, #tpu.memory_space<vmem>>, vector<10000x1xf32>
    tpu.vector_store %arg6[%swap3A_25, %swap3A_26], %dot_general3A_22 {strides = array<i32>} : memref<10000x2xf32, #tpu.memory_space<vmem>>, vector<10000x1xf32>,
    return
  }
}

module attributes {stable_mosaic.version = 14 : i64} {
  func.func @_mm_body(%arg0: memref<10000x128xf32, #tpu.memory_space<vmem>>, %arg1: memref<128x3xf32, #tpu.memory_space<vmem>>, %arg2: memref<1x3xf32, #tpu.memory_space<vmem>>, %arg3: memref<10000x3xf32, #tpu.memory_space<vmem>>) attributes {dimension_semantics = [], scalar_prefetch = 0 : i64, scratch_operands = 0 : i64, tpu.core_type = #tpu.core_type<tc>} {
    %get3A = arith.constant 0 : index
    %get3A_0 = arith.constant 0 : index
    %get3A_1 = vector.load %arg0[%get3A, %get3A_0] : memref<10000x128xf32, #tpu.memory_space<vmem>>, vector<10000x128xf32>
    %get3A_2 = arith.constant 0 : index
    %get3A_3 = arith.constant 0 : index
    %get3A_4 = vector.load %arg1[%get3A_2, %get3A_3] : memref<128x3xf32, #tpu.memory_space<vmem>>, vector<128x3xf32>
    %dot_general3A = arith.constant dense<0.000000e+00> : vector<10000x3xf32>
    %dot_general3A_5 = tpu.matmul %get3A_1, %get3A_4, %dot_general3A {dimension_numbers = #tpu.dot_dimension_numbers<[1], [0], [0], [1], [0, 0, 1, 1], [], []>, transpose_lhs_hint = false} : vector<10000x128xf32>, vector<128x3xf32>, vector<10000x3xf32> -> vector<10000x3xf32>
    %get3A_6 = arith.constant 0 : index
    %get3A_7 = arith.constant 0 : index
    %get3A_8 = vector.load %arg2[%get3A_6, %get3A_7] : memref<1x3xf32, #tpu.memory_space<vmem>>, vector<1x3xf32>
    %add3A = vector.broadcast %get3A_8 : vector<1x3xf32> to vector<10000x3xf32>
    %add3A_9 = arith.addf %dot_general3A_5, %add3A : vector<10000x3xf32>
    %swap3A = arith.constant 0 : index
    %swap3A_10 = arith.constant 0 : index
    %swap3A_11 = vector.load %arg3[%swap3A, %swap3A_10] : memref<10000x3xf32, #tpu.memory_space<vmem>>, vector<10000x3xf32>
    tpu.vector_store %arg3[%swap3A, %swap3A_10], %add3A_9 {strides = array<i32>} : memref<10000x3xf32, #tpu.memory_space<vmem>>, vector<10000x3xf32>,
    return
  }
}

module attributes {stable_mosaic.version = 14 : i64} {
  func.func @_topk_body(%arg0: memref<80x128xf32, #tpu.memory_space<vmem>>, %arg1: memref<10000x128xf32, #tpu.memory_space<vmem>>, %arg2: memref<256x128xf32, #tpu.memory_space<vmem>>, %arg3: memref<256x128xi32, #tpu.memory_space<vmem>>, %arg4: memref<80x128xf32, #tpu.memory_space<vmem>>, %arg5: memref<80x1xf32, #tpu.memory_space<vmem>>) attributes {dimension_semantics = [], scalar_prefetch = 0 : i64, scratch_operands = 2 : i64, tpu.core_type = #tpu.core_type<tc>} {
    %iota3A = tpu.iota {dimensions = array<i32: 0>} : vector<80x128xi32>
    %iota3A_0 = tpu.iota {dimensions = array<i32: 1>} : vector<80x128xi32>
    %mul3A = arith.constant 128 : i32
    %mul3A_1 = vector.broadcast %mul3A : i32 to vector<80x128xi32>
    %mul3A_2 = arith.muli %iota3A, %mul3A_1 : vector<80x128xi32>
    %add3A = arith.addi %mul3A_2, %iota3A_0 : vector<80x128xi32>
    %lt3A = arith.constant 10000 : i32
    %lt3A_3 = vector.broadcast %lt3A : i32 to vector<80x128xi32>
    %lt3A_4 = arith.cmpi slt, %add3A, %lt3A_3 : vector<80x128xi32>
    %get3A = arith.constant 0 : index
    %get3A_5 = arith.constant 0 : index
    %get3A_6 = vector.load %arg0[%get3A, %get3A_5] : memref<80x128xf32, #tpu.memory_space<vmem>>, vector<80x128xf32>
    %logistic3A = arith.negf %get3A_6 : vector<80x128xf32>
    %logistic3A_7 = math.exp %logistic3A : vector<80x128xf32>
    %logistic3A_8 = arith.constant 1.000000e+00 : f32
    %logistic3A_9 = vector.broadcast %logistic3A_8 : f32 to vector<80x128xf32>
    %logistic3A_10 = arith.addf %logistic3A_9, %logistic3A_7 : vector<80x128xf32>
    %logistic3A_11 = arith.divf %logistic3A_9, %logistic3A_10 : vector<80x128xf32>
    %jit3A = arith.constant 0xFF800000 : f32
    %broadcast_in_dim3A = vector.broadcast %jit3A : f32 to vector<80x128xf32>
    %select_n3A = arith.select %lt3A_4, %logistic3A_11, %broadcast_in_dim3A : vector<80x128xi1>, vector<80x128xf32>
    %swap3A = arith.constant 0 : index
    %swap3A_12 = arith.constant 0 : index
    %swap3A_13 = vector.load %arg4[%swap3A, %swap3A_12] : memref<80x128xf32, #tpu.memory_space<vmem>>, vector<80x128xf32>
    tpu.vector_store %arg4[%swap3A, %swap3A_12], %select_n3A {strides = array<i32>} : memref<80x128xf32, #tpu.memory_space<vmem>>, vector<80x128xf32>,
    %reduce_max3A = arith.constant dense<0xFF800000> : vector<80xf32>
    %reduce_max3A_14 = vector.multi_reduction <maximumf>, %select_n3A, %reduce_max3A [1] : vector<80x128xf32> to vector<80xf32>
    %broadcast_in_dim3A_15 = vector.shape_cast %reduce_max3A_14 : vector<80xf32> to vector<80x1xf32>
    %swap3A_16 = arith.constant 0 : index
    %swap3A_17 = arith.constant 0 : index
    %swap3A_18 = vector.load %arg5[%swap3A_16, %swap3A_17] : memref<80x1xf32, #tpu.memory_space<vmem>>, vector<80x1xf32>
    tpu.vector_store %arg5[%swap3A_16, %swap3A_17], %broadcast_in_dim3A_15 {strides = array<i32>} : memref<80x1xf32, #tpu.memory_space<vmem>>, vector<80x1xf32>,
    %iota3A_19 = tpu.iota {dimensions = array<i32: 0>} : vector<80x1xi32>
    %convert_element_type3A = arith.sitofp %iota3A_19 : vector<80x1xi32> to vector<80x1xf32>
    %iota3A_20 = tpu.iota {dimensions = array<i32: 1>} : vector<1x128xi32>
    %convert_element_type3A_21 = arith.sitofp %iota3A_20 : vector<1x128xi32> to vector<1x128xf32>
    %scan3A = arith.constant 0 : i32
    %scan3A_22 = arith.constant 256 : i32
    %scan3A_23 = arith.addi %scan3A, %scan3A_22 : i32
    %scan3A_24 = arith.constant 1 : i32
    scf.for %scan3A_26 = %scan3A to %scan3A_23 step %scan3A_24  : i32 {
      %get3A_27 = arith.constant 0 : index
      %get3A_28 = arith.constant 0 : index
      %get3A_29 = vector.load %arg5[%get3A_27, %get3A_28] : memref<80x1xf32, #tpu.memory_space<vmem>>, vector<80x1xf32>
      %reduce_max3A_30 = vector.shape_cast %get3A_29 : vector<80x1xf32> to vector<1x80x1xf32>
      %reduce_max3A_31 = arith.constant dense<0xFF800000> : vector<1xf32>
      %reduce_max3A_32 = vector.multi_reduction <maximumf>, %reduce_max3A_30, %reduce_max3A_31 [1, 2] : vector<1x80x1xf32> to vector<1xf32>
      %reduce_max3A_33 = vector.shape_cast %reduce_max3A_32 : vector<1xf32> to vector<1x1x1xf32>
      %reduce_max3A_34 = vector.extract %reduce_max3A_33[0, 0, 0] : f32 from vector<1x1x1xf32>
      %eq3A = vector.broadcast %reduce_max3A_34 : f32 to vector<80x1xf32>
      %eq3A_35 = arith.cmpf oeq, %get3A_29, %eq3A : vector<80x1xf32>
      %jit3A_36 = arith.constant 8.000000e+01 : f32
      %broadcast_in_dim3A_37 = vector.broadcast %jit3A_36 : f32 to vector<80x1xf32>
      %select_n3A_38 = arith.select %eq3A_35, %convert_element_type3A, %broadcast_in_dim3A_37 : vector<80x1xi1>, vector<80x1xf32>
      %reduce_min3A = vector.shape_cast %select_n3A_38 : vector<80x1xf32> to vector<1x80x1xf32>
      %reduce_min3A_39 = arith.constant dense<0x7F800000> : vector<1xf32>
      %reduce_min3A_40 = vector.multi_reduction <minimumf>, %reduce_min3A, %reduce_min3A_39 [1, 2] : vector<1x80x1xf32> to vector<1xf32>
      %reduce_min3A_41 = vector.shape_cast %reduce_min3A_40 : vector<1xf32> to vector<1x1x1xf32>
      %reduce_min3A_42 = vector.extract %reduce_min3A_41[0, 0, 0] : f32 from vector<1x1x1xf32>
      %convert_element_type3A_43 = arith.fptosi %reduce_min3A_42 : f32 to i32
      %get3A_44 = arith.index_cast %convert_element_type3A_43 : i32 to index
      %get3A_45 = arith.constant 0 : index
      %get3A_46 = vector.load %arg4[%get3A_44, %get3A_45] : memref<80x128xf32, #tpu.memory_space<vmem>>, vector<1x128xf32>
      %eq3A_47 = vector.broadcast %reduce_max3A_34 : f32 to vector<1x128xf32>
      %eq3A_48 = arith.cmpf oeq, %get3A_46, %eq3A_47 : vector<1x128xf32>
      %jit3A_49 = arith.constant 1.280000e+02 : f32
      %broadcast_in_dim3A_50 = vector.broadcast %jit3A_49 : f32 to vector<1x128xf32>
      %select_n3A_51 = arith.select %eq3A_48, %convert_element_type3A_21, %broadcast_in_dim3A_50 : vector<1x128xi1>, vector<1x128xf32>
      %reduce_min3A_52 = vector.shape_cast %select_n3A_51 : vector<1x128xf32> to vector<1x1x128xf32>
      %reduce_min3A_53 = arith.constant dense<0x7F800000> : vector<1xf32>
      %reduce_min3A_54 = vector.multi_reduction <minimumf>, %reduce_min3A_52, %reduce_min3A_53 [1, 2] : vector<1x1x128xf32> to vector<1xf32>
      %reduce_min3A_55 = vector.shape_cast %reduce_min3A_54 : vector<1xf32> to vector<1x1x1xf32>
      %reduce_min3A_56 = vector.extract %reduce_min3A_55[0, 0, 0] : f32 from vector<1x1x1xf32>
      %mul3A_57 = arith.constant 128 : i32
      %mul3A_58 = arith.muli %convert_element_type3A_43, %mul3A_57 : i32
      %convert_element_type3A_59 = arith.fptosi %reduce_min3A_56 : f32 to i32
      %add3A_60 = arith.addi %mul3A_58, %convert_element_type3A_59 : i32
      %get3A_61 = arith.index_cast %add3A_60 : i32 to index
      %get3A_62 = arith.constant 0 : index
      %get3A_63 = vector.load %arg1[%get3A_61, %get3A_62] : memref<10000x128xf32, #tpu.memory_space<vmem>>, vector<1x128xf32>
      %mul3A_64 = vector.broadcast %reduce_max3A_34 : f32 to vector<1x128xf32>
      %mul3A_65 = arith.mulf %get3A_63, %mul3A_64 : vector<1x128xf32>
      %swap3A_66 = arith.index_cast %scan3A_26 : i32 to index
      %swap3A_67 = arith.constant 0 : index
      %swap3A_68 = vector.load %arg2[%swap3A_66, %swap3A_67] : memref<256x128xf32, #tpu.memory_space<vmem>>, vector<1x128xf32>
      tpu.vector_store %arg2[%swap3A_66, %swap3A_67], %mul3A_65 {strides = array<i32>} : memref<256x128xf32, #tpu.memory_space<vmem>>, vector<1x128xf32>,
      %broadcast_in_dim3A_69 = arith.constant 0 : i32
      %broadcast_in_dim3A_70 = vector.broadcast %broadcast_in_dim3A_69 : i32 to vector<1x128xi32>
      %add3A_71 = vector.broadcast %add3A_60 : i32 to vector<1x128xi32>
      %add3A_72 = arith.addi %broadcast_in_dim3A_70, %add3A_71 : vector<1x128xi32>
      %swap3A_73 = arith.index_cast %scan3A_26 : i32 to index
      %swap3A_74 = arith.constant 0 : index
      %swap3A_75 = vector.load %arg3[%swap3A_73, %swap3A_74] : memref<256x128xi32, #tpu.memory_space<vmem>>, vector<1x128xi32>
      tpu.vector_store %arg3[%swap3A_73, %swap3A_74], %add3A_72 {strides = array<i32>} : memref<256x128xi32, #tpu.memory_space<vmem>>, vector<1x128xi32>,
      %eq3A_76 = vector.broadcast %reduce_min3A_56 : f32 to vector<1x128xf32>
      %eq3A_77 = arith.cmpf oeq, %convert_element_type3A_21, %eq3A_76 : vector<1x128xf32>
      %jit3A_78 = arith.constant 0xFF800000 : f32
      %broadcast_in_dim3A_79 = vector.broadcast %jit3A_78 : f32 to vector<1x128xf32>
      %select_n3A_80 = arith.select %eq3A_77, %broadcast_in_dim3A_79, %get3A_46 : vector<1x128xi1>, vector<1x128xf32>
      %swap3A_81 = arith.index_cast %convert_element_type3A_43 : i32 to index
      %swap3A_82 = arith.constant 0 : index
      %swap3A_83 = vector.load %arg4[%swap3A_81, %swap3A_82] : memref<80x128xf32, #tpu.memory_space<vmem>>, vector<1x128xf32>
      tpu.vector_store %arg4[%swap3A_81, %swap3A_82], %select_n3A_80 {strides = array<i32>} : memref<80x128xf32, #tpu.memory_space<vmem>>, vector<1x128xf32>,
      %reduce_max3A_84 = vector.shape_cast %select_n3A_80 : vector<1x128xf32> to vector<1x1x128xf32>
      %reduce_max3A_85 = arith.constant dense<0xFF800000> : vector<1xf32>
      %reduce_max3A_86 = vector.multi_reduction <maximumf>, %reduce_max3A_84, %reduce_max3A_85 [1, 2] : vector<1x1x128xf32> to vector<1xf32>
      %reduce_max3A_87 = vector.shape_cast %reduce_max3A_86 : vector<1xf32> to vector<1x1x1xf32>
      %reduce_max3A_88 = vector.extract %reduce_max3A_87[0, 0, 0] : f32 from vector<1x1x1xf32>
      %reshape3A = vector.broadcast %reduce_max3A_88 : f32 to vector<1x1xf32>
      %swap3A_89 = arith.index_cast %convert_element_type3A_43 : i32 to index
      %swap3A_90 = arith.constant 0 : index
      %swap3A_91 = vector.load %arg5[%swap3A_89, %swap3A_90] : memref<80x1xf32, #tpu.memory_space<vmem>>, vector<1x1xf32>
      tpu.vector_store %arg5[%swap3A_89, %swap3A_90], %reshape3A {strides = array<i32>} : memref<80x1xf32, #tpu.memory_space<vmem>>, vector<1x1xf32>,
    }
    %scan3A_25 = arith.constant 256 : i32
    return
  }
}

module attributes {stable_mosaic.version = 14 : i64} {
  func.func @_mm_body(%arg0: memref<256x10112xf32, #tpu.memory_space<vmem>>, %arg1: memref<10112x256xf32, #tpu.memory_space<vmem>>, %arg2: memref<1x256xf32, #tpu.memory_space<vmem>>, %arg3: memref<256x256xf32, #tpu.memory_space<vmem>>) attributes {dimension_semantics = [], scalar_prefetch = 0 : i64, scratch_operands = 0 : i64, tpu.core_type = #tpu.core_type<tc>} {
    %get3A = arith.constant 0 : index
    %get3A_0 = arith.constant 0 : index
    %get3A_1 = vector.load %arg0[%get3A, %get3A_0] : memref<256x10112xf32, #tpu.memory_space<vmem>>, vector<256x10112xf32>
    %get3A_2 = arith.constant 0 : index
    %get3A_3 = arith.constant 0 : index
    %get3A_4 = vector.load %arg1[%get3A_2, %get3A_3] : memref<10112x256xf32, #tpu.memory_space<vmem>>, vector<10112x256xf32>
    %dot_general3A = arith.constant dense<0.000000e+00> : vector<256x256xf32>
    %dot_general3A_5 = tpu.matmul %get3A_1, %get3A_4, %dot_general3A {dimension_numbers = #tpu.dot_dimension_numbers<[1], [0], [0], [1], [0, 0, 1, 1], [], []>, transpose_lhs_hint = false} : vector<256x10112xf32>, vector<10112x256xf32>, vector<256x256xf32> -> vector<256x256xf32>
    %get3A_6 = arith.constant 0 : index
    %get3A_7 = arith.constant 0 : index
    %get3A_8 = vector.load %arg2[%get3A_6, %get3A_7] : memref<1x256xf32, #tpu.memory_space<vmem>>, vector<1x256xf32>
    %add3A = vector.broadcast %get3A_8 : vector<1x256xf32> to vector<256x256xf32>
    %add3A_9 = arith.addf %dot_general3A_5, %add3A : vector<256x256xf32>
    %swap3A = arith.constant 0 : index
    %swap3A_10 = arith.constant 0 : index
    %swap3A_11 = vector.load %arg3[%swap3A, %swap3A_10] : memref<256x256xf32, #tpu.memory_space<vmem>>, vector<256x256xf32>
    tpu.vector_store %arg3[%swap3A, %swap3A_10], %add3A_9 {strides = array<i32>} : memref<256x256xf32, #tpu.memory_space<vmem>>, vector<256x256xf32>,
    return
  }
}

</mosaic_0001>

<sc_bundles>
// kernel: scatter_offload_async_start.1
scs
__scs_entry_jumppad:
0x0: {  	(pc) =	sbr.rel $0x88, $3  }
0x1: {  	(tag) =	ssettag $0x0;
	lr =	simm.s32 $0x1  }
0x2: {  	[smem:$0x3F92] =	sst lr;
	_ =	strace $0xD0000000  }
0x3: {  	_ = 	snop  }
0x4: {  	_ = 	snop  }
0x5: {  	_ = 	snop  }
0x6: {  	_ = 	snop  }
0x7: {  	_ = 	snop  }
__scs_overlays_trampoline_lowered:
0x8: {  	[smem:$0x3FA1] =	sst s0  }
0x9: {  	[smem:$0x3FA2] =	sst s1  }
0xa: {  	[smem:$0x3FA3] =	sst s2  }
0xb: {  	[smem:$0x3FA4] =	sst s3  }
0xc: {  	[smem:$0x3FA5] =	sst s4  }
0xd: {  	[smem:$0x3FA6] =	sst s5  }
0xe: {  	[smem:$0x3FA7] =	sst s6  }
0xf: {  	[smem:$0x3FA8] =	sst s7  }
0x10: {  	[smem:$0x3FA9] =	sst s8  }
0x11: {  	[smem:$0x3FAA] =	sst s9;
	s0 =	simm.s32 @!p0 $0x0  }
0x12: {  	s1 =	sld [smem:$0x3F90];
	s0 =	simm.s32 @p0 $0x1  }
0x13: {  	[smem:$0x3FAB] =	sst s0;
	s0 =	simm.s32 @!p1 $0x0  }
0x14: {  	s2 =	sld [smem:$0x3F8F];
	s0 =	simm.s32 @p1 $0x1  }
0x15: {  	[smem:$0x3FAC] =	sst s0;
	s0 =	simm.s32 @!p2 $0x0  }
0x16: {  	s3 =	sld [smem:$0x3FDB];
	s0 =	simm.s32 @p2 $0x1  }
0x17: {  	s4 =	simm.s32 $0x1BF5;
	[smem:$0x3FAE] =	sst s0  }
0x18: {  	s0 =	sld [smem:$0x3F91];
	_ =	swait.ge [sflag:s4], $0x0  }
0x19: {  	s7 =	sld [smem:$0x3F92]  }
0x1a: {  	s8 =	sadd.s32 $0xFFFFE003, lr  }
0x1b: {  	s9 =	sadd.s32 $0xFFFFFEF7, lr;
	s5 =	simm.s32 $0xFFFFFFFF;
	p2 =	slt.u32 s8, $0xFFFFF086  }
0x1c: {  	p1 =	slt.u32 s9, $0xF7A;
	s5 =	simm.s32 @!p2 $0x0  }
0x1d: {  	s5 =	simm.s32 @p1 $0x1;
	p0 =	seq.s32 s7, s2  }
0x1e: {  	s7 =	smul.u32 @!p0 $0xF7A, s2;
	p2 =	seq.s32 @!p0 s5, $0x0  }
0x1f: {  	s9 =	smul.u32 $0xF7A, s1;
	s8 =	simm.s32 @!p0 $0x1BF5;
	p2 =	por !p2, p0  }
0x20: {  	[sflag:s8] =	ssyncset.s32 @!p0 $0xFFFFF086;
	s6 =	sadd.s32 @!p0 s3, s7;
	s7 =	simm.s32 @!p0 $0x108  }
0x21: {  	s3 =	sadd.s32 s3, s9;
	s6 =	sadd.s32 @!p0 $0x88, s6;
	s7 =	simm.s32 @p2 $0x1082  }
0x22: {  	[simem:s7], [sflag:s8] =	dma.local @!p0 [hbm:s6], $0xF7A  }
0x23: {  	s9 =	sor.u32 $0xD0000000, s2;
	s6 =	simm.s32 $0x108;
	_ =	swait.ge @!p0 [sflag:s8], $0x0  }
0x24: {  	s3 =	sadd.s32 $0x88, s3;
	s6 =	simm.s32 @!p1 $0x1082;
	[sflag:s4] =	ssyncset.s32 $0xFFFFF086  }
0x25: {  	[simem:s6], [sflag:s4] =	dma.local [hbm:s3], $0xF7A  }
0x26: {  	[smem:$0x3F92] =	sst s1;
	(tag) =	ssettag s2;
	_ =	strace s9  }
0x27: {  	s1 =	sld [smem:$0x3FA2]  }
0x28: {  	s2 =	sld [smem:$0x3FA3]  }
0x29: {  	s4 =	sld [smem:$0x3FA5]  }
0x2a: {  	p0 =	seq.s32 s5, $0x0;
	s5 =	sld [smem:$0x3FA6]  }
0x2b: {  	s6 =	sld [smem:$0x3FA7]  }
0x2c: {  	s7 =	sld [smem:$0x3FA8]  }
0x2d: {  	s3 =	simm.s32 $0x108;
	s8 =	sld [smem:$0x3FA9]  }
0x2e: {  	s3 =	simm.s32 @!p0 $0x1082;
	s9 =	sld [smem:$0x3FAA]  }
0x2f: {  	lr =	sadd.s32 s0, s3;
	s0 =	sld [smem:$0x3FA1]  }
0x30: {  	s3 =	sld [smem:$0x3FA4]  }
0x31: {  	[smem:$0x3FAD] =	sst s10  }
0x32: {  	s10 =	sld [smem:$0x3FAB];
	_ =	sdelay $0x3  }
0x33: {  	p0 =	seq.s32 s10, $0x1;
	s10 =	sld [smem:$0x3FAD];
	_ =	sdelay $0x3  }
0x34: {  	[smem:$0x3FAD] =	sst s10  }
0x35: {  	s10 =	sld [smem:$0x3FAC];
	_ =	sdelay $0x3  }
0x36: {  	p1 =	seq.s32 s10, $0x1;
	s10 =	sld [smem:$0x3FAD];
	_ =	sdelay $0x3  }
0x37: {  	[smem:$0x3FAD] =	sst s10  }
0x38: {  	s10 =	sld [smem:$0x3FAE]  }
0x39: {  	_ = 	snop;
	(pc) =	sbr.ind lr, $3  }
0x3a: {  	_ = 	snop  }
0x3b: {  	_ = 	snop  }
0x3c: {  	p2 =	seq.s32 s10, $0x1;
	s10 =	sld [smem:$0x3FAD]  }
0x3d: {  	_ =	shalt  }
0x3e: {  	_ =	shalt  }
0x3f: {  	_ =	shalt  }
0x40: {  	_ =	shalt  }
0x41: {  	_ =	shalt  }
0x42: {  	_ =	shalt  }
0x43: {  	_ =	shalt  }
0x44: {  	_ =	shalt  }
0x45: {  	_ =	shalt  }
0x46: {  	_ =	shalt  }
0x47: {  	_ =	shalt  }
0x48: {  	_ =	shalt  }
0x49: {  	_ =	shalt  }
0x4a: {  	_ =	shalt  }
0x4b: {  	_ =	shalt  }
0x4c: {  	_ =	shalt  }
0x4d: {  	_ =	shalt  }
0x4e: {  	_ =	shalt  }
0x4f: {  	_ =	shalt  }
0x50: {  	_ =	shalt  }
0x51: {  	_ =	shalt  }
0x52: {  	_ =	shalt  }
0x53: {  	_ =	shalt  }
0x54: {  	_ =	shalt  }
0x55: {  	_ =	shalt  }
0x56: {  	_ =	shalt  }
0x57: {  	_ =	shalt  }
0x58: {  	_ =	shalt  }
0x59: {  	_ =	shalt  }
0x5a: {  	_ =	shalt  }
0x5b: {  	_ =	shalt  }
0x5c: {  	_ =	shalt  }
0x5d: {  	_ =	shalt  }
0x5e: {  	_ =	shalt  }
0x5f: {  	_ =	shalt  }
0x60: {  	_ =	shalt  }
0x61: {  	_ =	shalt  }
0x62: {  	_ =	shalt  }
0x63: {  	_ =	shalt  }
0x64: {  	_ =	shalt  }
0x65: {  	_ =	shalt  }
0x66: {  	_ =	shalt  }
0x67: {  	_ =	shalt  }
0x68: {  	_ =	shalt  }
0x69: {  	_ =	shalt  }
0x6a: {  	_ =	shalt  }
0x6b: {  	_ =	shalt  }
0x6c: {  	_ =	shalt  }
0x6d: {  	_ =	shalt  }
0x6e: {  	_ =	shalt  }
0x6f: {  	_ =	shalt  }
0x70: {  	_ =	shalt  }
0x71: {  	_ =	shalt  }
0x72: {  	_ =	shalt  }
0x73: {  	_ =	shalt  }
0x74: {  	_ =	shalt  }
0x75: {  	_ =	shalt  }
0x76: {  	_ =	shalt  }
0x77: {  	_ =	shalt  }
0x78: {  	_ =	shalt  }
0x79: {  	_ =	shalt  }
0x7a: {  	_ =	shalt  }
0x7b: {  	_ =	shalt  }
0x7c: {  	_ =	shalt  }
0x7d: {  	_ =	shalt  }
0x7e: {  	_ =	shalt  }
0x7f: {  	_ =	shalt  }
0x80: {  	_ =	shalt  }
0x81: {  	_ =	shalt  }
0x82: {  	_ =	shalt  }
0x83: {  	_ =	shalt  }
0x84: {  	_ =	shalt  }
0x85: {  	_ =	shalt  }
0x86: {  	_ =	shalt  }
0x87: {  	_ =	shalt  }
.Lfunc_end0:
.L_simem_size_0:
called_computation.1_lowered:
.L_overlay_start_0:
0x88: {  	s0 =	sld [smem:$0x3FD9]  }
0x89: {  	s1 =	sld [smem:$0x3FFE];
	_ =	sdelay $0x3  }
0x8a: {  	s0 =	sadd.s32 s1, s0  }
0x8b: {  	[smem:$0x3FB9] =	sst s0  }
0x8c: {  	_ = 	snop  }
0x8d: {  	(tm) =	ssettm $0x1  }
0x8e: {  	s15 =	sld [smem:$0x3FFB];
	_ =	sdelay $0x3  }
0x8f: {  	_ =	strace s15  }
0x90: {  	s0 =	sld [smem:$0x3FFC];
	_ =	sdelay $0x3  }
0x91: {  	_ =	strace s0  }
0x92: {  	s0 =	sld [smem:$0x3FFD];
	_ =	sdelay $0x3  }
0x93: {  	_ =	strace s0  }
0x94: {  	_ =	strace $0x8FFFFFFF  }
0x95: {  	s16 =	sld [smem:$0x3FDB];
	_ =	sdelay $0x1  }
0x96: {  	s17 =	simm.s32 $_scs_section_size  }
0x97: {  	s2 =	simm.s32 $_size__tile_overlayer_lowered;
	s3 =	simm.s32 $_tile_overlayer_lowered  }
0x98: {  	s20 =	simm.s32 $0x1BFF;
	s19 =	sshll.u32 s3, $0x1;
	s0 =	sadd.s32 s17, s16  }
0x99: {  	s4 =	simm.s32 $0x0;
	s18 =	sshll.u32 s2, $0x1;
	s2 =	sadd.s32 s19, s0  }
0x9a: {  	[timem:s4], [sflag:s20] =	dma.local [hbm:s2], s18  }
0x9b: {  	_ =	swait.ge [sflag:s20], s18  }
0x9c: {  	s1 =	ssub.s32 $0x0, s18;
	[sflag:s20] =	ssyncset.done $0x0  }
0x9d: {  	[sflag:s20] =	ssyncadd.s32 s1;
	_ =	sdelay $0x1  }
0x9e: {  	s21 =	simm.s32 $0x1B8B  }
0x9f: {  	_ =	swait.ge [sflag:s21], $0x1  }
0xa0: {  	[sflag:s21] =	ssyncset.done $0x0  }
0xa1: {  	s23 =	simm.s32 $0x1B8E;
	s22 =	sld [smem:$0x3FFE];
	[sflag:s21] =	ssyncadd.s32 $0xFFFFFFFF  }
0xa2: {  	s24 =	simm.s32 $execute0_lowered;
	[smem:$0x3FD2] =	sst s23  }
0xa3: {  	s2 =	sshll.u32 s24, $0x1;
	_ =	strace $0x8000004C;
	[dreg:$0x1] =	wrdreg $0xFFFFFFFF  }
0xa4: {  	s25 =	simm.s32 $_size_execute0_lowered;
	s0 =	sadd.s32 s0, s2;
	[dreg:$0x0] =	wrdreg $0x0  }
0xa5: {  	s2 =	sshll.u32 s25, $0x1;
	[dreg:$0x2] =	wrdreg s0  }
0xa6: {  	[dreg:$0x3] =	wrdreg s2  }
0xa7: {  	[dreg:$0x4] =	wrdreg $0xC0  }
0xa8: {  	_ =	task [dreg:s4], $0x5FFFF  }
0xa9: {  	[dreg:$0x1] =	wrdreg $0xFFFFFFFF  }
0xaa: {  	[dreg:$0x0] =	wrdreg $0x60  }
0xab: {  	[dreg:$0x2] =	wrdreg s22  }
0xac: {  	[dreg:$0x3] =	wrdreg $0x9  }
0xad: {  	_ =	task.clear_ibuf [dreg:s4], $0x4FFFF;
	_ =	strace $0x9000004C  }
0xae: {  	s26 =	simm.s32 $0x9;
	_ =	strace $0x8000004E  }
0xaf: {  	_ =	swait.ge [sflag:s26], $0x1  }
0xb0: {  	[sflag:s26] =	ssyncadd.s32 $0xFFFFFFFF  }
0xb1: {  	_ =	strace $0x9000004E  }
0xb2: {  	_ =	sfence  }
0xb3: {  	s28 =	sld [smem:$0x0];
	_ =	sdelay $0x1  }
0xb4: {  	s29 =	srdreg.scid  }
0xb5: {  	s30 =	sshll.u32 s29, $0xD;
	s31 =	sshrl.u32 s29, $0x2  }
0xb6: {  	s1 =	sand.u32 $0x1, s29;
	s2 =	sand.u32 $0x4000, s30;
	s0 =	sadd.s32 s31, s28  }
0xb7: {  	s1 =	sor.u32 s2, s1;
	s0 =	sshll.u32 s0, $0x11  }
0xb8: {  	s0 =	sor.u32 s0, s1  }
0xb9: {  	s0 =	sadd.s32 $0x8F2B, s0  }
0xba: {  	[sflag:s0] =	ssyncadd.remote.s32 $0x1  }
0xbb: {  	_ =	sfence.sel $0xFFFF  }
0xbc: {  	[dreg:$0x0] =	wrdreg $0xFFFFFFFF;
	(pc) =	sbr.abs _section_cstart, $3  }
0xbd: {  	[dreg:$0x1] =	wrdreg $0xFFFFFFFF  }
0xbe: {  	_ =	task.clear_ibuf [dreg:s4], $0x2FFFF;
	_ =	strace $0x9FFFFFFF  }
0xbf: {  	(tm) =	ssettm $0x7FFFFFFF  }
tec
execute0_lowered:
.L_overlay_start_1:
0x0: {  	(tag) =	ssettag $0x1  }
0x1: {  	s0 =	rddreg [dreg:$0x0];
	_ =	strace $0x8000004D;
	s1 =	simm.s32 $0x1  }
0x2: {  	s8 =	simm.s32 $0x108;
	v0 =	vimm.s32 $0x0;
	[sflag:s1] =	ssyncpa.u1 $0x0  }
0x3: {  	[tilespmem:s8+$0x70] =	vst v0  }
0x4: {  	[tilespmem:s8+$0x60] =	vst v0  }
0x5: {  	[tilespmem:s8+$0x50] =	vst v0  }
0x6: {  	[tilespmem:s8+$0x40] =	vst v0  }
0x7: {  	[tilespmem:s8+$0x30] =	vst v0  }
0x8: {  	s2 =	simm.s32 $0x40;
	s1 =	sadd.s32 $0x2D7800, s0;
	[tilespmem:s8+$0x20] =	vst v0  }
0x9: {  	s3 =	sadd.s32 $0x34E00, s0;
	s4 =	sadd.s32 $0x3F600, s0;
	s5 =	sadd.s32 $0x3A200, s0;
	[tilespmem:s8+$0x10] =	vst v0  }
.LBB2_1:
0xa: {  	s2 =	sadd.s32 $0x40, s2;
	[tilespmem:s8+$0x0] =	vst v0;
	s8 =	sadd.s32 $0x80, s8  }
0xb: {  	p0 =	slt.u32 s2, $0x3C40;
	[tilespmem:s8+$0x70] =	vst v0  }
0xc: {  	[tilespmem:s8+$0x60] =	vst v0  }
.Ltmp0:
0xd: {  	[tilespmem:s8+$0x50] =	vst v0;
	(pc) =	sbr.rel @p0 .LBB2_1-.Ltmp0, $4  }
0xe: {  	[tilespmem:s8+$0x40] =	vst v0  }
0xf: {  	[tilespmem:s8+$0x30] =	vst v0  }
0x10: {  	[tilespmem:s8+$0x20] =	vst v0  }
0x11: {  	[tilespmem:s8+$0x10] =	vst v0  }
0x12: {  	s13 =	stileid.u32  }
0x13: {  	s0 =	smul.u32 $0x2C, s13  }
0x14: {  	s2 =	smin.u32 s13, $0x5  }
0x15: {  	s0 =	sadd.s32 s2, s0  }
0x16: {  	p0 =	slt.u32 s13, $0x5;
	s6 =	smul.u32 $0xF0, s0;
	s0 =	simm.s32 $0x2A30  }
0x17: {  	s0 =	simm.s32 @!p0 $0x2940  }
0x18: {  	s0 =	sadd.s32 s0, s6  }
0x19: {  	s7 =	smin.u32 s0, $0x29810  }
0x1a: {  	s0 =	ssub.s32 s7, s6  }
0x1b: {  	p0 =	sgt.s32 s0, $0x0  }
0x1c: {  	s0 =	simm.s32 @!p0 $0x0  }
0x1d: {  	s31 =	smulhi.u32 $0x88888889, s0  }
0x1e: {  	s30 =	simm.s32 $0x2;
	s9 =	simm.s32 $0x7;
	s10 =	simm.s32 $0x8  }
0x1f: {  	s19 =	simm.s32 $0x0;
	s15 =	simm.s32 $0xA;
	s2 =	sshrl.u32 s31, $0x7  }
0x20: {  	s17 =	simm.s32 $0x0;
	s18 =	simm.s32 $0x0;
	s11 =	smul.u32 $0xF0, s2  }
.Ltmp1:
0x21: {  	[tilespmem:s8+$0x0] =	vst v0;
	v0 =	vimm.s32 $0xFFFFFFFF;
	[sflag:s30] =	ssyncpa.u1 $0x0;
	s13 =	sshll.u32 s13, $0x8;
	(pc) =	sbr.rel .LBB2_3-.Ltmp1, $4  }
0x22: {  	[tilespmem:$0xF208] =	vst v0;
	[sflag:s9] =	ssyncpa.u1 $0x0;
	p0 =	sne.s32 s0, s11;
	s0 =	simm.s32 $0x1  }
0x23: {  	[sflag:s10] =	ssyncpa.u1 $0x0;
	s10 =	simm.s32 $0x9;
	s0 =	simm.s32 @!p0 $0x0  }
0x24: {  	[sflag:s10] =	ssyncpa.u1 $0x0;
	s16 =	smov.u32 s6;
	s12 =	sadd.s32 s0, s2  }
0x25: {  	v0 =	vlaneseq.u32;
	s11 =	simm.s32 $0x1;
	p0 =	por $0x0, $0x0;
	s14 =	sadd.s32 $0x1, s12  }
.LBB2_18:
0x26: {  	s0 =	sshrl.u32 s28, $0x2  }
.LBB2_20:
0x27: {  	_ =	swait.ge [sflag:s15], s0  }
0x28: {  	s31 =	ssub.s32 $0x0, s0;
	v1 =	vmov s21;
	vm0 =	veq.s32 v0, $0x0;
	[sflag:s15] =	ssyncset.done $0x0  }
0x29: {  	vm15 =	veq.s32 v0, $0x2;
	v1 =	vsel vm0, s26, v1;
	[sflag:s15] =	ssyncadd.s32 s31  }
0x2a: {  	v1 =	vsel vm15, s19, v1;
	[sflag:s15] =	ssyncpa.u1 $0x1  }
0x2b: {  	[tilespmem:$0xF208] =	vst v1  }
.LBB2_21:
0x2c: {  	s0 =	sadd.s32 $0xF0, s16  }
0x2d: {  	s2 =	smov.u32 s6;
	p1 =	slt.s32 s0, s7  }
0x2e: {  	s2 =	smov.u32 @p1 s0;
	p1 =	sne.s32 s18, s14  }
.Ltmp2:
0x2f: {  	_ = 	snop;
	(pc) =	sbr.rel @!p1 .LBB2_22-.Ltmp2, $3  }
0x30: {  	_ =	sdelay $0x1  }
0x31: {  	s19 =	smov.u32 s17;
	s31 =	sadd.s32 $0x1, s18;
	s17 =	smov.u32 s16  }
0x32: {  	p0 =	por !p0, !p0;
	s18 =	smov.u32 s31;
	s16 =	smov.u32 s2  }
.LBB2_3:
0x33: {  	p1 =	sge.u32 s18, s12  }
0x34: {  	s0 =	smulhi.u32 @!p1 $0xAAAAAAAB, s18  }
0x35: {  	s2 =	smov.u32 s16;
	p2 =	sgt.s32 @!p1 s16, $0x29720  }
0x36: {  	s20 =	sshra.s32 @!p1 s16, $0x1F;
	p2 =	por !p2, p1;
	s0 =	sshrl.u32 @!p1 s0, $0x1  }
0x37: {  	s20 =	sand.u32 @!p1 s20, s16;
	s2 =	simm.s32 @p2 $0x29720;
	s0 =	smul.u32 @!p1 $0x3, s0  }
0x38: {  	s2 =	ssub.s32 @!p1 s2, s20  }
0x39: {  	s2 =	sadd.s32 @!p1 $0xFFFD68E0, s2;
	s0 =	ssub.s32 @!p1 s18, s0  }
0x3a: {  	s20 =	sshll.u32 @!p1 s2, $0x2;
	p2 =	sgt.s32 @!p1 s2, $0xEF;
	s0 =	smul.u32 @!p1 $0x3C0, s0  }
0x3b: {  	s21 =	sand.u32 @!p1 $0x7, s16;
	s2 =	ssub.s32 @!p1 $0x3C0, s20;
	p2 =	por !p2, p1  }
0x3c: {  	s20 =	sshrl.u32 @!p1 s16, $0x3;
	s2 =	sshrl.u32 @!p1 s2, $0x2;
	s0 =	sshrl.u32 @!p1 s0, $0x2  }
0x3d: {  	s20 =	sadd.s32 @!p1 s5, s20;
	s2 =	simm.s32 @!p2 $0x0;
	s0 =	sadd.s32 @!p1 $0x10238, s0  }
0x3e: {  	[tilespmem:s0], [sflag:$0x8] =	stream.linear.gather @!p1 [hbm4b:s20+s21], s2, $0x38;
	[tilespmem:$0x1F6E8] =	vst v63  }
0x3f: {  	s0 =	sadd.s32 $0xFFFFFFFF, s18  }
0x40: {  	p1 =	sge.u32 s0, s12  }
0x41: {  	p2 =	sgt.s32 @!p1 s17, $0x29720  }
0x42: {  	s2 =	smov.u32 s17;
	s20 =	sshra.s32 @!p1 s17, $0x1F;
	p2 =	por !p2, p1  }
0x43: {  	s20 =	sand.u32 @!p1 s20, s17;
	s2 =	simm.s32 @p2 $0x29720  }
0x44: {  	s2 =	ssub.s32 @!p1 s2, s20  }
0x45: {  	s2 =	sadd.s32 @!p1 $0xFFFD68E0, s2  }
0x46: {  	s21 =	sand.u32 @!p1 $0x1, s0;
	s20 =	sshll.u32 @!p1 s2, $0x2  }
0x47: {  	p2 =	sgt.s32 @!p1 s2, $0xEF;
	s2 =	ssub.s32 @!p1 $0x3C0, s20;
	s20 =	smulhi.u32 @!p1 $0xAAAAAAAB, s0  }
0x48: {  	s23 =	smul.u32 @!p1 $0x3C0, s21;
	p2 =	por !p2, p1;
	s2 =	sshrl.u32 @!p1 s2, $0x2  }
0x49: {  	s22 =	simm.s32 @!p1 $0x8;
	s2 =	simm.s32 @!p2 $0x0;
	s20 =	sshrl.u32 @!p1 s20, $0x1  }
0x4a: {  	s23 =	sshrl.u32 @!p1 s23, $0x2;
	_ =	swait.ge @!p1 [sflag:s22], s2;
	s20 =	smul.u32 @!p1 $0x3, s20  }
0x4b: {  	s23 =	sor.u32 @!p1 $0x10508, s23;
	s24 =	ssub.s32 @!p1 $0x0, s2;
	[sflag:s22] =	ssyncset.done @!p1 $0x0  }
0x4c: {  	[sflag:s22] =	ssyncadd.s32 @!p1 s24;
	s22 =	sshrl.u32 @!p1 s17, $0x3;
	s0 =	ssub.s32 @!p1 s0, s20  }
0x4d: {  	s24 =	sand.u32 @!p1 $0x7, s17;
	s22 =	sadd.s32 @!p1 s3, s22;
	s0 =	smul.u32 @!p1 $0x3C0, s0  }
0x4e: {  	[tilespmem:s23], [sflag:$0x9] =	stream.linear.gather @!p1 [hbm4b:s22+s24], s2, $0x38;
	[tilespmem:$0x1F6E8] =	vst v63  }
0x4f: {  	s20 =	ssub.s32 @!p1 $0x29810, s17;
	s2 =	smul.u32 @!p1 $0x1E000, s21  }
0x50: {  	p2 =	slt.s32 @!p1 s20, $0xF0  }
0x51: {  	p2 =	por !p2, p1;
	s0 =	sshrl.u32 @!p1 s0, $0x2;
	s2 =	sshrl.u32 @!p1 s2, $0x2  }
0x52: {  	s20 =	simm.s32 @p2 $0xF0;
	s0 =	sadd.s32 @!p1 $0x10238, s0;
	s2 =	sor.u32 @!p1 $0x106E8, s2  }
0x53: {  	[tilespmem:s2], [sflag:$0x7] =	stream.indirect.gather @!p1 [hbm4b:s4+s20], $0x80, s0, s20, $0xb8;
	[tilespmem:$0x1F6E8] =	vst v63  }
0x54: {  	p1 =	slt.u32 s18, $0x2  }
.Ltmp3:
0x55: {  	_ = 	snop;
	(pc) =	sbr.rel @p1 .LBB2_21-.Ltmp3, $1  }
0x56: {  	_ =	sdelay $0x3  }
0x57: {  	p1 =	sgt.s32 s19, $0x29720;
	s0 =	smov.u32 s19  }
0x58: {  	s2 =	sshra.s32 s19, $0x1F;
	s20 =	ssub.s32 $0x29810, s19;
	s0 =	simm.s32 @!p1 $0x29720  }
0x59: {  	s2 =	sand.u32 s2, s19;
	p1 =	slt.s32 s20, $0xF0;
	s21 =	smov.u32 s20  }
0x5a: {  	s0 =	ssub.s32 s0, s2;
	s21 =	simm.s32 @!p1 $0xF0  }
0x5b: {  	s0 =	sadd.s32 $0xFFFD68E0, s0;
	s28 =	sshll.u32 s21, $0x7  }
0x5c: {  	s29 =	sshll.u32 s0, $0x2;
	s2 =	sand.u32 $0x3FFFFF80, s28  }
0x5d: {  	p1 =	sgt.s32 s0, $0xEF;
	s30 =	ssub.s32 $0x3C0, s29;
	_ =	swait.ge [sflag:s9], s2  }
0x5e: {  	s2 =	ssub.s32 $0x0, s2;
	[sflag:s9] =	ssyncset.done $0x0;
	s0 =	sshrl.u32 s30, $0x2  }
0x5f: {  	[sflag:s9] =	ssyncadd.s32 s2;
	s0 =	simm.s32 @p1 $0x0  }
0x60: {  	_ =	swait.ge [sflag:s10], s0  }
0x61: {  	s0 =	ssub.s32 $0x0, s0;
	[sflag:s10] =	ssyncset.done $0x0  }
0x62: {  	[sflag:s10] =	ssyncadd.s32 s0  }
0x63: {  	v1 =	vld [tilespmem:$0xF208];
	_ =	sdelay $0x4  }
0x64: {  	(v2sf) =	vpush v1, $0x0  }
0x65: {  	(v2sf) =	vpush v1, $0x1  }
0x66: {  	(v2sf) =	vpush v1, $0x2;
	_ =	sdelay $0x3  }
0x67: {  	s0 =	sadd.s32 $0xF0, s19  }
0x68: {  	p1 =	slt.s32 s7, s0  }
0x69: {  	s0 =	smov.u32 @p1 s7;
	p1 =	sgt.s32 s20, $0x0  }
0x6a: {  	s23 =	ssub.s32 s0, s19;
	s20 =	simm.s32 @!p1 $0x0  }
0x6b: {  	p1 =	slt.s32 s20, s23  }
0x6c: {  	s23 =	smov.u32 @p1 s20  }
0x6d: {  	s22 =	simm.s32 $0x1;
	p1 =	slt.s32 s23, $0x1  }
.Ltmp4:
0x6e: {  	s22 =	simm.s32 @!p0 $0x0;
	(pc) =	sbr.rel @p1 .LBB2_8-.Ltmp4, $4  }
0x6f: {  	s31 =	smul.u32 $0x3C0, s22  }
0x70: {  	s24 =	spop (v2sf)  }
0x71: {  	s0 =	sshrl.u32 s31, $0x2;
	s26 =	spop (v2sf)  }
0x72: {  	s20 =	sor.u32 $0x10508, s0;
	s19 =	spop (v2sf)  }
0x73: {  	s0 =	smin.u32 s23, $0x10  }
0x74: {  	v1 =	vmov s0  }
0x75: {  	p2 =	sgt.s32 s23, $0x10;
	vm1 =	vgt.u32 v1, v0  }
.Ltmp5:
0x76: {  	_ = 	snop;
	(pc) =	sbr.rel @!p2 .LBB2_7-.Ltmp5, $2  }
0x77: {  	_ =	sdelay $0x2  }
0x78: {  	s25 =	simm.s32 $0x10;
	s28 =	sadd.s32 $0xFFFFFFF0, s23;
	s21 =	smov.u32 s20;
	vm0 =	vmmov vm1  }
.LBB2_6:
0x79: {  	s0 =	smin.u32 s28, $0x10;
	s25 =	sadd.s32 $0x10, s25;
	v1 =	vld.msk [tilespmem:s21+$0x0 ss:$0x1], vm1  }
0x7a: {  	v2 =	vmov s0;
	p2 =	slt.s32 s25, s23  }
0x7b: {  	vm1 =	vgt.u32 v2, v0  }
.Ltmp6:
0x7c: {  	(pc) =	sbr.rel @p2 .LBB2_6-.Ltmp6, $3  }
0x7d: {  	_ =	sdelay $0x1  }
0x7e: {  	v1 =	vshll.u32 v1, $0x4  }
0x7f: {  	s28 =	sadd.s32 $0xFFFFFFF0, s28;
	[tilespmem:s21+$0x0] =	vst.msk vm0, v1;
	s21 =	sadd.s32 $0x10, s21;
	vm0 =	vmmov vm1  }
.LBB2_7:
0x80: {  	_ =	sdelay $0x4  }
0x81: {  	v1 =	vld.msk [tilespmem:s21+$0x0 ss:$0x1], vm1;
	_ =	sdelay $0x4  }
0x82: {  	v1 =	vshll.u32 v1, $0x4  }
0x83: {  	[tilespmem:s21+$0x0] =	vst.msk vm0, v1  }
.LBB2_8:
0x84: {  	s0 =	sand.u32 $0x1, s18  }
0x85: {  	s0 =	smul.u32 $0xF0, s0  }
0x86: {  	p2 =	sne.s32 s26, $0xFFFFFFFF  }
0x87: {  	v1 =	vld.msk @!p2 [tilespmem:s0+$0x10508], $0x1;
	_ =	sdelay $0x4  }
0x88: {  	(v2sf) =	vpush @!p2 v1, $0x0;
	_ =	sdelay $0xc  }
.Ltmp7:
0x89: {  	_ = 	snop;
	(pc) =	sbr.rel @p1 .LBB2_19-.Ltmp7, $4  }
0x8a: {  	_ = 	snop  }
0x8b: {  	s25 =	spop @!p2 (v2sf)  }
0x8c: {  	s19 =	simm.s32 @!p2 $0x0;
	s21 =	smov.u32 s25  }
0x8d: {  	[sflag:s15] =	ssyncpa.u1 $0x0;
	s25 =	smov.u32 @p2 s24;
	s21 =	smov.u32 @p2 s26  }
0x8e: {  	v1 =	vld.msk [tilespmem:s20+$0x0], $0x1;
	_ =	sdelay $0x4  }
0x8f: {  	(v2sf) =	vpush v1, $0x0;
	_ =	sdelay $0xe  }
0x90: {  	s0 =	smul.u32 $0x1E000, s22;
	s29 =	spop (v2sf)  }
0x91: {  	s23 =	ssub.s32 $0x0, s23;
	p1 =	seq.s32 s25, s29  }
0x92: {  	s26 =	sadd.s32 $0x1, s23;
	s0 =	sshrl.u32 s0, $0x2;
	p2 =	sgt.s32 @!p1 s25, $0x0  }
0x93: {  	s22 =	sor.u32 $0x10728, s0;
	s0 =	smov.u32 s25;
	p2 =	por !p2, p1  }
0x94: {  	s0 =	simm.s32 @p2 $0x0;
	p2 =	seq.s32 s26, $0x0  }
.Ltmp8:
0x95: {  	_ = 	snop;
	(pc) =	sbr.rel @p2 .LBB2_11-.Ltmp8, $4  }
0x96: {  	_ = 	snop  }
0x97: {  	s24 =	simm.s32 $0x0;
	s28 =	sadd.s32 $0x1, s20;
	s0 =	smin.u32 @!p1 s0, $0x270F0  }
0x98: {  	s30 =	simm.s32 @!p1 $0x1;
	s31 =	simm.s32 @!p1 $0x7988;
	s2 =	sand.u32 @!p1 $0x3FFF8, s0  }
0x99: {  	s30 =	smov.u32 @p1 s24;
	s0 =	sand.u32 @!p1 $0x7, s0;
	s2 =	sadd.s32 @!p1 s1, s2  }
.LBB2_10:
0x9a: {  	s8 =	smov.u32 s30  }
0x9b: {  	[tilespmem:s31], [sflag:$0x2] =	stream.linear.gather @!p1 [hbm4b:s2+s0], $0x80, $0x38;
	[tilespmem:$0x1F6E8] =	vst v63  }
0x9c: {  	s26 =	sadd.s32 $0x1, s26;
	s0 =	smov.u32 s29;
	v1 =	vld.msk [tilespmem:s28+$0x0], $0x1  }
0x9d: {  	p2 =	seq.s32 s26, $0x0;
	_ =	sdelay $0x3  }
0x9e: {  	(v2sf) =	vpush v1, $0x0;
	_ =	sdelay $0xe  }
0x9f: {  	s29 =	spop (v2sf)  }
0xa0: {  	p1 =	seq.s32 s0, s29  }
0xa1: {  	p3 =	sgt.s32 @!p1 s0, $0x0;
	s2 =	sshll.u32 @!p1 s30, $0x9;
	s30 =	sadd.s32 @!p1 $0x1, s30  }
.Ltmp9:
0xa2: {  	p3 =	por !p3, p1;
	s2 =	sshra.s32 @!p1 s2, $0x2;
	(pc) =	sbr.rel @!p2 .LBB2_10-.Ltmp9, $4  }
0xa3: {  	s30 =	smov.u32 @p1 s8;
	s0 =	simm.s32 @p3 $0x0;
	s31 =	sadd.s32 @!p1 $0x7988, s2  }
0xa4: {  	s0 =	smin.u32 @!p1 s0, $0x270F0  }
0xa5: {  	s2 =	sand.u32 @!p1 $0x3FFF8, s0;
	s0 =	sand.u32 @!p1 $0x7, s0  }
0xa6: {  	s28 =	sadd.s32 $0x1, s28;
	s2 =	sadd.s32 @!p1 s1, s2  }
.LBB2_11:
0xa7: {  	[tilespmem:s31], [sflag:$0x2] =	stream.linear.gather @!p1 [hbm4b:s2+s0], $0x80, $0x38;
	[tilespmem:$0x1F6E8] =	vst v63  }
.Ltmp10:
0xa8: {  	s30 =	sshll.u32 s30, $0x7;
	(pc) =	sbr.rel .LBB2_12-.Ltmp10, $4  }
0xa9: {  	s31 =	simm.s32 $0x2;
	s0 =	sand.u32 $0x3FFFFF80, s30  }
0xaa: {  	_ =	swait.ge [sflag:s31], s0  }
0xab: {  	s0 =	ssub.s32 $0x0, s0;
	[sflag:s31] =	ssyncset.done $0x0  }
0xac: {  	s28 =	simm.s32 $0x0;
	[sflag:s31] =	ssyncadd.s32 s0  }
.LBB2_13:
0xad: {  	v1 =	vld [tilespmem:s22+$0xFFFFFFC0];
	_ =	sdelay $0x3  }
0xae: {  	s0 =	sshra.s32 s0, $0x2  }
0xaf: {  	[tilespmem:s0+$0x108] =	vst.add.f32.msk $0xffff, v1  }
0xb0: {  	v1 =	vld [tilespmem:s22+$0xFFFFFFD0];
	_ =	sdelay $0x4  }
0xb1: {  	[tilespmem:s0+$0x118] =	vst.add.f32.msk $0xffff, v1  }
0xb2: {  	v1 =	vld [tilespmem:s22+$0xFFFFFFE0];
	_ =	sdelay $0x4  }
0xb3: {  	[tilespmem:s0+$0x128] =	vst.add.f32.msk $0xffff, v1  }
0xb4: {  	v1 =	vld [tilespmem:s22+$0xFFFFFFF0];
	_ =	sdelay $0x4  }
0xb5: {  	[tilespmem:s0+$0x138] =	vst.add.f32.msk $0xffff, v1  }
0xb6: {  	v1 =	vld [tilespmem:s22+$0x0];
	_ =	sdelay $0x4  }
0xb7: {  	[tilespmem:s0+$0x148] =	vst.add.f32.msk $0xffff, v1  }
0xb8: {  	v1 =	vld [tilespmem:s22+$0x10];
	_ =	sdelay $0x4  }
0xb9: {  	[tilespmem:s0+$0x158] =	vst.add.f32.msk $0xffff, v1  }
0xba: {  	v1 =	vld [tilespmem:s22+$0x20];
	_ =	sdelay $0x4  }
0xbb: {  	[tilespmem:s0+$0x168] =	vst.add.f32.msk $0xffff, v1  }
0xbc: {  	v1 =	vld [tilespmem:s22+$0x30];
	_ =	sdelay $0x4  }
0xbd: {  	[tilespmem:s0+$0x178] =	vst.add.f32.msk $0xffff, v1  }
.LBB2_17:
0xbe: {  	s23 =	sadd.s32 $0x1, s23  }
0xbf: {  	p1 =	seq.s32 s23, $0x0  }
.Ltmp11:
0xc0: {  	_ = 	snop;
	(pc) =	sbr.rel @p1 .LBB2_18-.Ltmp11, $2  }
0xc1: {  	_ =	sdelay $0x2  }
0xc2: {  	s20 =	sadd.s32 $0x1, s20;
	s22 =	sadd.s32 $0x80, s22;
	s25 =	smov.u32 s26  }
.LBB2_12:
0xc3: {  	v1 =	vld.msk [tilespmem:s20+$0x0], $0x1;
	_ =	sdelay $0x4  }
0xc4: {  	(v2sf) =	vpush v1, $0x0;
	_ =	sdelay $0xe  }
0xc5: {  	s26 =	spop (v2sf)  }
0xc6: {  	p1 =	sne.s32 s25, s26  }
.Ltmp12:
0xc7: {  	_ = 	snop;
	(pc) =	sbr.rel @!p1 .LBB2_13-.Ltmp12, $2  }
0xc8: {  	_ =	sdelay $0x2  }
0xc9: {  	s0 =	sshll.u32 s19, $0x9  }
0xca: {  	p1 =	seq.s32 s25, s21  }
.Ltmp13:
0xcb: {  	_ = 	snop;
	(pc) =	sbr.rel @!p1 .LBB2_15-.Ltmp13, $1  }
0xcc: {  	_ =	sdelay $0x3  }
0xcd: {  	s0 =	sshra.s32 s0, $0x2  }
.Ltmp14:
0xce: {  	s0 =	sadd.s32 $0x108, s0;
	(pc) =	sbr.rel .LBB2_16-.Ltmp14, $4  }
0xcf: {  	[spmem:s13] =	stream.linear.scatter [tilespmem:s0], [sflag:$0x1], $0x80, $0x38;
	[tilespmem:$0x1F6E8] =	vst v63  }
0xd0: {  	_ =	swait.ge [sflag:s11], $0x80  }
0xd1: {  	[sflag:s11] =	ssyncset.done $0x0  }
0xd2: {  	[sflag:s11] =	ssyncadd.s32 $0xFFFFFF80  }
.LBB2_15:
0xd3: {  	s2 =	sshll.u32 s24, $0x9  }
0xd4: {  	s2 =	sshra.s32 s2, $0x2  }
0xd5: {  	v1 =	vld [tilespmem:s2+$0x7988];
	_ =	sdelay $0x3  }
0xd6: {  	s0 =	sshra.s32 s0, $0x2  }
0xd7: {  	[tilespmem:s0+$0x108] =	vst.add.f32.msk $0xffff, v1  }
0xd8: {  	v1 =	vld [tilespmem:s2+$0x7998];
	_ =	sdelay $0x4  }
0xd9: {  	[tilespmem:s0+$0x118] =	vst.add.f32.msk $0xffff, v1  }
0xda: {  	v1 =	vld [tilespmem:s2+$0x79A8];
	_ =	sdelay $0x4  }
0xdb: {  	[tilespmem:s0+$0x128] =	vst.add.f32.msk $0xffff, v1  }
0xdc: {  	v1 =	vld [tilespmem:s2+$0x79B8];
	_ =	sdelay $0x4  }
0xdd: {  	[tilespmem:s0+$0x138] =	vst.add.f32.msk $0xffff, v1  }
0xde: {  	v1 =	vld [tilespmem:s2+$0x79C8];
	_ =	sdelay $0x4  }
0xdf: {  	[tilespmem:s0+$0x148] =	vst.add.f32.msk $0xffff, v1  }
0xe0: {  	v1 =	vld [tilespmem:s2+$0x79D8];
	_ =	sdelay $0x4  }
0xe1: {  	[tilespmem:s0+$0x158] =	vst.add.f32.msk $0xffff, v1  }
0xe2: {  	v1 =	vld [tilespmem:s2+$0x79E8];
	_ =	sdelay $0x4  }
0xe3: {  	[tilespmem:s0+$0x168] =	vst.add.f32.msk $0xffff, v1  }
0xe4: {  	v1 =	vld [tilespmem:s2+$0x79F8];
	_ =	sdelay $0x2  }
0xe5: {  	p1 =	sgt.u32 s25, $0x270F0  }
0xe6: {  	s2 =	sand.u32 @!p1 $0x3FFF8, s25  }
0xe7: {  	s8 =	sadd.s32 $0x108, s0;
	[tilespmem:s0+$0x178] =	vst.add.f32.msk $0xffff, v1;
	s0 =	sadd.s32 @!p1 s1, s2;
	s2 =	sand.u32 @!p1 $0x7, s25  }
0xe8: {  	[hbm4b:s0+s2] =	stream.linear.scatter @!p1 [tilespmem:s8], [sflag:$0xA], $0x80, $0x38;
	[tilespmem:$0x1F6E8] =	vst v63  }
0xe9: {  	s0 =	simm.s32 $0x0  }
0xea: {  	s0 =	simm.s32 @!p1 $0x200  }
0xeb: {  	s28 =	sadd.s32 s0, s28  }
.LBB2_16:
0xec: {  	s0 =	sadd.s32 $0x1, s19  }
0xed: {  	s2 =	smulhi.u32 $0x88888889, s0;
	_ =	sdelay $0x1  }
0xee: {  	v1 =	vld [tilespmem:s22+$0xFFFFFFC0];
	s2 =	sshrl.u32 s2, $0x7  }
0xef: {  	s2 =	smul.u32 $0xF0, s2;
	_ =	sdelay $0x1  }
0xf0: {  	s19 =	ssub.s32 s0, s2  }
0xf1: {  	s0 =	sshll.u32 s19, $0x7  }
0xf2: {  	[tilespmem:s0+$0x108] =	vst v1  }
0xf3: {  	v1 =	vld [tilespmem:s22+$0xFFFFFFD0];
	_ =	sdelay $0x4  }
0xf4: {  	[tilespmem:s0+$0x118] =	vst v1  }
0xf5: {  	v1 =	vld [tilespmem:s22+$0xFFFFFFE0];
	_ =	sdelay $0x4  }
0xf6: {  	[tilespmem:s0+$0x128] =	vst v1  }
0xf7: {  	v1 =	vld [tilespmem:s22+$0xFFFFFFF0];
	_ =	sdelay $0x4  }
0xf8: {  	[tilespmem:s0+$0x138] =	vst v1  }
0xf9: {  	v1 =	vld [tilespmem:s22+$0x0];
	_ =	sdelay $0x4  }
0xfa: {  	[tilespmem:s0+$0x148] =	vst v1  }
0xfb: {  	v1 =	vld [tilespmem:s22+$0x10];
	_ =	sdelay $0x4  }
0xfc: {  	[tilespmem:s0+$0x158] =	vst v1  }
0xfd: {  	v1 =	vld [tilespmem:s22+$0x20];
	_ =	sdelay $0x4  }
0xfe: {  	[tilespmem:s0+$0x168] =	vst v1  }
0xff: {  	v1 =	vld [tilespmem:s22+$0x30]  }
.Ltmp15:
0x100: {  	_ = 	snop;
	(pc) =	sbr.rel .LBB2_17-.Ltmp15, $2  }
0x101: {  	_ =	sdelay $0x2  }
0x102: {  	s24 =	sadd.s32 $0x1, s24;
	[tilespmem:s0+$0x178] =	vst v1  }
.LBB2_19:
.Ltmp16:
0x103: {  	(pc) =	sbr.rel .LBB2_20-.Ltmp16, $4  }
0x104: {  	_ = 	snop  }
0x105: {  	s0 =	simm.s32 $0x2  }
0x106: {  	_ =	swait.ge [sflag:s0], $0x0  }
0x107: {  	s26 =	smov.u32 s25;
	[sflag:s0] =	ssyncset.done $0x0;
	s0 =	simm.s32 $0x0  }
.LBB2_22:
0x108: {  	_ =	sfence.sel $0x180000  }
0x109: {  	s0 =	simm.s32 $0x7;
	[bflag:$0x0] =	sbarrier.arrive $0xFFFF  }
0x10a: {  	s25 =	simm.s32 $0x8;
	[sflag:s0] =	ssyncpa.u1 $0x1  }
0x10b: {  	s26 =	simm.s32 $0x9;
	[sflag:s25] =	ssyncpa.u1 $0x1  }
0x10c: {  	s28 =	simm.s32 $0x2;
	[sflag:s26] =	ssyncpa.u1 $0x1  }
0x10d: {  	[sflag:s28] =	ssyncpa.u1 $0x1  }
0x10e: {  	v0 =	vld [tilespmem:$0xF208];
	_ =	sdelay $0x4  }
0x10f: {  	(v2sf) =	vpush v0, $0x0  }
0x110: {  	(v2sf) =	vpush v0, $0x1;
	_ =	sdelay $0x1  }
0x111: {  	(v2sf) =	vpush v0, $0x2;
	_ =	sdelay $0xb  }
0x112: {  	s0 =	spop (v2sf)  }
0x113: {  	s2 =	spop (v2sf)  }
0x114: {  	s3 =	smov.u32 s0;
	p0 =	sne.s32 s0, s2  }
0x115: {  	s4 =	spop (v2sf);
	s3 =	simm.s32 @!p0 $0xFFFFFFFF  }
0x116: {  	v2 =	vimm.s32 $0x1;
	v3 =	vlaneseq.u32;
	p0 =	seq.s32 s4, $0xFFFFFFFF;
	v1 =	vmov s3  }
0x117: {  	s7 =	stileid.u32;
	v0 =	vperm.xlane v0, v2;
	p1 =	sne.s32 @!p0 s0, s2;
	v1 =	vperm.xlane v1, v3  }
0x118: {  	vm0 =	vcmask $0x3F04;
	s6 =	simm.s32 $0xF208;
	s0 =	simm.s32 @!p0 $0x1;
	p1 =	por !p1, p0  }
0x119: {  	s3 =	sshll.u32 s7, $0x1;
	s2 =	sshll.u32 @!p0 s4, $0x9;
	s0 =	simm.s32 @p1 $0x0;
	v0 =	vsel vm0, v1, v0  }
0x11a: {  	s5 =	sor.u32 $0x1000, s3;
	s2 =	sshra.s32 @!p0 s2, $0x2;
	s0 =	sor.u32 @!p0 s0, s3;
	[tilespmem:$0xF208] =	vst v0  }
0x11b: {  	[spmem:s5] =	stream.linear.scatter [tilespmem:s6], [sflag:$0x1], $0x2, $0x38;
	[tilespmem:$0x1F6E8] =	vst v63  }
0x11c: {  	s2 =	sadd.s32 @!p0 $0x108, s2;
	s0 =	sshll.u32 @!p0 s0, $0x7  }
0x11d: {  	[spmem:s0] =	stream.linear.scatter @!p0 [tilespmem:s2], [sflag:$0x1], $0x80, $0x38;
	[tilespmem:$0x1F6E8] =	vst v63  }
0x11e: {  	s0 =	simm.s32 @!p0 $0x82  }
0x11f: {  	s3 =	simm.s32 $0x1;
	s0 =	simm.s32 @p0 $0x2  }
0x120: {  	_ =	swait.ge [sflag:s3], s0  }
0x121: {  	s0 =	ssub.s32 $0x0, s0;
	[sflag:s3] =	ssyncset.done $0x0  }
0x122: {  	[sflag:s3] =	ssyncadd.s32 s0  }
0x123: {  	_ =	sfence.stream.spmem  }
0x124: {  	s29 =	simm.s32 $0x3;
	[bflag:$0x0] =	sbarrier.arrive $0xFFFF  }
0x125: {  	s30 =	simm.s32 $0x4;
	[sflag:s29] =	ssyncpa.u1 $0x1  }
0x126: {  	s31 =	simm.s32 $0x3C;
	[sflag:s30] =	ssyncpa.u1 $0x1  }
0x127: {  	p0 =	sne.s32 s7, $0x0;
	[sflag:s31] =	ssyncpa.u1 $0x1  }
0x128: {  	_ =	sfence @p0  }
0x129: {  	[sflag:s3] =	ssyncpa.u1 @p0 $0x1  }
0x12a: {  	_ =	strace @p0 $0x9000004D  }
0x12b: {  	[bflag:$0x2] =	sbarrier.arrive @p0 $0xFFFF  }
0x12c: {  	_ =	shalt @p0  }
.LBB2_23:
0x12d: {  	_ =	sfence.stream.spmem;
	s0 =	simm.s32 $0x5  }
0x12e: {  	s2 =	simm.s32 $0x1000;
	s3 =	simm.s32 $0xF218;
	[sflag:s0] =	ssyncpa.u1 $0x0  }
0x12f: {  	[tilespmem:s3], [sflag:$0x5] =	stream.linear.gather [spmem:s2], $0x20, $0x38;
	[tilespmem:$0x1F6E8] =	vst v63  }
0x130: {  	s30 =	simm.s32 $0xF238;
	s2 =	simm.s32 $0x0  }
0x131: {  	[tilespmem:s30], [sflag:$0x5] =	stream.linear.gather [spmem:s2], $0x1000, $0x38;
	[tilespmem:$0x1F6E8] =	vst v63  }
.Ltmp17:
0x132: {  	_ = 	snop;
	(pc) =	sbr.rel .LBB2_24-.Ltmp17, $4  }
0x133: {  	_ =	swait.ge [sflag:s0], $0x1020  }
0x134: {  	[sflag:s0] =	ssyncset.done $0x0  }
0x135: {  	s31 =	simm.s32 $0x6;
	[sflag:s0] =	ssyncadd.s32 $0xFFFFEFE0  }
0x136: {  	s3 =	simm.s32 $0x0;
	[sflag:s31] =	ssyncpa.u1 $0x0  }
.LBB2_30:
0x137: {  	p0 =	slt.u32 s4, $0x270F1  }
0x138: {  	s0 =	sand.u32 @p0 $0x3FFF8, s4  }
0x139: {  	s4 =	sand.u32 @p0 $0x7, s4;
	s5 =	simm.s32 @p0 $0xF188;
	s0 =	sadd.s32 @p0 s1, s0  }
0x13a: {  	[tilespmem:s5], [sflag:$0x6] =	stream.linear.gather @p0 [hbm4b:s0+s4], $0x80, $0x38;
	[tilespmem:$0x1F6E8] =	vst v63  }
0x13b: {  	s0 =	simm.s32 @p0 $0x6  }
0x13c: {  	_ =	swait.ge @p0 [sflag:s0], $0x80  }
0x13d: {  	[sflag:s0] =	ssyncset.done @p0 $0x0  }
0x13e: {  	[sflag:s0] =	ssyncadd.s32 @p0 $0xFFFFFF80  }
0x13f: {  	v1 =	vld @p0 [tilespmem:$0xF188];
	_ =	sdelay $0x2  }
0x140: {  	s0 =	sshll.u32 @p0 s3, $0x9  }
0x141: {  	s4 =	sshrl.u32 @p0 s0, $0x2  }
0x142: {  	[tilespmem:s4+$0xF238] =	vst.add.f32.msk @p0 $0xffff, v1  }
0x143: {  	v1 =	vld @p0 [tilespmem:$0xF198];
	_ =	sdelay $0x4  }
0x144: {  	[tilespmem:s4+$0xF248] =	vst.add.f32.msk @p0 $0xffff, v1  }
0x145: {  	v1 =	vld @p0 [tilespmem:$0xF1A8];
	_ =	sdelay $0x4  }
0x146: {  	[tilespmem:s4+$0xF258] =	vst.add.f32.msk @p0 $0xffff, v1  }
0x147: {  	v1 =	vld @p0 [tilespmem:$0xF1B8];
	_ =	sdelay $0x4  }
0x148: {  	[tilespmem:s4+$0xF268] =	vst.add.f32.msk @p0 $0xffff, v1  }
0x149: {  	v1 =	vld @p0 [tilespmem:$0xF1C8];
	_ =	sdelay $0x4  }
0x14a: {  	[tilespmem:s4+$0xF278] =	vst.add.f32.msk @p0 $0xffff, v1  }
0x14b: {  	v1 =	vld @p0 [tilespmem:$0xF1D8];
	_ =	sdelay $0x4  }
0x14c: {  	[tilespmem:s4+$0xF288] =	vst.add.f32.msk @p0 $0xffff, v1  }
0x14d: {  	v1 =	vld @p0 [tilespmem:$0xF1E8];
	_ =	sdelay $0x4  }
0x14e: {  	[tilespmem:s4+$0xF298] =	vst.add.f32.msk @p0 $0xffff, v1  }
0x14f: {  	v1 =	vld @p0 [tilespmem:$0xF1F8];
	_ =	sdelay $0x3  }
0x150: {  	s5 =	sshll.u32 @!p0 s3, $0x9  }
0x151: {  	s5 =	smov.u32 @p0 s0;
	[tilespmem:s4+$0xF2A8] =	vst.add.f32.msk @p0 $0xffff, v1  }
0x152: {  	s0 =	sshrl.u32 s5, $0x2;
	[tilespmem:s2+$0xF218] =	vst.msk $0x1, v0  }
0x153: {  	v0 =	vld [tilespmem:s0+$0xF238];
	_ =	sdelay $0x2  }
0x154: {  	s31 =	sshll.u32 s2, $0x9  }
0x155: {  	s4 =	sshra.s32 s31, $0x2  }
0x156: {  	[tilespmem:s4+$0xF238] =	vst v0  }
0x157: {  	v0 =	vld [tilespmem:s0+$0xF248];
	_ =	sdelay $0x4  }
0x158: {  	[tilespmem:s4+$0xF248] =	vst v0  }
0x159: {  	v0 =	vld [tilespmem:s0+$0xF258];
	_ =	sdelay $0x4  }
0x15a: {  	[tilespmem:s4+$0xF258] =	vst v0  }
0x15b: {  	v0 =	vld [tilespmem:s0+$0xF268];
	_ =	sdelay $0x4  }
0x15c: {  	[tilespmem:s4+$0xF268] =	vst v0  }
0x15d: {  	v0 =	vld [tilespmem:s0+$0xF278];
	_ =	sdelay $0x4  }
0x15e: {  	[tilespmem:s4+$0xF278] =	vst v0  }
0x15f: {  	v0 =	vld [tilespmem:s0+$0xF288];
	_ =	sdelay $0x4  }
0x160: {  	[tilespmem:s4+$0xF288] =	vst v0  }
0x161: {  	v0 =	vld [tilespmem:s0+$0xF298];
	_ =	sdelay $0x4  }
0x162: {  	[tilespmem:s4+$0xF298] =	vst v0  }
0x163: {  	v0 =	vld [tilespmem:s0+$0xF2A8];
	_ =	sdelay $0x4  }
0x164: {  	s2 =	sadd.s32 $0x1, s2;
	[tilespmem:s4+$0xF2A8] =	vst v0  }
.LBB2_31:
0x165: {  	s3 =	sadd.s32 $0x1, s3  }
0x166: {  	p0 =	sne.s32 s3, $0x20  }
.Ltmp18:
0x167: {  	_ = 	snop;
	(pc) =	sbr.rel @!p0 .LBB2_32-.Ltmp18, $1  }
0x168: {  	_ =	sdelay $0x3  }
.LBB2_24:
0x169: {  	v0 =	vld.msk [tilespmem:s3+$0xF218], $0x1;
	_ =	sdelay $0x4  }
0x16a: {  	(v2sf) =	vpush v0, $0x0;
	_ =	sdelay $0xe  }
0x16b: {  	s4 =	spop (v2sf)  }
0x16c: {  	p0 =	seq.s32 s4, $0xFFFFFFFF  }
.Ltmp19:
0x16d: {  	_ = 	snop;
	(pc) =	sbr.rel @p0 .LBB2_31-.Ltmp19, $1  }
0x16e: {  	_ =	sdelay $0x3  }
0x16f: {  	p0 =	slt.s32 s2, $0x1  }
.Ltmp20:
0x170: {  	_ = 	snop;
	(pc) =	sbr.rel @p0 .LBB2_30-.Ltmp20, $1  }
0x171: {  	_ =	sdelay $0x3  }
0x172: {  	s5 =	simm.s32 $0xF218;
	p0 =	por $0x0, $0x0  }
0x173: {  	v1 =	vld.msk @!p0 [tilespmem:s5+$0x0], $0x1;
	_ =	sdelay $0x4  }
0x174: {  	(v2sf) =	vpush @!p0 v1, $0x0;
	_ =	sdelay $0xd  }
0x175: {  	p2 =	sne.s32 s2, $0x1  }
.Ltmp21:
0x176: {  	s0 =	spop @!p0 (v2sf);
	(pc) =	sbr.rel @!p2 .LBB2_28-.Ltmp21, $4  }
0x177: {  	p1 =	seq.s32 @!p0 s4, s0  }
0x178: {  	s6 =	simm.s32 $0x0;
	p1 =	por !p1, p0  }
0x179: {  	s0 =	simm.s32 $0xFFFFFFFF;
	s6 =	simm.s32 @p1 $0xFFFFFFFF  }
0x17a: {  	s7 =	simm.s32 $0x1;
	s6 =	smov.u32 @p0 s0  }
.LBB2_27:
0x17b: {  	s0 =	smov.u32 s6;
	p0 =	sne.s32 s6, $0xFFFFFFFF  }
0x17c: {  	s5 =	sadd.s32 $0x1, s5;
	s6 =	smov.u32 s7;
	s7 =	sadd.s32 $0x1, s7  }
0x17d: {  	p1 =	sne.s32 s2, s7;
	v1 =	vld.msk @!p0 [tilespmem:s5+$0x0], $0x1;
	_ =	sdelay $0x4  }
0x17e: {  	(v2sf) =	vpush @!p0 v1, $0x0;
	_ =	sdelay $0xe  }
.Ltmp22:
0x17f: {  	s8 =	spop @!p0 (v2sf);
	(pc) =	sbr.rel @p1 .LBB2_27-.Ltmp22, $4  }
0x180: {  	p2 =	seq.s32 @!p0 s4, s8  }
0x181: {  	p2 =	por !p2, p0  }
0x182: {  	s6 =	simm.s32 @p2 $0xFFFFFFFF  }
0x183: {  	s6 =	smov.u32 @p0 s0  }
.LBB2_28:
0x184: {  	p0 =	seq.s32 s6, $0xFFFFFFFF  }
.Ltmp23:
0x185: {  	_ = 	snop;
	(pc) =	sbr.rel @p0 .LBB2_30-.Ltmp23, $1  }
0x186: {  	_ =	sdelay $0x3  }
0x187: {  	s0 =	sshll.u32 s3, $0x7  }
0x188: {  	s0 =	sand.u32 $0x3FFFFF80, s0  }
0x189: {  	v0 =	vld [tilespmem:s0+$0xF238];
	_ =	sdelay $0x2  }
0x18a: {  	s4 =	sshll.u32 s6, $0x9  }
0x18b: {  	s4 =	sshra.s32 s4, $0x2  }
0x18c: {  	[tilespmem:s4+$0xF238] =	vst.add.f32.msk $0xffff, v0  }
0x18d: {  	v0 =	vld [tilespmem:s0+$0xF248];
	_ =	sdelay $0x4  }
0x18e: {  	[tilespmem:s4+$0xF248] =	vst.add.f32.msk $0xffff, v0  }
0x18f: {  	v0 =	vld [tilespmem:s0+$0xF258];
	_ =	sdelay $0x4  }
0x190: {  	[tilespmem:s4+$0xF258] =	vst.add.f32.msk $0xffff, v0  }
0x191: {  	v0 =	vld [tilespmem:s0+$0xF268];
	_ =	sdelay $0x4  }
0x192: {  	[tilespmem:s4+$0xF268] =	vst.add.f32.msk $0xffff, v0  }
0x193: {  	v0 =	vld [tilespmem:s0+$0xF278];
	_ =	sdelay $0x4  }
0x194: {  	[tilespmem:s4+$0xF278] =	vst.add.f32.msk $0xffff, v0  }
0x195: {  	v0 =	vld [tilespmem:s0+$0xF288];
	_ =	sdelay $0x4  }
0x196: {  	[tilespmem:s4+$0xF288] =	vst.add.f32.msk $0xffff, v0  }
0x197: {  	v0 =	vld [tilespmem:s0+$0xF298];
	_ =	sdelay $0x4  }
0x198: {  	[tilespmem:s4+$0xF298] =	vst.add.f32.msk $0xffff, v0  }
0x199: {  	v0 =	vld [tilespmem:s0+$0xF2A8]  }
.Ltmp24:
0x19a: {  	_ = 	snop;
	(pc) =	sbr.rel .LBB2_31-.Ltmp24, $2  }
0x19b: {  	_ =	sdelay $0x2  }
0x19c: {  	[tilespmem:s4+$0xF2A8] =	vst.add.f32.msk $0xffff, v0  }
.LBB2_32:
0x19d: {  	p0 =	slt.s32 s2, $0x1  }
.Ltmp25:
0x19e: {  	_ = 	snop;
	(pc) =	sbr.rel @p0 .LBB2_36-.Ltmp25, $3  }
0x19f: {  	_ =	sdelay $0x1  }
0x1a0: {  	s0 =	simm.s32 $0x6  }
0x1a1: {  	s3 =	simm.s32 $0x0;
	[sflag:s0] =	ssyncpa.u1 $0x1  }
0x1a2: {  	s0 =	simm.s32 $0xF218  }
0x1a3: {  	v0 =	vld.msk [tilespmem:s0+$0x0], $0x1;
	_ =	sdelay $0x4  }
0x1a4: {  	(v2sf) =	vpush v0, $0x0;
	_ =	sdelay $0xd  }
0x1a5: {  	s2 =	sadd.s32 $0xFFFFFFFF, s2  }
0x1a6: {  	p1 =	sne.s32 s2, $0x0;
	s0 =	spop (v2sf)  }
.Ltmp26:
0x1a7: {  	p0 =	sgt.u32 s0, $0x270F0;
	(pc) =	sbr.rel @!p1 .LBB2_35-.Ltmp26, $4  }
0x1a8: {  	s4 =	simm.s32 $0xF238;
	s5 =	sand.u32 @!p0 $0x3FFF8, s0  }
0x1a9: {  	s6 =	simm.s32 $0x0;
	s0 =	sand.u32 @!p0 $0x7, s0;
	s5 =	sadd.s32 @!p0 s1, s5  }
0x1aa: {  	[hbm4b:s5+s0] =	stream.linear.scatter @!p0 [tilespmem:s4], [sflag:$0x5], $0x80, $0x38;
	[tilespmem:$0x1F6E8] =	vst v63  }
0x1ab: {  	s6 =	simm.s32 @!p0 $0x200;
	s5 =	simm.s32 $0xF219  }
.LBB2_34:
0x1ac: {  	v0 =	vld.msk [tilespmem:s5+$0x0], $0x1;
	s2 =	sadd.s32 $0xFFFFFFFF, s2;
	s3 =	sadd.s32 s3, s6  }
0x1ad: {  	p0 =	sne.s32 s2, $0x0;
	_ =	sdelay $0x3  }
0x1ae: {  	(v2sf) =	vpush v0, $0x0;
	_ =	sdelay $0xe  }
.Ltmp27:
0x1af: {  	s0 =	spop (v2sf);
	(pc) =	sbr.rel @p0 .LBB2_34-.Ltmp27, $4  }
0x1b0: {  	s6 =	simm.s32 $0x0;
	p1 =	sgt.u32 s0, $0x270F0  }
0x1b1: {  	s4 =	sadd.s32 $0x80, s4;
	s6 =	simm.s32 @!p1 $0x200;
	s7 =	sand.u32 @!p1 $0x3FFF8, s0  }
0x1b2: {  	s5 =	sadd.s32 $0x1, s5;
	s0 =	sand.u32 @!p1 $0x7, s0;
	s7 =	sadd.s32 @!p1 s1, s7  }
0x1b3: {  	[hbm4b:s7+s0] =	stream.linear.scatter @!p1 [tilespmem:s4], [sflag:$0x5], $0x80, $0x38;
	[tilespmem:$0x1F6E8] =	vst v63  }
.LBB2_35:
0x1b4: {  	s0 =	sadd.s32 s3, s6  }
0x1b5: {  	s3 =	sshrl.u32 s0, $0x2  }
.LBB2_36:
0x1b6: {  	s0 =	simm.s32 $0x5  }
0x1b7: {  	_ =	swait.ge [sflag:s0], s3  }
0x1b8: {  	s1 =	ssub.s32 $0x0, s3;
	[sflag:s0] =	ssyncset.done $0x0  }
0x1b9: {  	[sflag:s0] =	ssyncadd.s32 s1  }
0x1ba: {  	[sflag:s0] =	ssyncpa.u1 $0x1  }
0x1bb: {  	s30 =	simm.s32 $0x1;
	_ =	sfence  }
0x1bc: {  	[sflag:s30] =	ssyncpa.u1 $0x1  }
0x1bd: {  	_ =	strace $0x9000004D  }
0x1be: {  	[bflag:$0x2] =	sbarrier.arrive $0xFFFF  }
0x1bf: {  	s31 =	rddreg [dreg:$0x1]  }
0x1c0: {  	s0 =	sadd.s32 $0x100000, s31  }
0x1c1: {  	[sflag:s0] =	ssyncadd.tile.s32 $0x1;
	_ =	shalt  }
.Lfunc_end2:
_tile_overlayer_lowered:
.L_overlay_start_2:
0x1c2: {  	(tag) =	ssettag $0x2  }
0x1c3: {  	s0 =	rddreg [dreg:$0x0];
	s2 =	stileid.u32  }
0x1c4: {  	s1 =	rddreg [dreg:$0x1];
	p0 =	sne.s32 s2, $0x0  }
0x1c5: {  	s3 =	rddreg [dreg:$0x2];
	[bflag:$0x3] =	sbarrier.arrive $0xFFFF;
	s2 =	simm.s32 @!p0 $0x1C01  }
0x1c6: {  	[timem:s3], [sflag:s2] =	dma.local @!p0 [hbm:s0], s1  }
0x1c7: {  	s0 =	simm.s32 @!p0 $0x1  }
0x1c8: {  	_ =	swait.ge @!p0 [sflag:s0], s1  }
0x1c9: {  	s1 =	ssub.s32 @!p0 $0x0, s1;
	[sflag:s0] =	ssyncset.done @!p0 $0x0  }
0x1ca: {  	[sflag:s0] =	ssyncadd.s32 @!p0 s1  }
0x1cb: {  	[bflag:$0x3] =	sbarrier.arrive $0xFFFF  }
0x1cc: {  	_ =	shalt  }

// kernel: scatter_offload_async_start.2
scs
__scs_entry_jumppad:
0x0: {  	(pc) =	sbr.rel $0x88, $3  }
0x1: {  	(tag) =	ssettag $0x0;
	lr =	simm.s32 $0x1  }
0x2: {  	[smem:$0x3F92] =	sst lr;
	_ =	strace $0xD0000000  }
0x3: {  	_ = 	snop  }
0x4: {  	_ = 	snop  }
0x5: {  	_ = 	snop  }
0x6: {  	_ = 	snop  }
0x7: {  	_ = 	snop  }
__scs_overlays_trampoline_lowered:
0x8: {  	[smem:$0x3FA1] =	sst s0  }
0x9: {  	[smem:$0x3FA2] =	sst s1  }
0xa: {  	[smem:$0x3FA3] =	sst s2  }
0xb: {  	[smem:$0x3FA4] =	sst s3  }
0xc: {  	[smem:$0x3FA5] =	sst s4  }
0xd: {  	[smem:$0x3FA6] =	sst s5  }
0xe: {  	[smem:$0x3FA7] =	sst s6  }
0xf: {  	[smem:$0x3FA8] =	sst s7  }
0x10: {  	[smem:$0x3FA9] =	sst s8  }
0x11: {  	[smem:$0x3FAA] =	sst s9;
	s0 =	simm.s32 @!p0 $0x0  }
0x12: {  	s1 =	sld [smem:$0x3F90];
	s0 =	simm.s32 @p0 $0x1  }
0x13: {  	[smem:$0x3FAB] =	sst s0;
	s0 =	simm.s32 @!p1 $0x0  }
0x14: {  	s2 =	sld [smem:$0x3F8F];
	s0 =	simm.s32 @p1 $0x1  }
0x15: {  	[smem:$0x3FAC] =	sst s0;
	s0 =	simm.s32 @!p2 $0x0  }
0x16: {  	s3 =	sld [smem:$0x3FDB];
	s0 =	simm.s32 @p2 $0x1  }
0x17: {  	s4 =	simm.s32 $0x1BF5;
	[smem:$0x3FAE] =	sst s0  }
0x18: {  	s0 =	sld [smem:$0x3F91];
	_ =	swait.ge [sflag:s4], $0x0  }
0x19: {  	s7 =	sld [smem:$0x3F92]  }
0x1a: {  	s8 =	sadd.s32 $0xFFFFE003, lr  }
0x1b: {  	s9 =	sadd.s32 $0xFFFFFEF7, lr;
	s5 =	simm.s32 $0xFFFFFFFF;
	p2 =	slt.u32 s8, $0xFFFFF086  }
0x1c: {  	p1 =	slt.u32 s9, $0xF7A;
	s5 =	simm.s32 @!p2 $0x0  }
0x1d: {  	s5 =	simm.s32 @p1 $0x1;
	p0 =	seq.s32 s7, s2  }
0x1e: {  	s7 =	smul.u32 @!p0 $0xF7A, s2;
	p2 =	seq.s32 @!p0 s5, $0x0  }
0x1f: {  	s9 =	smul.u32 $0xF7A, s1;
	s8 =	simm.s32 @!p0 $0x1BF5;
	p2 =	por !p2, p0  }
0x20: {  	[sflag:s8] =	ssyncset.s32 @!p0 $0xFFFFF086;
	s6 =	sadd.s32 @!p0 s3, s7;
	s7 =	simm.s32 @!p0 $0x108  }
0x21: {  	s3 =	sadd.s32 s3, s9;
	s6 =	sadd.s32 @!p0 $0x88, s6;
	s7 =	simm.s32 @p2 $0x1082  }
0x22: {  	[simem:s7], [sflag:s8] =	dma.local @!p0 [hbm:s6], $0xF7A  }
0x23: {  	s9 =	sor.u32 $0xD0000000, s2;
	s6 =	simm.s32 $0x108;
	_ =	swait.ge @!p0 [sflag:s8], $0x0  }
0x24: {  	s3 =	sadd.s32 $0x88, s3;
	s6 =	simm.s32 @!p1 $0x1082;
	[sflag:s4] =	ssyncset.s32 $0xFFFFF086  }
0x25: {  	[simem:s6], [sflag:s4] =	dma.local [hbm:s3], $0xF7A  }
0x26: {  	[smem:$0x3F92] =	sst s1;
	(tag) =	ssettag s2;
	_ =	strace s9  }
0x27: {  	s1 =	sld [smem:$0x3FA2]  }
0x28: {  	s2 =	sld [smem:$0x3FA3]  }
0x29: {  	s4 =	sld [smem:$0x3FA5]  }
0x2a: {  	p0 =	seq.s32 s5, $0x0;
	s5 =	sld [smem:$0x3FA6]  }
0x2b: {  	s6 =	sld [smem:$0x3FA7]  }
0x2c: {  	s7 =	sld [smem:$0x3FA8]  }
0x2d: {  	s3 =	simm.s32 $0x108;
	s8 =	sld [smem:$0x3FA9]  }
0x2e: {  	s3 =	simm.s32 @!p0 $0x1082;
	s9 =	sld [smem:$0x3FAA]  }
0x2f: {  	lr =	sadd.s32 s0, s3;
	s0 =	sld [smem:$0x3FA1]  }
0x30: {  	s3 =	sld [smem:$0x3FA4]  }
0x31: {  	[smem:$0x3FAD] =	sst s10  }
0x32: {  	s10 =	sld [smem:$0x3FAB];
	_ =	sdelay $0x3  }
0x33: {  	p0 =	seq.s32 s10, $0x1;
	s10 =	sld [smem:$0x3FAD];
	_ =	sdelay $0x3  }
0x34: {  	[smem:$0x3FAD] =	sst s10  }
0x35: {  	s10 =	sld [smem:$0x3FAC];
	_ =	sdelay $0x3  }
0x36: {  	p1 =	seq.s32 s10, $0x1;
	s10 =	sld [smem:$0x3FAD];
	_ =	sdelay $0x3  }
0x37: {  	[smem:$0x3FAD] =	sst s10  }
0x38: {  	s10 =	sld [smem:$0x3FAE]  }
0x39: {  	_ = 	snop;
	(pc) =	sbr.ind lr, $3  }
0x3a: {  	_ = 	snop  }
0x3b: {  	_ = 	snop  }
0x3c: {  	p2 =	seq.s32 s10, $0x1;
	s10 =	sld [smem:$0x3FAD]  }
0x3d: {  	_ =	shalt  }
0x3e: {  	_ =	shalt  }
0x3f: {  	_ =	shalt  }
0x40: {  	_ =	shalt  }
0x41: {  	_ =	shalt  }
0x42: {  	_ =	shalt  }
0x43: {  	_ =	shalt  }
0x44: {  	_ =	shalt  }
0x45: {  	_ =	shalt  }
0x46: {  	_ =	shalt  }
0x47: {  	_ =	shalt  }
0x48: {  	_ =	shalt  }
0x49: {  	_ =	shalt  }
0x4a: {  	_ =	shalt  }
0x4b: {  	_ =	shalt  }
0x4c: {  	_ =	shalt  }
0x4d: {  	_ =	shalt  }
0x4e: {  	_ =	shalt  }
0x4f: {  	_ =	shalt  }
0x50: {  	_ =	shalt  }
0x51: {  	_ =	shalt  }
0x52: {  	_ =	shalt  }
0x53: {  	_ =	shalt  }
0x54: {  	_ =	shalt  }
0x55: {  	_ =	shalt  }
0x56: {  	_ =	shalt  }
0x57: {  	_ =	shalt  }
0x58: {  	_ =	shalt  }
0x59: {  	_ =	shalt  }
0x5a: {  	_ =	shalt  }
0x5b: {  	_ =	shalt  }
0x5c: {  	_ =	shalt  }
0x5d: {  	_ =	shalt  }
0x5e: {  	_ =	shalt  }
0x5f: {  	_ =	shalt  }
0x60: {  	_ =	shalt  }
0x61: {  	_ =	shalt  }
0x62: {  	_ =	shalt  }
0x63: {  	_ =	shalt  }
0x64: {  	_ =	shalt  }
0x65: {  	_ =	shalt  }
0x66: {  	_ =	shalt  }
0x67: {  	_ =	shalt  }
0x68: {  	_ =	shalt  }
0x69: {  	_ =	shalt  }
0x6a: {  	_ =	shalt  }
0x6b: {  	_ =	shalt  }
0x6c: {  	_ =	shalt  }
0x6d: {  	_ =	shalt  }
0x6e: {  	_ =	shalt  }
0x6f: {  	_ =	shalt  }
0x70: {  	_ =	shalt  }
0x71: {  	_ =	shalt  }
0x72: {  	_ =	shalt  }
0x73: {  	_ =	shalt  }
0x74: {  	_ =	shalt  }
0x75: {  	_ =	shalt  }
0x76: {  	_ =	shalt  }
0x77: {  	_ =	shalt  }
0x78: {  	_ =	shalt  }
0x79: {  	_ =	shalt  }
0x7a: {  	_ =	shalt  }
0x7b: {  	_ =	shalt  }
0x7c: {  	_ =	shalt  }
0x7d: {  	_ =	shalt  }
0x7e: {  	_ =	shalt  }
0x7f: {  	_ =	shalt  }
0x80: {  	_ =	shalt  }
0x81: {  	_ =	shalt  }
0x82: {  	_ =	shalt  }
0x83: {  	_ =	shalt  }
0x84: {  	_ =	shalt  }
0x85: {  	_ =	shalt  }
0x86: {  	_ =	shalt  }
0x87: {  	_ =	shalt  }
.Lfunc_end0:
.L_simem_size_0:
called_computation.2_lowered:
.L_overlay_start_0:
0x88: {  	s0 =	sld [smem:$0x3FD9]  }
0x89: {  	s1 =	sld [smem:$0x3FFE];
	_ =	sdelay $0x3  }
0x8a: {  	s0 =	sadd.s32 s1, s0  }
0x8b: {  	[smem:$0x3FB9] =	sst s0  }
0x8c: {  	_ = 	snop  }
0x8d: {  	(tm) =	ssettm $0x1  }
0x8e: {  	s15 =	sld [smem:$0x3FFB];
	_ =	sdelay $0x3  }
0x8f: {  	_ =	strace s15  }
0x90: {  	s0 =	sld [smem:$0x3FFC];
	_ =	sdelay $0x3  }
0x91: {  	_ =	strace s0  }
0x92: {  	s0 =	sld [smem:$0x3FFD];
	_ =	sdelay $0x3  }
0x93: {  	_ =	strace s0  }
0x94: {  	_ =	strace $0x8FFFFFFF  }
0x95: {  	s16 =	sld [smem:$0x3FDB];
	_ =	sdelay $0x1  }
0x96: {  	s17 =	simm.s32 $_scs_section_size  }
0x97: {  	s2 =	simm.s32 $_size__tile_overlayer_lowered;
	s3 =	simm.s32 $_tile_overlayer_lowered  }
0x98: {  	s20 =	simm.s32 $0x1BFF;
	s19 =	sshll.u32 s3, $0x1;
	s0 =	sadd.s32 s17, s16  }
0x99: {  	s4 =	simm.s32 $0x0;
	s18 =	sshll.u32 s2, $0x1;
	s2 =	sadd.s32 s19, s0  }
0x9a: {  	[timem:s4], [sflag:s20] =	dma.local [hbm:s2], s18  }
0x9b: {  	_ =	swait.ge [sflag:s20], s18  }
0x9c: {  	s1 =	ssub.s32 $0x0, s18;
	[sflag:s20] =	ssyncset.done $0x0  }
0x9d: {  	[sflag:s20] =	ssyncadd.s32 s1;
	_ =	sdelay $0x1  }
0x9e: {  	s21 =	simm.s32 $0x1B8B  }
0x9f: {  	_ =	swait.ge [sflag:s21], $0x1  }
0xa0: {  	[sflag:s21] =	ssyncset.done $0x0  }
0xa1: {  	s23 =	simm.s32 $0x1B8E;
	s22 =	sld [smem:$0x3FFE];
	[sflag:s21] =	ssyncadd.s32 $0xFFFFFFFF  }
0xa2: {  	s24 =	simm.s32 $execute0_lowered;
	[smem:$0x3FD2] =	sst s23  }
0xa3: {  	s2 =	sshll.u32 s24, $0x1;
	_ =	strace $0x8000004F;
	[dreg:$0x1] =	wrdreg $0xFFFFFFFF  }
0xa4: {  	s25 =	simm.s32 $_size_execute0_lowered;
	s0 =	sadd.s32 s0, s2;
	[dreg:$0x0] =	wrdreg $0x0  }
0xa5: {  	s2 =	sshll.u32 s25, $0x1;
	[dreg:$0x2] =	wrdreg s0  }
0xa6: {  	[dreg:$0x3] =	wrdreg s2  }
0xa7: {  	[dreg:$0x4] =	wrdreg $0xC0  }
0xa8: {  	_ =	task [dreg:s4], $0x5FFFF  }
0xa9: {  	[dreg:$0x1] =	wrdreg $0xFFFFFFFF  }
0xaa: {  	[dreg:$0x0] =	wrdreg $0x60  }
0xab: {  	[dreg:$0x2] =	wrdreg s22  }
0xac: {  	[dreg:$0x3] =	wrdreg $0x9  }
0xad: {  	_ =	task.clear_ibuf [dreg:s4], $0x4FFFF;
	_ =	strace $0x9000004F  }
0xae: {  	s26 =	simm.s32 $0x9;
	_ =	strace $0x80000051  }
0xaf: {  	_ =	swait.ge [sflag:s26], $0x1  }
0xb0: {  	[sflag:s26] =	ssyncadd.s32 $0xFFFFFFFF  }
0xb1: {  	_ =	strace $0x90000051  }
0xb2: {  	_ =	sfence  }
0xb3: {  	s28 =	sld [smem:$0x0];
	_ =	sdelay $0x1  }
0xb4: {  	s29 =	srdreg.scid  }
0xb5: {  	s30 =	sshll.u32 s29, $0xD;
	s31 =	sshrl.u32 s29, $0x2  }
0xb6: {  	s1 =	sand.u32 $0x1, s29;
	s2 =	sand.u32 $0x4000, s30;
	s0 =	sadd.s32 s31, s28  }
0xb7: {  	s1 =	sor.u32 s2, s1;
	s0 =	sshll.u32 s0, $0x11  }
0xb8: {  	s0 =	sor.u32 s0, s1  }
0xb9: {  	s0 =	sadd.s32 $0x8F2B, s0  }
0xba: {  	[sflag:s0] =	ssyncadd.remote.s32 $0x1  }
0xbb: {  	_ =	sfence.sel $0xFFFF  }
0xbc: {  	[dreg:$0x0] =	wrdreg $0xFFFFFFFF;
	(pc) =	sbr.abs _section_cstart, $3  }
0xbd: {  	[dreg:$0x1] =	wrdreg $0xFFFFFFFF  }
0xbe: {  	_ =	task.clear_ibuf [dreg:s4], $0x2FFFF;
	_ =	strace $0x9FFFFFFF  }
0xbf: {  	(tm) =	ssettm $0x7FFFFFFF  }
tec
execute0_lowered:
.L_overlay_start_1:
0x0: {  	(tag) =	ssettag $0x1  }
0x1: {  	s0 =	rddreg [dreg:$0x0];
	_ =	strace $0x80000050;
	s1 =	simm.s32 $0x1  }
0x2: {  	s8 =	simm.s32 $0x108;
	v0 =	vimm.s32 $0x0;
	[sflag:s1] =	ssyncpa.u1 $0x0  }
0x3: {  	[tilespmem:s8+$0x70] =	vst v0  }
0x4: {  	[tilespmem:s8+$0x60] =	vst v0  }
0x5: {  	[tilespmem:s8+$0x50] =	vst v0  }
0x6: {  	[tilespmem:s8+$0x40] =	vst v0  }
0x7: {  	[tilespmem:s8+$0x30] =	vst v0  }
0x8: {  	s2 =	simm.s32 $0x40;
	s1 =	sadd.s32 $0x2FEA00, s0;
	[tilespmem:s8+$0x20] =	vst v0  }
0x9: {  	s3 =	sadd.s32 $0x34E00, s0;
	s4 =	sadd.s32 $0x3F600, s0;
	s5 =	sadd.s32 $0x3A200, s0;
	[tilespmem:s8+$0x10] =	vst v0  }
.LBB2_1:
0xa: {  	s2 =	sadd.s32 $0x40, s2;
	[tilespmem:s8+$0x0] =	vst v0;
	s8 =	sadd.s32 $0x80, s8  }
0xb: {  	p0 =	slt.u32 s2, $0x3C40;
	[tilespmem:s8+$0x70] =	vst v0  }
0xc: {  	[tilespmem:s8+$0x60] =	vst v0  }
.Ltmp0:
0xd: {  	[tilespmem:s8+$0x50] =	vst v0;
	(pc) =	sbr.rel @p0 .LBB2_1-.Ltmp0, $4  }
0xe: {  	[tilespmem:s8+$0x40] =	vst v0  }
0xf: {  	[tilespmem:s8+$0x30] =	vst v0  }
0x10: {  	[tilespmem:s8+$0x20] =	vst v0  }
0x11: {  	[tilespmem:s8+$0x10] =	vst v0  }
0x12: {  	s13 =	stileid.u32  }
0x13: {  	s0 =	smul.u32 $0x2C, s13  }
0x14: {  	s2 =	smin.u32 s13, $0x5  }
0x15: {  	s0 =	sadd.s32 s2, s0  }
0x16: {  	p0 =	slt.u32 s13, $0x5;
	s6 =	smul.u32 $0xF0, s0;
	s0 =	simm.s32 $0x2A30  }
0x17: {  	s0 =	simm.s32 @!p0 $0x2940  }
0x18: {  	s0 =	sadd.s32 s0, s6  }
0x19: {  	s7 =	smin.u32 s0, $0x29810  }
0x1a: {  	s0 =	ssub.s32 s7, s6  }
0x1b: {  	p0 =	sgt.s32 s0, $0x0  }
0x1c: {  	s0 =	simm.s32 @!p0 $0x0  }
0x1d: {  	s31 =	smulhi.u32 $0x88888889, s0  }
0x1e: {  	s30 =	simm.s32 $0x2;
	s9 =	simm.s32 $0x7;
	s10 =	simm.s32 $0x8  }
0x1f: {  	s19 =	simm.s32 $0x0;
	s15 =	simm.s32 $0xA;
	s2 =	sshrl.u32 s31, $0x7  }
0x20: {  	s17 =	simm.s32 $0x0;
	s18 =	simm.s32 $0x0;
	s11 =	smul.u32 $0xF0, s2  }
.Ltmp1:
0x21: {  	[tilespmem:s8+$0x0] =	vst v0;
	v0 =	vimm.s32 $0xFFFFFFFF;
	[sflag:s30] =	ssyncpa.u1 $0x0;
	s13 =	sshll.u32 s13, $0x8;
	(pc) =	sbr.rel .LBB2_3-.Ltmp1, $4  }
0x22: {  	[tilespmem:$0xF208] =	vst v0;
	[sflag:s9] =	ssyncpa.u1 $0x0;
	p0 =	sne.s32 s0, s11;
	s0 =	simm.s32 $0x1  }
0x23: {  	[sflag:s10] =	ssyncpa.u1 $0x0;
	s10 =	simm.s32 $0x9;
	s0 =	simm.s32 @!p0 $0x0  }
0x24: {  	[sflag:s10] =	ssyncpa.u1 $0x0;
	s16 =	smov.u32 s6;
	s12 =	sadd.s32 s0, s2  }
0x25: {  	v0 =	vlaneseq.u32;
	s11 =	simm.s32 $0x1;
	p0 =	por $0x0, $0x0;
	s14 =	sadd.s32 $0x1, s12  }
.LBB2_18:
0x26: {  	s0 =	sshrl.u32 s28, $0x2  }
.LBB2_20:
0x27: {  	_ =	swait.ge [sflag:s15], s0  }
0x28: {  	s31 =	ssub.s32 $0x0, s0;
	v1 =	vmov s21;
	vm0 =	veq.s32 v0, $0x0;
	[sflag:s15] =	ssyncset.done $0x0  }
0x29: {  	vm15 =	veq.s32 v0, $0x2;
	v1 =	vsel vm0, s26, v1;
	[sflag:s15] =	ssyncadd.s32 s31  }
0x2a: {  	v1 =	vsel vm15, s19, v1;
	[sflag:s15] =	ssyncpa.u1 $0x1  }
0x2b: {  	[tilespmem:$0xF208] =	vst v1  }
.LBB2_21:
0x2c: {  	s0 =	sadd.s32 $0xF0, s16  }
0x2d: {  	s2 =	smov.u32 s6;
	p1 =	slt.s32 s0, s7  }
0x2e: {  	s2 =	smov.u32 @p1 s0;
	p1 =	sne.s32 s18, s14  }
.Ltmp2:
0x2f: {  	_ = 	snop;
	(pc) =	sbr.rel @!p1 .LBB2_22-.Ltmp2, $3  }
0x30: {  	_ =	sdelay $0x1  }
0x31: {  	s19 =	smov.u32 s17;
	s31 =	sadd.s32 $0x1, s18;
	s17 =	smov.u32 s16  }
0x32: {  	p0 =	por !p0, !p0;
	s18 =	smov.u32 s31;
	s16 =	smov.u32 s2  }
.LBB2_3:
0x33: {  	p1 =	sge.u32 s18, s12  }
0x34: {  	s0 =	smulhi.u32 @!p1 $0xAAAAAAAB, s18  }
0x35: {  	s2 =	smov.u32 s16;
	p2 =	sgt.s32 @!p1 s16, $0x29720  }
0x36: {  	s20 =	sshra.s32 @!p1 s16, $0x1F;
	p2 =	por !p2, p1;
	s0 =	sshrl.u32 @!p1 s0, $0x1  }
0x37: {  	s20 =	sand.u32 @!p1 s20, s16;
	s2 =	simm.s32 @p2 $0x29720;
	s0 =	smul.u32 @!p1 $0x3, s0  }
0x38: {  	s2 =	ssub.s32 @!p1 s2, s20  }
0x39: {  	s2 =	sadd.s32 @!p1 $0xFFFD68E0, s2;
	s0 =	ssub.s32 @!p1 s18, s0  }
0x3a: {  	s20 =	sshll.u32 @!p1 s2, $0x2;
	p2 =	sgt.s32 @!p1 s2, $0xEF;
	s0 =	smul.u32 @!p1 $0x3C0, s0  }
0x3b: {  	s21 =	sand.u32 @!p1 $0x7, s16;
	s2 =	ssub.s32 @!p1 $0x3C0, s20;
	p2 =	por !p2, p1  }
0x3c: {  	s20 =	sshrl.u32 @!p1 s16, $0x3;
	s2 =	sshrl.u32 @!p1 s2, $0x2;
	s0 =	sshrl.u32 @!p1 s0, $0x2  }
0x3d: {  	s20 =	sadd.s32 @!p1 s5, s20;
	s2 =	simm.s32 @!p2 $0x0;
	s0 =	sadd.s32 @!p1 $0x10238, s0  }
0x3e: {  	[tilespmem:s0], [sflag:$0x8] =	stream.linear.gather @!p1 [hbm4b:s20+s21], s2, $0x38;
	[tilespmem:$0x1F6E8] =	vst v63  }
0x3f: {  	s0 =	sadd.s32 $0xFFFFFFFF, s18  }
0x40: {  	p1 =	sge.u32 s0, s12  }
0x41: {  	p2 =	sgt.s32 @!p1 s17, $0x29720  }
0x42: {  	s2 =	smov.u32 s17;
	s20 =	sshra.s32 @!p1 s17, $0x1F;
	p2 =	por !p2, p1  }
0x43: {  	s20 =	sand.u32 @!p1 s20, s17;
	s2 =	simm.s32 @p2 $0x29720  }
0x44: {  	s2 =	ssub.s32 @!p1 s2, s20  }
0x45: {  	s2 =	sadd.s32 @!p1 $0xFFFD68E0, s2  }
0x46: {  	s21 =	sand.u32 @!p1 $0x1, s0;
	s20 =	sshll.u32 @!p1 s2, $0x2  }
0x47: {  	p2 =	sgt.s32 @!p1 s2, $0xEF;
	s2 =	ssub.s32 @!p1 $0x3C0, s20;
	s20 =	smulhi.u32 @!p1 $0xAAAAAAAB, s0  }
0x48: {  	s23 =	smul.u32 @!p1 $0x3C0, s21;
	p2 =	por !p2, p1;
	s2 =	sshrl.u32 @!p1 s2, $0x2  }
0x49: {  	s22 =	simm.s32 @!p1 $0x8;
	s2 =	simm.s32 @!p2 $0x0;
	s20 =	sshrl.u32 @!p1 s20, $0x1  }
0x4a: {  	s23 =	sshrl.u32 @!p1 s23, $0x2;
	_ =	swait.ge @!p1 [sflag:s22], s2;
	s20 =	smul.u32 @!p1 $0x3, s20  }
0x4b: {  	s23 =	sor.u32 @!p1 $0x10508, s23;
	s24 =	ssub.s32 @!p1 $0x0, s2;
	[sflag:s22] =	ssyncset.done @!p1 $0x0  }
0x4c: {  	[sflag:s22] =	ssyncadd.s32 @!p1 s24;
	s22 =	sshrl.u32 @!p1 s17, $0x3;
	s0 =	ssub.s32 @!p1 s0, s20  }
0x4d: {  	s24 =	sand.u32 @!p1 $0x7, s17;
	s22 =	sadd.s32 @!p1 s3, s22;
	s0 =	smul.u32 @!p1 $0x3C0, s0  }
0x4e: {  	[tilespmem:s23], [sflag:$0x9] =	stream.linear.gather @!p1 [hbm4b:s22+s24], s2, $0x38;
	[tilespmem:$0x1F6E8] =	vst v63  }
0x4f: {  	s20 =	ssub.s32 @!p1 $0x29810, s17;
	s2 =	smul.u32 @!p1 $0x1E000, s21  }
0x50: {  	p2 =	slt.s32 @!p1 s20, $0xF0  }
0x51: {  	p2 =	por !p2, p1;
	s0 =	sshrl.u32 @!p1 s0, $0x2;
	s2 =	sshrl.u32 @!p1 s2, $0x2  }
0x52: {  	s20 =	simm.s32 @p2 $0xF0;
	s0 =	sadd.s32 @!p1 $0x10238, s0;
	s2 =	sor.u32 @!p1 $0x106E8, s2  }
0x53: {  	[tilespmem:s2], [sflag:$0x7] =	stream.indirect.gather @!p1 [hbm4b:s4+s20], $0x80, s0, s20, $0xb8;
	[tilespmem:$0x1F6E8] =	vst v63  }
0x54: {  	p1 =	slt.u32 s18, $0x2  }
.Ltmp3:
0x55: {  	_ = 	snop;
	(pc) =	sbr.rel @p1 .LBB2_21-.Ltmp3, $1  }
0x56: {  	_ =	sdelay $0x3  }
0x57: {  	p1 =	sgt.s32 s19, $0x29720;
	s0 =	smov.u32 s19  }
0x58: {  	s2 =	sshra.s32 s19, $0x1F;
	s20 =	ssub.s32 $0x29810, s19;
	s0 =	simm.s32 @!p1 $0x29720  }
0x59: {  	s2 =	sand.u32 s2, s19;
	p1 =	slt.s32 s20, $0xF0;
	s21 =	smov.u32 s20  }
0x5a: {  	s0 =	ssub.s32 s0, s2;
	s21 =	simm.s32 @!p1 $0xF0  }
0x5b: {  	s0 =	sadd.s32 $0xFFFD68E0, s0;
	s28 =	sshll.u32 s21, $0x7  }
0x5c: {  	s29 =	sshll.u32 s0, $0x2;
	s2 =	sand.u32 $0x3FFFFF80, s28  }
0x5d: {  	p1 =	sgt.s32 s0, $0xEF;
	s30 =	ssub.s32 $0x3C0, s29;
	_ =	swait.ge [sflag:s9], s2  }
0x5e: {  	s2 =	ssub.s32 $0x0, s2;
	[sflag:s9] =	ssyncset.done $0x0;
	s0 =	sshrl.u32 s30, $0x2  }
0x5f: {  	[sflag:s9] =	ssyncadd.s32 s2;
	s0 =	simm.s32 @p1 $0x0  }
0x60: {  	_ =	swait.ge [sflag:s10], s0  }
0x61: {  	s0 =	ssub.s32 $0x0, s0;
	[sflag:s10] =	ssyncset.done $0x0  }
0x62: {  	[sflag:s10] =	ssyncadd.s32 s0  }
0x63: {  	v1 =	vld [tilespmem:$0xF208];
	_ =	sdelay $0x4  }
0x64: {  	(v2sf) =	vpush v1, $0x0  }
0x65: {  	(v2sf) =	vpush v1, $0x1  }
0x66: {  	(v2sf) =	vpush v1, $0x2;
	_ =	sdelay $0x3  }
0x67: {  	s0 =	sadd.s32 $0xF0, s19  }
0x68: {  	p1 =	slt.s32 s7, s0  }
0x69: {  	s0 =	smov.u32 @p1 s7;
	p1 =	sgt.s32 s20, $0x0  }
0x6a: {  	s23 =	ssub.s32 s0, s19;
	s20 =	simm.s32 @!p1 $0x0  }
0x6b: {  	p1 =	slt.s32 s20, s23  }
0x6c: {  	s23 =	smov.u32 @p1 s20  }
0x6d: {  	s22 =	simm.s32 $0x1;
	p1 =	slt.s32 s23, $0x1  }
.Ltmp4:
0x6e: {  	s22 =	simm.s32 @!p0 $0x0;
	(pc) =	sbr.rel @p1 .LBB2_8-.Ltmp4, $4  }
0x6f: {  	s31 =	smul.u32 $0x3C0, s22  }
0x70: {  	s24 =	spop (v2sf)  }
0x71: {  	s0 =	sshrl.u32 s31, $0x2;
	s26 =	spop (v2sf)  }
0x72: {  	s20 =	sor.u32 $0x10508, s0;
	s19 =	spop (v2sf)  }
0x73: {  	s0 =	smin.u32 s23, $0x10  }
0x74: {  	v1 =	vmov s0  }
0x75: {  	p2 =	sgt.s32 s23, $0x10;
	vm1 =	vgt.u32 v1, v0  }
.Ltmp5:
0x76: {  	_ = 	snop;
	(pc) =	sbr.rel @!p2 .LBB2_7-.Ltmp5, $2  }
0x77: {  	_ =	sdelay $0x2  }
0x78: {  	s25 =	simm.s32 $0x10;
	s28 =	sadd.s32 $0xFFFFFFF0, s23;
	s21 =	smov.u32 s20;
	vm0 =	vmmov vm1  }
.LBB2_6:
0x79: {  	s0 =	smin.u32 s28, $0x10;
	s25 =	sadd.s32 $0x10, s25;
	v1 =	vld.msk [tilespmem:s21+$0x0 ss:$0x1], vm1  }
0x7a: {  	v2 =	vmov s0;
	p2 =	slt.s32 s25, s23  }
0x7b: {  	vm1 =	vgt.u32 v2, v0  }
.Ltmp6:
0x7c: {  	(pc) =	sbr.rel @p2 .LBB2_6-.Ltmp6, $3  }
0x7d: {  	_ =	sdelay $0x1  }
0x7e: {  	v1 =	vshll.u32 v1, $0x4  }
0x7f: {  	s28 =	sadd.s32 $0xFFFFFFF0, s28;
	[tilespmem:s21+$0x0] =	vst.msk vm0, v1;
	s21 =	sadd.s32 $0x10, s21;
	vm0 =	vmmov vm1  }
.LBB2_7:
0x80: {  	_ =	sdelay $0x4  }
0x81: {  	v1 =	vld.msk [tilespmem:s21+$0x0 ss:$0x1], vm1;
	_ =	sdelay $0x4  }
0x82: {  	v1 =	vshll.u32 v1, $0x4  }
0x83: {  	[tilespmem:s21+$0x0] =	vst.msk vm0, v1  }
.LBB2_8:
0x84: {  	s0 =	sand.u32 $0x1, s18  }
0x85: {  	s2 =	smul.u32 $0x7800, s0  }
0x86: {  	p2 =	sne.s32 s26, $0xFFFFFFFF  }
0x87: {  	v1 =	vld @!p2 [tilespmem:s2+$0x106E8];
	_ =	sdelay $0x2  }
0x88: {  	s0 =	smul.u32 $0xF0, s0;
	_ =	sdelay $0x1  }
0x89: {  	v2 =	vld.msk @!p2 [tilespmem:s0+$0x10508], $0x1;
	[tilespmem:$0x108] =	vst @!p2 v1  }
0x8a: {  	v1 =	vld @!p2 [tilespmem:s2+$0x106F8];
	_ =	sdelay $0x4  }
0x8b: {  	[tilespmem:$0x118] =	vst @!p2 v1  }
0x8c: {  	v1 =	vld @!p2 [tilespmem:s2+$0x10708];
	_ =	sdelay $0x4  }
0x8d: {  	[tilespmem:$0x128] =	vst @!p2 v1  }
0x8e: {  	v1 =	vld @!p2 [tilespmem:s2+$0x10718];
	_ =	sdelay $0x4  }
0x8f: {  	[tilespmem:$0x138] =	vst @!p2 v1  }
0x90: {  	v1 =	vld @!p2 [tilespmem:s2+$0x10728];
	_ =	sdelay $0x4  }
0x91: {  	[tilespmem:$0x148] =	vst @!p2 v1  }
0x92: {  	(v2sf) =	vpush @!p2 v2, $0x0;
	v1 =	vld @!p2 [tilespmem:s2+$0x10738];
	_ =	sdelay $0x4  }
0x93: {  	[tilespmem:$0x158] =	vst @!p2 v1  }
0x94: {  	v1 =	vld @!p2 [tilespmem:s2+$0x10748];
	_ =	sdelay $0x4  }
0x95: {  	[tilespmem:$0x168] =	vst @!p2 v1  }
0x96: {  	v1 =	vld @!p2 [tilespmem:s2+$0x10758]  }
.Ltmp7:
0x97: {  	_ = 	snop;
	(pc) =	sbr.rel @p1 .LBB2_19-.Ltmp7, $4  }
0x98: {  	_ = 	snop  }
0x99: {  	s25 =	spop @!p2 (v2sf)  }
0x9a: {  	s19 =	simm.s32 @!p2 $0x0;
	s21 =	smov.u32 s25  }
0x9b: {  	s25 =	smov.u32 @p2 s24;
	s21 =	smov.u32 @p2 s26;
	[tilespmem:$0x178] =	vst @!p2 v1;
	[sflag:s15] =	ssyncpa.u1 $0x0  }
0x9c: {  	v1 =	vld.msk [tilespmem:s20+$0x0], $0x1;
	_ =	sdelay $0x4  }
0x9d: {  	(v2sf) =	vpush v1, $0x0;
	_ =	sdelay $0xe  }
0x9e: {  	s0 =	smul.u32 $0x1E000, s22;
	s29 =	spop (v2sf)  }
0x9f: {  	s23 =	ssub.s32 $0x0, s23;
	p1 =	seq.s32 s25, s29  }
0xa0: {  	s26 =	sadd.s32 $0x1, s23;
	s0 =	sshrl.u32 s0, $0x2;
	p2 =	sgt.s32 @!p1 s25, $0x0  }
0xa1: {  	s22 =	sor.u32 $0x10728, s0;
	s0 =	smov.u32 s25;
	p2 =	por !p2, p1  }
0xa2: {  	s0 =	simm.s32 @p2 $0x0;
	p2 =	seq.s32 s26, $0x0  }
.Ltmp8:
0xa3: {  	_ = 	snop;
	(pc) =	sbr.rel @p2 .LBB2_11-.Ltmp8, $4  }
0xa4: {  	_ = 	snop  }
0xa5: {  	s24 =	simm.s32 $0x0;
	s28 =	sadd.s32 $0x1, s20;
	s0 =	smin.u32 @!p1 s0, $0x270F0  }
0xa6: {  	s30 =	simm.s32 @!p1 $0x1;
	s31 =	simm.s32 @!p1 $0x7988;
	s2 =	sand.u32 @!p1 $0x3FFF8, s0  }
0xa7: {  	s30 =	smov.u32 @p1 s24;
	s0 =	sand.u32 @!p1 $0x7, s0;
	s2 =	sadd.s32 @!p1 s1, s2  }
.LBB2_10:
0xa8: {  	s8 =	smov.u32 s30  }
0xa9: {  	[tilespmem:s31], [sflag:$0x2] =	stream.linear.gather @!p1 [hbm4b:s2+s0], $0x80, $0x38;
	[tilespmem:$0x1F6E8] =	vst v63  }
0xaa: {  	s26 =	sadd.s32 $0x1, s26;
	s0 =	smov.u32 s29;
	v1 =	vld.msk [tilespmem:s28+$0x0], $0x1  }
0xab: {  	p2 =	seq.s32 s26, $0x0;
	_ =	sdelay $0x3  }
0xac: {  	(v2sf) =	vpush v1, $0x0;
	_ =	sdelay $0xe  }
0xad: {  	s29 =	spop (v2sf)  }
0xae: {  	p1 =	seq.s32 s0, s29  }
0xaf: {  	p3 =	sgt.s32 @!p1 s0, $0x0;
	s2 =	sshll.u32 @!p1 s30, $0x9;
	s30 =	sadd.s32 @!p1 $0x1, s30  }
.Ltmp9:
0xb0: {  	p3 =	por !p3, p1;
	s2 =	sshra.s32 @!p1 s2, $0x2;
	(pc) =	sbr.rel @!p2 .LBB2_10-.Ltmp9, $4  }
0xb1: {  	s30 =	smov.u32 @p1 s8;
	s0 =	simm.s32 @p3 $0x0;
	s31 =	sadd.s32 @!p1 $0x7988, s2  }
0xb2: {  	s0 =	smin.u32 @!p1 s0, $0x270F0  }
0xb3: {  	s2 =	sand.u32 @!p1 $0x3FFF8, s0;
	s0 =	sand.u32 @!p1 $0x7, s0  }
0xb4: {  	s28 =	sadd.s32 $0x1, s28;
	s2 =	sadd.s32 @!p1 s1, s2  }
.LBB2_11:
0xb5: {  	[tilespmem:s31], [sflag:$0x2] =	stream.linear.gather @!p1 [hbm4b:s2+s0], $0x80, $0x38;
	[tilespmem:$0x1F6E8] =	vst v63  }
.Ltmp10:
0xb6: {  	s30 =	sshll.u32 s30, $0x7;
	(pc) =	sbr.rel .LBB2_12-.Ltmp10, $4  }
0xb7: {  	s31 =	simm.s32 $0x2;
	s0 =	sand.u32 $0x3FFFFF80, s30  }
0xb8: {  	_ =	swait.ge [sflag:s31], s0  }
0xb9: {  	s0 =	ssub.s32 $0x0, s0;
	[sflag:s31] =	ssyncset.done $0x0  }
0xba: {  	s28 =	simm.s32 $0x0;
	[sflag:s31] =	ssyncadd.s32 s0  }
.LBB2_13:
0xbb: {  	s0 =	sshra.s32 s0, $0x2;
	v1 =	vld [tilespmem:s22+$0xFFFFFFC0]  }
0xbc: {  	v2 =	vld [tilespmem:s0+$0x108];
	_ =	sdelay $0x4  }
0xbd: {  	v1 =	vmax.f32 v1, v2  }
0xbe: {  	v2 =	vld [tilespmem:s0+$0x118];
	[tilespmem:s0+$0x108] =	vst v1  }
0xbf: {  	v1 =	vld [tilespmem:s22+$0xFFFFFFD0];
	_ =	sdelay $0x4  }
0xc0: {  	v1 =	vmax.f32 v1, v2  }
0xc1: {  	v2 =	vld [tilespmem:s0+$0x128];
	[tilespmem:s0+$0x118] =	vst v1  }
0xc2: {  	v1 =	vld [tilespmem:s22+$0xFFFFFFE0];
	_ =	sdelay $0x4  }
0xc3: {  	v1 =	vmax.f32 v1, v2  }
0xc4: {  	v2 =	vld [tilespmem:s0+$0x138];
	[tilespmem:s0+$0x128] =	vst v1  }
0xc5: {  	v1 =	vld [tilespmem:s22+$0xFFFFFFF0];
	_ =	sdelay $0x4  }
0xc6: {  	v1 =	vmax.f32 v1, v2  }
0xc7: {  	v2 =	vld [tilespmem:s0+$0x148];
	[tilespmem:s0+$0x138] =	vst v1  }
0xc8: {  	v1 =	vld [tilespmem:s22+$0x0];
	_ =	sdelay $0x4  }
0xc9: {  	v1 =	vmax.f32 v1, v2  }
0xca: {  	v2 =	vld [tilespmem:s0+$0x158];
	[tilespmem:s0+$0x148] =	vst v1  }
0xcb: {  	v1 =	vld [tilespmem:s22+$0x10];
	_ =	sdelay $0x4  }
0xcc: {  	v1 =	vmax.f32 v1, v2  }
0xcd: {  	v2 =	vld [tilespmem:s0+$0x168];
	[tilespmem:s0+$0x158] =	vst v1  }
0xce: {  	v1 =	vld [tilespmem:s22+$0x20];
	_ =	sdelay $0x4  }
0xcf: {  	v1 =	vmax.f32 v1, v2  }
0xd0: {  	v2 =	vld [tilespmem:s0+$0x178];
	[tilespmem:s0+$0x168] =	vst v1  }
0xd1: {  	v1 =	vld [tilespmem:s22+$0x30];
	_ =	sdelay $0x4  }
0xd2: {  	v1 =	vmax.f32 v1, v2  }
0xd3: {  	[tilespmem:s0+$0x178] =	vst v1  }
.LBB2_17:
0xd4: {  	s23 =	sadd.s32 $0x1, s23  }
0xd5: {  	p1 =	seq.s32 s23, $0x0  }
.Ltmp11:
0xd6: {  	_ = 	snop;
	(pc) =	sbr.rel @p1 .LBB2_18-.Ltmp11, $2  }
0xd7: {  	_ =	sdelay $0x2  }
0xd8: {  	s20 =	sadd.s32 $0x1, s20;
	s22 =	sadd.s32 $0x80, s22;
	s25 =	smov.u32 s26  }
.LBB2_12:
0xd9: {  	v1 =	vld.msk [tilespmem:s20+$0x0], $0x1;
	_ =	sdelay $0x4  }
0xda: {  	(v2sf) =	vpush v1, $0x0;
	_ =	sdelay $0xe  }
0xdb: {  	s26 =	spop (v2sf)  }
0xdc: {  	p1 =	sne.s32 s25, s26  }
.Ltmp12:
0xdd: {  	_ = 	snop;
	(pc) =	sbr.rel @!p1 .LBB2_13-.Ltmp12, $2  }
0xde: {  	_ =	sdelay $0x2  }
0xdf: {  	s0 =	sshll.u32 s19, $0x9  }
0xe0: {  	p1 =	seq.s32 s25, s21  }
.Ltmp13:
0xe1: {  	_ = 	snop;
	(pc) =	sbr.rel @!p1 .LBB2_15-.Ltmp13, $1  }
0xe2: {  	_ =	sdelay $0x3  }
0xe3: {  	s0 =	sshra.s32 s0, $0x2  }
.Ltmp14:
0xe4: {  	s0 =	sadd.s32 $0x108, s0;
	(pc) =	sbr.rel .LBB2_16-.Ltmp14, $4  }
0xe5: {  	[spmem:s13] =	stream.linear.scatter [tilespmem:s0], [sflag:$0x1], $0x80, $0x38;
	[tilespmem:$0x1F6E8] =	vst v63  }
0xe6: {  	_ =	swait.ge [sflag:s11], $0x80  }
0xe7: {  	[sflag:s11] =	ssyncset.done $0x0  }
0xe8: {  	[sflag:s11] =	ssyncadd.s32 $0xFFFFFF80  }
.LBB2_15:
0xe9: {  	s2 =	sshll.u32 s24, $0x9;
	s0 =	sshra.s32 s0, $0x2  }
0xea: {  	s2 =	sshra.s32 s2, $0x2;
	v2 =	vld [tilespmem:s0+$0x108]  }
0xeb: {  	v1 =	vld [tilespmem:s2+$0x7988];
	_ =	sdelay $0x4  }
0xec: {  	v1 =	vmax.f32 v1, v2  }
0xed: {  	v2 =	vld [tilespmem:s0+$0x118];
	[tilespmem:s0+$0x108] =	vst v1  }
0xee: {  	v1 =	vld [tilespmem:s2+$0x7998];
	_ =	sdelay $0x4  }
0xef: {  	v1 =	vmax.f32 v1, v2  }
0xf0: {  	v2 =	vld [tilespmem:s0+$0x128];
	[tilespmem:s0+$0x118] =	vst v1  }
0xf1: {  	v1 =	vld [tilespmem:s2+$0x79A8];
	_ =	sdelay $0x4  }
0xf2: {  	v1 =	vmax.f32 v1, v2  }
0xf3: {  	v2 =	vld [tilespmem:s0+$0x138];
	[tilespmem:s0+$0x128] =	vst v1  }
0xf4: {  	v1 =	vld [tilespmem:s2+$0x79B8];
	_ =	sdelay $0x4  }
0xf5: {  	v1 =	vmax.f32 v1, v2  }
0xf6: {  	v2 =	vld [tilespmem:s0+$0x148];
	[tilespmem:s0+$0x138] =	vst v1  }
0xf7: {  	v1 =	vld [tilespmem:s2+$0x79C8];
	_ =	sdelay $0x4  }
0xf8: {  	v1 =	vmax.f32 v1, v2  }
0xf9: {  	v2 =	vld [tilespmem:s0+$0x158];
	[tilespmem:s0+$0x148] =	vst v1  }
0xfa: {  	v1 =	vld [tilespmem:s2+$0x79D8];
	_ =	sdelay $0x4  }
0xfb: {  	v1 =	vmax.f32 v1, v2  }
0xfc: {  	v2 =	vld [tilespmem:s0+$0x168];
	[tilespmem:s0+$0x158] =	vst v1  }
0xfd: {  	v1 =	vld [tilespmem:s2+$0x79E8];
	_ =	sdelay $0x4  }
0xfe: {  	v1 =	vmax.f32 v1, v2  }
0xff: {  	v2 =	vld [tilespmem:s0+$0x178];
	[tilespmem:s0+$0x168] =	vst v1  }
0x100: {  	v1 =	vld [tilespmem:s2+$0x79F8];
	_ =	sdelay $0x3  }
0x101: {  	p1 =	sgt.u32 s25, $0x270F0  }
0x102: {  	s2 =	sand.u32 @!p1 $0x3FFF8, s25;
	v1 =	vmax.f32 v1, v2  }
0x103: {  	s8 =	sadd.s32 $0x108, s0;
	[tilespmem:s0+$0x178] =	vst v1;
	s0 =	sadd.s32 @!p1 s1, s2;
	s2 =	sand.u32 @!p1 $0x7, s25  }
0x104: {  	[hbm4b:s0+s2] =	stream.linear.scatter @!p1 [tilespmem:s8], [sflag:$0xA], $0x80, $0x38;
	[tilespmem:$0x1F6E8] =	vst v63  }
0x105: {  	s0 =	simm.s32 $0x0  }
0x106: {  	s0 =	simm.s32 @!p1 $0x200  }
0x107: {  	s28 =	sadd.s32 s0, s28  }
.LBB2_16:
0x108: {  	s0 =	sadd.s32 $0x1, s19  }
0x109: {  	s2 =	smulhi.u32 $0x88888889, s0;
	_ =	sdelay $0x1  }
0x10a: {  	v1 =	vld [tilespmem:s22+$0xFFFFFFC0];
	s2 =	sshrl.u32 s2, $0x7  }
0x10b: {  	s2 =	smul.u32 $0xF0, s2;
	_ =	sdelay $0x1  }
0x10c: {  	s19 =	ssub.s32 s0, s2  }
0x10d: {  	s0 =	sshll.u32 s19, $0x7  }
0x10e: {  	[tilespmem:s0+$0x108] =	vst v1  }
0x10f: {  	v1 =	vld [tilespmem:s22+$0xFFFFFFD0];
	_ =	sdelay $0x4  }
0x110: {  	[tilespmem:s0+$0x118] =	vst v1  }
0x111: {  	v1 =	vld [tilespmem:s22+$0xFFFFFFE0];
	_ =	sdelay $0x4  }
0x112: {  	[tilespmem:s0+$0x128] =	vst v1  }
0x113: {  	v1 =	vld [tilespmem:s22+$0xFFFFFFF0];
	_ =	sdelay $0x4  }
0x114: {  	[tilespmem:s0+$0x138] =	vst v1  }
0x115: {  	v1 =	vld [tilespmem:s22+$0x0];
	_ =	sdelay $0x4  }
0x116: {  	[tilespmem:s0+$0x148] =	vst v1  }
0x117: {  	v1 =	vld [tilespmem:s22+$0x10];
	_ =	sdelay $0x4  }
0x118: {  	[tilespmem:s0+$0x158] =	vst v1  }
0x119: {  	v1 =	vld [tilespmem:s22+$0x20];
	_ =	sdelay $0x4  }
0x11a: {  	[tilespmem:s0+$0x168] =	vst v1  }
0x11b: {  	v1 =	vld [tilespmem:s22+$0x30]  }
.Ltmp15:
0x11c: {  	_ = 	snop;
	(pc) =	sbr.rel .LBB2_17-.Ltmp15, $2  }
0x11d: {  	_ =	sdelay $0x2  }
0x11e: {  	s24 =	sadd.s32 $0x1, s24;
	[tilespmem:s0+$0x178] =	vst v1  }
.LBB2_19:
.Ltmp16:
0x11f: {  	(pc) =	sbr.rel .LBB2_20-.Ltmp16, $4  }
0x120: {  	_ = 	snop  }
0x121: {  	s0 =	simm.s32 $0x2  }
0x122: {  	_ =	swait.ge [sflag:s0], $0x0  }
0x123: {  	s26 =	smov.u32 s25;
	[sflag:s0] =	ssyncset.done $0x0;
	s0 =	simm.s32 $0x0  }
.LBB2_22:
0x124: {  	_ =	sfence.sel $0x180000  }
0x125: {  	s0 =	simm.s32 $0x7;
	[bflag:$0x0] =	sbarrier.arrive $0xFFFF  }
0x126: {  	s25 =	simm.s32 $0x8;
	[sflag:s0] =	ssyncpa.u1 $0x1  }
0x127: {  	s26 =	simm.s32 $0x9;
	[sflag:s25] =	ssyncpa.u1 $0x1  }
0x128: {  	s28 =	simm.s32 $0x2;
	[sflag:s26] =	ssyncpa.u1 $0x1  }
0x129: {  	[sflag:s28] =	ssyncpa.u1 $0x1  }
0x12a: {  	v0 =	vld [tilespmem:$0xF208];
	_ =	sdelay $0x4  }
0x12b: {  	(v2sf) =	vpush v0, $0x0  }
0x12c: {  	(v2sf) =	vpush v0, $0x1;
	_ =	sdelay $0x1  }
0x12d: {  	(v2sf) =	vpush v0, $0x2;
	_ =	sdelay $0xb  }
0x12e: {  	s0 =	spop (v2sf)  }
0x12f: {  	s2 =	spop (v2sf)  }
0x130: {  	s3 =	smov.u32 s0;
	p0 =	sne.s32 s0, s2  }
0x131: {  	s4 =	spop (v2sf);
	s3 =	simm.s32 @!p0 $0xFFFFFFFF  }
0x132: {  	v2 =	vimm.s32 $0x1;
	v3 =	vlaneseq.u32;
	p0 =	seq.s32 s4, $0xFFFFFFFF;
	v1 =	vmov s3  }
0x133: {  	s7 =	stileid.u32;
	v0 =	vperm.xlane v0, v2;
	p1 =	sne.s32 @!p0 s0, s2;
	v1 =	vperm.xlane v1, v3  }
0x134: {  	vm0 =	vcmask $0x3F04;
	s6 =	simm.s32 $0xF208;
	s0 =	simm.s32 @!p0 $0x1;
	p1 =	por !p1, p0  }
0x135: {  	s3 =	sshll.u32 s7, $0x1;
	s2 =	sshll.u32 @!p0 s4, $0x9;
	s0 =	simm.s32 @p1 $0x0;
	v0 =	vsel vm0, v1, v0  }
0x136: {  	s5 =	sor.u32 $0x1000, s3;
	s2 =	sshra.s32 @!p0 s2, $0x2;
	s0 =	sor.u32 @!p0 s0, s3;
	[tilespmem:$0xF208] =	vst v0  }
0x137: {  	[spmem:s5] =	stream.linear.scatter [tilespmem:s6], [sflag:$0x1], $0x2, $0x38;
	[tilespmem:$0x1F6E8] =	vst v63  }
0x138: {  	s2 =	sadd.s32 @!p0 $0x108, s2;
	s0 =	sshll.u32 @!p0 s0, $0x7  }
0x139: {  	[spmem:s0] =	stream.linear.scatter @!p0 [tilespmem:s2], [sflag:$0x1], $0x80, $0x38;
	[tilespmem:$0x1F6E8] =	vst v63  }
0x13a: {  	s0 =	simm.s32 @!p0 $0x82  }
0x13b: {  	s3 =	simm.s32 $0x1;
	s0 =	simm.s32 @p0 $0x2  }
0x13c: {  	_ =	swait.ge [sflag:s3], s0  }
0x13d: {  	s0 =	ssub.s32 $0x0, s0;
	[sflag:s3] =	ssyncset.done $0x0  }
0x13e: {  	[sflag:s3] =	ssyncadd.s32 s0  }
0x13f: {  	_ =	sfence.stream.spmem  }
0x140: {  	s29 =	simm.s32 $0x3;
	[bflag:$0x0] =	sbarrier.arrive $0xFFFF  }
0x141: {  	s30 =	simm.s32 $0x4;
	[sflag:s29] =	ssyncpa.u1 $0x1  }
0x142: {  	s31 =	simm.s32 $0x3C;
	[sflag:s30] =	ssyncpa.u1 $0x1  }
0x143: {  	p0 =	sne.s32 s7, $0x0;
	[sflag:s31] =	ssyncpa.u1 $0x1  }
0x144: {  	_ =	sfence @p0  }
0x145: {  	[sflag:s3] =	ssyncpa.u1 @p0 $0x1  }
0x146: {  	_ =	strace @p0 $0x90000050  }
0x147: {  	[bflag:$0x2] =	sbarrier.arrive @p0 $0xFFFF  }
0x148: {  	_ =	shalt @p0  }
.LBB2_23:
0x149: {  	_ =	sfence.stream.spmem;
	s0 =	simm.s32 $0x5  }
0x14a: {  	s2 =	simm.s32 $0x1000;
	s3 =	simm.s32 $0xF218;
	[sflag:s0] =	ssyncpa.u1 $0x0  }
0x14b: {  	[tilespmem:s3], [sflag:$0x5] =	stream.linear.gather [spmem:s2], $0x20, $0x38;
	[tilespmem:$0x1F6E8] =	vst v63  }
0x14c: {  	s30 =	simm.s32 $0xF238;
	s2 =	simm.s32 $0x0  }
0x14d: {  	[tilespmem:s30], [sflag:$0x5] =	stream.linear.gather [spmem:s2], $0x1000, $0x38;
	[tilespmem:$0x1F6E8] =	vst v63  }
.Ltmp17:
0x14e: {  	_ = 	snop;
	(pc) =	sbr.rel .LBB2_24-.Ltmp17, $4  }
0x14f: {  	_ =	swait.ge [sflag:s0], $0x1020  }
0x150: {  	[sflag:s0] =	ssyncset.done $0x0  }
0x151: {  	s31 =	simm.s32 $0x6;
	[sflag:s0] =	ssyncadd.s32 $0xFFFFEFE0  }
0x152: {  	s3 =	simm.s32 $0x0;
	[sflag:s31] =	ssyncpa.u1 $0x0  }
.LBB2_30:
0x153: {  	p0 =	slt.u32 s4, $0x270F1  }
0x154: {  	s0 =	sand.u32 @p0 $0x3FFF8, s4  }
0x155: {  	s4 =	sand.u32 @p0 $0x7, s4;
	s5 =	simm.s32 @p0 $0xF188;
	s0 =	sadd.s32 @p0 s1, s0  }
0x156: {  	[tilespmem:s5], [sflag:$0x6] =	stream.linear.gather @p0 [hbm4b:s0+s4], $0x80, $0x38;
	[tilespmem:$0x1F6E8] =	vst v63  }
0x157: {  	s0 =	simm.s32 @p0 $0x6  }
0x158: {  	_ =	swait.ge @p0 [sflag:s0], $0x80  }
0x159: {  	[sflag:s0] =	ssyncset.done @p0 $0x0  }
0x15a: {  	[sflag:s0] =	ssyncadd.s32 @p0 $0xFFFFFF80;
	s0 =	sshll.u32 @p0 s3, $0x9  }
0x15b: {  	s4 =	sshrl.u32 @p0 s0, $0x2;
	v1 =	vld @p0 [tilespmem:$0xF188]  }
0x15c: {  	v2 =	vld @p0 [tilespmem:s4+$0xF238];
	_ =	sdelay $0x4  }
0x15d: {  	v1 =	vmax.f32 @p0 v1, v2  }
0x15e: {  	v2 =	vld @p0 [tilespmem:s4+$0xF248];
	[tilespmem:s4+$0xF238] =	vst @p0 v1  }
0x15f: {  	v1 =	vld @p0 [tilespmem:$0xF198];
	_ =	sdelay $0x4  }
0x160: {  	v1 =	vmax.f32 @p0 v1, v2  }
0x161: {  	v2 =	vld @p0 [tilespmem:s4+$0xF258];
	[tilespmem:s4+$0xF248] =	vst @p0 v1  }
0x162: {  	v1 =	vld @p0 [tilespmem:$0xF1A8];
	_ =	sdelay $0x4  }
0x163: {  	v1 =	vmax.f32 @p0 v1, v2  }
0x164: {  	v2 =	vld @p0 [tilespmem:s4+$0xF268];
	[tilespmem:s4+$0xF258] =	vst @p0 v1  }
0x165: {  	v1 =	vld @p0 [tilespmem:$0xF1B8];
	_ =	sdelay $0x4  }
0x166: {  	v1 =	vmax.f32 @p0 v1, v2  }
0x167: {  	v2 =	vld @p0 [tilespmem:s4+$0xF278];
	[tilespmem:s4+$0xF268] =	vst @p0 v1  }
0x168: {  	v1 =	vld @p0 [tilespmem:$0xF1C8];
	_ =	sdelay $0x4  }
0x169: {  	v1 =	vmax.f32 @p0 v1, v2  }
0x16a: {  	v2 =	vld @p0 [tilespmem:s4+$0xF288];
	[tilespmem:s4+$0xF278] =	vst @p0 v1  }
0x16b: {  	v1 =	vld @p0 [tilespmem:$0xF1D8];
	_ =	sdelay $0x4  }
0x16c: {  	v1 =	vmax.f32 @p0 v1, v2  }
0x16d: {  	v2 =	vld @p0 [tilespmem:s4+$0xF298];
	[tilespmem:s4+$0xF288] =	vst @p0 v1  }
0x16e: {  	v1 =	vld @p0 [tilespmem:$0xF1E8];
	_ =	sdelay $0x4  }
0x16f: {  	v1 =	vmax.f32 @p0 v1, v2  }
0x170: {  	v2 =	vld @p0 [tilespmem:s4+$0xF2A8];
	[tilespmem:s4+$0xF298] =	vst @p0 v1  }
0x171: {  	v1 =	vld @p0 [tilespmem:$0xF1F8];
	_ =	sdelay $0x4  }
0x172: {  	s5 =	sshll.u32 @!p0 s3, $0x9;
	v1 =	vmax.f32 @p0 v1, v2  }
0x173: {  	s5 =	smov.u32 @p0 s0;
	[tilespmem:s4+$0xF2A8] =	vst @p0 v1  }
0x174: {  	s0 =	sshrl.u32 s5, $0x2;
	[tilespmem:s2+$0xF218] =	vst.msk $0x1, v0  }
0x175: {  	v0 =	vld [tilespmem:s0+$0xF238];
	_ =	sdelay $0x2  }
0x176: {  	s31 =	sshll.u32 s2, $0x9  }
0x177: {  	s4 =	sshra.s32 s31, $0x2  }
0x178: {  	[tilespmem:s4+$0xF238] =	vst v0  }
0x179: {  	v0 =	vld [tilespmem:s0+$0xF248];
	_ =	sdelay $0x4  }
0x17a: {  	[tilespmem:s4+$0xF248] =	vst v0  }
0x17b: {  	v0 =	vld [tilespmem:s0+$0xF258];
	_ =	sdelay $0x4  }
0x17c: {  	[tilespmem:s4+$0xF258] =	vst v0  }
0x17d: {  	v0 =	vld [tilespmem:s0+$0xF268];
	_ =	sdelay $0x4  }
0x17e: {  	[tilespmem:s4+$0xF268] =	vst v0  }
0x17f: {  	v0 =	vld [tilespmem:s0+$0xF278];
	_ =	sdelay $0x4  }
0x180: {  	[tilespmem:s4+$0xF278] =	vst v0  }
0x181: {  	v0 =	vld [tilespmem:s0+$0xF288];
	_ =	sdelay $0x4  }
0x182: {  	[tilespmem:s4+$0xF288] =	vst v0  }
0x183: {  	v0 =	vld [tilespmem:s0+$0xF298];
	_ =	sdelay $0x4  }
0x184: {  	[tilespmem:s4+$0xF298] =	vst v0  }
0x185: {  	v0 =	vld [tilespmem:s0+$0xF2A8];
	_ =	sdelay $0x4  }
0x186: {  	s2 =	sadd.s32 $0x1, s2;
	[tilespmem:s4+$0xF2A8] =	vst v0  }
.LBB2_31:
0x187: {  	s3 =	sadd.s32 $0x1, s3  }
0x188: {  	p0 =	sne.s32 s3, $0x20  }
.Ltmp18:
0x189: {  	_ = 	snop;
	(pc) =	sbr.rel @!p0 .LBB2_32-.Ltmp18, $1  }
0x18a: {  	_ =	sdelay $0x3  }
.LBB2_24:
0x18b: {  	v0 =	vld.msk [tilespmem:s3+$0xF218], $0x1;
	_ =	sdelay $0x4  }
0x18c: {  	(v2sf) =	vpush v0, $0x0;
	_ =	sdelay $0xe  }
0x18d: {  	s4 =	spop (v2sf)  }
0x18e: {  	p0 =	seq.s32 s4, $0xFFFFFFFF  }
.Ltmp19:
0x18f: {  	_ = 	snop;
	(pc) =	sbr.rel @p0 .LBB2_31-.Ltmp19, $1  }
0x190: {  	_ =	sdelay $0x3  }
0x191: {  	p0 =	slt.s32 s2, $0x1  }
.Ltmp20:
0x192: {  	_ = 	snop;
	(pc) =	sbr.rel @p0 .LBB2_30-.Ltmp20, $1  }
0x193: {  	_ =	sdelay $0x3  }
0x194: {  	s5 =	simm.s32 $0xF218;
	p0 =	por $0x0, $0x0  }
0x195: {  	v1 =	vld.msk @!p0 [tilespmem:s5+$0x0], $0x1;
	_ =	sdelay $0x4  }
0x196: {  	(v2sf) =	vpush @!p0 v1, $0x0;
	_ =	sdelay $0xd  }
0x197: {  	p2 =	sne.s32 s2, $0x1  }
.Ltmp21:
0x198: {  	s0 =	spop @!p0 (v2sf);
	(pc) =	sbr.rel @!p2 .LBB2_28-.Ltmp21, $4  }
0x199: {  	p1 =	seq.s32 @!p0 s4, s0  }
0x19a: {  	s6 =	simm.s32 $0x0;
	p1 =	por !p1, p0  }
0x19b: {  	s0 =	simm.s32 $0xFFFFFFFF;
	s6 =	simm.s32 @p1 $0xFFFFFFFF  }
0x19c: {  	s7 =	simm.s32 $0x1;
	s6 =	smov.u32 @p0 s0  }
.LBB2_27:
0x19d: {  	s0 =	smov.u32 s6;
	p0 =	sne.s32 s6, $0xFFFFFFFF  }
0x19e: {  	s5 =	sadd.s32 $0x1, s5;
	s6 =	smov.u32 s7;
	s7 =	sadd.s32 $0x1, s7  }
0x19f: {  	p1 =	sne.s32 s2, s7;
	v1 =	vld.msk @!p0 [tilespmem:s5+$0x0], $0x1;
	_ =	sdelay $0x4  }
0x1a0: {  	(v2sf) =	vpush @!p0 v1, $0x0;
	_ =	sdelay $0xe  }
.Ltmp22:
0x1a1: {  	s8 =	spop @!p0 (v2sf);
	(pc) =	sbr.rel @p1 .LBB2_27-.Ltmp22, $4  }
0x1a2: {  	p2 =	seq.s32 @!p0 s4, s8  }
0x1a3: {  	p2 =	por !p2, p0  }
0x1a4: {  	s6 =	simm.s32 @p2 $0xFFFFFFFF  }
0x1a5: {  	s6 =	smov.u32 @p0 s0  }
.LBB2_28:
0x1a6: {  	p0 =	seq.s32 s6, $0xFFFFFFFF  }
.Ltmp23:
0x1a7: {  	_ = 	snop;
	(pc) =	sbr.rel @p0 .LBB2_30-.Ltmp23, $1  }
0x1a8: {  	_ =	sdelay $0x3  }
0x1a9: {  	s0 =	sshll.u32 s3, $0x7  }
0x1aa: {  	s4 =	sshll.u32 s6, $0x9;
	s0 =	sand.u32 $0x3FFFFF80, s0  }
0x1ab: {  	s4 =	sshra.s32 s4, $0x2;
	v0 =	vld [tilespmem:s0+$0xF238]  }
0x1ac: {  	v1 =	vld [tilespmem:s4+$0xF238];
	_ =	sdelay $0x4  }
0x1ad: {  	v0 =	vmax.f32 v0, v1  }
0x1ae: {  	v57 =	vld [tilespmem:s4+$0xF248];
	[tilespmem:s4+$0xF238] =	vst v0  }
0x1af: {  	v0 =	vld [tilespmem:s0+$0xF248];
	_ =	sdelay $0x4  }
0x1b0: {  	v0 =	vmax.f32 v0, v57  }
0x1b1: {  	v58 =	vld [tilespmem:s4+$0xF258];
	[tilespmem:s4+$0xF248] =	vst v0  }
0x1b2: {  	v0 =	vld [tilespmem:s0+$0xF258];
	_ =	sdelay $0x4  }
0x1b3: {  	v0 =	vmax.f32 v0, v58  }
0x1b4: {  	v59 =	vld [tilespmem:s4+$0xF268];
	[tilespmem:s4+$0xF258] =	vst v0  }
0x1b5: {  	v0 =	vld [tilespmem:s0+$0xF268];
	_ =	sdelay $0x4  }
0x1b6: {  	v0 =	vmax.f32 v0, v59  }
0x1b7: {  	v60 =	vld [tilespmem:s4+$0xF278];
	[tilespmem:s4+$0xF268] =	vst v0  }
0x1b8: {  	v0 =	vld [tilespmem:s0+$0xF278];
	_ =	sdelay $0x4  }
0x1b9: {  	v0 =	vmax.f32 v0, v60  }
0x1ba: {  	v61 =	vld [tilespmem:s4+$0xF288];
	[tilespmem:s4+$0xF278] =	vst v0  }
0x1bb: {  	v0 =	vld [tilespmem:s0+$0xF288];
	_ =	sdelay $0x4  }
0x1bc: {  	v0 =	vmax.f32 v0, v61  }
0x1bd: {  	v62 =	vld [tilespmem:s4+$0xF298];
	[tilespmem:s4+$0xF288] =	vst v0  }
0x1be: {  	v0 =	vld [tilespmem:s0+$0xF298];
	_ =	sdelay $0x4  }
0x1bf: {  	v0 =	vmax.f32 v0, v62  }
0x1c0: {  	v63 =	vld [tilespmem:s4+$0xF2A8];
	[tilespmem:s4+$0xF298] =	vst v0  }
0x1c1: {  	v0 =	vld [tilespmem:s0+$0xF2A8];
	_ =	sdelay $0x1  }
.Ltmp24:
0x1c2: {  	_ = 	snop;
	(pc) =	sbr.rel .LBB2_31-.Ltmp24, $3  }
0x1c3: {  	_ =	sdelay $0x1  }
0x1c4: {  	v0 =	vmax.f32 v0, v63  }
0x1c5: {  	[tilespmem:s4+$0xF2A8] =	vst v0  }
.LBB2_32:
0x1c6: {  	p0 =	slt.s32 s2, $0x1  }
.Ltmp25:
0x1c7: {  	_ = 	snop;
	(pc) =	sbr.rel @p0 .LBB2_36-.Ltmp25, $3  }
0x1c8: {  	_ =	sdelay $0x1  }
0x1c9: {  	s0 =	simm.s32 $0x6  }
0x1ca: {  	s3 =	simm.s32 $0x0;
	[sflag:s0] =	ssyncpa.u1 $0x1  }
0x1cb: {  	s0 =	simm.s32 $0xF218  }
0x1cc: {  	v0 =	vld.msk [tilespmem:s0+$0x0], $0x1;
	_ =	sdelay $0x4  }
0x1cd: {  	(v2sf) =	vpush v0, $0x0;
	_ =	sdelay $0xd  }
0x1ce: {  	s2 =	sadd.s32 $0xFFFFFFFF, s2  }
0x1cf: {  	p1 =	sne.s32 s2, $0x0;
	s0 =	spop (v2sf)  }
.Ltmp26:
0x1d0: {  	p0 =	sgt.u32 s0, $0x270F0;
	(pc) =	sbr.rel @!p1 .LBB2_35-.Ltmp26, $4  }
0x1d1: {  	s4 =	simm.s32 $0xF238;
	s5 =	sand.u32 @!p0 $0x3FFF8, s0  }
0x1d2: {  	s6 =	simm.s32 $0x0;
	s0 =	sand.u32 @!p0 $0x7, s0;
	s5 =	sadd.s32 @!p0 s1, s5  }
0x1d3: {  	[hbm4b:s5+s0] =	stream.linear.scatter @!p0 [tilespmem:s4], [sflag:$0x5], $0x80, $0x38;
	[tilespmem:$0x1F6E8] =	vst v63  }
0x1d4: {  	s6 =	simm.s32 @!p0 $0x200;
	s5 =	simm.s32 $0xF219  }
.LBB2_34:
0x1d5: {  	v0 =	vld.msk [tilespmem:s5+$0x0], $0x1;
	s2 =	sadd.s32 $0xFFFFFFFF, s2;
	s3 =	sadd.s32 s3, s6  }
0x1d6: {  	p0 =	sne.s32 s2, $0x0;
	_ =	sdelay $0x3  }
0x1d7: {  	(v2sf) =	vpush v0, $0x0;
	_ =	sdelay $0xe  }
.Ltmp27:
0x1d8: {  	s0 =	spop (v2sf);
	(pc) =	sbr.rel @p0 .LBB2_34-.Ltmp27, $4  }
0x1d9: {  	s6 =	simm.s32 $0x0;
	p1 =	sgt.u32 s0, $0x270F0  }
0x1da: {  	s4 =	sadd.s32 $0x80, s4;
	s6 =	simm.s32 @!p1 $0x200;
	s7 =	sand.u32 @!p1 $0x3FFF8, s0  }
0x1db: {  	s5 =	sadd.s32 $0x1, s5;
	s0 =	sand.u32 @!p1 $0x7, s0;
	s7 =	sadd.s32 @!p1 s1, s7  }
0x1dc: {  	[hbm4b:s7+s0] =	stream.linear.scatter @!p1 [tilespmem:s4], [sflag:$0x5], $0x80, $0x38;
	[tilespmem:$0x1F6E8] =	vst v63  }
.LBB2_35:
0x1dd: {  	s0 =	sadd.s32 s3, s6  }
0x1de: {  	s3 =	sshrl.u32 s0, $0x2  }
.LBB2_36:
0x1df: {  	s0 =	simm.s32 $0x5  }
0x1e0: {  	_ =	swait.ge [sflag:s0], s3  }
0x1e1: {  	s1 =	ssub.s32 $0x0, s3;
	[sflag:s0] =	ssyncset.done $0x0  }
0x1e2: {  	[sflag:s0] =	ssyncadd.s32 s1  }
0x1e3: {  	[sflag:s0] =	ssyncpa.u1 $0x1  }
0x1e4: {  	s30 =	simm.s32 $0x1;
	_ =	sfence  }
0x1e5: {  	[sflag:s30] =	ssyncpa.u1 $0x1  }
0x1e6: {  	_ =	strace $0x90000050  }
0x1e7: {  	[bflag:$0x2] =	sbarrier.arrive $0xFFFF  }
0x1e8: {  	s31 =	rddreg [dreg:$0x1]  }
0x1e9: {  	s0 =	sadd.s32 $0x100000, s31  }
0x1ea: {  	[sflag:s0] =	ssyncadd.tile.s32 $0x1;
	_ =	shalt  }
.Lfunc_end2:
_tile_overlayer_lowered:
.L_overlay_start_2:
0x1eb: {  	(tag) =	ssettag $0x2  }
0x1ec: {  	s0 =	rddreg [dreg:$0x0];
	s2 =	stileid.u32  }
0x1ed: {  	s1 =	rddreg [dreg:$0x1];
	p0 =	sne.s32 s2, $0x0  }
0x1ee: {  	s3 =	rddreg [dreg:$0x2];
	[bflag:$0x3] =	sbarrier.arrive $0xFFFF;
	s2 =	simm.s32 @!p0 $0x1C01  }
0x1ef: {  	[timem:s3], [sflag:s2] =	dma.local @!p0 [hbm:s0], s1  }
0x1f0: {  	s0 =	simm.s32 @!p0 $0x1  }
0x1f1: {  	_ =	swait.ge @!p0 [sflag:s0], s1  }
0x1f2: {  	s1 =	ssub.s32 @!p0 $0x0, s1;
	[sflag:s0] =	ssyncset.done @!p0 $0x0  }
0x1f3: {  	[sflag:s0] =	ssyncadd.s32 @!p0 s1  }
0x1f4: {  	[bflag:$0x3] =	sbarrier.arrive $0xFFFF  }
0x1f5: {  	_ =	shalt  }

// kernel: scatter_offload_async_start.3
scs
__scs_entry_jumppad:
0x0: {  	(pc) =	sbr.rel $0x88, $3  }
0x1: {  	(tag) =	ssettag $0x0;
	lr =	simm.s32 $0x1  }
0x2: {  	[smem:$0x3F92] =	sst lr;
	_ =	strace $0xD0000000  }
0x3: {  	_ = 	snop  }
0x4: {  	_ = 	snop  }
0x5: {  	_ = 	snop  }
0x6: {  	_ = 	snop  }
0x7: {  	_ = 	snop  }
__scs_overlays_trampoline_lowered:
0x8: {  	[smem:$0x3FA1] =	sst s0  }
0x9: {  	[smem:$0x3FA2] =	sst s1  }
0xa: {  	[smem:$0x3FA3] =	sst s2  }
0xb: {  	[smem:$0x3FA4] =	sst s3  }
0xc: {  	[smem:$0x3FA5] =	sst s4  }
0xd: {  	[smem:$0x3FA6] =	sst s5  }
0xe: {  	[smem:$0x3FA7] =	sst s6  }
0xf: {  	[smem:$0x3FA8] =	sst s7  }
0x10: {  	[smem:$0x3FA9] =	sst s8  }
0x11: {  	[smem:$0x3FAA] =	sst s9;
	s0 =	simm.s32 @!p0 $0x0  }
0x12: {  	s1 =	sld [smem:$0x3F90];
	s0 =	simm.s32 @p0 $0x1  }
0x13: {  	[smem:$0x3FAB] =	sst s0;
	s0 =	simm.s32 @!p1 $0x0  }
0x14: {  	s2 =	sld [smem:$0x3F8F];
	s0 =	simm.s32 @p1 $0x1  }
0x15: {  	[smem:$0x3FAC] =	sst s0;
	s0 =	simm.s32 @!p2 $0x0  }
0x16: {  	s3 =	sld [smem:$0x3FDB];
	s0 =	simm.s32 @p2 $0x1  }
0x17: {  	s4 =	simm.s32 $0x1BF5;
	[smem:$0x3FAE] =	sst s0  }
0x18: {  	s0 =	sld [smem:$0x3F91];
	_ =	swait.ge [sflag:s4], $0x0  }
0x19: {  	s7 =	sld [smem:$0x3F92]  }
0x1a: {  	s8 =	sadd.s32 $0xFFFFE003, lr  }
0x1b: {  	s9 =	sadd.s32 $0xFFFFFEF7, lr;
	s5 =	simm.s32 $0xFFFFFFFF;
	p2 =	slt.u32 s8, $0xFFFFF086  }
0x1c: {  	p1 =	slt.u32 s9, $0xF7A;
	s5 =	simm.s32 @!p2 $0x0  }
0x1d: {  	s5 =	simm.s32 @p1 $0x1;
	p0 =	seq.s32 s7, s2  }
0x1e: {  	s7 =	smul.u32 @!p0 $0xF7A, s2;
	p2 =	seq.s32 @!p0 s5, $0x0  }
0x1f: {  	s9 =	smul.u32 $0xF7A, s1;
	s8 =	simm.s32 @!p0 $0x1BF5;
	p2 =	por !p2, p0  }
0x20: {  	[sflag:s8] =	ssyncset.s32 @!p0 $0xFFFFF086;
	s6 =	sadd.s32 @!p0 s3, s7;
	s7 =	simm.s32 @!p0 $0x108  }
0x21: {  	s3 =	sadd.s32 s3, s9;
	s6 =	sadd.s32 @!p0 $0x88, s6;
	s7 =	simm.s32 @p2 $0x1082  }
0x22: {  	[simem:s7], [sflag:s8] =	dma.local @!p0 [hbm:s6], $0xF7A  }
0x23: {  	s9 =	sor.u32 $0xD0000000, s2;
	s6 =	simm.s32 $0x108;
	_ =	swait.ge @!p0 [sflag:s8], $0x0  }
0x24: {  	s3 =	sadd.s32 $0x88, s3;
	s6 =	simm.s32 @!p1 $0x1082;
	[sflag:s4] =	ssyncset.s32 $0xFFFFF086  }
0x25: {  	[simem:s6], [sflag:s4] =	dma.local [hbm:s3], $0xF7A  }
0x26: {  	[smem:$0x3F92] =	sst s1;
	(tag) =	ssettag s2;
	_ =	strace s9  }
0x27: {  	s1 =	sld [smem:$0x3FA2]  }
0x28: {  	s2 =	sld [smem:$0x3FA3]  }
0x29: {  	s4 =	sld [smem:$0x3FA5]  }
0x2a: {  	p0 =	seq.s32 s5, $0x0;
	s5 =	sld [smem:$0x3FA6]  }
0x2b: {  	s6 =	sld [smem:$0x3FA7]  }
0x2c: {  	s7 =	sld [smem:$0x3FA8]  }
0x2d: {  	s3 =	simm.s32 $0x108;
	s8 =	sld [smem:$0x3FA9]  }
0x2e: {  	s3 =	simm.s32 @!p0 $0x1082;
	s9 =	sld [smem:$0x3FAA]  }
0x2f: {  	lr =	sadd.s32 s0, s3;
	s0 =	sld [smem:$0x3FA1]  }
0x30: {  	s3 =	sld [smem:$0x3FA4]  }
0x31: {  	[smem:$0x3FAD] =	sst s10  }
0x32: {  	s10 =	sld [smem:$0x3FAB];
	_ =	sdelay $0x3  }
0x33: {  	p0 =	seq.s32 s10, $0x1;
	s10 =	sld [smem:$0x3FAD];
	_ =	sdelay $0x3  }
0x34: {  	[smem:$0x3FAD] =	sst s10  }
0x35: {  	s10 =	sld [smem:$0x3FAC];
	_ =	sdelay $0x3  }
0x36: {  	p1 =	seq.s32 s10, $0x1;
	s10 =	sld [smem:$0x3FAD];
	_ =	sdelay $0x3  }
0x37: {  	[smem:$0x3FAD] =	sst s10  }
0x38: {  	s10 =	sld [smem:$0x3FAE]  }
0x39: {  	_ = 	snop;
	(pc) =	sbr.ind lr, $3  }
0x3a: {  	_ = 	snop  }
0x3b: {  	_ = 	snop  }
0x3c: {  	p2 =	seq.s32 s10, $0x1;
	s10 =	sld [smem:$0x3FAD]  }
0x3d: {  	_ =	shalt  }
0x3e: {  	_ =	shalt  }
0x3f: {  	_ =	shalt  }
0x40: {  	_ =	shalt  }
0x41: {  	_ =	shalt  }
0x42: {  	_ =	shalt  }
0x43: {  	_ =	shalt  }
0x44: {  	_ =	shalt  }
0x45: {  	_ =	shalt  }
0x46: {  	_ =	shalt  }
0x47: {  	_ =	shalt  }
0x48: {  	_ =	shalt  }
0x49: {  	_ =	shalt  }
0x4a: {  	_ =	shalt  }
0x4b: {  	_ =	shalt  }
0x4c: {  	_ =	shalt  }
0x4d: {  	_ =	shalt  }
0x4e: {  	_ =	shalt  }
0x4f: {  	_ =	shalt  }
0x50: {  	_ =	shalt  }
0x51: {  	_ =	shalt  }
0x52: {  	_ =	shalt  }
0x53: {  	_ =	shalt  }
0x54: {  	_ =	shalt  }
0x55: {  	_ =	shalt  }
0x56: {  	_ =	shalt  }
0x57: {  	_ =	shalt  }
0x58: {  	_ =	shalt  }
0x59: {  	_ =	shalt  }
0x5a: {  	_ =	shalt  }
0x5b: {  	_ =	shalt  }
0x5c: {  	_ =	shalt  }
0x5d: {  	_ =	shalt  }
0x5e: {  	_ =	shalt  }
0x5f: {  	_ =	shalt  }
0x60: {  	_ =	shalt  }
0x61: {  	_ =	shalt  }
0x62: {  	_ =	shalt  }
0x63: {  	_ =	shalt  }
0x64: {  	_ =	shalt  }
0x65: {  	_ =	shalt  }
0x66: {  	_ =	shalt  }
0x67: {  	_ =	shalt  }
0x68: {  	_ =	shalt  }
0x69: {  	_ =	shalt  }
0x6a: {  	_ =	shalt  }
0x6b: {  	_ =	shalt  }
0x6c: {  	_ =	shalt  }
0x6d: {  	_ =	shalt  }
0x6e: {  	_ =	shalt  }
0x6f: {  	_ =	shalt  }
0x70: {  	_ =	shalt  }
0x71: {  	_ =	shalt  }
0x72: {  	_ =	shalt  }
0x73: {  	_ =	shalt  }
0x74: {  	_ =	shalt  }
0x75: {  	_ =	shalt  }
0x76: {  	_ =	shalt  }
0x77: {  	_ =	shalt  }
0x78: {  	_ =	shalt  }
0x79: {  	_ =	shalt  }
0x7a: {  	_ =	shalt  }
0x7b: {  	_ =	shalt  }
0x7c: {  	_ =	shalt  }
0x7d: {  	_ =	shalt  }
0x7e: {  	_ =	shalt  }
0x7f: {  	_ =	shalt  }
0x80: {  	_ =	shalt  }
0x81: {  	_ =	shalt  }
0x82: {  	_ =	shalt  }
0x83: {  	_ =	shalt  }
0x84: {  	_ =	shalt  }
0x85: {  	_ =	shalt  }
0x86: {  	_ =	shalt  }
0x87: {  	_ =	shalt  }
.Lfunc_end0:
.L_simem_size_0:
called_computation.3_lowered:
.L_overlay_start_0:
0x88: {  	s0 =	sld [smem:$0x3FD9]  }
0x89: {  	s1 =	sld [smem:$0x3FFE];
	_ =	sdelay $0x3  }
0x8a: {  	s0 =	sadd.s32 s1, s0  }
0x8b: {  	[smem:$0x3FB9] =	sst s0  }
0x8c: {  	_ = 	snop  }
0x8d: {  	s0 =	sld [smem:$0x3FD0];
	_ =	sdelay $0x2  }
0x8e: {  	s13 =	simm.s32 $0xB;
	s2 =	simm.s32 $0x10  }
0x8f: {  	[smem:s2], [sflag:s13] =	dma.local [hbm:s0], $0x1  }
0x90: {  	_ =	swait.eq [sflag:s13], $0x1  }
0x91: {  	[sflag:s13] =	ssyncset.done $0x0  }
0x92: {  	[sflag:s13] =	ssyncadd.s32 $0xFFFFFFFF  }
0x93: {  	s14 =	sld [smem:$0x11];
	(tm) =	ssettm $0x1  }
0x94: {  	s15 =	sld [smem:$0x3FFB];
	_ =	sdelay $0x3  }
0x95: {  	_ =	strace s15  }
0x96: {  	s1 =	sld [smem:$0x3FFC];
	_ =	sdelay $0x3  }
0x97: {  	_ =	strace s1  }
0x98: {  	s1 =	sld [smem:$0x3FFD];
	_ =	sdelay $0x3  }
0x99: {  	_ =	strace s1  }
0x9a: {  	_ =	strace $0x8FFFFFFF  }
0x9b: {  	s16 =	sld [smem:$0x3FDB];
	_ =	sdelay $0x1  }
0x9c: {  	s17 =	simm.s32 $_scs_section_size  }
0x9d: {  	s3 =	simm.s32 $_size__tile_overlayer_lowered;
	s4 =	simm.s32 $_tile_overlayer_lowered  }
0x9e: {  	s20 =	simm.s32 $0x1BFF;
	s19 =	sshll.u32 s4, $0x1;
	s1 =	sadd.s32 s17, s16  }
0x9f: {  	s5 =	simm.s32 $0x0;
	s18 =	sshll.u32 s3, $0x1;
	s3 =	sadd.s32 s19, s1  }
0xa0: {  	[timem:s5], [sflag:s20] =	dma.local [hbm:s3], s18  }
0xa1: {  	_ =	swait.ge [sflag:s20], s18  }
0xa2: {  	s2 =	ssub.s32 $0x0, s18;
	[sflag:s20] =	ssyncset.done $0x0  }
0xa3: {  	[sflag:s20] =	ssyncadd.s32 s2;
	_ =	sdelay $0x1  }
0xa4: {  	s21 =	simm.s32 $0x1B8B  }
0xa5: {  	_ =	swait.ge [sflag:s21], $0x1  }
0xa6: {  	[sflag:s21] =	ssyncset.done $0x0  }
0xa7: {  	s23 =	simm.s32 $0x1B8E;
	s22 =	sld [smem:$0x3FFE];
	[sflag:s21] =	ssyncadd.s32 $0xFFFFFFFF  }
0xa8: {  	s24 =	simm.s32 $execute0_lowered;
	[smem:$0x3FD2] =	sst s23  }
0xa9: {  	s3 =	sshll.u32 s24, $0x1;
	_ =	strace $0x80000052;
	[dreg:$0x1] =	wrdreg $0xFFFFFFFF  }
0xaa: {  	s25 =	simm.s32 $_size_execute0_lowered;
	s1 =	sadd.s32 s1, s3;
	[dreg:$0x0] =	wrdreg $0x0  }
0xab: {  	s3 =	sshll.u32 s25, $0x1;
	[dreg:$0x2] =	wrdreg s1  }
0xac: {  	[dreg:$0x3] =	wrdreg s3  }
0xad: {  	[dreg:$0x4] =	wrdreg $0xC0  }
0xae: {  	_ =	task [dreg:s5], $0x5FFFF  }
0xaf: {  	[dreg:$0x1] =	wrdreg $0xFFFFFFFF  }
0xb0: {  	[dreg:$0x0] =	wrdreg $0x60  }
0xb1: {  	[dreg:$0x2] =	wrdreg s14  }
0xb2: {  	[dreg:$0x3] =	wrdreg s22  }
0xb3: {  	[dreg:$0x4] =	wrdreg $0x9  }
0xb4: {  	_ =	task.clear_ibuf [dreg:s5], $0x5FFFF;
	_ =	strace $0x90000052  }
0xb5: {  	s26 =	simm.s32 $0x9;
	_ =	strace $0x80000054  }
0xb6: {  	_ =	swait.ge [sflag:s26], $0x1  }
0xb7: {  	[sflag:s26] =	ssyncadd.s32 $0xFFFFFFFF  }
0xb8: {  	_ =	strace $0x90000054  }
0xb9: {  	_ =	sfence  }
0xba: {  	s28 =	sld [smem:$0x0];
	_ =	sdelay $0x1  }
0xbb: {  	s29 =	srdreg.scid  }
0xbc: {  	s30 =	sshll.u32 s29, $0xD;
	s31 =	sshrl.u32 s29, $0x2  }
0xbd: {  	s2 =	sand.u32 $0x4000, s30;
	s1 =	sand.u32 $0x1, s29;
	s0 =	sadd.s32 s31, s28  }
0xbe: {  	s1 =	sor.u32 s2, s1;
	s0 =	sshll.u32 s0, $0x11  }
0xbf: {  	s0 =	sor.u32 s0, s1  }
0xc0: {  	s0 =	sadd.s32 $0x8F2B, s0  }
0xc1: {  	[sflag:s0] =	ssyncadd.remote.s32 $0x1  }
0xc2: {  	_ =	sfence.sel $0xFFFF  }
0xc3: {  	[dreg:$0x0] =	wrdreg $0xFFFFFFFF;
	(pc) =	sbr.abs _section_cstart, $3  }
0xc4: {  	[dreg:$0x1] =	wrdreg $0xFFFFFFFF  }
0xc5: {  	_ =	task.clear_ibuf [dreg:s5], $0x2FFFF;
	_ =	strace $0x9FFFFFFF  }
0xc6: {  	(tm) =	ssettm $0x7FFFFFFF  }
0xc7: {  	_ =	shalt  }
tec
execute0_lowered:
.L_overlay_start_1:
0x0: {  	(tag) =	ssettag $0x1  }
0x1: {  	s1 =	rddreg [dreg:$0x0]  }
0x2: {  	s0 =	rddreg [dreg:$0x1];
	_ =	strace $0x80000053;
	s2 =	simm.s32 $0x1  }
0x3: {  	s11 =	stileid.u32;
	v1 =	vimm.s32 $0xFFFFFFFF;
	[sflag:s2] =	ssyncpa.u1 $0x0  }
0x4: {  	s3 =	smin.u32 s11, $0x9;
	[tilespmem:$0x10] =	vst v1  }
0x5: {  	v0 =	vimm.f32 $-Inf;
	s3 =	sadd.s32 s11, s3;
	[tilespmem:$0x20] =	vst v1  }
0x6: {  	s4 =	simm.s32 $0x3520;
	p0 =	slt.u32 s11, $0x9;
	[tilespmem:$0x30] =	vst v0;
	s3 =	smul.u32 $0x1A90, s3  }
0x7: {  	s4 =	simm.s32 @!p0 $0x1A90;
	[tilespmem:$0x40] =	vst v0  }
0x8: {  	[tilespmem:$0x50] =	vst v0;
	s4 =	sadd.s32 s4, s3  }
0x9: {  	[tilespmem:$0x60] =	vst v1;
	s4 =	smin.u32 s4, $0x29810  }
0xa: {  	s7 =	simm.s32 $0x2;
	s8 =	simm.s32 $0x8;
	[tilespmem:$0x70] =	vst v1;
	s6 =	ssub.s32 s4, s3  }
0xb: {  	s29 =	simm.s32 $0x9;
	s16 =	simm.s32 $0x0;
	[tilespmem:$0x80] =	vst v1;
	p0 =	sgt.s32 s6, $0x0  }
0xc: {  	s17 =	simm.s32 $0xF0;
	s18 =	simm.s32 $0xFFFFFFFF;
	v1 =	vimm.s32 $0x0;
	[tilespmem:$0xB0] =	vst v0;
	s6 =	simm.s32 @!p0 $0x0  }
0xd: {  	s19 =	simm.s32 $0xFFFFCBE0;
	s20 =	simm.s32 $0xFFFFFFFE;
	[tilespmem:$0x90] =	vst v1;
	s5 =	smulhi.u32 $0x134679AD, s6  }
0xe: {  	s21 =	simm.s32 $0xF;
	[tilespmem:$0xA0] =	vst v1;
	[sflag:s7] =	ssyncpa.u1 $0x0;
	s7 =	simm.s32 $0x7  }
0xf: {  	s25 =	simm.s32 $0x0;
	[sflag:s7] =	ssyncpa.u1 $0x0;
	s9 =	sshrl.u32 s5, $0x9  }
0x10: {  	s24 =	simm.s32 $0x0;
	[sflag:s8] =	ssyncpa.u1 $0x0;
	s10 =	smul.u32 $0x1A90, s9  }
0x11: {  	s14 =	sshllo.u32 s11, $0x1;
	s23 =	smov.u32 s3;
	[sflag:s29] =	ssyncpa.u1 $0x0  }
.Ltmp0:
0x12: {  	s5 =	sadd.s32 $0xFC00, s0;
	p0 =	sne.s32 s6, s10;
	(pc) =	sbr.rel .LBB2_1-.Ltmp0, $4  }
0x13: {  	s0 =	sadd.s32 $0x2A000, s0;
	s10 =	sshll.u32 s11, $0x1;
	s2 =	simm.s32 @!p0 $0x0  }
0x14: {  	[dreg:$0x3] =	wrdreg s0;
	s31 =	sor.u32 $0x81, s10;
	s9 =	sadd.s32 s2, s9  }
0x15: {  	vm0 =	vmmov $0xffff;
	v2 =	vlaneseq.u32;
	vm1 =	vmxor vm1, vm1;
	s15 =	sor.u32 $0x80, s10;
	[dreg:$0x5] =	wrdreg s31;
	s30 =	sadd.s32 $0x1, s9  }
0x16: {  	vm2 =	vmmov $0x1;
	v3 =	vimm.f32 $0.0e+00;
	vm3 =	vcmask $0x3F3C;
	p0 =	por $0x0, $0x0;
	s12 =	sadd.s32 $0x2, s9;
	[dreg:$0x4] =	wrdreg s30  }
.LBB2_9:
0x17: {  	p1 =	slt.u32 s24, $0x3  }
0x18: {  	s0 =	simm.s32 @!p1 $0x2  }
0x19: {  	_ =	swait.ge @!p1 [sflag:s0], $0x1A90  }
0x1a: {  	[sflag:s0] =	ssyncset.done @!p1 $0x0  }
0x1b: {  	[sflag:s0] =	ssyncadd.s32 @!p1 $0xFFFFE570;
	s0 =	simm.s32 @!p1 $0x9  }
0x1c: {  	_ =	swait.ge @!p1 [sflag:s0], $0x10  }
0x1d: {  	[sflag:s0] =	ssyncset.done @!p1 $0x0  }
0x1e: {  	[sflag:s0] =	ssyncadd.s32 @!p1 $0xFFFFFFF0;
	p1 =	sne.s32 s24, s12  }
.Ltmp1:
0x1f: {  	s2 =	sadd.s32 $0x1A90, s23;
	(pc) =	sbr.rel @!p1 .LBB2_10-.Ltmp1, $4  }
0x20: {  	s6 =	smov.u32 s3;
	s31 =	sadd.s32 $0x1, s24;
	s17 =	sadd.s32 $0x1A90, s17  }
0x21: {  	s18 =	sadd.s32 $0x1, s18;
	s25 =	smov.u32 s23;
	p2 =	slt.s32 s2, s4  }
0x22: {  	p0 =	por !p0, !p0;
	s19 =	sadd.s32 $0x1A90, s19;
	s6 =	smov.u32 @p2 s2  }
0x23: {  	s20 =	sadd.s32 $0x1, s20;
	s23 =	smov.u32 s6;
	s24 =	smov.u32 s31  }
.LBB2_1:
0x24: {  	p1 =	sge.u32 s24, s9  }
0x25: {  	s0 =	smulhi.u32 @!p1 $0xAAAAAAAB, s24;
	_ =	sdelay $0x1  }
0x26: {  	s0 =	sshrl.u32 @!p1 s0, $0x1  }
0x27: {  	s0 =	smul.u32 @!p1 $0x3, s0;
	_ =	sdelay $0x1  }
0x28: {  	s0 =	ssub.s32 @!p1 s24, s0  }
0x29: {  	s0 =	smul.u32 @!p1 $0x6A40, s0;
	_ =	sdelay $0x1  }
0x2a: {  	s2 =	sshrl.u32 @!p1 s23, $0x3;
	s0 =	sshrl.u32 @!p1 s0, $0x2  }
0x2b: {  	s6 =	sand.u32 @!p1 $0x7, s23;
	s2 =	sadd.s32 @!p1 s5, s2;
	s0 =	sadd.s32 @!p1 $0x100, s0  }
0x2c: {  	[tilespmem:s0], [sflag:$0x7] =	stream.linear.gather @!p1 [hbm4b:s2+s6], $0x1A90, $0x38;
	[tilespmem:$0xF030] =	vst v63  }
0x2d: {  	s0 =	sadd.s32 $0xFFFFFFFF, s24  }
0x2e: {  	p1 =	sge.u32 s0, s9  }
.Ltmp2:
0x2f: {  	_ = 	snop;
	(pc) =	sbr.rel @p1 .LBB2_5-.Ltmp2, $1  }
0x30: {  	_ =	sdelay $0x3  }
0x31: {  	s2 =	smulhi.u32 $0xAAAAAAAB, s0;
	_ =	sdelay $0x1  }
0x32: {  	s2 =	sshrl.u32 s2, $0x1  }
0x33: {  	s2 =	smul.u32 $0x3, s2;
	_ =	sdelay $0x1  }
0x34: {  	s2 =	ssub.s32 s0, s2  }
0x35: {  	s2 =	smul.u32 $0x6A40, s2  }
0x36: {  	_ =	swait.ge [sflag:s7], $0x1A90  }
0x37: {  	[sflag:s7] =	ssyncset.done $0x0;
	s2 =	sshrl.u32 s2, $0x2  }
0x38: {  	[sflag:s7] =	ssyncadd.s32 $0xFFFFE570;
	(ifvalue) =	ssetifvalue $0xFFFFFFFF;
	v4 =	vld.msk [tilespmem:s2+$0x100 ss:$0x1], $0xffff;
	_ =	sdelay $0x2  }
0x39: {  	s29 =	smulhi.u32 $0xAAAAAAAB, s18;
	p1 =	sne.s32 s24, $0x1  }
0x3a: {  	v5 =	vimm.s32 @!p1 $0x0  }
0x3b: {  	s2 =	sshrl.u32 s29, $0x1;
	v5 =	vperm.xlane @!p1 v4, v5  }
0x3c: {  	s6 =	sshll.u32 s24, $0x4;
	s2 =	smul.u32 $0xFFFEC140, s2;
	vm4 =	vlt.u32 v4, $0x2800  }
0x3d: {  	s6 =	sand.u32 $0x10, s6;
	v4 =	vnsel vm4, $0xFFFFFFFE, v4;
	vm4 =	vlt.u32 @!p1 v5, $0x2800  }
0x3e: {  	s2 =	sshra.s32 s2, $0x2;
	[tilespmem:s6+$0x60] =	vst v4;
	v4 =	vnsel @!p1 vm4, $0xFFFFFFFE, v5  }
0x3f: {  	s30 =	sadd.s32 s2, s17;
	[tilespmem:$0x80] =	vst @!p1 v4  }
0x40: {  	v4 =	vld.msk [tilespmem:s30+$0x0 ss:$0x1], $0xffff;
	_ =	sdelay $0x4  }
0x41: {  	(xrf1) =	vunique.msk.u32 $0xffff, v4;
	_ =	sdelay $0xd  }
0x42: {  	v5 =	vimm.s32 $0xFFFFFFFF;
	v6, _, _ =	vpop (xrf1)  }
0x43: {  	vm5 =	vne.s32 v4, v5;
	vm4 =	veq.s32 v6, v2  }
0x44: {  	vm6 =	vlt.u32 v4, $0x2800;
	vm4 =	vmand vm5, vm4  }
0x45: {  	vm4 =	vmand vm6, vm4  }
0x46: {  	v5 =	vnsel vm4, $0xFFFFFFFF, v4  }
0x47: {  	s31 =	sand.u32 $0x1, s0  }
0x48: {  	s26 =	simm.s32 $0x1A90;
	p1 =	seq.s32 s31, $0x1  }
0x49: {  	s26 =	simm.s32 @!p1 $0x0  }
0x4a: {  	s28 =	sadd.s32 $0x6B30, s26;
	(ifvalue) =	ssetifvalue $0xFFFFFFFF  }
0x4b: {  	v4 =	vperm.xlane v4, v1;
	[tilespmem:s28], [sflag:$0x8] =	stream.indirect_vreg.gather [hbm4b:s1+s16], $0x1, v5, vm0, $0x4038;
	v5 =	vnsel vm6, $0xFFFFFFFE, v5;
	[tilespmem:$0xF030] =	vst v63  }
0x4c: {  	s0 =	simm.s32 $0x0;
	s2 =	sadd.s32 $0xFFFFFFF0, s30;
	[tilespmem:s30+$0x0] =	vst v5  }
.LBB2_3:
0x4d: {  	v5 =	vld.msk [tilespmem:s2+$0x0 ss:$0x1], $0xffff;
	s0 =	sadd.s32 $0x10, s0;
	v6 =	vmov v4;
	s6 =	smov.u32 s2  }
0x4e: {  	p1 =	slt.u32 s0, $0x1A80;
	_ =	sdelay $0x4  }
0x4f: {  	v4 =	vperm.xlane v5, v1;
	(xrf1) =	vunique.msk.u32 $0xffff, v5;
	_ =	sdelay $0xd  }
0x50: {  	v7, _, _ =	vpop (xrf1)  }
0x51: {  	vm5 =	vne.s32 v5, v6;
	vm4 =	veq.s32 v7, v2  }
0x52: {  	vm6 =	vlt.u32 v5, $0x2800;
	vm4 =	vmand vm5, vm4  }
0x53: {  	vm4 =	vmand vm6, vm4  }
0x54: {  	v5 =	vnsel vm4, $0xFFFFFFFF, v5  }
.Ltmp3:
0x55: {  	v6 =	vnsel vm6, $0xFFFFFFFE, v5;
	(pc) =	sbr.rel @p1 .LBB2_3-.Ltmp3, $3  }
0x56: {  	_ =	sdelay $0x1  }
0x57: {  	s2 =	sadd.s32 $0xFFFFFFF0, s2;
	s28 =	sadd.s32 $0xFFFFFFF0, s28;
	(ifvalue) =	ssetifvalue $0xFFFFFFFF  }
0x58: {  	[tilespmem:s28], [sflag:$0x8] =	stream.indirect_vreg.gather [hbm4b:s1+s16], $0x1, v5, vm0, $0x4038;
	[tilespmem:s6+$0x0] =	vst v6  }
0x59: {  	s0 =	sshrl.u32 s25, $0x3;
	s2 =	rddreg [dreg:$0x3]  }
0x5a: {  	s31 =	sadd.s32 $0x85D0, s26;
	s0 =	sadd.s32 s2, s0  }
0x5b: {  	[tilespmem:s31], [sflag:$0x8] =	stream.linear.gather [hbm:s0], $0x1A90, $0x38;
	[tilespmem:$0xF030] =	vst v63  }
.LBB2_5:
0x5c: {  	p1 =	slt.u32 s24, $0x2  }
0x5d: {  	p2 =	sge.u32 @!p1 s24, s12  }
0x5e: {  	p1 =	por p1, p2  }
.Ltmp4:
0x5f: {  	_ = 	snop;
	(pc) =	sbr.rel @p1 .LBB2_9-.Ltmp4, $1  }
0x60: {  	_ =	sdelay $0x3  }
0x61: {  	s0 =	sadd.s32 $0xFFFFFFFE, s24  }
0x62: {  	s2 =	smulhi.u32 $0xAAAAAAAB, s0;
	_ =	sdelay $0x1  }
0x63: {  	s2 =	sshrl.u32 s2, $0x1  }
0x64: {  	s2 =	smul.u32 $0x3, s2;
	_ =	sdelay $0x1  }
0x65: {  	_ =	swait.ge [sflag:s8], $0x3520;
	s0 =	ssub.s32 s0, s2  }
0x66: {  	s6 =	rddreg [dreg:$0x4];
	s0 =	smul.u32 $0x1A90, s0  }
0x67: {  	[sflag:s8] =	ssyncset.done $0x0;
	p1 =	sne.s32 s24, s6  }
0x68: {  	[sflag:s8] =	ssyncadd.s32 $0xFFFFCAE0;
	s6 =	rddreg [dreg:$0x5];
	s2 =	sadd.s32 @!p1 $0x1B8F, s0  }
0x69: {  	[spmem:s6] =	stream.linear.scatter @!p1 [tilespmem:s2], [sflag:$0x1], $0x1, $0x38;
	[tilespmem:$0xF030] =	vst v63  }
0x6a: {  	s2 =	simm.s32 @!p1 $0x1  }
0x6b: {  	_ =	swait.ge @!p1 [sflag:s2], $0x1  }
0x6c: {  	s11 =	sshll.u32 s24, $0x4;
	[sflag:s2] =	ssyncset.done @!p1 $0x0  }
0x6d: {  	s25 =	sand.u32 $0x10, s11;
	[sflag:s2] =	ssyncadd.s32 @!p1 $0xFFFFFFFF  }
0x6e: {  	s2 =	sxor.u32 $0x10, s25;
	v5 =	vld [tilespmem:s25+$0x10]  }
0x6f: {  	v6 =	vld [tilespmem:s2+$0x60]  }
0x70: {  	v4 =	vld [tilespmem:$0x80];
	_ =	sdelay $0x2  }
0x71: {  	(v2sf) =	vpush v5, $0x0  }
0x72: {  	(v2sf) =	vpush v6, $0x0  }
0x73: {  	(v2sf) =	vpush v4, $0x0;
	_ =	sdelay $0xc  }
0x74: {  	s13 =	spop (v2sf)  }
0x75: {  	s22 =	spop (v2sf)  }
0x76: {  	s26 =	spop (v2sf)  }
0x77: {  	p2 =	seq.s32 s13, s22;
	p3 =	seq.s32 s26, s13  }
0x78: {  	p3 =	por p2, p3  }
0x79: {  	s22 =	sand.u32 $0x1, s24;
	v5 =	vpsel p3, $0xFFFFFFFF, v5  }
0x7a: {  	s28 =	smul.u32 $0x1A90, s22;
	[tilespmem:s25+$0x10] =	vst.msk $0x1, v5  }
0x7b: {  	v5 =	vld [tilespmem:$0x30]  }
0x7c: {  	v6 =	vld [tilespmem:s28+$0x85D0]  }
0x7d: {  	v7 =	vld [tilespmem:s25+$0x40];
	_ =	sdelay $0x2  }
0x7e: {  	vm4 =	vmmov vm1  }
0x7f: {  	vm5 =	vmmov vm2;
	vm4 =	vmmov @p2 vm2;
	v6 =	vmax.f32 v5, v6  }
0x80: {  	s6 =	sshll.u32 s22, $0x4;
	vm5 =	vmmov @p3 vm1;
	v5 =	vmax.f32 v5, v7;
	[tilespmem:s28+$0x85D0] =	vst.msk vm4, v6  }
0x81: {  	[tilespmem:s6+$0xF010] =	vst.msk vm5, v5  }
0x82: {  	v5 =	vld [tilespmem:s28+$0x6B30];
	_ =	sdelay $0x4  }
0x83: {  	v5 =	vshift.insert v5, v3, s21  }
0x84: {  	s11 =	sor.u32 $0x40, s2  }
0x85: {  	v6 =	vimm.f32 $-Inf;
	[tilespmem:s11+$0x0] =	vst.msk $0x1, v5  }
0x86: {  	[tilespmem:s28+$0x6B3F] =	vst.msk $0x1, v6  }
0x87: {  	v5 =	vld [tilespmem:s0+$0x1B80]  }
0x88: {  	s13 =	smulhi.u32 $0xAAAAAAAB, s20;
	_ =	sdelay $0x1  }
0x89: {  	s22 =	simm.s32 $0x1;
	s0 =	sshrl.u32 s13, $0x1  }
0x8a: {  	s22 =	simm.s32 @!p0 $0x0;
	s0 =	smul.u32 $0xFFFEC140, s0  }
0x8b: {  	s22 =	smul.u32 $0x6A40, s22;
	v5 =	vshift.insert v5, v1, s21  }
0x8c: {  	s0 =	sshra.s32 s0, $0x2  }
0x8d: {  	s22 =	sshrl.u32 s22, $0x2;
	s11 =	sadd.s32 s0, s19;
	[tilespmem:s2+$0x10] =	vst.msk $0x1, v5  }
0x8e: {  	s2 =	sadd.s32 $0x85D0, s22;
	v7 =	vld [tilespmem:s11+$0x0]  }
0x8f: {  	v8 =	vld [tilespmem:s2+$0x0];
	_ =	sdelay $0x4  }
0x90: {  	vm4 =	vne.s32 v7, $0xFFFFFFFF;
	v6 =	vmax.f32 v8, v6  }
0x91: {  	(xrf0) =	vmax.seg.scan.f32 vm4, v6  }
0x92: {  	s13 =	sadd.s32 $0x50B0, s22;
	v8 =	vld [tilespmem:$0xA0]  }
0x93: {  	v9 =	vld [tilespmem:s13+$0x0];
	_ =	sdelay $0x1  }
0x94: {  	v6 =	vperm.xlane v5, v1;
	_ =	sdelay $0x1  }
0x95: {  	vm6 =	veq.s32 v7, v4;
	vm7 =	veq.s32 v7, v6;
	vm5 =	veq.s32 v8, $0x1;
	v8, _, _ =	vpop (xrf0)  }
0x96: {  	vm8 =	vgt.u32 v7, $0xFFFFFFFD;
	vm7 =	vmor vm7, vm6;
	v9 =	vmax.f32 v8, v9  }
0x97: {  	s30 =	sadd.s32 $0xBAF0, s22;
	v10 =	vld [tilespmem:$0x90];
	vm7 =	vmor vm7, vm8;
	v9 =	vsel vm6, v8, v9  }
0x98: {  	[tilespmem:s30+$0x0] =	vst v9;
	v9 =	vsel vm7, $0xFFFFFFFF, v7;
	_ =	sdelay $0x1  }
0x99: {  	s31 =	simm.s32 $0x0;
	vm9 =	vmand vm4, vm3  }
0x9a: {  	s29 =	sadd.s32 $0xF010, s6;
	s6 =	sadd.s32 $0x10, s13;
	s22 =	sadd.s32 $0x10, s30;
	v11 =	vsel vm9, $0xFF800000, v8  }
0x9b: {  	s0 =	sadd.s32 $0x10, s2;
	s2 =	sadd.s32 $0x10, s11;
	vm4 =	vmor vm5, vm6;
	v7 =	vsel vm6, v8, v10;
	v8 =	vshift.insert v11, v0, s21;
	(ifvalue) =	ssetifvalue $0xFFFFFFFF  }
.LBB2_7:
0x9c: {  	[hbm4b:s1+s16] =	stream.indirect_vreg.scatter [tilespmem:s30], [sflag:$0x2], $0x1, v9, vm0, $0x4038;
	[tilespmem:$0xF030] =	vst v63  }
0x9d: {  	s31 =	sadd.s32 $0x10, s31;
	s30 =	smov.u32 s22;
	v9 =	vld [tilespmem:s2+$0x0]  }
0x9e: {  	p2 =	slt.u32 s31, $0x1A80;
	v10 =	vld [tilespmem:s0+$0x0];
	_ =	sdelay $0x4  }
0x9f: {  	vm5 =	vne.s32 v9, $0xFFFFFFFF;
	v8 =	vmax.f32 v10, v8  }
0xa0: {  	(xrf0) =	vmax.seg.scan.f32 vm5, v8;
	_ =	sdelay $0x1  }
0xa1: {  	v8 =	vld [tilespmem:s6+$0x0]  }
0xa2: {  	vm6 =	veq.s32 v9, v4;
	vm7 =	veq.s32 v9, v6  }
0xa3: {  	vm8 =	vgt.u32 v9, $0xFFFFFFFD;
	vm4 =	vmor vm4, vm6;
	vm7 =	vmor vm7, vm6  }
0xa4: {  	vm7 =	vmor vm7, vm8  }
.Ltmp5:
0xa5: {  	vm5 =	vmand vm5, vm3;
	v9 =	vsel vm7, $0xFFFFFFFF, v9;
	v10, _, _ =	vpop (xrf0);
	(pc) =	sbr.rel @p2 .LBB2_7-.Ltmp5, $4  }
0xa6: {  	v7 =	vsel vm6, v10, v7;
	v8 =	vmax.f32 v10, v8;
	v11 =	vsel vm5, $0xFF800000, v10  }
0xa7: {  	v10 =	vsel vm6, v10, v8;
	v8 =	vshift.insert v11, v0, s21  }
0xa8: {  	s2 =	sadd.s32 $0x10, s2;
	s0 =	sadd.s32 $0x10, s0;
	[tilespmem:s22+$0x0] =	vst v10  }
0xa9: {  	s6 =	sadd.s32 $0x10, s6;
	s22 =	sadd.s32 $0x10, s22;
	(ifvalue) =	ssetifvalue $0xFFFFFFFF  }
0xaa: {  	_ =	sdelay $0x3  }
0xab: {  	[hbm4b:s1+s16] =	stream.indirect_vreg.scatter [tilespmem:s30], [sflag:$0x2], $0x1, v9, vm0, $0x4038;
	[tilespmem:$0xF030] =	vst v63  }
0xac: {  	v4 =	vld [tilespmem:s28+$0xD570];
	_ =	sdelay $0x4  }
0xad: {  	v4 =	vshift.insert v4, v3, s21  }
0xae: {  	s0 =	simm.s32 $0x30  }
0xaf: {  	[tilespmem:s0+$0x0] =	vst.msk $0x1, v4  }
0xb0: {  	v4 =	vsel vm4, $0x1, v1;
	[tilespmem:$0x90] =	vst v7  }
0xb1: {  	s0 =	sadd.s32 @!p1 $0xD57F, s28;
	[tilespmem:$0xA0] =	vst v4  }
0xb2: {  	[spmem:s14] =	stream.linear.scatter @!p1 [tilespmem:s0], [sflag:$0x1], $0x1, $0x38;
	[tilespmem:$0xF030] =	vst v63  }
0xb3: {  	s0 =	simm.s32 @!p1 $0x1  }
0xb4: {  	v4 =	vmctz.xlane @!p1 vm4;
	_ =	swait.ge @!p1 [sflag:s0], $0x1  }
0xb5: {  	(v2sf) =	vpush @!p1 v5, $0x0  }
0xb6: {  	(v2sf) =	vpush @!p1 v4, $0x0;
	_ =	sdelay $0xd  }
0xb7: {  	s2 =	spop @!p1 (v2sf)  }
0xb8: {  	s6 =	spop @!p1 (v2sf)  }
0xb9: {  	p2 =	sne.s32 @!p1 s26, s2;
	p3 =	slt.s32 @!p1 s6, $0xF  }
0xba: {  	[sflag:s0] =	ssyncset.done @!p1 $0x0;
	p2 =	por p2, p1;
	p3 =	por !p3, p1  }
0xbb: {  	[sflag:s0] =	ssyncadd.s32 @!p1 $0xFFFFFFFF;
	v4 =	vimm.s32 @!p2 $0xFFFFFFFF;
	s6 =	simm.s32 @p3 $0xF  }
0xbc: {  	[tilespmem:$0x80] =	vst @!p2 v4;
	s2 =	sadd.s32 @!p1 $0x90, s6  }
0xbd: {  	[spmem:s10] =	stream.linear.scatter @!p1 [tilespmem:s2], [sflag:$0x1], $0x1, $0x38;
	[tilespmem:$0xF030] =	vst v63  }
0xbe: {  	_ =	swait.ge @!p1 [sflag:s0], $0x1  }
0xbf: {  	[sflag:s0] =	ssyncset.done @!p1 $0x0  }
0xc0: {  	s2 =	simm.s32 @!p1 $0x80;
	[sflag:s0] =	ssyncadd.s32 @!p1 $0xFFFFFFFF  }
0xc1: {  	[spmem:s15] =	stream.linear.scatter @!p1 [tilespmem:s2], [sflag:$0x1], $0x1, $0x38;
	[tilespmem:$0xF030] =	vst v63  }
0xc2: {  	_ =	swait.ge @!p1 [sflag:s0], $0x1  }
0xc3: {  	[sflag:s0] =	ssyncset.done @!p1 $0x0  }
0xc4: {  	[sflag:s0] =	ssyncadd.s32 @!p1 $0xFFFFFFFF;
	(ifvalue) =	ssetifvalue $0xFFFFFFFF;
	v4 =	vld [tilespmem:s25+$0x10];
	_ =	sdelay $0x3  }
.Ltmp6:
0xc5: {  	_ = 	snop;
	(pc) =	sbr.rel .LBB2_9-.Ltmp6, $3  }
0xc6: {  	_ =	sdelay $0x1  }
0xc7: {  	(ifvalue) =	ssetifvalue $0xFFFFFFFF  }
0xc8: {  	[hbm4b:s1+s16] =	stream.indirect_vreg.scatter [tilespmem:s29], [sflag:$0x9], $0x1, v4, vm0, $0x4038;
	[tilespmem:$0xF030] =	vst v63  }
.LBB2_10:
0xc9: {  	_ =	sfence.sel $0x180000  }
0xca: {  	s0 =	simm.s32 $0x7;
	[bflag:$0x0] =	sbarrier.arrive $0xFFFF  }
0xcb: {  	s26 =	simm.s32 $0x8;
	[sflag:s0] =	ssyncpa.u1 $0x1  }
0xcc: {  	s28 =	simm.s32 $0x9;
	[sflag:s26] =	ssyncpa.u1 $0x1  }
0xcd: {  	[sflag:s28] =	ssyncpa.u1 $0x1  }
0xce: {  	_ =	sfence.stream.spmem  }
0xcf: {  	s29 =	simm.s32 $0x3;
	[bflag:$0x0] =	sbarrier.arrive $0xFFFF  }
0xd0: {  	s30 =	simm.s32 $0x4;
	[sflag:s29] =	ssyncpa.u1 $0x1  }
0xd1: {  	s31 =	simm.s32 $0x3C;
	s2 =	stileid.u32;
	[sflag:s30] =	ssyncpa.u1 $0x1  }
0xd2: {  	p0 =	sne.s32 s2, $0x0;
	[sflag:s31] =	ssyncpa.u1 $0x1  }
0xd3: {  	s0 =	simm.s32 @p0 $0x1;
	_ =	sfence @p0  }
0xd4: {  	[sflag:s0] =	ssyncpa.u1 @p0 $0x1;
	s0 =	simm.s32 @p0 $0x2  }
0xd5: {  	[sflag:s0] =	ssyncpa.u1 @p0 $0x1  }
0xd6: {  	_ =	strace @p0 $0x90000053  }
0xd7: {  	[bflag:$0x2] =	sbarrier.arrive @p0 $0xFFFF  }
0xd8: {  	_ =	shalt @p0  }
.LBB2_11:
0xd9: {  	_ =	sfence.stream.spmem;
	s0 =	simm.s32 $0x5  }
0xda: {  	s2 =	simm.s32 $0x80;
	s3 =	simm.s32 $0xC0;
	[sflag:s0] =	ssyncpa.u1 $0x0  }
0xdb: {  	[tilespmem:s3], [sflag:$0x5] =	stream.linear.gather [spmem:s2], $0x20, $0x38;
	[tilespmem:$0xF030] =	vst v63  }
0xdc: {  	s30 =	simm.s32 $0xE0;
	s2 =	simm.s32 $0x0  }
0xdd: {  	[tilespmem:s30], [sflag:$0x5] =	stream.linear.gather [spmem:s2], $0x20, $0x38;
	[tilespmem:$0xF030] =	vst v63  }
.Ltmp7:
0xde: {  	_ = 	snop;
	(pc) =	sbr.rel .LBB2_12-.Ltmp7, $4  }
0xdf: {  	_ =	swait.ge [sflag:s0], $0x40  }
0xe0: {  	[sflag:s0] =	ssyncset.done $0x0  }
0xe1: {  	s31 =	simm.s32 $0x6;
	[sflag:s0] =	ssyncadd.s32 $0xFFFFFFC0  }
0xe2: {  	s3 =	simm.s32 $0x0;
	[sflag:s31] =	ssyncpa.u1 $0x0  }
.LBB2_17:
0xe3: {  	p0 =	sgt.u32 s4, $0x27FF  }
0xe4: {  	s0 =	sshrl.u32 @!p0 s4, $0x3  }
0xe5: {  	s4 =	sand.u32 @!p0 $0x7, s4;
	s5 =	simm.s32 @!p0 $0xB0;
	s0 =	sadd.s32 @!p0 s1, s0  }
0xe6: {  	[tilespmem:s5], [sflag:$0x6] =	stream.linear.gather @!p0 [hbm4b:s0+s4], $0x1, $0x38;
	[tilespmem:$0xF030] =	vst v63  }
0xe7: {  	s0 =	simm.s32 @!p0 $0x6  }
0xe8: {  	_ =	swait.ge @!p0 [sflag:s0], $0x1  }
0xe9: {  	[sflag:s0] =	ssyncset.done @!p0 $0x0  }
0xea: {  	[sflag:s0] =	ssyncadd.s32 @!p0 $0xFFFFFFFF  }
0xeb: {  	v1 =	vld.msk @!p0 [tilespmem:$0xB0], $0x1  }
0xec: {  	v2 =	vld.msk @!p0 [tilespmem:s3+$0xE0], $0x1;
	_ =	sdelay $0x4  }
0xed: {  	v1 =	vmax.f32 @!p0 v2, v1  }
0xee: {  	[tilespmem:s3+$0xE0] =	vst.msk @!p0 $0x1, v1  }
0xef: {  	[tilespmem:s2+$0xC0] =	vst.msk $0x1, v0  }
0xf0: {  	v0 =	vld.msk [tilespmem:s3+$0xE0], $0x1;
	_ =	sdelay $0x4  }
0xf1: {  	[tilespmem:s2+$0xE0] =	vst.msk $0x1, v0;
	s2 =	sadd.s32 $0x1, s2  }
.LBB2_19:
0xf2: {  	s3 =	sadd.s32 $0x1, s3  }
0xf3: {  	p0 =	sne.s32 s3, $0x20  }
.Ltmp8:
0xf4: {  	_ = 	snop;
	(pc) =	sbr.rel @!p0 .LBB2_20-.Ltmp8, $1  }
0xf5: {  	_ =	sdelay $0x3  }
.LBB2_12:
0xf6: {  	v0 =	vld.msk [tilespmem:s3+$0xC0], $0x1;
	_ =	sdelay $0x4  }
0xf7: {  	(v2sf) =	vpush v0, $0x0;
	_ =	sdelay $0xe  }
0xf8: {  	s4 =	spop (v2sf)  }
0xf9: {  	p0 =	seq.s32 s4, $0xFFFFFFFF  }
.Ltmp9:
0xfa: {  	_ = 	snop;
	(pc) =	sbr.rel @p0 .LBB2_19-.Ltmp9, $1  }
0xfb: {  	_ =	sdelay $0x3  }
0xfc: {  	p0 =	slt.s32 s2, $0x1  }
.Ltmp10:
0xfd: {  	_ = 	snop;
	(pc) =	sbr.rel @p0 .LBB2_17-.Ltmp10, $1  }
0xfe: {  	_ =	sdelay $0x3  }
0xff: {  	s0 =	simm.s32 $0xC0;
	p0 =	por $0x0, $0x0  }
0x100: {  	v1 =	vld.msk @!p0 [tilespmem:s0+$0x0], $0x1;
	_ =	sdelay $0x4  }
0x101: {  	(v2sf) =	vpush @!p0 v1, $0x0;
	_ =	sdelay $0xd  }
0x102: {  	p2 =	sne.s32 s2, $0x1  }
.Ltmp11:
0x103: {  	s5 =	spop @!p0 (v2sf);
	(pc) =	sbr.rel @!p2 .LBB2_16-.Ltmp11, $4  }
0x104: {  	p1 =	seq.s32 @!p0 s4, s5  }
0x105: {  	s5 =	simm.s32 $0x0;
	p1 =	por !p1, p0  }
0x106: {  	s7 =	simm.s32 $0xFFFFFFFF;
	s5 =	simm.s32 @p1 $0xFFFFFFFF  }
0x107: {  	s6 =	simm.s32 $0x1;
	s5 =	smov.u32 @p0 s7  }
.LBB2_15:
0x108: {  	s7 =	smov.u32 s5;
	p0 =	sne.s32 s5, $0xFFFFFFFF  }
0x109: {  	s0 =	sadd.s32 $0x1, s0;
	s5 =	smov.u32 s6;
	s6 =	sadd.s32 $0x1, s6  }
0x10a: {  	p1 =	sne.s32 s2, s6;
	v1 =	vld.msk @!p0 [tilespmem:s0+$0x0], $0x1;
	_ =	sdelay $0x4  }
0x10b: {  	(v2sf) =	vpush @!p0 v1, $0x0;
	_ =	sdelay $0xe  }
.Ltmp12:
0x10c: {  	s8 =	spop @!p0 (v2sf);
	(pc) =	sbr.rel @p1 .LBB2_15-.Ltmp12, $4  }
0x10d: {  	p2 =	seq.s32 @!p0 s4, s8  }
0x10e: {  	p2 =	por !p2, p0  }
0x10f: {  	s5 =	simm.s32 @p2 $0xFFFFFFFF  }
0x110: {  	s5 =	smov.u32 @p0 s7  }
.LBB2_16:
0x111: {  	p0 =	sne.s32 s5, $0xFFFFFFFF  }
.Ltmp13:
0x112: {  	_ = 	snop;
	(pc) =	sbr.rel @!p0 .LBB2_17-.Ltmp13, $1  }
0x113: {  	_ =	sdelay $0x3  }
0x114: {  	v0 =	vld.msk [tilespmem:s3+$0xE0], $0x1  }
0x115: {  	v1 =	vld.msk [tilespmem:s5+$0xE0], $0x1;
	_ =	sdelay $0x1  }
.Ltmp14:
0x116: {  	_ = 	snop;
	(pc) =	sbr.rel .LBB2_19-.Ltmp14, $3  }
0x117: {  	_ =	sdelay $0x1  }
0x118: {  	v0 =	vmax.f32 v1, v0  }
0x119: {  	[tilespmem:s5+$0xE0] =	vst.msk $0x1, v0  }
.LBB2_20:
0x11a: {  	p0 =	slt.s32 s2, $0x1  }
.Ltmp15:
0x11b: {  	_ = 	snop;
	(pc) =	sbr.rel @p0 .LBB2_24-.Ltmp15, $3  }
0x11c: {  	_ =	sdelay $0x1  }
0x11d: {  	s0 =	simm.s32 $0x6  }
0x11e: {  	s3 =	simm.s32 $0x0;
	[sflag:s0] =	ssyncpa.u1 $0x1  }
0x11f: {  	s0 =	simm.s32 $0xC0  }
0x120: {  	v0 =	vld.msk [tilespmem:s0+$0x0], $0x1;
	_ =	sdelay $0x4  }
0x121: {  	(v2sf) =	vpush v0, $0x0;
	_ =	sdelay $0xe  }
0x122: {  	s2 =	sadd.s32 $0xFFFFFFFF, s2;
	s4 =	spop (v2sf)  }
0x123: {  	p1 =	sne.s32 s2, $0x0;
	p0 =	sgt.u32 s4, $0x27FF  }
.Ltmp16:
0x124: {  	s5 =	sshrl.u32 @!p0 s4, $0x3;
	(pc) =	sbr.rel @!p1 .LBB2_23-.Ltmp16, $4  }
0x125: {  	s0 =	simm.s32 $0xE0;
	s4 =	sand.u32 @!p0 $0x7, s4;
	s5 =	sadd.s32 @!p0 s1, s5  }
0x126: {  	[hbm4b:s5+s4] =	stream.linear.scatter @!p0 [tilespmem:s0], [sflag:$0x5], $0x1, $0x38;
	[tilespmem:$0xF030] =	vst v63  }
0x127: {  	s5 =	simm.s32 $0x0  }
0x128: {  	s4 =	simm.s32 $0xC1;
	s5 =	simm.s32 @!p0 $0x4  }
.LBB2_22:
0x129: {  	v0 =	vld.msk [tilespmem:s4+$0x0], $0x1;
	s2 =	sadd.s32 $0xFFFFFFFF, s2;
	s3 =	sadd.s32 s3, s5  }
0x12a: {  	p0 =	sne.s32 s2, $0x0;
	_ =	sdelay $0x3  }
0x12b: {  	(v2sf) =	vpush v0, $0x0;
	_ =	sdelay $0xe  }
.Ltmp17:
0x12c: {  	s6 =	spop (v2sf);
	(pc) =	sbr.rel @p0 .LBB2_22-.Ltmp17, $4  }
0x12d: {  	s5 =	simm.s32 $0x0;
	p1 =	sgt.u32 s6, $0x27FF  }
0x12e: {  	s0 =	sadd.s32 $0x1, s0;
	s5 =	simm.s32 @!p1 $0x4;
	s7 =	sshrl.u32 @!p1 s6, $0x3  }
0x12f: {  	s4 =	sadd.s32 $0x1, s4;
	s6 =	sand.u32 @!p1 $0x7, s6;
	s7 =	sadd.s32 @!p1 s1, s7  }
0x130: {  	[hbm4b:s7+s6] =	stream.linear.scatter @!p1 [tilespmem:s0], [sflag:$0x5], $0x1, $0x38;
	[tilespmem:$0xF030] =	vst v63  }
.LBB2_23:
0x131: {  	s0 =	sadd.s32 s3, s5  }
0x132: {  	s3 =	sshrl.u32 s0, $0x2  }
.LBB2_24:
0x133: {  	s0 =	simm.s32 $0x5  }
0x134: {  	_ =	swait.ge [sflag:s0], s3  }
0x135: {  	s1 =	ssub.s32 $0x0, s3;
	[sflag:s0] =	ssyncset.done $0x0  }
0x136: {  	[sflag:s0] =	ssyncadd.s32 s1  }
0x137: {  	[sflag:s0] =	ssyncpa.u1 $0x1  }
0x138: {  	s29 =	simm.s32 $0x1;
	_ =	sfence  }
0x139: {  	s30 =	simm.s32 $0x2;
	[sflag:s29] =	ssyncpa.u1 $0x1  }
0x13a: {  	[sflag:s30] =	ssyncpa.u1 $0x1  }
0x13b: {  	_ =	strace $0x90000053  }
0x13c: {  	[bflag:$0x2] =	sbarrier.arrive $0xFFFF  }
0x13d: {  	s31 =	rddreg [dreg:$0x2]  }
0x13e: {  	s0 =	sadd.s32 $0x100000, s31  }
0x13f: {  	[sflag:s0] =	ssyncadd.tile.s32 $0x1;
	_ =	shalt  }
.Lfunc_end2:
_tile_overlayer_lowered:
.L_overlay_start_2:
0x140: {  	(tag) =	ssettag $0x2  }
0x141: {  	s0 =	rddreg [dreg:$0x0];
	s2 =	stileid.u32  }
0x142: {  	s1 =	rddreg [dreg:$0x1];
	p0 =	sne.s32 s2, $0x0  }
0x143: {  	s3 =	rddreg [dreg:$0x2];
	[bflag:$0x3] =	sbarrier.arrive $0xFFFF;
	s2 =	simm.s32 @!p0 $0x1C01  }
0x144: {  	[timem:s3], [sflag:s2] =	dma.local @!p0 [hbm:s0], s1  }
0x145: {  	s0 =	simm.s32 @!p0 $0x1  }
0x146: {  	_ =	swait.ge @!p0 [sflag:s0], s1  }
0x147: {  	s1 =	ssub.s32 @!p0 $0x0, s1;
	[sflag:s0] =	ssyncset.done @!p0 $0x0  }
0x148: {  	[sflag:s0] =	ssyncadd.s32 @!p0 s1  }
0x149: {  	[bflag:$0x3] =	sbarrier.arrive $0xFFFF  }
0x14a: {  	_ =	shalt  }

// kernel: scatter_offload_async_start.4
scs
__scs_entry_jumppad:
0x0: {  	(pc) =	sbr.rel $0x88, $3  }
0x1: {  	(tag) =	ssettag $0x0;
	lr =	simm.s32 $0x1  }
0x2: {  	[smem:$0x3F92] =	sst lr;
	_ =	strace $0xD0000000  }
0x3: {  	_ = 	snop  }
0x4: {  	_ = 	snop  }
0x5: {  	_ = 	snop  }
0x6: {  	_ = 	snop  }
0x7: {  	_ = 	snop  }
__scs_overlays_trampoline_lowered:
0x8: {  	[smem:$0x3FA1] =	sst s0  }
0x9: {  	[smem:$0x3FA2] =	sst s1  }
0xa: {  	[smem:$0x3FA3] =	sst s2  }
0xb: {  	[smem:$0x3FA4] =	sst s3  }
0xc: {  	[smem:$0x3FA5] =	sst s4  }
0xd: {  	[smem:$0x3FA6] =	sst s5  }
0xe: {  	[smem:$0x3FA7] =	sst s6  }
0xf: {  	[smem:$0x3FA8] =	sst s7  }
0x10: {  	[smem:$0x3FA9] =	sst s8  }
0x11: {  	[smem:$0x3FAA] =	sst s9;
	s0 =	simm.s32 @!p0 $0x0  }
0x12: {  	s1 =	sld [smem:$0x3F90];
	s0 =	simm.s32 @p0 $0x1  }
0x13: {  	[smem:$0x3FAB] =	sst s0;
	s0 =	simm.s32 @!p1 $0x0  }
0x14: {  	s2 =	sld [smem:$0x3F8F];
	s0 =	simm.s32 @p1 $0x1  }
0x15: {  	[smem:$0x3FAC] =	sst s0;
	s0 =	simm.s32 @!p2 $0x0  }
0x16: {  	s3 =	sld [smem:$0x3FDB];
	s0 =	simm.s32 @p2 $0x1  }
0x17: {  	s4 =	simm.s32 $0x1BF5;
	[smem:$0x3FAE] =	sst s0  }
0x18: {  	s0 =	sld [smem:$0x3F91];
	_ =	swait.ge [sflag:s4], $0x0  }
0x19: {  	s7 =	sld [smem:$0x3F92]  }
0x1a: {  	s8 =	sadd.s32 $0xFFFFE003, lr  }
0x1b: {  	s9 =	sadd.s32 $0xFFFFFEF7, lr;
	s5 =	simm.s32 $0xFFFFFFFF;
	p2 =	slt.u32 s8, $0xFFFFF086  }
0x1c: {  	p1 =	slt.u32 s9, $0xF7A;
	s5 =	simm.s32 @!p2 $0x0  }
0x1d: {  	s5 =	simm.s32 @p1 $0x1;
	p0 =	seq.s32 s7, s2  }
0x1e: {  	s7 =	smul.u32 @!p0 $0xF7A, s2;
	p2 =	seq.s32 @!p0 s5, $0x0  }
0x1f: {  	s9 =	smul.u32 $0xF7A, s1;
	s8 =	simm.s32 @!p0 $0x1BF5;
	p2 =	por !p2, p0  }
0x20: {  	[sflag:s8] =	ssyncset.s32 @!p0 $0xFFFFF086;
	s6 =	sadd.s32 @!p0 s3, s7;
	s7 =	simm.s32 @!p0 $0x108  }
0x21: {  	s3 =	sadd.s32 s3, s9;
	s6 =	sadd.s32 @!p0 $0x88, s6;
	s7 =	simm.s32 @p2 $0x1082  }
0x22: {  	[simem:s7], [sflag:s8] =	dma.local @!p0 [hbm:s6], $0xF7A  }
0x23: {  	s9 =	sor.u32 $0xD0000000, s2;
	s6 =	simm.s32 $0x108;
	_ =	swait.ge @!p0 [sflag:s8], $0x0  }
0x24: {  	s3 =	sadd.s32 $0x88, s3;
	s6 =	simm.s32 @!p1 $0x1082;
	[sflag:s4] =	ssyncset.s32 $0xFFFFF086  }
0x25: {  	[simem:s6], [sflag:s4] =	dma.local [hbm:s3], $0xF7A  }
0x26: {  	[smem:$0x3F92] =	sst s1;
	(tag) =	ssettag s2;
	_ =	strace s9  }
0x27: {  	s1 =	sld [smem:$0x3FA2]  }
0x28: {  	s2 =	sld [smem:$0x3FA3]  }
0x29: {  	s4 =	sld [smem:$0x3FA5]  }
0x2a: {  	p0 =	seq.s32 s5, $0x0;
	s5 =	sld [smem:$0x3FA6]  }
0x2b: {  	s6 =	sld [smem:$0x3FA7]  }
0x2c: {  	s7 =	sld [smem:$0x3FA8]  }
0x2d: {  	s3 =	simm.s32 $0x108;
	s8 =	sld [smem:$0x3FA9]  }
0x2e: {  	s3 =	simm.s32 @!p0 $0x1082;
	s9 =	sld [smem:$0x3FAA]  }
0x2f: {  	lr =	sadd.s32 s0, s3;
	s0 =	sld [smem:$0x3FA1]  }
0x30: {  	s3 =	sld [smem:$0x3FA4]  }
0x31: {  	[smem:$0x3FAD] =	sst s10  }
0x32: {  	s10 =	sld [smem:$0x3FAB];
	_ =	sdelay $0x3  }
0x33: {  	p0 =	seq.s32 s10, $0x1;
	s10 =	sld [smem:$0x3FAD];
	_ =	sdelay $0x3  }
0x34: {  	[smem:$0x3FAD] =	sst s10  }
0x35: {  	s10 =	sld [smem:$0x3FAC];
	_ =	sdelay $0x3  }
0x36: {  	p1 =	seq.s32 s10, $0x1;
	s10 =	sld [smem:$0x3FAD];
	_ =	sdelay $0x3  }
0x37: {  	[smem:$0x3FAD] =	sst s10  }
0x38: {  	s10 =	sld [smem:$0x3FAE]  }
0x39: {  	_ = 	snop;
	(pc) =	sbr.ind lr, $3  }
0x3a: {  	_ = 	snop  }
0x3b: {  	_ = 	snop  }
0x3c: {  	p2 =	seq.s32 s10, $0x1;
	s10 =	sld [smem:$0x3FAD]  }
0x3d: {  	_ =	shalt  }
0x3e: {  	_ =	shalt  }
0x3f: {  	_ =	shalt  }
0x40: {  	_ =	shalt  }
0x41: {  	_ =	shalt  }
0x42: {  	_ =	shalt  }
0x43: {  	_ =	shalt  }
0x44: {  	_ =	shalt  }
0x45: {  	_ =	shalt  }
0x46: {  	_ =	shalt  }
0x47: {  	_ =	shalt  }
0x48: {  	_ =	shalt  }
0x49: {  	_ =	shalt  }
0x4a: {  	_ =	shalt  }
0x4b: {  	_ =	shalt  }
0x4c: {  	_ =	shalt  }
0x4d: {  	_ =	shalt  }
0x4e: {  	_ =	shalt  }
0x4f: {  	_ =	shalt  }
0x50: {  	_ =	shalt  }
0x51: {  	_ =	shalt  }
0x52: {  	_ =	shalt  }
0x53: {  	_ =	shalt  }
0x54: {  	_ =	shalt  }
0x55: {  	_ =	shalt  }
0x56: {  	_ =	shalt  }
0x57: {  	_ =	shalt  }
0x58: {  	_ =	shalt  }
0x59: {  	_ =	shalt  }
0x5a: {  	_ =	shalt  }
0x5b: {  	_ =	shalt  }
0x5c: {  	_ =	shalt  }
0x5d: {  	_ =	shalt  }
0x5e: {  	_ =	shalt  }
0x5f: {  	_ =	shalt  }
0x60: {  	_ =	shalt  }
0x61: {  	_ =	shalt  }
0x62: {  	_ =	shalt  }
0x63: {  	_ =	shalt  }
0x64: {  	_ =	shalt  }
0x65: {  	_ =	shalt  }
0x66: {  	_ =	shalt  }
0x67: {  	_ =	shalt  }
0x68: {  	_ =	shalt  }
0x69: {  	_ =	shalt  }
0x6a: {  	_ =	shalt  }
0x6b: {  	_ =	shalt  }
0x6c: {  	_ =	shalt  }
0x6d: {  	_ =	shalt  }
0x6e: {  	_ =	shalt  }
0x6f: {  	_ =	shalt  }
0x70: {  	_ =	shalt  }
0x71: {  	_ =	shalt  }
0x72: {  	_ =	shalt  }
0x73: {  	_ =	shalt  }
0x74: {  	_ =	shalt  }
0x75: {  	_ =	shalt  }
0x76: {  	_ =	shalt  }
0x77: {  	_ =	shalt  }
0x78: {  	_ =	shalt  }
0x79: {  	_ =	shalt  }
0x7a: {  	_ =	shalt  }
0x7b: {  	_ =	shalt  }
0x7c: {  	_ =	shalt  }
0x7d: {  	_ =	shalt  }
0x7e: {  	_ =	shalt  }
0x7f: {  	_ =	shalt  }
0x80: {  	_ =	shalt  }
0x81: {  	_ =	shalt  }
0x82: {  	_ =	shalt  }
0x83: {  	_ =	shalt  }
0x84: {  	_ =	shalt  }
0x85: {  	_ =	shalt  }
0x86: {  	_ =	shalt  }
0x87: {  	_ =	shalt  }
.Lfunc_end0:
.L_simem_size_0:
called_computation.4_lowered:
.L_overlay_start_0:
0x88: {  	s0 =	sld [smem:$0x3FD9]  }
0x89: {  	s1 =	sld [smem:$0x3FFE];
	_ =	sdelay $0x3  }
0x8a: {  	s0 =	sadd.s32 s1, s0  }
0x8b: {  	[smem:$0x3FB9] =	sst s0  }
0x8c: {  	_ = 	snop  }
0x8d: {  	s0 =	sld [smem:$0x3FD0];
	_ =	sdelay $0x2  }
0x8e: {  	s12 =	simm.s32 $0xB;
	s2 =	simm.s32 $0x10  }
0x8f: {  	[smem:s2], [sflag:s12] =	dma.local [hbm:s0], $0x1  }
0x90: {  	_ =	swait.eq [sflag:s12], $0x1  }
0x91: {  	[sflag:s12] =	ssyncset.done $0x0  }
0x92: {  	s13 =	sld [smem:$0x10];
	[sflag:s12] =	ssyncadd.s32 $0xFFFFFFFF  }
0x93: {  	s14 =	sld [smem:$0x11];
	(tm) =	ssettm $0x1  }
0x94: {  	s15 =	sld [smem:$0x3FFB];
	_ =	sdelay $0x3  }
0x95: {  	_ =	strace s15  }
0x96: {  	s0 =	sld [smem:$0x3FFC];
	_ =	sdelay $0x3  }
0x97: {  	_ =	strace s0  }
0x98: {  	s0 =	sld [smem:$0x3FFD];
	_ =	sdelay $0x3  }
0x99: {  	_ =	strace s0  }
0x9a: {  	_ =	strace $0x8FFFFFFF  }
0x9b: {  	s16 =	sld [smem:$0x3FDB];
	_ =	sdelay $0x1  }
0x9c: {  	s3 =	simm.s32 $_scs_section_size  }
0x9d: {  	s4 =	simm.s32 $_size__tile_overlayer_lowered;
	s5 =	simm.s32 $_tile_overlayer_lowered  }
0x9e: {  	s6 =	simm.s32 $0x1BFF;
	s17 =	sshll.u32 s5, $0x1;
	s3 =	sadd.s32 s3, s16  }
0x9f: {  	s18 =	simm.s32 $0x0;
	s4 =	sshll.u32 s4, $0x1;
	s5 =	sadd.s32 s17, s3  }
0xa0: {  	[timem:s18], [sflag:s6] =	dma.local [hbm:s5], s4  }
0xa1: {  	_ =	swait.ge [sflag:s6], s4  }
0xa2: {  	s4 =	ssub.s32 $0x0, s4;
	[sflag:s6] =	ssyncset.done $0x0  }
0xa3: {  	[sflag:s6] =	ssyncadd.s32 s4;
	_ =	sdelay $0x1  }
0xa4: {  	s19 =	simm.s32 $0x1B8B  }
0xa5: {  	_ =	swait.ge [sflag:s19], $0x1  }
0xa6: {  	[sflag:s19] =	ssyncset.done $0x0  }
0xa7: {  	s21 =	simm.s32 $0x1B8E;
	s20 =	sld [smem:$0x3FFE];
	[sflag:s19] =	ssyncadd.s32 $0xFFFFFFFF  }
0xa8: {  	s22 =	simm.s32 $execute0_lowered;
	[smem:$0x3FD2] =	sst s21  }
0xa9: {  	s5 =	sshll.u32 s22, $0x1;
	_ =	strace $0x80000055;
	[dreg:$0x1] =	wrdreg $0xFFFFFFFF  }
0xaa: {  	s23 =	simm.s32 $_size_execute0_lowered;
	s5 =	sadd.s32 s3, s5;
	[dreg:$0x0] =	wrdreg $0x0  }
0xab: {  	s6 =	sshll.u32 s23, $0x1;
	[dreg:$0x2] =	wrdreg s5  }
0xac: {  	[dreg:$0x3] =	wrdreg s6  }
0xad: {  	[dreg:$0x4] =	wrdreg $0xC0  }
0xae: {  	s24 =	simm.s32 $execute1_lowered;
	_ =	task [dreg:s18], $0x5FFFF  }
0xaf: {  	s5 =	sshll.u32 s24, $0x1;
	[dreg:$0x1] =	wrdreg $0xFFFFFFFF  }
0xb0: {  	s3 =	sadd.s32 s3, s5;
	[dreg:$0x0] =	wrdreg $0x60  }
0xb1: {  	[dreg:$0x2] =	wrdreg s3  }
0xb2: {  	[dreg:$0x3] =	wrdreg s13  }
0xb3: {  	[dreg:$0x4] =	wrdreg s14  }
0xb4: {  	[dreg:$0x5] =	wrdreg $0x9  }
0xb5: {  	_ =	task.clear_ibuf [dreg:s18], $0x6FFFF;
	_ =	strace $0x90000055  }
0xb6: {  	s25 =	simm.s32 $0x9;
	_ =	strace $0x80000057  }
0xb7: {  	_ =	swait.ge [sflag:s25], $0x1  }
0xb8: {  	[sflag:s25] =	ssyncadd.s32 $0xFFFFFFFF  }
0xb9: {  	_ =	strace $0x90000057  }
0xba: {  	_ =	strace $0x80000058;
	[dreg:$0x1] =	wrdreg $0xFFFFFFFF  }
0xbb: {  	[dreg:$0x0] =	wrdreg $0x2030  }
0xbc: {  	[dreg:$0x2] =	wrdreg s14  }
0xbd: {  	[dreg:$0x3] =	wrdreg s20  }
0xbe: {  	[dreg:$0x4] =	wrdreg $0xA  }
0xbf: {  	_ =	task.clear_ibuf [dreg:s18], $0x5FFFF;
	_ =	strace $0x90000058  }
0xc0: {  	s26 =	simm.s32 $0xA;
	_ =	strace $0x8000005A  }
0xc1: {  	_ =	swait.ge [sflag:s26], $0x1  }
0xc2: {  	[sflag:s26] =	ssyncadd.s32 $0xFFFFFFFF  }
0xc3: {  	_ =	strace $0x9000005A  }
0xc4: {  	_ =	sfence  }
0xc5: {  	s28 =	sld [smem:$0x0];
	_ =	sdelay $0x1  }
0xc6: {  	s29 =	srdreg.scid  }
0xc7: {  	s30 =	sshll.u32 s29, $0xD;
	s31 =	sshrl.u32 s29, $0x2  }
0xc8: {  	s2 =	sand.u32 $0x1, s29;
	s3 =	sand.u32 $0x4000, s30;
	s1 =	sadd.s32 s31, s28  }
0xc9: {  	s2 =	sor.u32 s3, s2;
	s1 =	sshll.u32 s1, $0x11  }
0xca: {  	s1 =	sor.u32 s1, s2  }
0xcb: {  	s1 =	sadd.s32 $0x8F2B, s1  }
0xcc: {  	[sflag:s1] =	ssyncadd.remote.s32 $0x1  }
0xcd: {  	_ =	sfence.sel $0xFFFF  }
0xce: {  	[dreg:$0x0] =	wrdreg $0xFFFFFFFF;
	(pc) =	sbr.abs _section_cstart, $3  }
0xcf: {  	[dreg:$0x1] =	wrdreg $0xFFFFFFFF  }
0xd0: {  	_ =	task.clear_ibuf [dreg:s18], $0x2FFFF;
	_ =	strace $0x9FFFFFFF  }
0xd1: {  	(tm) =	ssettm $0x7FFFFFFF  }
tec
execute0_lowered:
.L_overlay_start_1:
0x0: {  	(tag) =	ssettag $0x1  }
0x1: {  	s3 =	rddreg [dreg:$0x0]  }
0x2: {  	s5 =	rddreg [dreg:$0x1]  }
0x3: {  	s2 =	rddreg [dreg:$0x2]  }
0x4: {  	s0 =	rddreg [dreg:$0x3];
	s4 =	stileid.u32  }
0x5: {  	[bflag:$0x3] =	sbarrier.arrive $0xFFFF;
	s1 =	simm.s32 $_size_execute1_lowered;
	p0 =	sne.s32 s4, $0x0  }
0x6: {  	s1 =	sshll.u32 s1, $0x1;
	s6 =	simm.s32 @!p0 $0x1C3F;
	s7 =	simm.s32 @!p0 $0x4060  }
0x7: {  	[timem:s7], [sflag:s6] =	dma.local @!p0 [hbm:s3], s1  }
.Ltmp0:
0x8: {  	s30 =	simm.s32 $0x2;
	(pc) =	sbr.rel .LBB2_1-.Ltmp0, $4  }
0x9: {  	s8 =	simm.s32 $0x780;
	s10 =	simm.s32 $0x0;
	s3 =	smul.u32 $0x280, s4  }
0xa: {  	s9 =	simm.s32 $0x0;
	s4 =	simm.s32 $0x1;
	_ =	strace $0x80000056  }
0xb: {  	s6 =	simm.s32 $0x0;
	[sflag:s4] =	ssyncpa.u1 $0x0;
	s31 =	sshrl.u32 s3, $0x3  }
0xc: {  	s7 =	simm.s32 $0x280;
	[sflag:s30] =	ssyncpa.u1 $0x0;
	s5 =	sadd.s32 s31, s5  }
.LBB2_8:
0xd: {  	p1 =	seq.s32 s9, $0x2  }
.Ltmp1:
0xe: {  	_ = 	snop;
	(pc) =	sbr.rel @p1 .LBB2_10-.Ltmp1, $1  }
0xf: {  	_ =	sdelay $0x3  }
.LBB2_9:
0x10: {  	s9 =	sadd.s32 $0x1, s9;
	s10 =	smov.u32 s3  }
.LBB2_1:
0x11: {  	p1 =	sne.s32 s9, $0x0  }
.Ltmp2:
0x12: {  	_ = 	snop;
	(pc) =	sbr.rel @!p1 .LBB2_2-.Ltmp2, $1  }
0x13: {  	_ =	sdelay $0x3  }
0x14: {  	s11 =	sand.u32 $0x1, s9  }
0x15: {  	p1 =	seq.s32 s11, $0x0  }
.Ltmp3:
0x16: {  	_ = 	snop;
	(pc) =	sbr.rel @p1 .LBB2_8-.Ltmp3, $1  }
0x17: {  	_ =	sdelay $0x3  }
0x18: {  	_ =	swait.ge [sflag:s4], $0x280  }
0x19: {  	[sflag:s4] =	ssyncset.done $0x0  }
0x1a: {  	s11 =	simm.s32 $0x0;
	p1 =	por $0x1, $0x1;
	[sflag:s4] =	ssyncadd.s32 $0xFFFFFD80  }
.LBB2_5:
0x1b: {  	v0 =	vld [tilespmem:s11+$0x280]  }
0x1c: {  	v1 =	vld [tilespmem:s11+$0x290]  }
0x1d: {  	v2 =	vld [tilespmem:s11+$0x2A0]  }
0x1e: {  	v3 =	vld [tilespmem:s11+$0x2B0]  }
0x1f: {  	v4 =	vld [tilespmem:s11+$0x2C0]  }
0x20: {  	v53 =	vld [tilespmem:s11+$0x2D0];
	[tilespmem:s11+$0x780] =	vst v0  }
0x21: {  	v54 =	vld [tilespmem:s11+$0x2E0];
	[tilespmem:s11+$0x790] =	vst v1  }
0x22: {  	v55 =	vld [tilespmem:s11+$0x2F0];
	[tilespmem:s11+$0x7A0] =	vst v2  }
0x23: {  	v56 =	vld [tilespmem:s11+$0x300];
	[tilespmem:s11+$0x7B0] =	vst v3  }
0x24: {  	v57 =	vld [tilespmem:s11+$0x310];
	[tilespmem:s11+$0x7C0] =	vst v4  }
0x25: {  	v58 =	vld [tilespmem:s11+$0x320];
	[tilespmem:s11+$0x7D0] =	vst v53  }
0x26: {  	v59 =	vld [tilespmem:s11+$0x330];
	[tilespmem:s11+$0x7E0] =	vst v54  }
0x27: {  	v60 =	vld [tilespmem:s11+$0x340];
	[tilespmem:s11+$0x7F0] =	vst v55  }
0x28: {  	v61 =	vld [tilespmem:s11+$0x350];
	[tilespmem:s11+$0x800] =	vst v56  }
0x29: {  	v62 =	vld [tilespmem:s11+$0x360];
	[tilespmem:s11+$0x810] =	vst v57  }
0x2a: {  	v63 =	vld [tilespmem:s11+$0x370];
	p2 =	por p1, p1;
	[tilespmem:s11+$0x820] =	vst v58  }
.Ltmp4:
0x2b: {  	[tilespmem:s11+$0x830] =	vst v59;
	(pc) =	sbr.rel @p2 .LBB2_5-.Ltmp4, $4  }
0x2c: {  	[tilespmem:s11+$0x840] =	vst v60  }
0x2d: {  	[tilespmem:s11+$0x850] =	vst v61  }
0x2e: {  	s12 =	simm.s32 $0x1F0;
	s13 =	simm.s32 $0x980;
	[tilespmem:s11+$0x860] =	vst v62  }
0x2f: {  	s14 =	simm.s32 $0x480;
	p1 =	por $0x0, $0x0;
	[tilespmem:s11+$0x870] =	vst v63;
	s11 =	simm.s32 $0x100  }
.LBB2_6:
0x30: {  	s12 =	sadd.s32 $0x10, s12  }
0x31: {  	v0 =	vld [tilespmem:s14+$0x0];
	p1 =	slt.u32 s12, $0x270  }
.Ltmp5:
0x32: {  	_ = 	snop;
	(pc) =	sbr.rel @p1 .LBB2_6-.Ltmp5, $2  }
0x33: {  	_ =	sdelay $0x2  }
0x34: {  	s14 =	sadd.s32 $0x10, s14;
	[tilespmem:s13+$0x0] =	vst v0;
	s13 =	sadd.s32 $0x10, s13  }
.Ltmp6:
0x35: {  	(pc) =	sbr.rel .LBB2_8-.Ltmp6, $4  }
0x36: {  	_ = 	snop  }
0x37: {  	s10 =	sshrl.u32 s10, $0x3  }
0x38: {  	s10 =	sadd.s32 s2, s10  }
0x39: {  	[hbm4b:s10+s6] =	stream.linear.scatter [tilespmem:s8], [sflag:$0x2], $0x280, $0x38;
	[tilespmem:$0xA00] =	vst v63  }
.LBB2_2:
.Ltmp7:
0x3a: {  	(pc) =	sbr.rel .LBB2_9-.Ltmp7, $2  }
0x3b: {  	_ =	sdelay $0x2  }
0x3c: {  	[tilespmem:s7], [sflag:$0x1] =	stream.linear.gather [hbm4b:s5+s6], $0x280, $0x38;
	[tilespmem:$0xA00] =	vst v63  }
.LBB2_10:
0x3d: {  	s2 =	simm.s32 $0x2  }
0x3e: {  	_ =	swait.ge [sflag:s2], $0x280  }
0x3f: {  	[sflag:s2] =	ssyncset.done $0x0  }
0x40: {  	[sflag:s2] =	ssyncadd.s32 $0xFFFFFD80  }
0x41: {  	_ =	sfence.sel $0x180000  }
0x42: {  	s3 =	simm.s32 $0x1;
	[bflag:$0x0] =	sbarrier.arrive $0xFFFF  }
0x43: {  	[sflag:s3] =	ssyncpa.u1 $0x1  }
0x44: {  	[sflag:s2] =	ssyncpa.u1 $0x1  }
0x45: {  	_ =	strace $0x90000056  }
0x46: {  	s0 =	sadd.s32 @!p0 $0x100000, s0;
	[bflag:$0x2] =	sbarrier.arrive $0xFFFF  }
0x47: {  	[sflag:s0] =	ssyncadd.tile.s32 @!p0 $0x1;
	s0 =	simm.s32 @!p0 $0x3F  }
0x48: {  	_ =	swait.ge @!p0 [sflag:s0], s1  }
0x49: {  	s1 =	ssub.s32 @!p0 $0x0, s1;
	[sflag:s0] =	ssyncset.done @!p0 $0x0  }
0x4a: {  	[sflag:s0] =	ssyncadd.s32 @!p0 s1  }
0x4b: {  	[bflag:$0x3] =	sbarrier.arrive $0xFFFF  }
0x4c: {  	_ =	shalt  }
.Lfunc_end2:
execute1_lowered:
.L_overlay_start_2:
0x4d: {  	(tag) =	ssettag $0x2  }
0x4e: {  	s1 =	rddreg [dreg:$0x0]  }
0x4f: {  	s0 =	rddreg [dreg:$0x1]  }
0x50: {  	s6 =	stileid.u32;
	_ =	strace $0x80000059;
	s2 =	simm.s32 $0x1  }
0x51: {  	v1 =	vimm.s32 $0xFFFFFFFF;
	s3 =	smin.u32 s6, $0x9;
	[sflag:s2] =	ssyncpa.u1 $0x0  }
0x52: {  	s3 =	sadd.s32 s6, s3;
	[tilespmem:$0x10] =	vst v1  }
0x53: {  	s4 =	simm.s32 $0x3520;
	v0 =	vimm.f32 $0.0e+00;
	p0 =	slt.u32 s6, $0x9;
	[tilespmem:$0x20] =	vst v1;
	s3 =	smul.u32 $0x1A90, s3  }
0x54: {  	s4 =	simm.s32 @!p0 $0x1A90;
	[tilespmem:$0x30] =	vst v0  }
0x55: {  	[tilespmem:$0x40] =	vst v0;
	s4 =	sadd.s32 s4, s3  }
0x56: {  	[tilespmem:$0x50] =	vst v0;
	s4 =	smin.u32 s4, $0x29810  }
0x57: {  	[tilespmem:$0x60] =	vst v1;
	s9 =	ssub.s32 s4, s3  }
0x58: {  	s7 =	simm.s32 $0x2;
	s8 =	simm.s32 $0x8;
	[tilespmem:$0x70] =	vst v1;
	p0 =	sgt.s32 s9, $0x0  }
0x59: {  	s31 =	simm.s32 $0x9;
	s16 =	simm.s32 $0x0;
	[tilespmem:$0x80] =	vst v1;
	s9 =	simm.s32 @!p0 $0x0  }
0x5a: {  	s17 =	simm.s32 $0xF0;
	s18 =	simm.s32 $0xFFFFFFFF;
	v1 =	vimm.s32 $0x0;
	[tilespmem:$0xB0] =	vst v0;
	s5 =	smulhi.u32 $0x134679AD, s9  }
0x5b: {  	s19 =	simm.s32 $0xFFFFCBE0;
	s20 =	simm.s32 $0xFFFFFFFE;
	s21 =	simm.s32 $0xF;
	[tilespmem:$0x90] =	vst v1  }
0x5c: {  	[tilespmem:$0xA0] =	vst v1;
	[sflag:s7] =	ssyncpa.u1 $0x0;
	s7 =	simm.s32 $0x7;
	s10 =	sshrl.u32 s5, $0x9  }
0x5d: {  	s25 =	simm.s32 $0x0;
	[sflag:s7] =	ssyncpa.u1 $0x0;
	s11 =	smul.u32 $0x1A90, s10  }
0x5e: {  	s24 =	simm.s32 $0x0;
	s14 =	sshllo.u32 s6, $0x1;
	[sflag:s8] =	ssyncpa.u1 $0x0  }
.Ltmp8:
0x5f: {  	s23 =	smov.u32 s3;
	p0 =	sne.s32 s9, s11;
	(pc) =	sbr.rel .LBB3_1-.Ltmp8, $4  }
0x60: {  	s5 =	sadd.s32 $0xFC00, s0;
	s0 =	sadd.s32 $0x2A000, s0;
	s2 =	simm.s32 @!p0 $0x0  }
0x61: {  	[sflag:s31] =	ssyncpa.u1 $0x0;
	[dreg:$0x3] =	wrdreg s0;
	s9 =	sadd.s32 s2, s10  }
0x62: {  	vm0 =	vmmov $0xffff;
	v2 =	vlaneseq.u32;
	p0 =	por $0x0, $0x0;
	s10 =	sshll.u32 s6, $0x1;
	s11 =	sadd.s32 $0x1, s9  }
0x63: {  	vm1 =	vmxor vm1, vm1;
	vm2 =	vmmov $0x1;
	vm3 =	vcmask $0x3F3C;
	s12 =	sadd.s32 $0x2, s9;
	s13 =	sor.u32 $0x81, s10;
	s15 =	sor.u32 $0x80, s10  }
.LBB3_9:
0x64: {  	p1 =	slt.u32 s24, $0x3  }
0x65: {  	s0 =	simm.s32 @!p1 $0x2  }
0x66: {  	_ =	swait.ge @!p1 [sflag:s0], $0x1A90  }
0x67: {  	[sflag:s0] =	ssyncset.done @!p1 $0x0  }
0x68: {  	[sflag:s0] =	ssyncadd.s32 @!p1 $0xFFFFE570;
	s0 =	simm.s32 @!p1 $0x9  }
0x69: {  	_ =	swait.ge @!p1 [sflag:s0], $0x10  }
0x6a: {  	[sflag:s0] =	ssyncset.done @!p1 $0x0  }
0x6b: {  	[sflag:s0] =	ssyncadd.s32 @!p1 $0xFFFFFFF0;
	p1 =	sne.s32 s24, s12  }
.Ltmp9:
0x6c: {  	s2 =	sadd.s32 $0x1A90, s23;
	(pc) =	sbr.rel @!p1 .LBB3_10-.Ltmp9, $4  }
0x6d: {  	s6 =	smov.u32 s3;
	s31 =	sadd.s32 $0x1, s24;
	s17 =	sadd.s32 $0x1A90, s17  }
0x6e: {  	s18 =	sadd.s32 $0x1, s18;
	s25 =	smov.u32 s23;
	p2 =	slt.s32 s2, s4  }
0x6f: {  	p0 =	por !p0, !p0;
	s19 =	sadd.s32 $0x1A90, s19;
	s6 =	smov.u32 @p2 s2  }
0x70: {  	s20 =	sadd.s32 $0x1, s20;
	s23 =	smov.u32 s6;
	s24 =	smov.u32 s31  }
.LBB3_1:
0x71: {  	p1 =	sge.u32 s24, s9  }
0x72: {  	s0 =	smulhi.u32 @!p1 $0xAAAAAAAB, s24;
	_ =	sdelay $0x1  }
0x73: {  	s0 =	sshrl.u32 @!p1 s0, $0x1  }
0x74: {  	s0 =	smul.u32 @!p1 $0x3, s0;
	_ =	sdelay $0x1  }
0x75: {  	s0 =	ssub.s32 @!p1 s24, s0  }
0x76: {  	s0 =	smul.u32 @!p1 $0x6A40, s0;
	_ =	sdelay $0x1  }
0x77: {  	s2 =	sshrl.u32 @!p1 s23, $0x3;
	s0 =	sshrl.u32 @!p1 s0, $0x2  }
0x78: {  	s22 =	sand.u32 @!p1 $0x7, s23;
	s2 =	sadd.s32 @!p1 s5, s2;
	s0 =	sadd.s32 @!p1 $0x100, s0  }
0x79: {  	[tilespmem:s0], [sflag:$0x7] =	stream.linear.gather @!p1 [hbm4b:s2+s22], $0x1A90, $0x38;
	[tilespmem:$0xF030] =	vst v63  }
0x7a: {  	s0 =	sadd.s32 $0xFFFFFFFF, s24  }
0x7b: {  	p1 =	sge.u32 s0, s9  }
.Ltmp10:
0x7c: {  	_ = 	snop;
	(pc) =	sbr.rel @p1 .LBB3_5-.Ltmp10, $1  }
0x7d: {  	_ =	sdelay $0x3  }
0x7e: {  	s2 =	smulhi.u32 $0xAAAAAAAB, s0;
	_ =	sdelay $0x1  }
0x7f: {  	s2 =	sshrl.u32 s2, $0x1  }
0x80: {  	s2 =	smul.u32 $0x3, s2;
	_ =	sdelay $0x1  }
0x81: {  	s2 =	ssub.s32 s0, s2  }
0x82: {  	s2 =	smul.u32 $0x6A40, s2  }
0x83: {  	_ =	swait.ge [sflag:s7], $0x1A90  }
0x84: {  	[sflag:s7] =	ssyncset.done $0x0;
	s2 =	sshrl.u32 s2, $0x2  }
0x85: {  	[sflag:s7] =	ssyncadd.s32 $0xFFFFE570;
	(ifvalue) =	ssetifvalue $0xFFFFFFFF;
	v3 =	vld.msk [tilespmem:s2+$0x100 ss:$0x1], $0xffff;
	_ =	sdelay $0x2  }
0x86: {  	s30 =	smulhi.u32 $0xAAAAAAAB, s18;
	p1 =	sne.s32 s24, $0x1  }
0x87: {  	v4 =	vimm.s32 @!p1 $0x0  }
0x88: {  	s2 =	sshrl.u32 s30, $0x1;
	v4 =	vperm.xlane @!p1 v3, v4  }
0x89: {  	s22 =	sshll.u32 s24, $0x4;
	s2 =	smul.u32 $0xFFFEC140, s2;
	vm4 =	vlt.u32 v3, $0x2800  }
0x8a: {  	s22 =	sand.u32 $0x10, s22;
	v3 =	vnsel vm4, $0xFFFFFFFE, v3;
	vm4 =	vlt.u32 @!p1 v4, $0x2800  }
0x8b: {  	s2 =	sshra.s32 s2, $0x2;
	[tilespmem:s22+$0x60] =	vst v3;
	v3 =	vnsel @!p1 vm4, $0xFFFFFFFE, v4  }
0x8c: {  	s28 =	sadd.s32 s2, s17;
	[tilespmem:$0x80] =	vst @!p1 v3  }
0x8d: {  	v3 =	vld.msk [tilespmem:s28+$0x0 ss:$0x1], $0xffff;
	_ =	sdelay $0x4  }
0x8e: {  	(xrf1) =	vunique.msk.u32 $0xffff, v3;
	_ =	sdelay $0xd  }
0x8f: {  	v4 =	vimm.s32 $0xFFFFFFFF;
	v5, _, _ =	vpop (xrf1)  }
0x90: {  	vm5 =	vne.s32 v3, v4;
	vm4 =	veq.s32 v5, v2  }
0x91: {  	vm6 =	vlt.u32 v3, $0x2800;
	vm4 =	vmand vm5, vm4  }
0x92: {  	vm4 =	vmand vm6, vm4  }
0x93: {  	v4 =	vnsel vm4, $0xFFFFFFFF, v3  }
0x94: {  	s31 =	sand.u32 $0x1, s0  }
0x95: {  	s0 =	simm.s32 $0x1A90;
	p1 =	seq.s32 s31, $0x1  }
0x96: {  	s0 =	simm.s32 @!p1 $0x0  }
0x97: {  	s26 =	sadd.s32 $0x6B30, s0;
	(ifvalue) =	ssetifvalue $0xFFFFFFFF  }
0x98: {  	v3 =	vperm.xlane v3, v1;
	[tilespmem:s26], [sflag:$0x8] =	stream.indirect_vreg.gather [hbm4b:s1+s16], $0x1, v4, vm0, $0x4038;
	v4 =	vnsel vm6, $0xFFFFFFFE, v4;
	[tilespmem:$0xF030] =	vst v63  }
0x99: {  	s2 =	simm.s32 $0x0;
	s22 =	sadd.s32 $0xFFFFFFF0, s28;
	[tilespmem:s28+$0x0] =	vst v4  }
.LBB3_3:
0x9a: {  	v4 =	vld.msk [tilespmem:s22+$0x0 ss:$0x1], $0xffff;
	s2 =	sadd.s32 $0x10, s2;
	v5 =	vmov v3;
	s28 =	smov.u32 s22  }
0x9b: {  	p1 =	slt.u32 s2, $0x1A80;
	_ =	sdelay $0x4  }
0x9c: {  	v3 =	vperm.xlane v4, v1;
	(xrf1) =	vunique.msk.u32 $0xffff, v4;
	_ =	sdelay $0xd  }
0x9d: {  	v6, _, _ =	vpop (xrf1)  }
0x9e: {  	vm5 =	vne.s32 v4, v5;
	vm4 =	veq.s32 v6, v2  }
0x9f: {  	vm6 =	vlt.u32 v4, $0x2800;
	vm4 =	vmand vm5, vm4  }
0xa0: {  	vm4 =	vmand vm6, vm4  }
0xa1: {  	v4 =	vnsel vm4, $0xFFFFFFFF, v4  }
.Ltmp11:
0xa2: {  	v5 =	vnsel vm6, $0xFFFFFFFE, v4;
	(pc) =	sbr.rel @p1 .LBB3_3-.Ltmp11, $3  }
0xa3: {  	_ =	sdelay $0x1  }
0xa4: {  	s22 =	sadd.s32 $0xFFFFFFF0, s22;
	s26 =	sadd.s32 $0xFFFFFFF0, s26;
	(ifvalue) =	ssetifvalue $0xFFFFFFFF  }
0xa5: {  	[tilespmem:s26], [sflag:$0x8] =	stream.indirect_vreg.gather [hbm4b:s1+s16], $0x1, v4, vm0, $0x4038;
	[tilespmem:s28+$0x0] =	vst v5  }
0xa6: {  	s2 =	sshrl.u32 s25, $0x3;
	s6 =	rddreg [dreg:$0x3]  }
0xa7: {  	s0 =	sadd.s32 $0x85D0, s0;
	s2 =	sadd.s32 s6, s2  }
0xa8: {  	[tilespmem:s0], [sflag:$0x8] =	stream.linear.gather [hbm:s2], $0x1A90, $0x38;
	[tilespmem:$0xF030] =	vst v63  }
.LBB3_5:
0xa9: {  	p1 =	slt.u32 s24, $0x2  }
0xaa: {  	p2 =	sge.u32 @!p1 s24, s12  }
0xab: {  	p1 =	por p1, p2  }
.Ltmp12:
0xac: {  	_ = 	snop;
	(pc) =	sbr.rel @p1 .LBB3_9-.Ltmp12, $1  }
0xad: {  	_ =	sdelay $0x3  }
0xae: {  	s0 =	sadd.s32 $0xFFFFFFFE, s24  }
0xaf: {  	s2 =	smulhi.u32 $0xAAAAAAAB, s0;
	_ =	sdelay $0x1  }
0xb0: {  	s2 =	sshrl.u32 s2, $0x1  }
0xb1: {  	s2 =	smul.u32 $0x3, s2;
	_ =	sdelay $0x1  }
0xb2: {  	s0 =	ssub.s32 s0, s2  }
0xb3: {  	_ =	swait.ge [sflag:s8], $0x3520;
	s0 =	smul.u32 $0x1A90, s0  }
0xb4: {  	p1 =	sne.s32 s24, s11;
	[sflag:s8] =	ssyncset.done $0x0  }
0xb5: {  	[sflag:s8] =	ssyncadd.s32 $0xFFFFCAE0;
	s2 =	sadd.s32 @!p1 $0x1B8F, s0  }
0xb6: {  	[spmem:s13] =	stream.linear.scatter @!p1 [tilespmem:s2], [sflag:$0x1], $0x1, $0x38;
	[tilespmem:$0xF030] =	vst v63  }
0xb7: {  	s2 =	simm.s32 @!p1 $0x1  }
0xb8: {  	_ =	swait.ge @!p1 [sflag:s2], $0x1  }
0xb9: {  	s22 =	sshll.u32 s24, $0x4;
	[sflag:s2] =	ssyncset.done @!p1 $0x0  }
0xba: {  	s25 =	sand.u32 $0x10, s22;
	[sflag:s2] =	ssyncadd.s32 @!p1 $0xFFFFFFFF  }
0xbb: {  	s2 =	sxor.u32 $0x10, s25;
	v4 =	vld [tilespmem:s25+$0x10]  }
0xbc: {  	v5 =	vld [tilespmem:s2+$0x60]  }
0xbd: {  	v3 =	vld [tilespmem:$0x80];
	_ =	sdelay $0x2  }
0xbe: {  	(v2sf) =	vpush v4, $0x0  }
0xbf: {  	(v2sf) =	vpush v5, $0x0  }
0xc0: {  	(v2sf) =	vpush v3, $0x0;
	_ =	sdelay $0xc  }
0xc1: {  	s6 =	spop (v2sf)  }
0xc2: {  	s28 =	spop (v2sf)  }
0xc3: {  	s26 =	spop (v2sf)  }
0xc4: {  	p2 =	seq.s32 s6, s28;
	p3 =	seq.s32 s26, s6  }
0xc5: {  	p3 =	por p2, p3  }
0xc6: {  	s6 =	sand.u32 $0x1, s24;
	v4 =	vpsel p3, $0xFFFFFFFF, v4  }
0xc7: {  	s28 =	smul.u32 $0x1A90, s6;
	[tilespmem:s25+$0x10] =	vst.msk $0x1, v4  }
0xc8: {  	v4 =	vld [tilespmem:$0x30]  }
0xc9: {  	v5 =	vld [tilespmem:s28+$0x85D0]  }
0xca: {  	v6 =	vld [tilespmem:s25+$0x40];
	_ =	sdelay $0x3  }
0xcb: {  	vm4 =	vmmov vm1;
	v5 =	vadd.f32 v5, v4  }
0xcc: {  	vm5 =	vmmov vm2;
	vm4 =	vmmov @p2 vm2;
	v4 =	vadd.f32 v6, v4  }
0xcd: {  	s22 =	sshll.u32 s6, $0x4;
	vm5 =	vmmov @p3 vm1;
	[tilespmem:s28+$0x85D0] =	vst.msk vm4, v5  }
0xce: {  	[tilespmem:s22+$0xF010] =	vst.msk vm5, v4  }
0xcf: {  	v4 =	vld [tilespmem:s28+$0x6B30];
	_ =	sdelay $0x3  }
0xd0: {  	v5 =	vimm.f32 $0.0e+00  }
0xd1: {  	v4 =	vshift.insert v4, v5, s21  }
0xd2: {  	s29 =	sor.u32 $0x40, s2  }
0xd3: {  	[tilespmem:s29+$0x0] =	vst.msk $0x1, v4  }
0xd4: {  	[tilespmem:s28+$0x6B3F] =	vst.msk $0x1, v5  }
0xd5: {  	v4 =	vld [tilespmem:s0+$0x1B80];
	_ =	sdelay $0x1  }
0xd6: {  	s29 =	smulhi.u32 $0xAAAAAAAB, s20;
	s0 =	simm.s32 $0x1  }
0xd7: {  	s0 =	simm.s32 @!p0 $0x0  }
0xd8: {  	s29 =	sshrl.u32 s29, $0x1;
	s0 =	smul.u32 $0x6A40, s0  }
0xd9: {  	s29 =	smul.u32 $0xFFFEC140, s29;
	v4 =	vshift.insert v4, v1, s21  }
0xda: {  	s0 =	sshrl.u32 s0, $0x2  }
0xdb: {  	s29 =	sshra.s32 s29, $0x2;
	s30 =	sadd.s32 $0x85D0, s0;
	[tilespmem:s2+$0x10] =	vst.msk $0x1, v4  }
0xdc: {  	s6 =	sadd.s32 s29, s19;
	v6 =	vld [tilespmem:s30+$0x0]  }
0xdd: {  	v7 =	vld [tilespmem:s6+$0x0];
	_ =	sdelay $0x3  }
0xde: {  	v5 =	vadd.f32 v6, v5  }
0xdf: {  	vm4 =	vne.s32 v7, $0xFFFFFFFF  }
0xe0: {  	(xrf2) =	vadd.seg.scan.f32 vm4, v5;
	_ =	sdelay $0x3  }
0xe1: {  	s31 =	sadd.s32 $0x50B0, s0;
	v5 =	vperm.xlane v4, v1  }
0xe2: {  	v6 =	vld [tilespmem:s31+$0x0]  }
0xe3: {  	vm5 =	veq.s32 v7, v3;
	vm6 =	veq.s32 v7, v5  }
0xe4: {  	vm7 =	vgt.u32 v7, $0xFFFFFFFD;
	vm6 =	vmor vm6, vm5  }
0xe5: {  	vm6 =	vmor vm6, vm7  }
0xe6: {  	v9 =	vld [tilespmem:$0xA0];
	v7 =	vsel vm6, $0xFFFFFFFF, v7  }
0xe7: {  	v10 =	vld [tilespmem:$0x90];
	v6 =	vsel vm5, $0x0, v6;
	v8, _, _ =	vpop (xrf2)  }
0xe8: {  	v6 =	vadd.f32 v8, v6  }
0xe9: {  	s0 =	sadd.s32 $0xBAF0, s0  }
0xea: {  	vm4 =	vmand vm4, vm3;
	[tilespmem:s0+$0x0] =	vst v6;
	(ifvalue) =	ssetifvalue $0xFFFFFFFF  }
0xeb: {  	vm6 =	veq.s32 v9, $0x1;
	[hbm4b:s1+s16] =	stream.indirect_vreg.scatter [tilespmem:s0], [sflag:$0x2], $0x1, v7, vm0, $0x4038;
	v7 =	vsel vm4, $0x0, v8;
	[tilespmem:$0xF030] =	vst v63  }
0xec: {  	s29 =	sadd.s32 $0xF010, s22;
	s22 =	sadd.s32 $0x10, s6;
	s2 =	simm.s32 $0x0;
	vm4 =	vmor vm6, vm5;
	v6 =	vsel vm5, v8, v10;
	v7 =	vshift.insert v7, v0, s21  }
.LBB3_7:
0xed: {  	v8 =	vld [tilespmem:s22+$0x0];
	s30 =	sadd.s32 $0x10, s30  }
0xee: {  	s31 =	sadd.s32 $0x10, s31;
	v9 =	vld [tilespmem:s30+$0x0]  }
0xef: {  	s2 =	sadd.s32 $0x10, s2;
	v10 =	vld [tilespmem:s31+$0x0]  }
0xf0: {  	p2 =	slt.u32 s2, $0x1A80;
	_ =	sdelay $0x2  }
0xf1: {  	v7 =	vadd.f32 v9, v7  }
0xf2: {  	vm5 =	vne.s32 v8, $0xFFFFFFFF  }
0xf3: {  	vm6 =	vmand vm5, vm3;
	(xrf2) =	vadd.seg.scan.f32 vm5, v7;
	_ =	sdelay $0x5  }
0xf4: {  	vm7 =	veq.s32 v8, v5;
	vm5 =	veq.s32 v8, v3  }
0xf5: {  	vm8 =	vgt.u32 v8, $0xFFFFFFFD;
	vm4 =	vmor vm4, vm5;
	vm7 =	vmor vm7, vm5  }
0xf6: {  	vm7 =	vmor vm7, vm8  }
0xf7: {  	v8 =	vsel vm7, $0xFFFFFFFF, v8  }
.Ltmp13:
0xf8: {  	v7 =	vsel vm5, $0x0, v10;
	v9, _, _ =	vpop (xrf2);
	(pc) =	sbr.rel @p2 .LBB3_7-.Ltmp13, $4  }
0xf9: {  	v6 =	vsel vm5, v9, v6;
	v10 =	vadd.f32 v9, v7;
	v7 =	vsel vm6, $0x0, v9  }
0xfa: {  	s0 =	sadd.s32 $0x10, s0;
	v7 =	vshift.insert v7, v0, s21  }
0xfb: {  	s22 =	sadd.s32 $0x10, s22;
	[tilespmem:s0+$0x0] =	vst v10;
	(ifvalue) =	ssetifvalue $0xFFFFFFFF  }
0xfc: {  	[hbm4b:s1+s16] =	stream.indirect_vreg.scatter [tilespmem:s0], [sflag:$0x2], $0x1, v8, vm0, $0x4038;
	[tilespmem:$0xF030] =	vst v63  }
0xfd: {  	v3 =	vld [tilespmem:s28+$0xD570];
	_ =	sdelay $0x4  }
0xfe: {  	v3 =	vshift.insert v3, v0, s21  }
0xff: {  	s0 =	simm.s32 $0x30  }
0x100: {  	[tilespmem:s0+$0x0] =	vst.msk $0x1, v3  }
0x101: {  	v3 =	vsel vm4, $0x1, v1;
	[tilespmem:$0x90] =	vst v6  }
0x102: {  	s0 =	sadd.s32 @!p1 $0xD57F, s28;
	[tilespmem:$0xA0] =	vst v3  }
0x103: {  	[spmem:s14] =	stream.linear.scatter @!p1 [tilespmem:s0], [sflag:$0x1], $0x1, $0x38;
	[tilespmem:$0xF030] =	vst v63  }
0x104: {  	s0 =	simm.s32 @!p1 $0x1  }
0x105: {  	v3 =	vmctz.xlane @!p1 vm4;
	_ =	swait.ge @!p1 [sflag:s0], $0x1  }
0x106: {  	(v2sf) =	vpush @!p1 v4, $0x0  }
0x107: {  	(v2sf) =	vpush @!p1 v3, $0x0;
	_ =	sdelay $0xd  }
0x108: {  	s2 =	spop @!p1 (v2sf)  }
0x109: {  	s6 =	spop @!p1 (v2sf)  }
0x10a: {  	p2 =	sne.s32 @!p1 s26, s2;
	p3 =	slt.s32 @!p1 s6, $0xF  }
0x10b: {  	[sflag:s0] =	ssyncset.done @!p1 $0x0;
	p2 =	por p2, p1;
	p3 =	por !p3, p1  }
0x10c: {  	[sflag:s0] =	ssyncadd.s32 @!p1 $0xFFFFFFFF;
	v3 =	vimm.s32 @!p2 $0xFFFFFFFF;
	s6 =	simm.s32 @p3 $0xF  }
0x10d: {  	[tilespmem:$0x80] =	vst @!p2 v3;
	s2 =	sadd.s32 @!p1 $0x90, s6  }
0x10e: {  	[spmem:s10] =	stream.linear.scatter @!p1 [tilespmem:s2], [sflag:$0x1], $0x1, $0x38;
	[tilespmem:$0xF030] =	vst v63  }
0x10f: {  	_ =	swait.ge @!p1 [sflag:s0], $0x1  }
0x110: {  	[sflag:s0] =	ssyncset.done @!p1 $0x0  }
0x111: {  	s2 =	simm.s32 @!p1 $0x80;
	[sflag:s0] =	ssyncadd.s32 @!p1 $0xFFFFFFFF  }
0x112: {  	[spmem:s15] =	stream.linear.scatter @!p1 [tilespmem:s2], [sflag:$0x1], $0x1, $0x38;
	[tilespmem:$0xF030] =	vst v63  }
0x113: {  	_ =	swait.ge @!p1 [sflag:s0], $0x1  }
0x114: {  	[sflag:s0] =	ssyncset.done @!p1 $0x0  }
0x115: {  	[sflag:s0] =	ssyncadd.s32 @!p1 $0xFFFFFFFF;
	(ifvalue) =	ssetifvalue $0xFFFFFFFF;
	v3 =	vld [tilespmem:s25+$0x10];
	_ =	sdelay $0x3  }
.Ltmp14:
0x116: {  	_ = 	snop;
	(pc) =	sbr.rel .LBB3_9-.Ltmp14, $3  }
0x117: {  	_ =	sdelay $0x1  }
0x118: {  	(ifvalue) =	ssetifvalue $0xFFFFFFFF  }
0x119: {  	[hbm4b:s1+s16] =	stream.indirect_vreg.scatter [tilespmem:s29], [sflag:$0x9], $0x1, v3, vm0, $0x4038;
	[tilespmem:$0xF030] =	vst v63  }
.LBB3_10:
0x11a: {  	_ =	sfence.sel $0x180000  }
0x11b: {  	s0 =	simm.s32 $0x7;
	[bflag:$0x0] =	sbarrier.arrive $0xFFFF  }
0x11c: {  	s26 =	simm.s32 $0x8;
	[sflag:s0] =	ssyncpa.u1 $0x1  }
0x11d: {  	s28 =	simm.s32 $0x9;
	[sflag:s26] =	ssyncpa.u1 $0x1  }
0x11e: {  	[sflag:s28] =	ssyncpa.u1 $0x1  }
0x11f: {  	_ =	sfence.stream.spmem  }
0x120: {  	s29 =	simm.s32 $0x3;
	[bflag:$0x0] =	sbarrier.arrive $0xFFFF  }
0x121: {  	s30 =	simm.s32 $0x4;
	[sflag:s29] =	ssyncpa.u1 $0x1  }
0x122: {  	s31 =	simm.s32 $0x3C;
	s2 =	stileid.u32;
	[sflag:s30] =	ssyncpa.u1 $0x1  }
0x123: {  	p0 =	sne.s32 s2, $0x0;
	[sflag:s31] =	ssyncpa.u1 $0x1  }
0x124: {  	s0 =	simm.s32 @p0 $0x1;
	_ =	sfence @p0  }
0x125: {  	[sflag:s0] =	ssyncpa.u1 @p0 $0x1;
	s0 =	simm.s32 @p0 $0x2  }
0x126: {  	[sflag:s0] =	ssyncpa.u1 @p0 $0x1  }
0x127: {  	_ =	strace @p0 $0x90000059  }
0x128: {  	[bflag:$0x2] =	sbarrier.arrive @p0 $0xFFFF  }
0x129: {  	_ =	shalt @p0  }
.LBB3_11:
0x12a: {  	_ =	sfence.stream.spmem;
	s0 =	simm.s32 $0x5  }
0x12b: {  	s2 =	simm.s32 $0x80;
	s3 =	simm.s32 $0xC0;
	[sflag:s0] =	ssyncpa.u1 $0x0  }
0x12c: {  	[tilespmem:s3], [sflag:$0x5] =	stream.linear.gather [spmem:s2], $0x20, $0x38;
	[tilespmem:$0xF030] =	vst v63  }
0x12d: {  	s2 =	simm.s32 $0x0;
	s3 =	simm.s32 $0xE0  }
0x12e: {  	[tilespmem:s3], [sflag:$0x5] =	stream.linear.gather [spmem:s2], $0x20, $0x38;
	[tilespmem:$0xF030] =	vst v63  }
.Ltmp15:
0x12f: {  	_ = 	snop;
	(pc) =	sbr.rel .LBB3_12-.Ltmp15, $4  }
0x130: {  	_ =	swait.ge [sflag:s0], $0x40  }
0x131: {  	[sflag:s0] =	ssyncset.done $0x0  }
0x132: {  	s31 =	simm.s32 $0x6;
	[sflag:s0] =	ssyncadd.s32 $0xFFFFFFC0  }
0x133: {  	s4 =	simm.s32 $0x0;
	[sflag:s31] =	ssyncpa.u1 $0x0  }
.LBB3_17:
0x134: {  	p0 =	sgt.u32 s5, $0x27FF  }
0x135: {  	s0 =	sshrl.u32 @!p0 s5, $0x3  }
0x136: {  	s5 =	sand.u32 @!p0 $0x7, s5;
	s6 =	simm.s32 @!p0 $0xB0;
	s0 =	sadd.s32 @!p0 s1, s0  }
0x137: {  	[tilespmem:s6], [sflag:$0x6] =	stream.linear.gather @!p0 [hbm4b:s0+s5], $0x1, $0x38;
	[tilespmem:$0xF030] =	vst v63  }
0x138: {  	s0 =	simm.s32 @!p0 $0x6  }
0x139: {  	_ =	swait.ge @!p0 [sflag:s0], $0x1  }
0x13a: {  	[sflag:s0] =	ssyncset.done @!p0 $0x0  }
0x13b: {  	[sflag:s0] =	ssyncadd.s32 @!p0 $0xFFFFFFFF  }
0x13c: {  	v2 =	vmov @!p0 s4;
	v1 =	vld.msk @!p0 [tilespmem:$0xB0], $0x1;
	_ =	sdelay $0x3  }
0x13d: {  	s0 =	simm.s32 @!p0 $0xE0  }
0x13e: {  	[tilespmem:v2+s0+$0x0], v1 =	vst.idx.ret.add.f32.msk @!p0 $0x1, v1  }
0x13f: {  	[tilespmem:s2+$0xC0] =	vst.msk $0x1, v0  }
0x140: {  	v0 =	vld.msk [tilespmem:s4+$0xE0], $0x1;
	_ =	sdelay $0x4  }
0x141: {  	[tilespmem:s2+$0xE0] =	vst.msk $0x1, v0;
	s2 =	sadd.s32 $0x1, s2  }
.LBB3_19:
0x142: {  	s4 =	sadd.s32 $0x1, s4  }
0x143: {  	p0 =	sne.s32 s4, $0x20  }
.Ltmp16:
0x144: {  	_ = 	snop;
	(pc) =	sbr.rel @!p0 .LBB3_20-.Ltmp16, $1  }
0x145: {  	_ =	sdelay $0x3  }
.LBB3_12:
0x146: {  	v0 =	vld.msk [tilespmem:s4+$0xC0], $0x1;
	_ =	sdelay $0x4  }
0x147: {  	(v2sf) =	vpush v0, $0x0;
	_ =	sdelay $0xe  }
0x148: {  	s5 =	spop (v2sf)  }
0x149: {  	p0 =	seq.s32 s5, $0xFFFFFFFF  }
.Ltmp17:
0x14a: {  	_ = 	snop;
	(pc) =	sbr.rel @p0 .LBB3_19-.Ltmp17, $1  }
0x14b: {  	_ =	sdelay $0x3  }
0x14c: {  	p0 =	slt.s32 s2, $0x1  }
.Ltmp18:
0x14d: {  	_ = 	snop;
	(pc) =	sbr.rel @p0 .LBB3_17-.Ltmp18, $1  }
0x14e: {  	_ =	sdelay $0x3  }
0x14f: {  	s0 =	simm.s32 $0xC0;
	p0 =	por $0x0, $0x0  }
0x150: {  	v1 =	vld.msk @!p0 [tilespmem:s0+$0x0], $0x1;
	_ =	sdelay $0x4  }
0x151: {  	(v2sf) =	vpush @!p0 v1, $0x0;
	_ =	sdelay $0xd  }
0x152: {  	p2 =	sne.s32 s2, $0x1  }
.Ltmp19:
0x153: {  	s6 =	spop @!p0 (v2sf);
	(pc) =	sbr.rel @!p2 .LBB3_16-.Ltmp19, $4  }
0x154: {  	p1 =	seq.s32 @!p0 s5, s6  }
0x155: {  	s6 =	simm.s32 $0x0;
	p1 =	por !p1, p0  }
0x156: {  	s8 =	simm.s32 $0xFFFFFFFF;
	s6 =	simm.s32 @p1 $0xFFFFFFFF  }
0x157: {  	s7 =	simm.s32 $0x1;
	s6 =	smov.u32 @p0 s8  }
.LBB3_15:
0x158: {  	s8 =	smov.u32 s6;
	p0 =	sne.s32 s6, $0xFFFFFFFF  }
0x159: {  	s0 =	sadd.s32 $0x1, s0;
	s6 =	smov.u32 s7;
	s7 =	sadd.s32 $0x1, s7  }
0x15a: {  	p1 =	sne.s32 s2, s7;
	v1 =	vld.msk @!p0 [tilespmem:s0+$0x0], $0x1;
	_ =	sdelay $0x4  }
0x15b: {  	(v2sf) =	vpush @!p0 v1, $0x0;
	_ =	sdelay $0xe  }
.Ltmp20:
0x15c: {  	s9 =	spop @!p0 (v2sf);
	(pc) =	sbr.rel @p1 .LBB3_15-.Ltmp20, $4  }
0x15d: {  	p2 =	seq.s32 @!p0 s5, s9  }
0x15e: {  	p2 =	por !p2, p0  }
0x15f: {  	s6 =	simm.s32 @p2 $0xFFFFFFFF  }
0x160: {  	s6 =	smov.u32 @p0 s8  }
.LBB3_16:
0x161: {  	p0 =	sne.s32 s6, $0xFFFFFFFF  }
.Ltmp21:
0x162: {  	_ = 	snop;
	(pc) =	sbr.rel @!p0 .LBB3_17-.Ltmp21, $1  }
0x163: {  	_ =	sdelay $0x3  }
0x164: {  	v0 =	vld.msk [tilespmem:s4+$0xE0], $0x1;
	v1 =	vmov s6  }
.Ltmp22:
0x165: {  	_ = 	snop;
	(pc) =	sbr.rel .LBB3_19-.Ltmp22, $2  }
0x166: {  	_ =	sdelay $0x2  }
0x167: {  	[tilespmem:v1+s3+$0x0], v0 =	vst.idx.ret.add.f32.msk $0x1, v0  }
.LBB3_20:
0x168: {  	p0 =	slt.s32 s2, $0x1  }
.Ltmp23:
0x169: {  	_ = 	snop;
	(pc) =	sbr.rel @p0 .LBB3_24-.Ltmp23, $3  }
0x16a: {  	_ =	sdelay $0x1  }
0x16b: {  	s0 =	simm.s32 $0x6  }
0x16c: {  	s3 =	simm.s32 $0x0;
	[sflag:s0] =	ssyncpa.u1 $0x1  }
0x16d: {  	s0 =	simm.s32 $0xC0  }
0x16e: {  	v0 =	vld.msk [tilespmem:s0+$0x0], $0x1;
	_ =	sdelay $0x4  }
0x16f: {  	(v2sf) =	vpush v0, $0x0;
	_ =	sdelay $0xe  }
0x170: {  	s2 =	sadd.s32 $0xFFFFFFFF, s2;
	s4 =	spop (v2sf)  }
0x171: {  	p1 =	sne.s32 s2, $0x0;
	p0 =	sgt.u32 s4, $0x27FF  }
.Ltmp24:
0x172: {  	s5 =	sshrl.u32 @!p0 s4, $0x3;
	(pc) =	sbr.rel @!p1 .LBB3_23-.Ltmp24, $4  }
0x173: {  	s0 =	simm.s32 $0xE0;
	s4 =	sand.u32 @!p0 $0x7, s4;
	s5 =	sadd.s32 @!p0 s1, s5  }
0x174: {  	[hbm4b:s5+s4] =	stream.linear.scatter @!p0 [tilespmem:s0], [sflag:$0x5], $0x1, $0x38;
	[tilespmem:$0xF030] =	vst v63  }
0x175: {  	s5 =	simm.s32 $0x0  }
0x176: {  	s4 =	simm.s32 $0xC1;
	s5 =	simm.s32 @!p0 $0x4  }
.LBB3_22:
0x177: {  	v0 =	vld.msk [tilespmem:s4+$0x0], $0x1;
	s2 =	sadd.s32 $0xFFFFFFFF, s2;
	s3 =	sadd.s32 s3, s5  }
0x178: {  	p0 =	sne.s32 s2, $0x0;
	_ =	sdelay $0x3  }
0x179: {  	(v2sf) =	vpush v0, $0x0;
	_ =	sdelay $0xe  }
.Ltmp25:
0x17a: {  	s6 =	spop (v2sf);
	(pc) =	sbr.rel @p0 .LBB3_22-.Ltmp25, $4  }
0x17b: {  	s5 =	simm.s32 $0x0;
	p1 =	sgt.u32 s6, $0x27FF  }
0x17c: {  	s0 =	sadd.s32 $0x1, s0;
	s5 =	simm.s32 @!p1 $0x4;
	s7 =	sshrl.u32 @!p1 s6, $0x3  }
0x17d: {  	s4 =	sadd.s32 $0x1, s4;
	s6 =	sand.u32 @!p1 $0x7, s6;
	s7 =	sadd.s32 @!p1 s1, s7  }
0x17e: {  	[hbm4b:s7+s6] =	stream.linear.scatter @!p1 [tilespmem:s0], [sflag:$0x5], $0x1, $0x38;
	[tilespmem:$0xF030] =	vst v63  }
.LBB3_23:
0x17f: {  	s0 =	sadd.s32 s3, s5  }
0x180: {  	s3 =	sshrl.u32 s0, $0x2  }
.LBB3_24:
0x181: {  	s0 =	simm.s32 $0x5  }
0x182: {  	_ =	swait.ge [sflag:s0], s3  }
0x183: {  	s1 =	ssub.s32 $0x0, s3;
	[sflag:s0] =	ssyncset.done $0x0  }
0x184: {  	[sflag:s0] =	ssyncadd.s32 s1  }
0x185: {  	[sflag:s0] =	ssyncpa.u1 $0x1  }
0x186: {  	s29 =	simm.s32 $0x1;
	_ =	sfence  }
0x187: {  	s30 =	simm.s32 $0x2;
	[sflag:s29] =	ssyncpa.u1 $0x1  }
0x188: {  	[sflag:s30] =	ssyncpa.u1 $0x1  }
0x189: {  	_ =	strace $0x90000059  }
0x18a: {  	[bflag:$0x2] =	sbarrier.arrive $0xFFFF  }
0x18b: {  	s31 =	rddreg [dreg:$0x2]  }
0x18c: {  	s0 =	sadd.s32 $0x100000, s31  }
0x18d: {  	[sflag:s0] =	ssyncadd.tile.s32 $0x1;
	_ =	shalt  }
.Lfunc_end3:
_tile_overlayer_lowered:
.L_overlay_start_3:
0x18e: {  	(tag) =	ssettag $0x3  }
0x18f: {  	s0 =	rddreg [dreg:$0x0];
	s2 =	stileid.u32  }
0x190: {  	s1 =	rddreg [dreg:$0x1];
	p0 =	sne.s32 s2, $0x0  }
0x191: {  	s3 =	rddreg [dreg:$0x2];
	[bflag:$0x3] =	sbarrier.arrive $0xFFFF;
	s2 =	simm.s32 @!p0 $0x1C01  }
0x192: {  	[timem:s3], [sflag:s2] =	dma.local @!p0 [hbm:s0], s1  }
0x193: {  	s0 =	simm.s32 @!p0 $0x1  }
0x194: {  	_ =	swait.ge @!p0 [sflag:s0], s1  }
0x195: {  	s1 =	ssub.s32 @!p0 $0x0, s1;
	[sflag:s0] =	ssyncset.done @!p0 $0x0  }
0x196: {  	[sflag:s0] =	ssyncadd.s32 @!p0 s1  }
0x197: {  	[bflag:$0x3] =	sbarrier.arrive $0xFFFF  }
0x198: {  	_ =	shalt  }

// kernel: scatter_offload_async_start.5
scs
__scs_entry_jumppad:
0x0: {  	(pc) =	sbr.rel $0x88, $3  }
0x1: {  	(tag) =	ssettag $0x0;
	lr =	simm.s32 $0x1  }
0x2: {  	[smem:$0x3F92] =	sst lr;
	_ =	strace $0xD0000000  }
0x3: {  	_ = 	snop  }
0x4: {  	_ = 	snop  }
0x5: {  	_ = 	snop  }
0x6: {  	_ = 	snop  }
0x7: {  	_ = 	snop  }
__scs_overlays_trampoline_lowered:
0x8: {  	[smem:$0x3FA1] =	sst s0  }
0x9: {  	[smem:$0x3FA2] =	sst s1  }
0xa: {  	[smem:$0x3FA3] =	sst s2  }
0xb: {  	[smem:$0x3FA4] =	sst s3  }
0xc: {  	[smem:$0x3FA5] =	sst s4  }
0xd: {  	[smem:$0x3FA6] =	sst s5  }
0xe: {  	[smem:$0x3FA7] =	sst s6  }
0xf: {  	[smem:$0x3FA8] =	sst s7  }
0x10: {  	[smem:$0x3FA9] =	sst s8  }
0x11: {  	[smem:$0x3FAA] =	sst s9;
	s0 =	simm.s32 @!p0 $0x0  }
0x12: {  	s1 =	sld [smem:$0x3F90];
	s0 =	simm.s32 @p0 $0x1  }
0x13: {  	[smem:$0x3FAB] =	sst s0;
	s0 =	simm.s32 @!p1 $0x0  }
0x14: {  	s2 =	sld [smem:$0x3F8F];
	s0 =	simm.s32 @p1 $0x1  }
0x15: {  	[smem:$0x3FAC] =	sst s0;
	s0 =	simm.s32 @!p2 $0x0  }
0x16: {  	s3 =	sld [smem:$0x3FDB];
	s0 =	simm.s32 @p2 $0x1  }
0x17: {  	s4 =	simm.s32 $0x1BF5;
	[smem:$0x3FAE] =	sst s0  }
0x18: {  	s0 =	sld [smem:$0x3F91];
	_ =	swait.ge [sflag:s4], $0x0  }
0x19: {  	s7 =	sld [smem:$0x3F92]  }
0x1a: {  	s8 =	sadd.s32 $0xFFFFE003, lr  }
0x1b: {  	s9 =	sadd.s32 $0xFFFFFEF7, lr;
	s5 =	simm.s32 $0xFFFFFFFF;
	p2 =	slt.u32 s8, $0xFFFFF086  }
0x1c: {  	p1 =	slt.u32 s9, $0xF7A;
	s5 =	simm.s32 @!p2 $0x0  }
0x1d: {  	s5 =	simm.s32 @p1 $0x1;
	p0 =	seq.s32 s7, s2  }
0x1e: {  	s7 =	smul.u32 @!p0 $0xF7A, s2;
	p2 =	seq.s32 @!p0 s5, $0x0  }
0x1f: {  	s9 =	smul.u32 $0xF7A, s1;
	s8 =	simm.s32 @!p0 $0x1BF5;
	p2 =	por !p2, p0  }
0x20: {  	[sflag:s8] =	ssyncset.s32 @!p0 $0xFFFFF086;
	s6 =	sadd.s32 @!p0 s3, s7;
	s7 =	simm.s32 @!p0 $0x108  }
0x21: {  	s3 =	sadd.s32 s3, s9;
	s6 =	sadd.s32 @!p0 $0x88, s6;
	s7 =	simm.s32 @p2 $0x1082  }
0x22: {  	[simem:s7], [sflag:s8] =	dma.local @!p0 [hbm:s6], $0xF7A  }
0x23: {  	s9 =	sor.u32 $0xD0000000, s2;
	s6 =	simm.s32 $0x108;
	_ =	swait.ge @!p0 [sflag:s8], $0x0  }
0x24: {  	s3 =	sadd.s32 $0x88, s3;
	s6 =	simm.s32 @!p1 $0x1082;
	[sflag:s4] =	ssyncset.s32 $0xFFFFF086  }
0x25: {  	[simem:s6], [sflag:s4] =	dma.local [hbm:s3], $0xF7A  }
0x26: {  	[smem:$0x3F92] =	sst s1;
	(tag) =	ssettag s2;
	_ =	strace s9  }
0x27: {  	s1 =	sld [smem:$0x3FA2]  }
0x28: {  	s2 =	sld [smem:$0x3FA3]  }
0x29: {  	s4 =	sld [smem:$0x3FA5]  }
0x2a: {  	p0 =	seq.s32 s5, $0x0;
	s5 =	sld [smem:$0x3FA6]  }
0x2b: {  	s6 =	sld [smem:$0x3FA7]  }
0x2c: {  	s7 =	sld [smem:$0x3FA8]  }
0x2d: {  	s3 =	simm.s32 $0x108;
	s8 =	sld [smem:$0x3FA9]  }
0x2e: {  	s3 =	simm.s32 @!p0 $0x1082;
	s9 =	sld [smem:$0x3FAA]  }
0x2f: {  	lr =	sadd.s32 s0, s3;
	s0 =	sld [smem:$0x3FA1]  }
0x30: {  	s3 =	sld [smem:$0x3FA4]  }
0x31: {  	[smem:$0x3FAD] =	sst s10  }
0x32: {  	s10 =	sld [smem:$0x3FAB];
	_ =	sdelay $0x3  }
0x33: {  	p0 =	seq.s32 s10, $0x1;
	s10 =	sld [smem:$0x3FAD];
	_ =	sdelay $0x3  }
0x34: {  	[smem:$0x3FAD] =	sst s10  }
0x35: {  	s10 =	sld [smem:$0x3FAC];
	_ =	sdelay $0x3  }
0x36: {  	p1 =	seq.s32 s10, $0x1;
	s10 =	sld [smem:$0x3FAD];
	_ =	sdelay $0x3  }
0x37: {  	[smem:$0x3FAD] =	sst s10  }
0x38: {  	s10 =	sld [smem:$0x3FAE]  }
0x39: {  	_ = 	snop;
	(pc) =	sbr.ind lr, $3  }
0x3a: {  	_ = 	snop  }
0x3b: {  	_ = 	snop  }
0x3c: {  	p2 =	seq.s32 s10, $0x1;
	s10 =	sld [smem:$0x3FAD]  }
0x3d: {  	_ =	shalt  }
0x3e: {  	_ =	shalt  }
0x3f: {  	_ =	shalt  }
0x40: {  	_ =	shalt  }
0x41: {  	_ =	shalt  }
0x42: {  	_ =	shalt  }
0x43: {  	_ =	shalt  }
0x44: {  	_ =	shalt  }
0x45: {  	_ =	shalt  }
0x46: {  	_ =	shalt  }
0x47: {  	_ =	shalt  }
0x48: {  	_ =	shalt  }
0x49: {  	_ =	shalt  }
0x4a: {  	_ =	shalt  }
0x4b: {  	_ =	shalt  }
0x4c: {  	_ =	shalt  }
0x4d: {  	_ =	shalt  }
0x4e: {  	_ =	shalt  }
0x4f: {  	_ =	shalt  }
0x50: {  	_ =	shalt  }
0x51: {  	_ =	shalt  }
0x52: {  	_ =	shalt  }
0x53: {  	_ =	shalt  }
0x54: {  	_ =	shalt  }
0x55: {  	_ =	shalt  }
0x56: {  	_ =	shalt  }
0x57: {  	_ =	shalt  }
0x58: {  	_ =	shalt  }
0x59: {  	_ =	shalt  }
0x5a: {  	_ =	shalt  }
0x5b: {  	_ =	shalt  }
0x5c: {  	_ =	shalt  }
0x5d: {  	_ =	shalt  }
0x5e: {  	_ =	shalt  }
0x5f: {  	_ =	shalt  }
0x60: {  	_ =	shalt  }
0x61: {  	_ =	shalt  }
0x62: {  	_ =	shalt  }
0x63: {  	_ =	shalt  }
0x64: {  	_ =	shalt  }
0x65: {  	_ =	shalt  }
0x66: {  	_ =	shalt  }
0x67: {  	_ =	shalt  }
0x68: {  	_ =	shalt  }
0x69: {  	_ =	shalt  }
0x6a: {  	_ =	shalt  }
0x6b: {  	_ =	shalt  }
0x6c: {  	_ =	shalt  }
0x6d: {  	_ =	shalt  }
0x6e: {  	_ =	shalt  }
0x6f: {  	_ =	shalt  }
0x70: {  	_ =	shalt  }
0x71: {  	_ =	shalt  }
0x72: {  	_ =	shalt  }
0x73: {  	_ =	shalt  }
0x74: {  	_ =	shalt  }
0x75: {  	_ =	shalt  }
0x76: {  	_ =	shalt  }
0x77: {  	_ =	shalt  }
0x78: {  	_ =	shalt  }
0x79: {  	_ =	shalt  }
0x7a: {  	_ =	shalt  }
0x7b: {  	_ =	shalt  }
0x7c: {  	_ =	shalt  }
0x7d: {  	_ =	shalt  }
0x7e: {  	_ =	shalt  }
0x7f: {  	_ =	shalt  }
0x80: {  	_ =	shalt  }
0x81: {  	_ =	shalt  }
0x82: {  	_ =	shalt  }
0x83: {  	_ =	shalt  }
0x84: {  	_ =	shalt  }
0x85: {  	_ =	shalt  }
0x86: {  	_ =	shalt  }
0x87: {  	_ =	shalt  }
.Lfunc_end0:
.L_simem_size_0:
called_computation.5_lowered:
.L_overlay_start_0:
0x88: {  	s0 =	sld [smem:$0x3FD9]  }
0x89: {  	s1 =	sld [smem:$0x3FFE];
	_ =	sdelay $0x3  }
0x8a: {  	s0 =	sadd.s32 s1, s0  }
0x8b: {  	[smem:$0x3FB9] =	sst s0  }
0x8c: {  	_ = 	snop  }
0x8d: {  	(tm) =	ssettm $0x1  }
0x8e: {  	s15 =	sld [smem:$0x3FFB];
	_ =	sdelay $0x3  }
0x8f: {  	_ =	strace s15  }
0x90: {  	s0 =	sld [smem:$0x3FFC];
	_ =	sdelay $0x3  }
0x91: {  	_ =	strace s0  }
0x92: {  	s0 =	sld [smem:$0x3FFD];
	_ =	sdelay $0x3  }
0x93: {  	_ =	strace s0  }
0x94: {  	_ =	strace $0x8FFFFFFF  }
0x95: {  	s16 =	sld [smem:$0x3FDB];
	_ =	sdelay $0x1  }
0x96: {  	s17 =	simm.s32 $_scs_section_size  }
0x97: {  	s2 =	simm.s32 $_size__tile_overlayer_lowered;
	s3 =	simm.s32 $_tile_overlayer_lowered  }
0x98: {  	s20 =	simm.s32 $0x1BFF;
	s19 =	sshll.u32 s3, $0x1;
	s0 =	sadd.s32 s17, s16  }
0x99: {  	s4 =	simm.s32 $0x0;
	s18 =	sshll.u32 s2, $0x1;
	s2 =	sadd.s32 s19, s0  }
0x9a: {  	[timem:s4], [sflag:s20] =	dma.local [hbm:s2], s18  }
0x9b: {  	_ =	swait.ge [sflag:s20], s18  }
0x9c: {  	s1 =	ssub.s32 $0x0, s18;
	[sflag:s20] =	ssyncset.done $0x0  }
0x9d: {  	[sflag:s20] =	ssyncadd.s32 s1;
	_ =	sdelay $0x1  }
0x9e: {  	s21 =	simm.s32 $0x1B8B  }
0x9f: {  	_ =	swait.ge [sflag:s21], $0x1  }
0xa0: {  	[sflag:s21] =	ssyncset.done $0x0  }
0xa1: {  	s23 =	simm.s32 $0x1B8E;
	s22 =	sld [smem:$0x3FFE];
	[sflag:s21] =	ssyncadd.s32 $0xFFFFFFFF  }
0xa2: {  	s24 =	simm.s32 $execute0_lowered;
	[smem:$0x3FD2] =	sst s23  }
0xa3: {  	s2 =	sshll.u32 s24, $0x1;
	_ =	strace $0x8000005B;
	[dreg:$0x1] =	wrdreg $0xFFFFFFFF  }
0xa4: {  	s25 =	simm.s32 $_size_execute0_lowered;
	s0 =	sadd.s32 s0, s2;
	[dreg:$0x0] =	wrdreg $0x0  }
0xa5: {  	s2 =	sshll.u32 s25, $0x1;
	[dreg:$0x2] =	wrdreg s0  }
0xa6: {  	[dreg:$0x3] =	wrdreg s2  }
0xa7: {  	[dreg:$0x4] =	wrdreg $0xC0  }
0xa8: {  	_ =	task [dreg:s4], $0x5FFFF  }
0xa9: {  	[dreg:$0x1] =	wrdreg $0xFFFFFFFF  }
0xaa: {  	[dreg:$0x0] =	wrdreg $0x60  }
0xab: {  	[dreg:$0x2] =	wrdreg s22  }
0xac: {  	[dreg:$0x3] =	wrdreg $0x9  }
0xad: {  	_ =	task.clear_ibuf [dreg:s4], $0x4FFFF;
	_ =	strace $0x9000005B  }
0xae: {  	s26 =	simm.s32 $0x9;
	_ =	strace $0x8000005D  }
0xaf: {  	_ =	swait.ge [sflag:s26], $0x1  }
0xb0: {  	[sflag:s26] =	ssyncadd.s32 $0xFFFFFFFF  }
0xb1: {  	_ =	strace $0x9000005D  }
0xb2: {  	_ =	sfence  }
0xb3: {  	s28 =	sld [smem:$0x0];
	_ =	sdelay $0x1  }
0xb4: {  	s29 =	srdreg.scid  }
0xb5: {  	s30 =	sshll.u32 s29, $0xD;
	s31 =	sshrl.u32 s29, $0x2  }
0xb6: {  	s1 =	sand.u32 $0x1, s29;
	s2 =	sand.u32 $0x4000, s30;
	s0 =	sadd.s32 s31, s28  }
0xb7: {  	s1 =	sor.u32 s2, s1;
	s0 =	sshll.u32 s0, $0x11  }
0xb8: {  	s0 =	sor.u32 s0, s1  }
0xb9: {  	s0 =	sadd.s32 $0x8F2B, s0  }
0xba: {  	[sflag:s0] =	ssyncadd.remote.s32 $0x1  }
0xbb: {  	_ =	sfence.sel $0xFFFF  }
0xbc: {  	[dreg:$0x0] =	wrdreg $0xFFFFFFFF;
	(pc) =	sbr.abs _section_cstart, $3  }
0xbd: {  	[dreg:$0x1] =	wrdreg $0xFFFFFFFF  }
0xbe: {  	_ =	task.clear_ibuf [dreg:s4], $0x2FFFF;
	_ =	strace $0x9FFFFFFF  }
0xbf: {  	(tm) =	ssettm $0x7FFFFFFF  }
tec
execute0_lowered:
.L_overlay_start_1:
0x0: {  	(tag) =	ssettag $0x1  }
0x1: {  	s0 =	rddreg [dreg:$0x0];
	_ =	strace $0x8000005C;
	s1 =	simm.s32 $0x1  }
0x2: {  	s8 =	simm.s32 $0x108;
	v0 =	vimm.s32 $0x0;
	[sflag:s1] =	ssyncpa.u1 $0x0  }
0x3: {  	[tilespmem:s8+$0x70] =	vst v0  }
0x4: {  	[tilespmem:s8+$0x60] =	vst v0  }
0x5: {  	[tilespmem:s8+$0x50] =	vst v0  }
0x6: {  	[tilespmem:s8+$0x40] =	vst v0  }
0x7: {  	[tilespmem:s8+$0x30] =	vst v0  }
0x8: {  	s2 =	simm.s32 $0x40;
	s1 =	sadd.s32 $0x2D7800, s0;
	[tilespmem:s8+$0x20] =	vst v0  }
0x9: {  	s3 =	sadd.s32 $0x34E00, s0;
	s4 =	sadd.s32 $0x3F600, s0;
	s5 =	sadd.s32 $0x3A200, s0;
	[tilespmem:s8+$0x10] =	vst v0  }
.LBB2_1:
0xa: {  	s2 =	sadd.s32 $0x40, s2;
	[tilespmem:s8+$0x0] =	vst v0;
	s8 =	sadd.s32 $0x80, s8  }
0xb: {  	p0 =	slt.u32 s2, $0x3C40;
	[tilespmem:s8+$0x70] =	vst v0  }
0xc: {  	[tilespmem:s8+$0x60] =	vst v0  }
.Ltmp0:
0xd: {  	[tilespmem:s8+$0x50] =	vst v0;
	(pc) =	sbr.rel @p0 .LBB2_1-.Ltmp0, $4  }
0xe: {  	[tilespmem:s8+$0x40] =	vst v0  }
0xf: {  	[tilespmem:s8+$0x30] =	vst v0  }
0x10: {  	[tilespmem:s8+$0x20] =	vst v0  }
0x11: {  	[tilespmem:s8+$0x10] =	vst v0  }
0x12: {  	s13 =	stileid.u32  }
0x13: {  	s0 =	smul.u32 $0x2C, s13  }
0x14: {  	s2 =	smin.u32 s13, $0x5  }
0x15: {  	s0 =	sadd.s32 s2, s0  }
0x16: {  	p0 =	slt.u32 s13, $0x5;
	s6 =	smul.u32 $0xF0, s0;
	s0 =	simm.s32 $0x2A30  }
0x17: {  	s0 =	simm.s32 @!p0 $0x2940  }
0x18: {  	s0 =	sadd.s32 s0, s6  }
0x19: {  	s7 =	smin.u32 s0, $0x29810  }
0x1a: {  	s0 =	ssub.s32 s7, s6  }
0x1b: {  	p0 =	sgt.s32 s0, $0x0  }
0x1c: {  	s0 =	simm.s32 @!p0 $0x0  }
0x1d: {  	s31 =	smulhi.u32 $0x88888889, s0  }
0x1e: {  	s30 =	simm.s32 $0x2;
	s9 =	simm.s32 $0x7;
	s10 =	simm.s32 $0x8  }
0x1f: {  	s19 =	simm.s32 $0x0;
	s15 =	simm.s32 $0xA;
	s2 =	sshrl.u32 s31, $0x7  }
0x20: {  	s17 =	simm.s32 $0x0;
	s18 =	simm.s32 $0x0;
	s11 =	smul.u32 $0xF0, s2  }
.Ltmp1:
0x21: {  	[tilespmem:s8+$0x0] =	vst v0;
	v0 =	vimm.s32 $0xFFFFFFFF;
	[sflag:s30] =	ssyncpa.u1 $0x0;
	s13 =	sshll.u32 s13, $0x8;
	(pc) =	sbr.rel .LBB2_3-.Ltmp1, $4  }
0x22: {  	[tilespmem:$0xF208] =	vst v0;
	[sflag:s9] =	ssyncpa.u1 $0x0;
	p0 =	sne.s32 s0, s11;
	s0 =	simm.s32 $0x1  }
0x23: {  	[sflag:s10] =	ssyncpa.u1 $0x0;
	s10 =	simm.s32 $0x9;
	s0 =	simm.s32 @!p0 $0x0  }
0x24: {  	[sflag:s10] =	ssyncpa.u1 $0x0;
	s16 =	smov.u32 s6;
	s12 =	sadd.s32 s0, s2  }
0x25: {  	v0 =	vlaneseq.u32;
	s11 =	simm.s32 $0x1;
	p0 =	por $0x0, $0x0;
	s14 =	sadd.s32 $0x1, s12  }
.LBB2_18:
0x26: {  	s0 =	sshrl.u32 s28, $0x2  }
.LBB2_20:
0x27: {  	_ =	swait.ge [sflag:s15], s0  }
0x28: {  	s31 =	ssub.s32 $0x0, s0;
	v1 =	vmov s21;
	vm0 =	veq.s32 v0, $0x0;
	[sflag:s15] =	ssyncset.done $0x0  }
0x29: {  	vm15 =	veq.s32 v0, $0x2;
	v1 =	vsel vm0, s26, v1;
	[sflag:s15] =	ssyncadd.s32 s31  }
0x2a: {  	v1 =	vsel vm15, s19, v1;
	[sflag:s15] =	ssyncpa.u1 $0x1  }
0x2b: {  	[tilespmem:$0xF208] =	vst v1  }
.LBB2_21:
0x2c: {  	s0 =	sadd.s32 $0xF0, s16  }
0x2d: {  	s2 =	smov.u32 s6;
	p1 =	slt.s32 s0, s7  }
0x2e: {  	s2 =	smov.u32 @p1 s0;
	p1 =	sne.s32 s18, s14  }
.Ltmp2:
0x2f: {  	_ = 	snop;
	(pc) =	sbr.rel @!p1 .LBB2_22-.Ltmp2, $3  }
0x30: {  	_ =	sdelay $0x1  }
0x31: {  	s19 =	smov.u32 s17;
	s31 =	sadd.s32 $0x1, s18;
	s17 =	smov.u32 s16  }
0x32: {  	p0 =	por !p0, !p0;
	s18 =	smov.u32 s31;
	s16 =	smov.u32 s2  }
.LBB2_3:
0x33: {  	p1 =	sge.u32 s18, s12  }
0x34: {  	s0 =	smulhi.u32 @!p1 $0xAAAAAAAB, s18  }
0x35: {  	s2 =	smov.u32 s16;
	p2 =	sgt.s32 @!p1 s16, $0x29720  }
0x36: {  	s20 =	sshra.s32 @!p1 s16, $0x1F;
	p2 =	por !p2, p1;
	s0 =	sshrl.u32 @!p1 s0, $0x1  }
0x37: {  	s20 =	sand.u32 @!p1 s20, s16;
	s2 =	simm.s32 @p2 $0x29720;
	s0 =	smul.u32 @!p1 $0x3, s0  }
0x38: {  	s2 =	ssub.s32 @!p1 s2, s20  }
0x39: {  	s2 =	sadd.s32 @!p1 $0xFFFD68E0, s2;
	s0 =	ssub.s32 @!p1 s18, s0  }
0x3a: {  	s20 =	sshll.u32 @!p1 s2, $0x2;
	p2 =	sgt.s32 @!p1 s2, $0xEF;
	s0 =	smul.u32 @!p1 $0x3C0, s0  }
0x3b: {  	s21 =	sand.u32 @!p1 $0x7, s16;
	s2 =	ssub.s32 @!p1 $0x3C0, s20;
	p2 =	por !p2, p1  }
0x3c: {  	s20 =	sshrl.u32 @!p1 s16, $0x3;
	s2 =	sshrl.u32 @!p1 s2, $0x2;
	s0 =	sshrl.u32 @!p1 s0, $0x2  }
0x3d: {  	s20 =	sadd.s32 @!p1 s5, s20;
	s2 =	simm.s32 @!p2 $0x0;
	s0 =	sadd.s32 @!p1 $0x10238, s0  }
0x3e: {  	[tilespmem:s0], [sflag:$0x8] =	stream.linear.gather @!p1 [hbm4b:s20+s21], s2, $0x38;
	[tilespmem:$0x1F6E8] =	vst v63  }
0x3f: {  	s0 =	sadd.s32 $0xFFFFFFFF, s18  }
0x40: {  	p1 =	sge.u32 s0, s12  }
0x41: {  	p2 =	sgt.s32 @!p1 s17, $0x29720  }
0x42: {  	s2 =	smov.u32 s17;
	s20 =	sshra.s32 @!p1 s17, $0x1F;
	p2 =	por !p2, p1  }
0x43: {  	s20 =	sand.u32 @!p1 s20, s17;
	s2 =	simm.s32 @p2 $0x29720  }
0x44: {  	s2 =	ssub.s32 @!p1 s2, s20  }
0x45: {  	s2 =	sadd.s32 @!p1 $0xFFFD68E0, s2  }
0x46: {  	s21 =	sand.u32 @!p1 $0x1, s0;
	s20 =	sshll.u32 @!p1 s2, $0x2  }
0x47: {  	p2 =	sgt.s32 @!p1 s2, $0xEF;
	s2 =	ssub.s32 @!p1 $0x3C0, s20;
	s20 =	smulhi.u32 @!p1 $0xAAAAAAAB, s0  }
0x48: {  	s23 =	smul.u32 @!p1 $0x3C0, s21;
	p2 =	por !p2, p1;
	s2 =	sshrl.u32 @!p1 s2, $0x2  }
0x49: {  	s22 =	simm.s32 @!p1 $0x8;
	s2 =	simm.s32 @!p2 $0x0;
	s20 =	sshrl.u32 @!p1 s20, $0x1  }
0x4a: {  	s23 =	sshrl.u32 @!p1 s23, $0x2;
	_ =	swait.ge @!p1 [sflag:s22], s2;
	s20 =	smul.u32 @!p1 $0x3, s20  }
0x4b: {  	s23 =	sor.u32 @!p1 $0x10508, s23;
	s24 =	ssub.s32 @!p1 $0x0, s2;
	[sflag:s22] =	ssyncset.done @!p1 $0x0  }
0x4c: {  	[sflag:s22] =	ssyncadd.s32 @!p1 s24;
	s22 =	sshrl.u32 @!p1 s17, $0x3;
	s0 =	ssub.s32 @!p1 s0, s20  }
0x4d: {  	s24 =	sand.u32 @!p1 $0x7, s17;
	s22 =	sadd.s32 @!p1 s3, s22;
	s0 =	smul.u32 @!p1 $0x3C0, s0  }
0x4e: {  	[tilespmem:s23], [sflag:$0x9] =	stream.linear.gather @!p1 [hbm4b:s22+s24], s2, $0x38;
	[tilespmem:$0x1F6E8] =	vst v63  }
0x4f: {  	s20 =	ssub.s32 @!p1 $0x29810, s17;
	s2 =	smul.u32 @!p1 $0x1E000, s21  }
0x50: {  	p2 =	slt.s32 @!p1 s20, $0xF0  }
0x51: {  	p2 =	por !p2, p1;
	s0 =	sshrl.u32 @!p1 s0, $0x2;
	s2 =	sshrl.u32 @!p1 s2, $0x2  }
0x52: {  	s20 =	simm.s32 @p2 $0xF0;
	s0 =	sadd.s32 @!p1 $0x10238, s0;
	s2 =	sor.u32 @!p1 $0x106E8, s2  }
0x53: {  	[tilespmem:s2], [sflag:$0x7] =	stream.indirect.gather @!p1 [hbm4b:s4+s20], $0x80, s0, s20, $0xb8;
	[tilespmem:$0x1F6E8] =	vst v63  }
0x54: {  	p1 =	slt.u32 s18, $0x2  }
.Ltmp3:
0x55: {  	_ = 	snop;
	(pc) =	sbr.rel @p1 .LBB2_21-.Ltmp3, $1  }
0x56: {  	_ =	sdelay $0x3  }
0x57: {  	p1 =	sgt.s32 s19, $0x29720;
	s0 =	smov.u32 s19  }
0x58: {  	s2 =	sshra.s32 s19, $0x1F;
	s20 =	ssub.s32 $0x29810, s19;
	s0 =	simm.s32 @!p1 $0x29720  }
0x59: {  	s2 =	sand.u32 s2, s19;
	p1 =	slt.s32 s20, $0xF0;
	s21 =	smov.u32 s20  }
0x5a: {  	s0 =	ssub.s32 s0, s2;
	s21 =	simm.s32 @!p1 $0xF0  }
0x5b: {  	s0 =	sadd.s32 $0xFFFD68E0, s0;
	s28 =	sshll.u32 s21, $0x7  }
0x5c: {  	s29 =	sshll.u32 s0, $0x2;
	s2 =	sand.u32 $0x3FFFFF80, s28  }
0x5d: {  	p1 =	sgt.s32 s0, $0xEF;
	s30 =	ssub.s32 $0x3C0, s29;
	_ =	swait.ge [sflag:s9], s2  }
0x5e: {  	s2 =	ssub.s32 $0x0, s2;
	[sflag:s9] =	ssyncset.done $0x0;
	s0 =	sshrl.u32 s30, $0x2  }
0x5f: {  	[sflag:s9] =	ssyncadd.s32 s2;
	s0 =	simm.s32 @p1 $0x0  }
0x60: {  	_ =	swait.ge [sflag:s10], s0  }
0x61: {  	s0 =	ssub.s32 $0x0, s0;
	[sflag:s10] =	ssyncset.done $0x0  }
0x62: {  	[sflag:s10] =	ssyncadd.s32 s0  }
0x63: {  	v1 =	vld [tilespmem:$0xF208];
	_ =	sdelay $0x4  }
0x64: {  	(v2sf) =	vpush v1, $0x0  }
0x65: {  	(v2sf) =	vpush v1, $0x1  }
0x66: {  	(v2sf) =	vpush v1, $0x2;
	_ =	sdelay $0x3  }
0x67: {  	s0 =	sadd.s32 $0xF0, s19  }
0x68: {  	p1 =	slt.s32 s7, s0  }
0x69: {  	s0 =	smov.u32 @p1 s7;
	p1 =	sgt.s32 s20, $0x0  }
0x6a: {  	s23 =	ssub.s32 s0, s19;
	s20 =	simm.s32 @!p1 $0x0  }
0x6b: {  	p1 =	slt.s32 s20, s23  }
0x6c: {  	s23 =	smov.u32 @p1 s20  }
0x6d: {  	s22 =	simm.s32 $0x1;
	p1 =	slt.s32 s23, $0x1  }
.Ltmp4:
0x6e: {  	s22 =	simm.s32 @!p0 $0x0;
	(pc) =	sbr.rel @p1 .LBB2_8-.Ltmp4, $4  }
0x6f: {  	s31 =	smul.u32 $0x3C0, s22  }
0x70: {  	s24 =	spop (v2sf)  }
0x71: {  	s0 =	sshrl.u32 s31, $0x2;
	s26 =	spop (v2sf)  }
0x72: {  	s20 =	sor.u32 $0x10508, s0;
	s19 =	spop (v2sf)  }
0x73: {  	s0 =	smin.u32 s23, $0x10  }
0x74: {  	v1 =	vmov s0  }
0x75: {  	p2 =	sgt.s32 s23, $0x10;
	vm1 =	vgt.u32 v1, v0  }
.Ltmp5:
0x76: {  	_ = 	snop;
	(pc) =	sbr.rel @!p2 .LBB2_7-.Ltmp5, $2  }
0x77: {  	_ =	sdelay $0x2  }
0x78: {  	s25 =	simm.s32 $0x10;
	s28 =	sadd.s32 $0xFFFFFFF0, s23;
	s21 =	smov.u32 s20;
	vm0 =	vmmov vm1  }
.LBB2_6:
0x79: {  	s0 =	smin.u32 s28, $0x10;
	s25 =	sadd.s32 $0x10, s25;
	v1 =	vld.msk [tilespmem:s21+$0x0 ss:$0x1], vm1  }
0x7a: {  	v2 =	vmov s0;
	p2 =	slt.s32 s25, s23  }
0x7b: {  	vm1 =	vgt.u32 v2, v0  }
.Ltmp6:
0x7c: {  	(pc) =	sbr.rel @p2 .LBB2_6-.Ltmp6, $3  }
0x7d: {  	_ =	sdelay $0x1  }
0x7e: {  	v1 =	vshll.u32 v1, $0x4  }
0x7f: {  	s28 =	sadd.s32 $0xFFFFFFF0, s28;
	[tilespmem:s21+$0x0] =	vst.msk vm0, v1;
	s21 =	sadd.s32 $0x10, s21;
	vm0 =	vmmov vm1  }
.LBB2_7:
0x80: {  	_ =	sdelay $0x4  }
0x81: {  	v1 =	vld.msk [tilespmem:s21+$0x0 ss:$0x1], vm1;
	_ =	sdelay $0x4  }
0x82: {  	v1 =	vshll.u32 v1, $0x4  }
0x83: {  	[tilespmem:s21+$0x0] =	vst.msk vm0, v1  }
.LBB2_8:
0x84: {  	s0 =	sand.u32 $0x1, s18  }
0x85: {  	s0 =	smul.u32 $0xF0, s0  }
0x86: {  	p2 =	sne.s32 s26, $0xFFFFFFFF  }
0x87: {  	v1 =	vld.msk @!p2 [tilespmem:s0+$0x10508], $0x1;
	_ =	sdelay $0x4  }
0x88: {  	(v2sf) =	vpush @!p2 v1, $0x0;
	_ =	sdelay $0xc  }
.Ltmp7:
0x89: {  	_ = 	snop;
	(pc) =	sbr.rel @p1 .LBB2_19-.Ltmp7, $4  }
0x8a: {  	_ = 	snop  }
0x8b: {  	s25 =	spop @!p2 (v2sf)  }
0x8c: {  	s19 =	simm.s32 @!p2 $0x0;
	s21 =	smov.u32 s25  }
0x8d: {  	[sflag:s15] =	ssyncpa.u1 $0x0;
	s25 =	smov.u32 @p2 s24;
	s21 =	smov.u32 @p2 s26  }
0x8e: {  	v1 =	vld.msk [tilespmem:s20+$0x0], $0x1;
	_ =	sdelay $0x4  }
0x8f: {  	(v2sf) =	vpush v1, $0x0;
	_ =	sdelay $0xe  }
0x90: {  	s0 =	smul.u32 $0x1E000, s22;
	s29 =	spop (v2sf)  }
0x91: {  	s23 =	ssub.s32 $0x0, s23;
	p1 =	seq.s32 s25, s29  }
0x92: {  	s26 =	sadd.s32 $0x1, s23;
	s0 =	sshrl.u32 s0, $0x2;
	p2 =	sgt.s32 @!p1 s25, $0x0  }
0x93: {  	s22 =	sor.u32 $0x10728, s0;
	s0 =	smov.u32 s25;
	p2 =	por !p2, p1  }
0x94: {  	s0 =	simm.s32 @p2 $0x0;
	p2 =	seq.s32 s26, $0x0  }
.Ltmp8:
0x95: {  	_ = 	snop;
	(pc) =	sbr.rel @p2 .LBB2_11-.Ltmp8, $4  }
0x96: {  	_ = 	snop  }
0x97: {  	s24 =	simm.s32 $0x0;
	s28 =	sadd.s32 $0x1, s20;
	s0 =	smin.u32 @!p1 s0, $0x270F0  }
0x98: {  	s30 =	simm.s32 @!p1 $0x1;
	s31 =	simm.s32 @!p1 $0x7988;
	s2 =	sand.u32 @!p1 $0x3FFF8, s0  }
0x99: {  	s30 =	smov.u32 @p1 s24;
	s0 =	sand.u32 @!p1 $0x7, s0;
	s2 =	sadd.s32 @!p1 s1, s2  }
.LBB2_10:
0x9a: {  	s8 =	smov.u32 s30  }
0x9b: {  	[tilespmem:s31], [sflag:$0x2] =	stream.linear.gather @!p1 [hbm4b:s2+s0], $0x80, $0x38;
	[tilespmem:$0x1F6E8] =	vst v63  }
0x9c: {  	s26 =	sadd.s32 $0x1, s26;
	s0 =	smov.u32 s29;
	v1 =	vld.msk [tilespmem:s28+$0x0], $0x1  }
0x9d: {  	p2 =	seq.s32 s26, $0x0;
	_ =	sdelay $0x3  }
0x9e: {  	(v2sf) =	vpush v1, $0x0;
	_ =	sdelay $0xe  }
0x9f: {  	s29 =	spop (v2sf)  }
0xa0: {  	p1 =	seq.s32 s0, s29  }
0xa1: {  	p3 =	sgt.s32 @!p1 s0, $0x0;
	s2 =	sshll.u32 @!p1 s30, $0x9;
	s30 =	sadd.s32 @!p1 $0x1, s30  }
.Ltmp9:
0xa2: {  	p3 =	por !p3, p1;
	s2 =	sshra.s32 @!p1 s2, $0x2;
	(pc) =	sbr.rel @!p2 .LBB2_10-.Ltmp9, $4  }
0xa3: {  	s30 =	smov.u32 @p1 s8;
	s0 =	simm.s32 @p3 $0x0;
	s31 =	sadd.s32 @!p1 $0x7988, s2  }
0xa4: {  	s0 =	smin.u32 @!p1 s0, $0x270F0  }
0xa5: {  	s2 =	sand.u32 @!p1 $0x3FFF8, s0;
	s0 =	sand.u32 @!p1 $0x7, s0  }
0xa6: {  	s28 =	sadd.s32 $0x1, s28;
	s2 =	sadd.s32 @!p1 s1, s2  }
.LBB2_11:
0xa7: {  	[tilespmem:s31], [sflag:$0x2] =	stream.linear.gather @!p1 [hbm4b:s2+s0], $0x80, $0x38;
	[tilespmem:$0x1F6E8] =	vst v63  }
.Ltmp10:
0xa8: {  	s30 =	sshll.u32 s30, $0x7;
	(pc) =	sbr.rel .LBB2_12-.Ltmp10, $4  }
0xa9: {  	s31 =	simm.s32 $0x2;
	s0 =	sand.u32 $0x3FFFFF80, s30  }
0xaa: {  	_ =	swait.ge [sflag:s31], s0  }
0xab: {  	s0 =	ssub.s32 $0x0, s0;
	[sflag:s31] =	ssyncset.done $0x0  }
0xac: {  	s28 =	simm.s32 $0x0;
	[sflag:s31] =	ssyncadd.s32 s0  }
.LBB2_13:
0xad: {  	v1 =	vld [tilespmem:s22+$0xFFFFFFC0];
	_ =	sdelay $0x3  }
0xae: {  	s0 =	sshra.s32 s0, $0x2  }
0xaf: {  	[tilespmem:s0+$0x108] =	vst.add.f32.msk $0xffff, v1  }
0xb0: {  	v1 =	vld [tilespmem:s22+$0xFFFFFFD0];
	_ =	sdelay $0x4  }
0xb1: {  	[tilespmem:s0+$0x118] =	vst.add.f32.msk $0xffff, v1  }
0xb2: {  	v1 =	vld [tilespmem:s22+$0xFFFFFFE0];
	_ =	sdelay $0x4  }
0xb3: {  	[tilespmem:s0+$0x128] =	vst.add.f32.msk $0xffff, v1  }
0xb4: {  	v1 =	vld [tilespmem:s22+$0xFFFFFFF0];
	_ =	sdelay $0x4  }
0xb5: {  	[tilespmem:s0+$0x138] =	vst.add.f32.msk $0xffff, v1  }
0xb6: {  	v1 =	vld [tilespmem:s22+$0x0];
	_ =	sdelay $0x4  }
0xb7: {  	[tilespmem:s0+$0x148] =	vst.add.f32.msk $0xffff, v1  }
0xb8: {  	v1 =	vld [tilespmem:s22+$0x10];
	_ =	sdelay $0x4  }
0xb9: {  	[tilespmem:s0+$0x158] =	vst.add.f32.msk $0xffff, v1  }
0xba: {  	v1 =	vld [tilespmem:s22+$0x20];
	_ =	sdelay $0x4  }
0xbb: {  	[tilespmem:s0+$0x168] =	vst.add.f32.msk $0xffff, v1  }
0xbc: {  	v1 =	vld [tilespmem:s22+$0x30];
	_ =	sdelay $0x4  }
0xbd: {  	[tilespmem:s0+$0x178] =	vst.add.f32.msk $0xffff, v1  }
.LBB2_17:
0xbe: {  	s23 =	sadd.s32 $0x1, s23  }
0xbf: {  	p1 =	seq.s32 s23, $0x0  }
.Ltmp11:
0xc0: {  	_ = 	snop;
	(pc) =	sbr.rel @p1 .LBB2_18-.Ltmp11, $2  }
0xc1: {  	_ =	sdelay $0x2  }
0xc2: {  	s20 =	sadd.s32 $0x1, s20;
	s22 =	sadd.s32 $0x80, s22;
	s25 =	smov.u32 s26  }
.LBB2_12:
0xc3: {  	v1 =	vld.msk [tilespmem:s20+$0x0], $0x1;
	_ =	sdelay $0x4  }
0xc4: {  	(v2sf) =	vpush v1, $0x0;
	_ =	sdelay $0xe  }
0xc5: {  	s26 =	spop (v2sf)  }
0xc6: {  	p1 =	sne.s32 s25, s26  }
.Ltmp12:
0xc7: {  	_ = 	snop;
	(pc) =	sbr.rel @!p1 .LBB2_13-.Ltmp12, $2  }
0xc8: {  	_ =	sdelay $0x2  }
0xc9: {  	s0 =	sshll.u32 s19, $0x9  }
0xca: {  	p1 =	seq.s32 s25, s21  }
.Ltmp13:
0xcb: {  	_ = 	snop;
	(pc) =	sbr.rel @!p1 .LBB2_15-.Ltmp13, $1  }
0xcc: {  	_ =	sdelay $0x3  }
0xcd: {  	s0 =	sshra.s32 s0, $0x2  }
.Ltmp14:
0xce: {  	s0 =	sadd.s32 $0x108, s0;
	(pc) =	sbr.rel .LBB2_16-.Ltmp14, $4  }
0xcf: {  	[spmem:s13] =	stream.linear.scatter [tilespmem:s0], [sflag:$0x1], $0x80, $0x38;
	[tilespmem:$0x1F6E8] =	vst v63  }
0xd0: {  	_ =	swait.ge [sflag:s11], $0x80  }
0xd1: {  	[sflag:s11] =	ssyncset.done $0x0  }
0xd2: {  	[sflag:s11] =	ssyncadd.s32 $0xFFFFFF80  }
.LBB2_15:
0xd3: {  	s2 =	sshll.u32 s24, $0x9  }
0xd4: {  	s2 =	sshra.s32 s2, $0x2  }
0xd5: {  	v1 =	vld [tilespmem:s2+$0x7988];
	_ =	sdelay $0x3  }
0xd6: {  	s0 =	sshra.s32 s0, $0x2  }
0xd7: {  	[tilespmem:s0+$0x108] =	vst.add.f32.msk $0xffff, v1  }
0xd8: {  	v1 =	vld [tilespmem:s2+$0x7998];
	_ =	sdelay $0x4  }
0xd9: {  	[tilespmem:s0+$0x118] =	vst.add.f32.msk $0xffff, v1  }
0xda: {  	v1 =	vld [tilespmem:s2+$0x79A8];
	_ =	sdelay $0x4  }
0xdb: {  	[tilespmem:s0+$0x128] =	vst.add.f32.msk $0xffff, v1  }
0xdc: {  	v1 =	vld [tilespmem:s2+$0x79B8];
	_ =	sdelay $0x4  }
0xdd: {  	[tilespmem:s0+$0x138] =	vst.add.f32.msk $0xffff, v1  }
0xde: {  	v1 =	vld [tilespmem:s2+$0x79C8];
	_ =	sdelay $0x4  }
0xdf: {  	[tilespmem:s0+$0x148] =	vst.add.f32.msk $0xffff, v1  }
0xe0: {  	v1 =	vld [tilespmem:s2+$0x79D8];
	_ =	sdelay $0x4  }
0xe1: {  	[tilespmem:s0+$0x158] =	vst.add.f32.msk $0xffff, v1  }
0xe2: {  	v1 =	vld [tilespmem:s2+$0x79E8];
	_ =	sdelay $0x4  }
0xe3: {  	[tilespmem:s0+$0x168] =	vst.add.f32.msk $0xffff, v1  }
0xe4: {  	v1 =	vld [tilespmem:s2+$0x79F8];
	_ =	sdelay $0x2  }
0xe5: {  	p1 =	sgt.u32 s25, $0x270F0  }
0xe6: {  	s2 =	sand.u32 @!p1 $0x3FFF8, s25  }
0xe7: {  	s8 =	sadd.s32 $0x108, s0;
	[tilespmem:s0+$0x178] =	vst.add.f32.msk $0xffff, v1;
	s0 =	sadd.s32 @!p1 s1, s2;
	s2 =	sand.u32 @!p1 $0x7, s25  }
0xe8: {  	[hbm4b:s0+s2] =	stream.linear.scatter @!p1 [tilespmem:s8], [sflag:$0xA], $0x80, $0x38;
	[tilespmem:$0x1F6E8] =	vst v63  }
0xe9: {  	s0 =	simm.s32 $0x0  }
0xea: {  	s0 =	simm.s32 @!p1 $0x200  }
0xeb: {  	s28 =	sadd.s32 s0, s28  }
.LBB2_16:
0xec: {  	s0 =	sadd.s32 $0x1, s19  }
0xed: {  	s2 =	smulhi.u32 $0x88888889, s0;
	_ =	sdelay $0x1  }
0xee: {  	v1 =	vld [tilespmem:s22+$0xFFFFFFC0];
	s2 =	sshrl.u32 s2, $0x7  }
0xef: {  	s2 =	smul.u32 $0xF0, s2;
	_ =	sdelay $0x1  }
0xf0: {  	s19 =	ssub.s32 s0, s2  }
0xf1: {  	s0 =	sshll.u32 s19, $0x7  }
0xf2: {  	[tilespmem:s0+$0x108] =	vst v1  }
0xf3: {  	v1 =	vld [tilespmem:s22+$0xFFFFFFD0];
	_ =	sdelay $0x4  }
0xf4: {  	[tilespmem:s0+$0x118] =	vst v1  }
0xf5: {  	v1 =	vld [tilespmem:s22+$0xFFFFFFE0];
	_ =	sdelay $0x4  }
0xf6: {  	[tilespmem:s0+$0x128] =	vst v1  }
0xf7: {  	v1 =	vld [tilespmem:s22+$0xFFFFFFF0];
	_ =	sdelay $0x4  }
0xf8: {  	[tilespmem:s0+$0x138] =	vst v1  }
0xf9: {  	v1 =	vld [tilespmem:s22+$0x0];
	_ =	sdelay $0x4  }
0xfa: {  	[tilespmem:s0+$0x148] =	vst v1  }
0xfb: {  	v1 =	vld [tilespmem:s22+$0x10];
	_ =	sdelay $0x4  }
0xfc: {  	[tilespmem:s0+$0x158] =	vst v1  }
0xfd: {  	v1 =	vld [tilespmem:s22+$0x20];
	_ =	sdelay $0x4  }
0xfe: {  	[tilespmem:s0+$0x168] =	vst v1  }
0xff: {  	v1 =	vld [tilespmem:s22+$0x30]  }
.Ltmp15:
0x100: {  	_ = 	snop;
	(pc) =	sbr.rel .LBB2_17-.Ltmp15, $2  }
0x101: {  	_ =	sdelay $0x2  }
0x102: {  	s24 =	sadd.s32 $0x1, s24;
	[tilespmem:s0+$0x178] =	vst v1  }
.LBB2_19:
.Ltmp16:
0x103: {  	(pc) =	sbr.rel .LBB2_20-.Ltmp16, $4  }
0x104: {  	_ = 	snop  }
0x105: {  	s0 =	simm.s32 $0x2  }
0x106: {  	_ =	swait.ge [sflag:s0], $0x0  }
0x107: {  	s26 =	smov.u32 s25;
	[sflag:s0] =	ssyncset.done $0x0;
	s0 =	simm.s32 $0x0  }
.LBB2_22:
0x108: {  	_ =	sfence.sel $0x180000  }
0x109: {  	s0 =	simm.s32 $0x7;
	[bflag:$0x0] =	sbarrier.arrive $0xFFFF  }
0x10a: {  	s25 =	simm.s32 $0x8;
	[sflag:s0] =	ssyncpa.u1 $0x1  }
0x10b: {  	s26 =	simm.s32 $0x9;
	[sflag:s25] =	ssyncpa.u1 $0x1  }
0x10c: {  	s28 =	simm.s32 $0x2;
	[sflag:s26] =	ssyncpa.u1 $0x1  }
0x10d: {  	[sflag:s28] =	ssyncpa.u1 $0x1  }
0x10e: {  	v0 =	vld [tilespmem:$0xF208];
	_ =	sdelay $0x4  }
0x10f: {  	(v2sf) =	vpush v0, $0x0  }
0x110: {  	(v2sf) =	vpush v0, $0x1;
	_ =	sdelay $0x1  }
0x111: {  	(v2sf) =	vpush v0, $0x2;
	_ =	sdelay $0xb  }
0x112: {  	s0 =	spop (v2sf)  }
0x113: {  	s2 =	spop (v2sf)  }
0x114: {  	s3 =	smov.u32 s0;
	p0 =	sne.s32 s0, s2  }
0x115: {  	s4 =	spop (v2sf);
	s3 =	simm.s32 @!p0 $0xFFFFFFFF  }
0x116: {  	v2 =	vimm.s32 $0x1;
	v3 =	vlaneseq.u32;
	p0 =	seq.s32 s4, $0xFFFFFFFF;
	v1 =	vmov s3  }
0x117: {  	s7 =	stileid.u32;
	v0 =	vperm.xlane v0, v2;
	p1 =	sne.s32 @!p0 s0, s2;
	v1 =	vperm.xlane v1, v3  }
0x118: {  	vm0 =	vcmask $0x3F04;
	s6 =	simm.s32 $0xF208;
	s0 =	simm.s32 @!p0 $0x1;
	p1 =	por !p1, p0  }
0x119: {  	s3 =	sshll.u32 s7, $0x1;
	s2 =	sshll.u32 @!p0 s4, $0x9;
	s0 =	simm.s32 @p1 $0x0;
	v0 =	vsel vm0, v1, v0  }
0x11a: {  	s5 =	sor.u32 $0x1000, s3;
	s2 =	sshra.s32 @!p0 s2, $0x2;
	s0 =	sor.u32 @!p0 s0, s3;
	[tilespmem:$0xF208] =	vst v0  }
0x11b: {  	[spmem:s5] =	stream.linear.scatter [tilespmem:s6], [sflag:$0x1], $0x2, $0x38;
	[tilespmem:$0x1F6E8] =	vst v63  }
0x11c: {  	s2 =	sadd.s32 @!p0 $0x108, s2;
	s0 =	sshll.u32 @!p0 s0, $0x7  }
0x11d: {  	[spmem:s0] =	stream.linear.scatter @!p0 [tilespmem:s2], [sflag:$0x1], $0x80, $0x38;
	[tilespmem:$0x1F6E8] =	vst v63  }
0x11e: {  	s0 =	simm.s32 @!p0 $0x82  }
0x11f: {  	s3 =	simm.s32 $0x1;
	s0 =	simm.s32 @p0 $0x2  }
0x120: {  	_ =	swait.ge [sflag:s3], s0  }
0x121: {  	s0 =	ssub.s32 $0x0, s0;
	[sflag:s3] =	ssyncset.done $0x0  }
0x122: {  	[sflag:s3] =	ssyncadd.s32 s0  }
0x123: {  	_ =	sfence.stream.spmem  }
0x124: {  	s29 =	simm.s32 $0x3;
	[bflag:$0x0] =	sbarrier.arrive $0xFFFF  }
0x125: {  	s30 =	simm.s32 $0x4;
	[sflag:s29] =	ssyncpa.u1 $0x1  }
0x126: {  	s31 =	simm.s32 $0x3C;
	[sflag:s30] =	ssyncpa.u1 $0x1  }
0x127: {  	p0 =	sne.s32 s7, $0x0;
	[sflag:s31] =	ssyncpa.u1 $0x1  }
0x128: {  	_ =	sfence @p0  }
0x129: {  	[sflag:s3] =	ssyncpa.u1 @p0 $0x1  }
0x12a: {  	_ =	strace @p0 $0x9000005C  }
0x12b: {  	[bflag:$0x2] =	sbarrier.arrive @p0 $0xFFFF  }
0x12c: {  	_ =	shalt @p0  }
.LBB2_23:
0x12d: {  	_ =	sfence.stream.spmem;
	s0 =	simm.s32 $0x5  }
0x12e: {  	s2 =	simm.s32 $0x1000;
	s3 =	simm.s32 $0xF218;
	[sflag:s0] =	ssyncpa.u1 $0x0  }
0x12f: {  	[tilespmem:s3], [sflag:$0x5] =	stream.linear.gather [spmem:s2], $0x20, $0x38;
	[tilespmem:$0x1F6E8] =	vst v63  }
0x130: {  	s30 =	simm.s32 $0xF238;
	s2 =	simm.s32 $0x0  }
0x131: {  	[tilespmem:s30], [sflag:$0x5] =	stream.linear.gather [spmem:s2], $0x1000, $0x38;
	[tilespmem:$0x1F6E8] =	vst v63  }
.Ltmp17:
0x132: {  	_ = 	snop;
	(pc) =	sbr.rel .LBB2_24-.Ltmp17, $4  }
0x133: {  	_ =	swait.ge [sflag:s0], $0x1020  }
0x134: {  	[sflag:s0] =	ssyncset.done $0x0  }
0x135: {  	s31 =	simm.s32 $0x6;
	[sflag:s0] =	ssyncadd.s32 $0xFFFFEFE0  }
0x136: {  	s3 =	simm.s32 $0x0;
	[sflag:s31] =	ssyncpa.u1 $0x0  }
.LBB2_30:
0x137: {  	p0 =	slt.u32 s4, $0x270F1  }
0x138: {  	s0 =	sand.u32 @p0 $0x3FFF8, s4  }
0x139: {  	s4 =	sand.u32 @p0 $0x7, s4;
	s5 =	simm.s32 @p0 $0xF188;
	s0 =	sadd.s32 @p0 s1, s0  }
0x13a: {  	[tilespmem:s5], [sflag:$0x6] =	stream.linear.gather @p0 [hbm4b:s0+s4], $0x80, $0x38;
	[tilespmem:$0x1F6E8] =	vst v63  }
0x13b: {  	s0 =	simm.s32 @p0 $0x6  }
0x13c: {  	_ =	swait.ge @p0 [sflag:s0], $0x80  }
0x13d: {  	[sflag:s0] =	ssyncset.done @p0 $0x0  }
0x13e: {  	[sflag:s0] =	ssyncadd.s32 @p0 $0xFFFFFF80  }
0x13f: {  	v1 =	vld @p0 [tilespmem:$0xF188];
	_ =	sdelay $0x2  }
0x140: {  	s0 =	sshll.u32 @p0 s3, $0x9  }
0x141: {  	s4 =	sshrl.u32 @p0 s0, $0x2  }
0x142: {  	[tilespmem:s4+$0xF238] =	vst.add.f32.msk @p0 $0xffff, v1  }
0x143: {  	v1 =	vld @p0 [tilespmem:$0xF198];
	_ =	sdelay $0x4  }
0x144: {  	[tilespmem:s4+$0xF248] =	vst.add.f32.msk @p0 $0xffff, v1  }
0x145: {  	v1 =	vld @p0 [tilespmem:$0xF1A8];
	_ =	sdelay $0x4  }
0x146: {  	[tilespmem:s4+$0xF258] =	vst.add.f32.msk @p0 $0xffff, v1  }
0x147: {  	v1 =	vld @p0 [tilespmem:$0xF1B8];
	_ =	sdelay $0x4  }
0x148: {  	[tilespmem:s4+$0xF268] =	vst.add.f32.msk @p0 $0xffff, v1  }
0x149: {  	v1 =	vld @p0 [tilespmem:$0xF1C8];
	_ =	sdelay $0x4  }
0x14a: {  	[tilespmem:s4+$0xF278] =	vst.add.f32.msk @p0 $0xffff, v1  }
0x14b: {  	v1 =	vld @p0 [tilespmem:$0xF1D8];
	_ =	sdelay $0x4  }
0x14c: {  	[tilespmem:s4+$0xF288] =	vst.add.f32.msk @p0 $0xffff, v1  }
0x14d: {  	v1 =	vld @p0 [tilespmem:$0xF1E8];
	_ =	sdelay $0x4  }
0x14e: {  	[tilespmem:s4+$0xF298] =	vst.add.f32.msk @p0 $0xffff, v1  }
0x14f: {  	v1 =	vld @p0 [tilespmem:$0xF1F8];
	_ =	sdelay $0x3  }
0x150: {  	s5 =	sshll.u32 @!p0 s3, $0x9  }
0x151: {  	s5 =	smov.u32 @p0 s0;
	[tilespmem:s4+$0xF2A8] =	vst.add.f32.msk @p0 $0xffff, v1  }
0x152: {  	s0 =	sshrl.u32 s5, $0x2;
	[tilespmem:s2+$0xF218] =	vst.msk $0x1, v0  }
0x153: {  	v0 =	vld [tilespmem:s0+$0xF238];
	_ =	sdelay $0x2  }
0x154: {  	s31 =	sshll.u32 s2, $0x9  }
0x155: {  	s4 =	sshra.s32 s31, $0x2  }
0x156: {  	[tilespmem:s4+$0xF238] =	vst v0  }
0x157: {  	v0 =	vld [tilespmem:s0+$0xF248];
	_ =	sdelay $0x4  }
0x158: {  	[tilespmem:s4+$0xF248] =	vst v0  }
0x159: {  	v0 =	vld [tilespmem:s0+$0xF258];
	_ =	sdelay $0x4  }
0x15a: {  	[tilespmem:s4+$0xF258] =	vst v0  }
0x15b: {  	v0 =	vld [tilespmem:s0+$0xF268];
	_ =	sdelay $0x4  }
0x15c: {  	[tilespmem:s4+$0xF268] =	vst v0  }
0x15d: {  	v0 =	vld [tilespmem:s0+$0xF278];
	_ =	sdelay $0x4  }
0x15e: {  	[tilespmem:s4+$0xF278] =	vst v0  }
0x15f: {  	v0 =	vld [tilespmem:s0+$0xF288];
	_ =	sdelay $0x4  }
0x160: {  	[tilespmem:s4+$0xF288] =	vst v0  }
0x161: {  	v0 =	vld [tilespmem:s0+$0xF298];
	_ =	sdelay $0x4  }
0x162: {  	[tilespmem:s4+$0xF298] =	vst v0  }
0x163: {  	v0 =	vld [tilespmem:s0+$0xF2A8];
	_ =	sdelay $0x4  }
0x164: {  	s2 =	sadd.s32 $0x1, s2;
	[tilespmem:s4+$0xF2A8] =	vst v0  }
.LBB2_31:
0x165: {  	s3 =	sadd.s32 $0x1, s3  }
0x166: {  	p0 =	sne.s32 s3, $0x20  }
.Ltmp18:
0x167: {  	_ = 	snop;
	(pc) =	sbr.rel @!p0 .LBB2_32-.Ltmp18, $1  }
0x168: {  	_ =	sdelay $0x3  }
.LBB2_24:
0x169: {  	v0 =	vld.msk [tilespmem:s3+$0xF218], $0x1;
	_ =	sdelay $0x4  }
0x16a: {  	(v2sf) =	vpush v0, $0x0;
	_ =	sdelay $0xe  }
0x16b: {  	s4 =	spop (v2sf)  }
0x16c: {  	p0 =	seq.s32 s4, $0xFFFFFFFF  }
.Ltmp19:
0x16d: {  	_ = 	snop;
	(pc) =	sbr.rel @p0 .LBB2_31-.Ltmp19, $1  }
0x16e: {  	_ =	sdelay $0x3  }
0x16f: {  	p0 =	slt.s32 s2, $0x1  }
.Ltmp20:
0x170: {  	_ = 	snop;
	(pc) =	sbr.rel @p0 .LBB2_30-.Ltmp20, $1  }
0x171: {  	_ =	sdelay $0x3  }
0x172: {  	s5 =	simm.s32 $0xF218;
	p0 =	por $0x0, $0x0  }
0x173: {  	v1 =	vld.msk @!p0 [tilespmem:s5+$0x0], $0x1;
	_ =	sdelay $0x4  }
0x174: {  	(v2sf) =	vpush @!p0 v1, $0x0;
	_ =	sdelay $0xd  }
0x175: {  	p2 =	sne.s32 s2, $0x1  }
.Ltmp21:
0x176: {  	s0 =	spop @!p0 (v2sf);
	(pc) =	sbr.rel @!p2 .LBB2_28-.Ltmp21, $4  }
0x177: {  	p1 =	seq.s32 @!p0 s4, s0  }
0x178: {  	s6 =	simm.s32 $0x0;
	p1 =	por !p1, p0  }
0x179: {  	s0 =	simm.s32 $0xFFFFFFFF;
	s6 =	simm.s32 @p1 $0xFFFFFFFF  }
0x17a: {  	s7 =	simm.s32 $0x1;
	s6 =	smov.u32 @p0 s0  }
.LBB2_27:
0x17b: {  	s0 =	smov.u32 s6;
	p0 =	sne.s32 s6, $0xFFFFFFFF  }
0x17c: {  	s5 =	sadd.s32 $0x1, s5;
	s6 =	smov.u32 s7;
	s7 =	sadd.s32 $0x1, s7  }
0x17d: {  	p1 =	sne.s32 s2, s7;
	v1 =	vld.msk @!p0 [tilespmem:s5+$0x0], $0x1;
	_ =	sdelay $0x4  }
0x17e: {  	(v2sf) =	vpush @!p0 v1, $0x0;
	_ =	sdelay $0xe  }
.Ltmp22:
0x17f: {  	s8 =	spop @!p0 (v2sf);
	(pc) =	sbr.rel @p1 .LBB2_27-.Ltmp22, $4  }
0x180: {  	p2 =	seq.s32 @!p0 s4, s8  }
0x181: {  	p2 =	por !p2, p0  }
0x182: {  	s6 =	simm.s32 @p2 $0xFFFFFFFF  }
0x183: {  	s6 =	smov.u32 @p0 s0  }
.LBB2_28:
0x184: {  	p0 =	seq.s32 s6, $0xFFFFFFFF  }
.Ltmp23:
0x185: {  	_ = 	snop;
	(pc) =	sbr.rel @p0 .LBB2_30-.Ltmp23, $1  }
0x186: {  	_ =	sdelay $0x3  }
0x187: {  	s0 =	sshll.u32 s3, $0x7  }
0x188: {  	s0 =	sand.u32 $0x3FFFFF80, s0  }
0x189: {  	v0 =	vld [tilespmem:s0+$0xF238];
	_ =	sdelay $0x2  }
0x18a: {  	s4 =	sshll.u32 s6, $0x9  }
0x18b: {  	s4 =	sshra.s32 s4, $0x2  }
0x18c: {  	[tilespmem:s4+$0xF238] =	vst.add.f32.msk $0xffff, v0  }
0x18d: {  	v0 =	vld [tilespmem:s0+$0xF248];
	_ =	sdelay $0x4  }
0x18e: {  	[tilespmem:s4+$0xF248] =	vst.add.f32.msk $0xffff, v0  }
0x18f: {  	v0 =	vld [tilespmem:s0+$0xF258];
	_ =	sdelay $0x4  }
0x190: {  	[tilespmem:s4+$0xF258] =	vst.add.f32.msk $0xffff, v0  }
0x191: {  	v0 =	vld [tilespmem:s0+$0xF268];
	_ =	sdelay $0x4  }
0x192: {  	[tilespmem:s4+$0xF268] =	vst.add.f32.msk $0xffff, v0  }
0x193: {  	v0 =	vld [tilespmem:s0+$0xF278];
	_ =	sdelay $0x4  }
0x194: {  	[tilespmem:s4+$0xF278] =	vst.add.f32.msk $0xffff, v0  }
0x195: {  	v0 =	vld [tilespmem:s0+$0xF288];
	_ =	sdelay $0x4  }
0x196: {  	[tilespmem:s4+$0xF288] =	vst.add.f32.msk $0xffff, v0  }
0x197: {  	v0 =	vld [tilespmem:s0+$0xF298];
	_ =	sdelay $0x4  }
0x198: {  	[tilespmem:s4+$0xF298] =	vst.add.f32.msk $0xffff, v0  }
0x199: {  	v0 =	vld [tilespmem:s0+$0xF2A8]  }
.Ltmp24:
0x19a: {  	_ = 	snop;
	(pc) =	sbr.rel .LBB2_31-.Ltmp24, $2  }
0x19b: {  	_ =	sdelay $0x2  }
0x19c: {  	[tilespmem:s4+$0xF2A8] =	vst.add.f32.msk $0xffff, v0  }
.LBB2_32:
0x19d: {  	p0 =	slt.s32 s2, $0x1  }
.Ltmp25:
0x19e: {  	_ = 	snop;
	(pc) =	sbr.rel @p0 .LBB2_36-.Ltmp25, $3  }
0x19f: {  	_ =	sdelay $0x1  }
0x1a0: {  	s0 =	simm.s32 $0x6  }
0x1a1: {  	s3 =	simm.s32 $0x0;
	[sflag:s0] =	ssyncpa.u1 $0x1  }
0x1a2: {  	s0 =	simm.s32 $0xF218  }
0x1a3: {  	v0 =	vld.msk [tilespmem:s0+$0x0], $0x1;
	_ =	sdelay $0x4  }
0x1a4: {  	(v2sf) =	vpush v0, $0x0;
	_ =	sdelay $0xd  }
0x1a5: {  	s2 =	sadd.s32 $0xFFFFFFFF, s2  }
0x1a6: {  	p1 =	sne.s32 s2, $0x0;
	s0 =	spop (v2sf)  }
.Ltmp26:
0x1a7: {  	p0 =	sgt.u32 s0, $0x270F0;
	(pc) =	sbr.rel @!p1 .LBB2_35-.Ltmp26, $4  }
0x1a8: {  	s4 =	simm.s32 $0xF238;
	s5 =	sand.u32 @!p0 $0x3FFF8, s0  }
0x1a9: {  	s6 =	simm.s32 $0x0;
	s0 =	sand.u32 @!p0 $0x7, s0;
	s5 =	sadd.s32 @!p0 s1, s5  }
0x1aa: {  	[hbm4b:s5+s0] =	stream.linear.scatter @!p0 [tilespmem:s4], [sflag:$0x5], $0x80, $0x38;
	[tilespmem:$0x1F6E8] =	vst v63  }
0x1ab: {  	s6 =	simm.s32 @!p0 $0x200;
	s5 =	simm.s32 $0xF219  }
.LBB2_34:
0x1ac: {  	v0 =	vld.msk [tilespmem:s5+$0x0], $0x1;
	s2 =	sadd.s32 $0xFFFFFFFF, s2;
	s3 =	sadd.s32 s3, s6  }
0x1ad: {  	p0 =	sne.s32 s2, $0x0;
	_ =	sdelay $0x3  }
0x1ae: {  	(v2sf) =	vpush v0, $0x0;
	_ =	sdelay $0xe  }
.Ltmp27:
0x1af: {  	s0 =	spop (v2sf);
	(pc) =	sbr.rel @p0 .LBB2_34-.Ltmp27, $4  }
0x1b0: {  	s6 =	simm.s32 $0x0;
	p1 =	sgt.u32 s0, $0x270F0  }
0x1b1: {  	s4 =	sadd.s32 $0x80, s4;
	s6 =	simm.s32 @!p1 $0x200;
	s7 =	sand.u32 @!p1 $0x3FFF8, s0  }
0x1b2: {  	s5 =	sadd.s32 $0x1, s5;
	s0 =	sand.u32 @!p1 $0x7, s0;
	s7 =	sadd.s32 @!p1 s1, s7  }
0x1b3: {  	[hbm4b:s7+s0] =	stream.linear.scatter @!p1 [tilespmem:s4], [sflag:$0x5], $0x80, $0x38;
	[tilespmem:$0x1F6E8] =	vst v63  }
.LBB2_35:
0x1b4: {  	s0 =	sadd.s32 s3, s6  }
0x1b5: {  	s3 =	sshrl.u32 s0, $0x2  }
.LBB2_36:
0x1b6: {  	s0 =	simm.s32 $0x5  }
0x1b7: {  	_ =	swait.ge [sflag:s0], s3  }
0x1b8: {  	s1 =	ssub.s32 $0x0, s3;
	[sflag:s0] =	ssyncset.done $0x0  }
0x1b9: {  	[sflag:s0] =	ssyncadd.s32 s1  }
0x1ba: {  	[sflag:s0] =	ssyncpa.u1 $0x1  }
0x1bb: {  	s30 =	simm.s32 $0x1;
	_ =	sfence  }
0x1bc: {  	[sflag:s30] =	ssyncpa.u1 $0x1  }
0x1bd: {  	_ =	strace $0x9000005C  }
0x1be: {  	[bflag:$0x2] =	sbarrier.arrive $0xFFFF  }
0x1bf: {  	s31 =	rddreg [dreg:$0x1]  }
0x1c0: {  	s0 =	sadd.s32 $0x100000, s31  }
0x1c1: {  	[sflag:s0] =	ssyncadd.tile.s32 $0x1;
	_ =	shalt  }
.Lfunc_end2:
_tile_overlayer_lowered:
.L_overlay_start_2:
0x1c2: {  	(tag) =	ssettag $0x2  }
0x1c3: {  	s0 =	rddreg [dreg:$0x0];
	s2 =	stileid.u32  }
0x1c4: {  	s1 =	rddreg [dreg:$0x1];
	p0 =	sne.s32 s2, $0x0  }
0x1c5: {  	s3 =	rddreg [dreg:$0x2];
	[bflag:$0x3] =	sbarrier.arrive $0xFFFF;
	s2 =	simm.s32 @!p0 $0x1C01  }
0x1c6: {  	[timem:s3], [sflag:s2] =	dma.local @!p0 [hbm:s0], s1  }
0x1c7: {  	s0 =	simm.s32 @!p0 $0x1  }
0x1c8: {  	_ =	swait.ge @!p0 [sflag:s0], s1  }
0x1c9: {  	s1 =	ssub.s32 @!p0 $0x0, s1;
	[sflag:s0] =	ssyncset.done @!p0 $0x0  }
0x1ca: {  	[sflag:s0] =	ssyncadd.s32 @!p0 s1  }
0x1cb: {  	[bflag:$0x3] =	sbarrier.arrive $0xFFFF  }
0x1cc: {  	_ =	shalt  }

// kernel: scatter_offload_async_start.6
scs
__scs_entry_jumppad:
0x0: {  	(pc) =	sbr.rel $0x88, $3  }
0x1: {  	(tag) =	ssettag $0x0;
	lr =	simm.s32 $0x1  }
0x2: {  	[smem:$0x3F92] =	sst lr;
	_ =	strace $0xD0000000  }
0x3: {  	_ = 	snop  }
0x4: {  	_ = 	snop  }
0x5: {  	_ = 	snop  }
0x6: {  	_ = 	snop  }
0x7: {  	_ = 	snop  }
__scs_overlays_trampoline_lowered:
0x8: {  	[smem:$0x3FA1] =	sst s0  }
0x9: {  	[smem:$0x3FA2] =	sst s1  }
0xa: {  	[smem:$0x3FA3] =	sst s2  }
0xb: {  	[smem:$0x3FA4] =	sst s3  }
0xc: {  	[smem:$0x3FA5] =	sst s4  }
0xd: {  	[smem:$0x3FA6] =	sst s5  }
0xe: {  	[smem:$0x3FA7] =	sst s6  }
0xf: {  	[smem:$0x3FA8] =	sst s7  }
0x10: {  	[smem:$0x3FA9] =	sst s8  }
0x11: {  	[smem:$0x3FAA] =	sst s9;
	s0 =	simm.s32 @!p0 $0x0  }
0x12: {  	s1 =	sld [smem:$0x3F90];
	s0 =	simm.s32 @p0 $0x1  }
0x13: {  	[smem:$0x3FAB] =	sst s0;
	s0 =	simm.s32 @!p1 $0x0  }
0x14: {  	s2 =	sld [smem:$0x3F8F];
	s0 =	simm.s32 @p1 $0x1  }
0x15: {  	[smem:$0x3FAC] =	sst s0;
	s0 =	simm.s32 @!p2 $0x0  }
0x16: {  	s3 =	sld [smem:$0x3FDB];
	s0 =	simm.s32 @p2 $0x1  }
0x17: {  	s4 =	simm.s32 $0x1BF5;
	[smem:$0x3FAE] =	sst s0  }
0x18: {  	s0 =	sld [smem:$0x3F91];
	_ =	swait.ge [sflag:s4], $0x0  }
0x19: {  	s7 =	sld [smem:$0x3F92]  }
0x1a: {  	s8 =	sadd.s32 $0xFFFFE003, lr  }
0x1b: {  	s9 =	sadd.s32 $0xFFFFFEF7, lr;
	s5 =	simm.s32 $0xFFFFFFFF;
	p2 =	slt.u32 s8, $0xFFFFF086  }
0x1c: {  	p1 =	slt.u32 s9, $0xF7A;
	s5 =	simm.s32 @!p2 $0x0  }
0x1d: {  	s5 =	simm.s32 @p1 $0x1;
	p0 =	seq.s32 s7, s2  }
0x1e: {  	s7 =	smul.u32 @!p0 $0xF7A, s2;
	p2 =	seq.s32 @!p0 s5, $0x0  }
0x1f: {  	s9 =	smul.u32 $0xF7A, s1;
	s8 =	simm.s32 @!p0 $0x1BF5;
	p2 =	por !p2, p0  }
0x20: {  	[sflag:s8] =	ssyncset.s32 @!p0 $0xFFFFF086;
	s6 =	sadd.s32 @!p0 s3, s7;
	s7 =	simm.s32 @!p0 $0x108  }
0x21: {  	s3 =	sadd.s32 s3, s9;
	s6 =	sadd.s32 @!p0 $0x88, s6;
	s7 =	simm.s32 @p2 $0x1082  }
0x22: {  	[simem:s7], [sflag:s8] =	dma.local @!p0 [hbm:s6], $0xF7A  }
0x23: {  	s9 =	sor.u32 $0xD0000000, s2;
	s6 =	simm.s32 $0x108;
	_ =	swait.ge @!p0 [sflag:s8], $0x0  }
0x24: {  	s3 =	sadd.s32 $0x88, s3;
	s6 =	simm.s32 @!p1 $0x1082;
	[sflag:s4] =	ssyncset.s32 $0xFFFFF086  }
0x25: {  	[simem:s6], [sflag:s4] =	dma.local [hbm:s3], $0xF7A  }
0x26: {  	[smem:$0x3F92] =	sst s1;
	(tag) =	ssettag s2;
	_ =	strace s9  }
0x27: {  	s1 =	sld [smem:$0x3FA2]  }
0x28: {  	s2 =	sld [smem:$0x3FA3]  }
0x29: {  	s4 =	sld [smem:$0x3FA5]  }
0x2a: {  	p0 =	seq.s32 s5, $0x0;
	s5 =	sld [smem:$0x3FA6]  }
0x2b: {  	s6 =	sld [smem:$0x3FA7]  }
0x2c: {  	s7 =	sld [smem:$0x3FA8]  }
0x2d: {  	s3 =	simm.s32 $0x108;
	s8 =	sld [smem:$0x3FA9]  }
0x2e: {  	s3 =	simm.s32 @!p0 $0x1082;
	s9 =	sld [smem:$0x3FAA]  }
0x2f: {  	lr =	sadd.s32 s0, s3;
	s0 =	sld [smem:$0x3FA1]  }
0x30: {  	s3 =	sld [smem:$0x3FA4]  }
0x31: {  	[smem:$0x3FAD] =	sst s10  }
0x32: {  	s10 =	sld [smem:$0x3FAB];
	_ =	sdelay $0x3  }
0x33: {  	p0 =	seq.s32 s10, $0x1;
	s10 =	sld [smem:$0x3FAD];
	_ =	sdelay $0x3  }
0x34: {  	[smem:$0x3FAD] =	sst s10  }
0x35: {  	s10 =	sld [smem:$0x3FAC];
	_ =	sdelay $0x3  }
0x36: {  	p1 =	seq.s32 s10, $0x1;
	s10 =	sld [smem:$0x3FAD];
	_ =	sdelay $0x3  }
0x37: {  	[smem:$0x3FAD] =	sst s10  }
0x38: {  	s10 =	sld [smem:$0x3FAE]  }
0x39: {  	_ = 	snop;
	(pc) =	sbr.ind lr, $3  }
0x3a: {  	_ = 	snop  }
0x3b: {  	_ = 	snop  }
0x3c: {  	p2 =	seq.s32 s10, $0x1;
	s10 =	sld [smem:$0x3FAD]  }
0x3d: {  	_ =	shalt  }
0x3e: {  	_ =	shalt  }
0x3f: {  	_ =	shalt  }
0x40: {  	_ =	shalt  }
0x41: {  	_ =	shalt  }
0x42: {  	_ =	shalt  }
0x43: {  	_ =	shalt  }
0x44: {  	_ =	shalt  }
0x45: {  	_ =	shalt  }
0x46: {  	_ =	shalt  }
0x47: {  	_ =	shalt  }
0x48: {  	_ =	shalt  }
0x49: {  	_ =	shalt  }
0x4a: {  	_ =	shalt  }
0x4b: {  	_ =	shalt  }
0x4c: {  	_ =	shalt  }
0x4d: {  	_ =	shalt  }
0x4e: {  	_ =	shalt  }
0x4f: {  	_ =	shalt  }
0x50: {  	_ =	shalt  }
0x51: {  	_ =	shalt  }
0x52: {  	_ =	shalt  }
0x53: {  	_ =	shalt  }
0x54: {  	_ =	shalt  }
0x55: {  	_ =	shalt  }
0x56: {  	_ =	shalt  }
0x57: {  	_ =	shalt  }
0x58: {  	_ =	shalt  }
0x59: {  	_ =	shalt  }
0x5a: {  	_ =	shalt  }
0x5b: {  	_ =	shalt  }
0x5c: {  	_ =	shalt  }
0x5d: {  	_ =	shalt  }
0x5e: {  	_ =	shalt  }
0x5f: {  	_ =	shalt  }
0x60: {  	_ =	shalt  }
0x61: {  	_ =	shalt  }
0x62: {  	_ =	shalt  }
0x63: {  	_ =	shalt  }
0x64: {  	_ =	shalt  }
0x65: {  	_ =	shalt  }
0x66: {  	_ =	shalt  }
0x67: {  	_ =	shalt  }
0x68: {  	_ =	shalt  }
0x69: {  	_ =	shalt  }
0x6a: {  	_ =	shalt  }
0x6b: {  	_ =	shalt  }
0x6c: {  	_ =	shalt  }
0x6d: {  	_ =	shalt  }
0x6e: {  	_ =	shalt  }
0x6f: {  	_ =	shalt  }
0x70: {  	_ =	shalt  }
0x71: {  	_ =	shalt  }
0x72: {  	_ =	shalt  }
0x73: {  	_ =	shalt  }
0x74: {  	_ =	shalt  }
0x75: {  	_ =	shalt  }
0x76: {  	_ =	shalt  }
0x77: {  	_ =	shalt  }
0x78: {  	_ =	shalt  }
0x79: {  	_ =	shalt  }
0x7a: {  	_ =	shalt  }
0x7b: {  	_ =	shalt  }
0x7c: {  	_ =	shalt  }
0x7d: {  	_ =	shalt  }
0x7e: {  	_ =	shalt  }
0x7f: {  	_ =	shalt  }
0x80: {  	_ =	shalt  }
0x81: {  	_ =	shalt  }
0x82: {  	_ =	shalt  }
0x83: {  	_ =	shalt  }
0x84: {  	_ =	shalt  }
0x85: {  	_ =	shalt  }
0x86: {  	_ =	shalt  }
0x87: {  	_ =	shalt  }
.Lfunc_end0:
.L_simem_size_0:
called_computation.6_lowered:
.L_overlay_start_0:
0x88: {  	s0 =	sld [smem:$0x3FD9]  }
0x89: {  	s1 =	sld [smem:$0x3FFE];
	_ =	sdelay $0x3  }
0x8a: {  	s0 =	sadd.s32 s1, s0  }
0x8b: {  	[smem:$0x3FB9] =	sst s0  }
0x8c: {  	_ = 	snop  }
0x8d: {  	s0 =	sld [smem:$0x3FD0];
	_ =	sdelay $0x2  }
0x8e: {  	s13 =	simm.s32 $0xB;
	s2 =	simm.s32 $0x10  }
0x8f: {  	[smem:s2], [sflag:s13] =	dma.local [hbm:s0], $0x1  }
0x90: {  	_ =	swait.eq [sflag:s13], $0x1  }
0x91: {  	[sflag:s13] =	ssyncset.done $0x0  }
0x92: {  	[sflag:s13] =	ssyncadd.s32 $0xFFFFFFFF  }
0x93: {  	s14 =	sld [smem:$0x10];
	(tm) =	ssettm $0x1  }
0x94: {  	s15 =	sld [smem:$0x3FFB];
	_ =	sdelay $0x3  }
0x95: {  	_ =	strace s15  }
0x96: {  	s1 =	sld [smem:$0x3FFC];
	_ =	sdelay $0x3  }
0x97: {  	_ =	strace s1  }
0x98: {  	s1 =	sld [smem:$0x3FFD];
	_ =	sdelay $0x3  }
0x99: {  	_ =	strace s1  }
0x9a: {  	_ =	strace $0x8FFFFFFF  }
0x9b: {  	s16 =	sld [smem:$0x3FDB];
	_ =	sdelay $0x1  }
0x9c: {  	s17 =	simm.s32 $_scs_section_size  }
0x9d: {  	s3 =	simm.s32 $_size__tile_overlayer_lowered;
	s4 =	simm.s32 $_tile_overlayer_lowered  }
0x9e: {  	s20 =	simm.s32 $0x1BFF;
	s19 =	sshll.u32 s4, $0x1;
	s1 =	sadd.s32 s17, s16  }
0x9f: {  	s5 =	simm.s32 $0x0;
	s18 =	sshll.u32 s3, $0x1;
	s3 =	sadd.s32 s19, s1  }
0xa0: {  	[timem:s5], [sflag:s20] =	dma.local [hbm:s3], s18  }
0xa1: {  	_ =	swait.ge [sflag:s20], s18  }
0xa2: {  	s2 =	ssub.s32 $0x0, s18;
	[sflag:s20] =	ssyncset.done $0x0  }
0xa3: {  	[sflag:s20] =	ssyncadd.s32 s2;
	_ =	sdelay $0x1  }
0xa4: {  	s21 =	simm.s32 $0x1B8B  }
0xa5: {  	_ =	swait.ge [sflag:s21], $0x1  }
0xa6: {  	[sflag:s21] =	ssyncset.done $0x0  }
0xa7: {  	s23 =	simm.s32 $0x1B8E;
	s22 =	sld [smem:$0x3FFE];
	[sflag:s21] =	ssyncadd.s32 $0xFFFFFFFF  }
0xa8: {  	s24 =	simm.s32 $execute0_lowered;
	[smem:$0x3FD2] =	sst s23  }
0xa9: {  	s3 =	sshll.u32 s24, $0x1;
	_ =	strace $0x8000005E;
	[dreg:$0x1] =	wrdreg $0xFFFFFFFF  }
0xaa: {  	s25 =	simm.s32 $_size_execute0_lowered;
	s1 =	sadd.s32 s1, s3;
	[dreg:$0x0] =	wrdreg $0x0  }
0xab: {  	s3 =	sshll.u32 s25, $0x1;
	[dreg:$0x2] =	wrdreg s1  }
0xac: {  	[dreg:$0x3] =	wrdreg s3  }
0xad: {  	[dreg:$0x4] =	wrdreg $0xC0  }
0xae: {  	_ =	task [dreg:s5], $0x5FFFF  }
0xaf: {  	[dreg:$0x1] =	wrdreg $0xFFFFFFFF  }
0xb0: {  	[dreg:$0x0] =	wrdreg $0x60  }
0xb1: {  	[dreg:$0x2] =	wrdreg s14  }
0xb2: {  	[dreg:$0x3] =	wrdreg s22  }
0xb3: {  	[dreg:$0x4] =	wrdreg $0x9  }
0xb4: {  	_ =	task.clear_ibuf [dreg:s5], $0x5FFFF;
	_ =	strace $0x9000005E  }
0xb5: {  	s26 =	simm.s32 $0x9;
	_ =	strace $0x80000060  }
0xb6: {  	_ =	swait.ge [sflag:s26], $0x1  }
0xb7: {  	[sflag:s26] =	ssyncadd.s32 $0xFFFFFFFF  }
0xb8: {  	_ =	strace $0x90000060  }
0xb9: {  	_ =	sfence  }
0xba: {  	s28 =	sld [smem:$0x0];
	_ =	sdelay $0x1  }
0xbb: {  	s29 =	srdreg.scid  }
0xbc: {  	s30 =	sshll.u32 s29, $0xD;
	s31 =	sshrl.u32 s29, $0x2  }
0xbd: {  	s2 =	sand.u32 $0x4000, s30;
	s1 =	sand.u32 $0x1, s29;
	s0 =	sadd.s32 s31, s28  }
0xbe: {  	s1 =	sor.u32 s2, s1;
	s0 =	sshll.u32 s0, $0x11  }
0xbf: {  	s0 =	sor.u32 s0, s1  }
0xc0: {  	s0 =	sadd.s32 $0x8F2B, s0  }
0xc1: {  	[sflag:s0] =	ssyncadd.remote.s32 $0x1  }
0xc2: {  	_ =	sfence.sel $0xFFFF  }
0xc3: {  	[dreg:$0x0] =	wrdreg $0xFFFFFFFF;
	(pc) =	sbr.abs _section_cstart, $3  }
0xc4: {  	[dreg:$0x1] =	wrdreg $0xFFFFFFFF  }
0xc5: {  	_ =	task.clear_ibuf [dreg:s5], $0x2FFFF;
	_ =	strace $0x9FFFFFFF  }
0xc6: {  	(tm) =	ssettm $0x7FFFFFFF  }
0xc7: {  	_ =	shalt  }
tec
execute0_lowered:
.L_overlay_start_1:
0x0: {  	(tag) =	ssettag $0x1  }
0x1: {  	s1 =	rddreg [dreg:$0x0]  }
0x2: {  	s0 =	rddreg [dreg:$0x1]  }
0x3: {  	s6 =	stileid.u32;
	_ =	strace $0x8000005F;
	s2 =	simm.s32 $0x1  }
0x4: {  	v1 =	vimm.s32 $0xFFFFFFFF;
	s3 =	smin.u32 s6, $0x9;
	[sflag:s2] =	ssyncpa.u1 $0x0  }
0x5: {  	s3 =	sadd.s32 s6, s3;
	[tilespmem:$0x10] =	vst v1  }
0x6: {  	s4 =	simm.s32 $0x3520;
	v0 =	vimm.f32 $0.0e+00;
	p0 =	slt.u32 s6, $0x9;
	[tilespmem:$0x20] =	vst v1;
	s3 =	smul.u32 $0x1A90, s3  }
0x7: {  	s4 =	simm.s32 @!p0 $0x1A90;
	[tilespmem:$0x30] =	vst v0  }
0x8: {  	[tilespmem:$0x40] =	vst v0;
	s4 =	sadd.s32 s4, s3  }
0x9: {  	[tilespmem:$0x50] =	vst v0;
	s4 =	smin.u32 s4, $0x29810  }
0xa: {  	[tilespmem:$0x60] =	vst v1;
	s9 =	ssub.s32 s4, s3  }
0xb: {  	s7 =	simm.s32 $0x2;
	s8 =	simm.s32 $0x8;
	[tilespmem:$0x70] =	vst v1;
	p0 =	sgt.s32 s9, $0x0  }
0xc: {  	s31 =	simm.s32 $0x9;
	s16 =	simm.s32 $0x0;
	[tilespmem:$0x80] =	vst v1;
	s9 =	simm.s32 @!p0 $0x0  }
0xd: {  	s17 =	simm.s32 $0xF0;
	s18 =	simm.s32 $0xFFFFFFFF;
	v1 =	vimm.s32 $0x0;
	[tilespmem:$0xB0] =	vst v0;
	s5 =	smulhi.u32 $0x134679AD, s9  }
0xe: {  	s19 =	simm.s32 $0xFFFFCBE0;
	s20 =	simm.s32 $0xFFFFFFFE;
	s21 =	simm.s32 $0xF;
	[tilespmem:$0x90] =	vst v1  }
0xf: {  	[tilespmem:$0xA0] =	vst v1;
	[sflag:s7] =	ssyncpa.u1 $0x0;
	s7 =	simm.s32 $0x7;
	s10 =	sshrl.u32 s5, $0x9  }
0x10: {  	s25 =	simm.s32 $0x0;
	[sflag:s7] =	ssyncpa.u1 $0x0;
	s11 =	smul.u32 $0x1A90, s10  }
0x11: {  	s24 =	simm.s32 $0x0;
	s14 =	sshllo.u32 s6, $0x1;
	[sflag:s8] =	ssyncpa.u1 $0x0  }
.Ltmp0:
0x12: {  	s23 =	smov.u32 s3;
	p0 =	sne.s32 s9, s11;
	(pc) =	sbr.rel .LBB2_1-.Ltmp0, $4  }
0x13: {  	s5 =	sadd.s32 $0x1F800, s0;
	s0 =	sadd.s32 $0x10200, s0;
	s2 =	simm.s32 @!p0 $0x0  }
0x14: {  	[sflag:s31] =	ssyncpa.u1 $0x0;
	[dreg:$0x3] =	wrdreg s0;
	s9 =	sadd.s32 s2, s10  }
0x15: {  	vm0 =	vmmov $0xffff;
	v2 =	vlaneseq.u32;
	p0 =	por $0x0, $0x0;
	s10 =	sshll.u32 s6, $0x1;
	s11 =	sadd.s32 $0x1, s9  }
0x16: {  	vm1 =	vmxor vm1, vm1;
	vm2 =	vmmov $0x1;
	vm3 =	vcmask $0x3F3C;
	s12 =	sadd.s32 $0x2, s9;
	s13 =	sor.u32 $0x81, s10;
	s15 =	sor.u32 $0x80, s10  }
.LBB2_9:
0x17: {  	p1 =	slt.u32 s24, $0x3  }
0x18: {  	s0 =	simm.s32 @!p1 $0x2  }
0x19: {  	_ =	swait.ge @!p1 [sflag:s0], $0x1A90  }
0x1a: {  	[sflag:s0] =	ssyncset.done @!p1 $0x0  }
0x1b: {  	[sflag:s0] =	ssyncadd.s32 @!p1 $0xFFFFE570;
	s0 =	simm.s32 @!p1 $0x9  }
0x1c: {  	_ =	swait.ge @!p1 [sflag:s0], $0x10  }
0x1d: {  	[sflag:s0] =	ssyncset.done @!p1 $0x0  }
0x1e: {  	[sflag:s0] =	ssyncadd.s32 @!p1 $0xFFFFFFF0;
	p1 =	sne.s32 s24, s12  }
.Ltmp1:
0x1f: {  	s2 =	sadd.s32 $0x1A90, s23;
	(pc) =	sbr.rel @!p1 .LBB2_10-.Ltmp1, $4  }
0x20: {  	s6 =	smov.u32 s3;
	s31 =	sadd.s32 $0x1, s24;
	s17 =	sadd.s32 $0x1A90, s17  }
0x21: {  	s18 =	sadd.s32 $0x1, s18;
	s25 =	smov.u32 s23;
	p2 =	slt.s32 s2, s4  }
0x22: {  	p0 =	por !p0, !p0;
	s19 =	sadd.s32 $0x1A90, s19;
	s6 =	smov.u32 @p2 s2  }
0x23: {  	s20 =	sadd.s32 $0x1, s20;
	s23 =	smov.u32 s6;
	s24 =	smov.u32 s31  }
.LBB2_1:
0x24: {  	p1 =	sge.u32 s24, s9  }
0x25: {  	s0 =	smulhi.u32 @!p1 $0xAAAAAAAB, s24;
	_ =	sdelay $0x1  }
0x26: {  	s0 =	sshrl.u32 @!p1 s0, $0x1  }
0x27: {  	s0 =	smul.u32 @!p1 $0x3, s0;
	_ =	sdelay $0x1  }
0x28: {  	s0 =	ssub.s32 @!p1 s24, s0  }
0x29: {  	s0 =	smul.u32 @!p1 $0x6A40, s0;
	_ =	sdelay $0x1  }
0x2a: {  	s2 =	sshrl.u32 @!p1 s23, $0x3;
	s0 =	sshrl.u32 @!p1 s0, $0x2  }
0x2b: {  	s22 =	sand.u32 @!p1 $0x7, s23;
	s2 =	sadd.s32 @!p1 s5, s2;
	s0 =	sadd.s32 @!p1 $0x100, s0  }
0x2c: {  	[tilespmem:s0], [sflag:$0x7] =	stream.linear.gather @!p1 [hbm4b:s2+s22], $0x1A90, $0x38;
	[tilespmem:$0xF030] =	vst v63  }
0x2d: {  	s0 =	sadd.s32 $0xFFFFFFFF, s24  }
0x2e: {  	p1 =	sge.u32 s0, s9  }
.Ltmp2:
0x2f: {  	_ = 	snop;
	(pc) =	sbr.rel @p1 .LBB2_5-.Ltmp2, $1  }
0x30: {  	_ =	sdelay $0x3  }
0x31: {  	s2 =	smulhi.u32 $0xAAAAAAAB, s0;
	_ =	sdelay $0x1  }
0x32: {  	s2 =	sshrl.u32 s2, $0x1  }
0x33: {  	s2 =	smul.u32 $0x3, s2;
	_ =	sdelay $0x1  }
0x34: {  	s2 =	ssub.s32 s0, s2  }
0x35: {  	s2 =	smul.u32 $0x6A40, s2  }
0x36: {  	_ =	swait.ge [sflag:s7], $0x1A90  }
0x37: {  	[sflag:s7] =	ssyncset.done $0x0;
	s2 =	sshrl.u32 s2, $0x2  }
0x38: {  	[sflag:s7] =	ssyncadd.s32 $0xFFFFE570;
	(ifvalue) =	ssetifvalue $0xFFFFFFFF;
	v3 =	vld.msk [tilespmem:s2+$0x100 ss:$0x1], $0xffff;
	_ =	sdelay $0x2  }
0x39: {  	s30 =	smulhi.u32 $0xAAAAAAAB, s18;
	p1 =	sne.s32 s24, $0x1  }
0x3a: {  	v4 =	vimm.s32 @!p1 $0x0  }
0x3b: {  	s2 =	sshrl.u32 s30, $0x1;
	v4 =	vperm.xlane @!p1 v3, v4  }
0x3c: {  	s22 =	sshll.u32 s24, $0x4;
	s2 =	smul.u32 $0xFFFEC140, s2;
	vm4 =	vlt.u32 v3, $0x2800  }
0x3d: {  	s22 =	sand.u32 $0x10, s22;
	v3 =	vnsel vm4, $0xFFFFFFFE, v3;
	vm4 =	vlt.u32 @!p1 v4, $0x2800  }
0x3e: {  	s2 =	sshra.s32 s2, $0x2;
	[tilespmem:s22+$0x60] =	vst v3;
	v3 =	vnsel @!p1 vm4, $0xFFFFFFFE, v4  }
0x3f: {  	s28 =	sadd.s32 s2, s17;
	[tilespmem:$0x80] =	vst @!p1 v3  }
0x40: {  	v3 =	vld.msk [tilespmem:s28+$0x0 ss:$0x1], $0xffff;
	_ =	sdelay $0x4  }
0x41: {  	(xrf1) =	vunique.msk.u32 $0xffff, v3;
	_ =	sdelay $0xd  }
0x42: {  	v4 =	vimm.s32 $0xFFFFFFFF;
	v5, _, _ =	vpop (xrf1)  }
0x43: {  	vm5 =	vne.s32 v3, v4;
	vm4 =	veq.s32 v5, v2  }
0x44: {  	vm6 =	vlt.u32 v3, $0x2800;
	vm4 =	vmand vm5, vm4  }
0x45: {  	vm4 =	vmand vm6, vm4  }
0x46: {  	v4 =	vnsel vm4, $0xFFFFFFFF, v3  }
0x47: {  	s31 =	sand.u32 $0x1, s0  }
0x48: {  	s0 =	simm.s32 $0x1A90;
	p1 =	seq.s32 s31, $0x1  }
0x49: {  	s0 =	simm.s32 @!p1 $0x0  }
0x4a: {  	s26 =	sadd.s32 $0x6B30, s0;
	(ifvalue) =	ssetifvalue $0xFFFFFFFF  }
0x4b: {  	v3 =	vperm.xlane v3, v1;
	[tilespmem:s26], [sflag:$0x8] =	stream.indirect_vreg.gather [hbm4b:s1+s16], $0x1, v4, vm0, $0x4038;
	v4 =	vnsel vm6, $0xFFFFFFFE, v4;
	[tilespmem:$0xF030] =	vst v63  }
0x4c: {  	s2 =	simm.s32 $0x0;
	s22 =	sadd.s32 $0xFFFFFFF0, s28;
	[tilespmem:s28+$0x0] =	vst v4  }
.LBB2_3:
0x4d: {  	v4 =	vld.msk [tilespmem:s22+$0x0 ss:$0x1], $0xffff;
	s2 =	sadd.s32 $0x10, s2;
	v5 =	vmov v3;
	s28 =	smov.u32 s22  }
0x4e: {  	p1 =	slt.u32 s2, $0x1A80;
	_ =	sdelay $0x4  }
0x4f: {  	v3 =	vperm.xlane v4, v1;
	(xrf1) =	vunique.msk.u32 $0xffff, v4;
	_ =	sdelay $0xd  }
0x50: {  	v6, _, _ =	vpop (xrf1)  }
0x51: {  	vm5 =	vne.s32 v4, v5;
	vm4 =	veq.s32 v6, v2  }
0x52: {  	vm6 =	vlt.u32 v4, $0x2800;
	vm4 =	vmand vm5, vm4  }
0x53: {  	vm4 =	vmand vm6, vm4  }
0x54: {  	v4 =	vnsel vm4, $0xFFFFFFFF, v4  }
.Ltmp3:
0x55: {  	v5 =	vnsel vm6, $0xFFFFFFFE, v4;
	(pc) =	sbr.rel @p1 .LBB2_3-.Ltmp3, $3  }
0x56: {  	_ =	sdelay $0x1  }
0x57: {  	s22 =	sadd.s32 $0xFFFFFFF0, s22;
	s26 =	sadd.s32 $0xFFFFFFF0, s26;
	(ifvalue) =	ssetifvalue $0xFFFFFFFF  }
0x58: {  	[tilespmem:s26], [sflag:$0x8] =	stream.indirect_vreg.gather [hbm4b:s1+s16], $0x1, v4, vm0, $0x4038;
	[tilespmem:s28+$0x0] =	vst v5  }
0x59: {  	s2 =	sshrl.u32 s25, $0x3;
	s6 =	rddreg [dreg:$0x3]  }
0x5a: {  	s0 =	sadd.s32 $0x85D0, s0;
	s2 =	sadd.s32 s6, s2  }
0x5b: {  	[tilespmem:s0], [sflag:$0x8] =	stream.linear.gather [hbm:s2], $0x1A90, $0x38;
	[tilespmem:$0xF030] =	vst v63  }
.LBB2_5:
0x5c: {  	p1 =	slt.u32 s24, $0x2  }
0x5d: {  	p2 =	sge.u32 @!p1 s24, s12  }
0x5e: {  	p1 =	por p1, p2  }
.Ltmp4:
0x5f: {  	_ = 	snop;
	(pc) =	sbr.rel @p1 .LBB2_9-.Ltmp4, $1  }
0x60: {  	_ =	sdelay $0x3  }
0x61: {  	s0 =	sadd.s32 $0xFFFFFFFE, s24  }
0x62: {  	s2 =	smulhi.u32 $0xAAAAAAAB, s0;
	_ =	sdelay $0x1  }
0x63: {  	s2 =	sshrl.u32 s2, $0x1  }
0x64: {  	s2 =	smul.u32 $0x3, s2;
	_ =	sdelay $0x1  }
0x65: {  	s0 =	ssub.s32 s0, s2  }
0x66: {  	_ =	swait.ge [sflag:s8], $0x3520;
	s0 =	smul.u32 $0x1A90, s0  }
0x67: {  	p1 =	sne.s32 s24, s11;
	[sflag:s8] =	ssyncset.done $0x0  }
0x68: {  	[sflag:s8] =	ssyncadd.s32 $0xFFFFCAE0;
	s2 =	sadd.s32 @!p1 $0x1B8F, s0  }
0x69: {  	[spmem:s13] =	stream.linear.scatter @!p1 [tilespmem:s2], [sflag:$0x1], $0x1, $0x38;
	[tilespmem:$0xF030] =	vst v63  }
0x6a: {  	s2 =	simm.s32 @!p1 $0x1  }
0x6b: {  	_ =	swait.ge @!p1 [sflag:s2], $0x1  }
0x6c: {  	s22 =	sshll.u32 s24, $0x4;
	[sflag:s2] =	ssyncset.done @!p1 $0x0  }
0x6d: {  	s25 =	sand.u32 $0x10, s22;
	[sflag:s2] =	ssyncadd.s32 @!p1 $0xFFFFFFFF  }
0x6e: {  	s2 =	sxor.u32 $0x10, s25;
	v4 =	vld [tilespmem:s25+$0x10]  }
0x6f: {  	v5 =	vld [tilespmem:s2+$0x60]  }
0x70: {  	v3 =	vld [tilespmem:$0x80];
	_ =	sdelay $0x2  }
0x71: {  	(v2sf) =	vpush v4, $0x0  }
0x72: {  	(v2sf) =	vpush v5, $0x0  }
0x73: {  	(v2sf) =	vpush v3, $0x0;
	_ =	sdelay $0xc  }
0x74: {  	s6 =	spop (v2sf)  }
0x75: {  	s28 =	spop (v2sf)  }
0x76: {  	s26 =	spop (v2sf)  }
0x77: {  	p2 =	seq.s32 s6, s28;
	p3 =	seq.s32 s26, s6  }
0x78: {  	p3 =	por p2, p3  }
0x79: {  	s6 =	sand.u32 $0x1, s24;
	v4 =	vpsel p3, $0xFFFFFFFF, v4  }
0x7a: {  	s28 =	smul.u32 $0x1A90, s6;
	[tilespmem:s25+$0x10] =	vst.msk $0x1, v4  }
0x7b: {  	v4 =	vld [tilespmem:$0x30]  }
0x7c: {  	v5 =	vld [tilespmem:s28+$0x85D0]  }
0x7d: {  	v6 =	vld [tilespmem:s25+$0x40];
	_ =	sdelay $0x3  }
0x7e: {  	vm4 =	vmmov vm1;
	v5 =	vadd.f32 v5, v4  }
0x7f: {  	vm5 =	vmmov vm2;
	vm4 =	vmmov @p2 vm2;
	v4 =	vadd.f32 v6, v4  }
0x80: {  	s22 =	sshll.u32 s6, $0x4;
	vm5 =	vmmov @p3 vm1;
	[tilespmem:s28+$0x85D0] =	vst.msk vm4, v5  }
0x81: {  	[tilespmem:s22+$0xF010] =	vst.msk vm5, v4  }
0x82: {  	v4 =	vld [tilespmem:s28+$0x6B30];
	_ =	sdelay $0x3  }
0x83: {  	v5 =	vimm.f32 $0.0e+00  }
0x84: {  	v4 =	vshift.insert v4, v5, s21  }
0x85: {  	s29 =	sor.u32 $0x40, s2  }
0x86: {  	[tilespmem:s29+$0x0] =	vst.msk $0x1, v4  }
0x87: {  	[tilespmem:s28+$0x6B3F] =	vst.msk $0x1, v5  }
0x88: {  	v4 =	vld [tilespmem:s0+$0x1B80];
	_ =	sdelay $0x1  }
0x89: {  	s29 =	smulhi.u32 $0xAAAAAAAB, s20;
	s0 =	simm.s32 $0x1  }
0x8a: {  	s0 =	simm.s32 @!p0 $0x0  }
0x8b: {  	s29 =	sshrl.u32 s29, $0x1;
	s0 =	smul.u32 $0x6A40, s0  }
0x8c: {  	s29 =	smul.u32 $0xFFFEC140, s29;
	v4 =	vshift.insert v4, v1, s21  }
0x8d: {  	s0 =	sshrl.u32 s0, $0x2  }
0x8e: {  	s29 =	sshra.s32 s29, $0x2;
	s30 =	sadd.s32 $0x85D0, s0;
	[tilespmem:s2+$0x10] =	vst.msk $0x1, v4  }
0x8f: {  	s6 =	sadd.s32 s29, s19;
	v6 =	vld [tilespmem:s30+$0x0]  }
0x90: {  	v7 =	vld [tilespmem:s6+$0x0];
	_ =	sdelay $0x3  }
0x91: {  	v5 =	vadd.f32 v6, v5  }
0x92: {  	vm4 =	vne.s32 v7, $0xFFFFFFFF  }
0x93: {  	(xrf2) =	vadd.seg.scan.f32 vm4, v5;
	_ =	sdelay $0x3  }
0x94: {  	s31 =	sadd.s32 $0x50B0, s0;
	v5 =	vperm.xlane v4, v1  }
0x95: {  	v6 =	vld [tilespmem:s31+$0x0]  }
0x96: {  	vm5 =	veq.s32 v7, v3;
	vm6 =	veq.s32 v7, v5  }
0x97: {  	vm7 =	vgt.u32 v7, $0xFFFFFFFD;
	vm6 =	vmor vm6, vm5  }
0x98: {  	vm6 =	vmor vm6, vm7  }
0x99: {  	v9 =	vld [tilespmem:$0xA0];
	v7 =	vsel vm6, $0xFFFFFFFF, v7  }
0x9a: {  	v10 =	vld [tilespmem:$0x90];
	v6 =	vsel vm5, $0x0, v6;
	v8, _, _ =	vpop (xrf2)  }
0x9b: {  	v6 =	vadd.f32 v8, v6  }
0x9c: {  	s0 =	sadd.s32 $0xBAF0, s0  }
0x9d: {  	vm4 =	vmand vm4, vm3;
	[tilespmem:s0+$0x0] =	vst v6;
	(ifvalue) =	ssetifvalue $0xFFFFFFFF  }
0x9e: {  	vm6 =	veq.s32 v9, $0x1;
	[hbm4b:s1+s16] =	stream.indirect_vreg.scatter [tilespmem:s0], [sflag:$0x2], $0x1, v7, vm0, $0x4038;
	v7 =	vsel vm4, $0x0, v8;
	[tilespmem:$0xF030] =	vst v63  }
0x9f: {  	s29 =	sadd.s32 $0xF010, s22;
	s22 =	sadd.s32 $0x10, s6;
	s2 =	simm.s32 $0x0;
	vm4 =	vmor vm6, vm5;
	v6 =	vsel vm5, v8, v10;
	v7 =	vshift.insert v7, v0, s21  }
.LBB2_7:
0xa0: {  	v8 =	vld [tilespmem:s22+$0x0];
	s30 =	sadd.s32 $0x10, s30  }
0xa1: {  	s31 =	sadd.s32 $0x10, s31;
	v9 =	vld [tilespmem:s30+$0x0]  }
0xa2: {  	s2 =	sadd.s32 $0x10, s2;
	v10 =	vld [tilespmem:s31+$0x0]  }
0xa3: {  	p2 =	slt.u32 s2, $0x1A80;
	_ =	sdelay $0x2  }
0xa4: {  	v7 =	vadd.f32 v9, v7  }
0xa5: {  	vm5 =	vne.s32 v8, $0xFFFFFFFF  }
0xa6: {  	vm6 =	vmand vm5, vm3;
	(xrf2) =	vadd.seg.scan.f32 vm5, v7;
	_ =	sdelay $0x5  }
0xa7: {  	vm7 =	veq.s32 v8, v5;
	vm5 =	veq.s32 v8, v3  }
0xa8: {  	vm8 =	vgt.u32 v8, $0xFFFFFFFD;
	vm4 =	vmor vm4, vm5;
	vm7 =	vmor vm7, vm5  }
0xa9: {  	vm7 =	vmor vm7, vm8  }
0xaa: {  	v8 =	vsel vm7, $0xFFFFFFFF, v8  }
.Ltmp5:
0xab: {  	v7 =	vsel vm5, $0x0, v10;
	v9, _, _ =	vpop (xrf2);
	(pc) =	sbr.rel @p2 .LBB2_7-.Ltmp5, $4  }
0xac: {  	v6 =	vsel vm5, v9, v6;
	v10 =	vadd.f32 v9, v7;
	v7 =	vsel vm6, $0x0, v9  }
0xad: {  	s0 =	sadd.s32 $0x10, s0;
	v7 =	vshift.insert v7, v0, s21  }
0xae: {  	s22 =	sadd.s32 $0x10, s22;
	[tilespmem:s0+$0x0] =	vst v10;
	(ifvalue) =	ssetifvalue $0xFFFFFFFF  }
0xaf: {  	[hbm4b:s1+s16] =	stream.indirect_vreg.scatter [tilespmem:s0], [sflag:$0x2], $0x1, v8, vm0, $0x4038;
	[tilespmem:$0xF030] =	vst v63  }
0xb0: {  	v3 =	vld [tilespmem:s28+$0xD570];
	_ =	sdelay $0x4  }
0xb1: {  	v3 =	vshift.insert v3, v0, s21  }
0xb2: {  	s0 =	simm.s32 $0x30  }
0xb3: {  	[tilespmem:s0+$0x0] =	vst.msk $0x1, v3  }
0xb4: {  	v3 =	vsel vm4, $0x1, v1;
	[tilespmem:$0x90] =	vst v6  }
0xb5: {  	s0 =	sadd.s32 @!p1 $0xD57F, s28;
	[tilespmem:$0xA0] =	vst v3  }
0xb6: {  	[spmem:s14] =	stream.linear.scatter @!p1 [tilespmem:s0], [sflag:$0x1], $0x1, $0x38;
	[tilespmem:$0xF030] =	vst v63  }
0xb7: {  	s0 =	simm.s32 @!p1 $0x1  }
0xb8: {  	v3 =	vmctz.xlane @!p1 vm4;
	_ =	swait.ge @!p1 [sflag:s0], $0x1  }
0xb9: {  	(v2sf) =	vpush @!p1 v4, $0x0  }
0xba: {  	(v2sf) =	vpush @!p1 v3, $0x0;
	_ =	sdelay $0xd  }
0xbb: {  	s2 =	spop @!p1 (v2sf)  }
0xbc: {  	s6 =	spop @!p1 (v2sf)  }
0xbd: {  	p2 =	sne.s32 @!p1 s26, s2;
	p3 =	slt.s32 @!p1 s6, $0xF  }
0xbe: {  	[sflag:s0] =	ssyncset.done @!p1 $0x0;
	p2 =	por p2, p1;
	p3 =	por !p3, p1  }
0xbf: {  	[sflag:s0] =	ssyncadd.s32 @!p1 $0xFFFFFFFF;
	v3 =	vimm.s32 @!p2 $0xFFFFFFFF;
	s6 =	simm.s32 @p3 $0xF  }
0xc0: {  	[tilespmem:$0x80] =	vst @!p2 v3;
	s2 =	sadd.s32 @!p1 $0x90, s6  }
0xc1: {  	[spmem:s10] =	stream.linear.scatter @!p1 [tilespmem:s2], [sflag:$0x1], $0x1, $0x38;
	[tilespmem:$0xF030] =	vst v63  }
0xc2: {  	_ =	swait.ge @!p1 [sflag:s0], $0x1  }
0xc3: {  	[sflag:s0] =	ssyncset.done @!p1 $0x0  }
0xc4: {  	s2 =	simm.s32 @!p1 $0x80;
	[sflag:s0] =	ssyncadd.s32 @!p1 $0xFFFFFFFF  }
0xc5: {  	[spmem:s15] =	stream.linear.scatter @!p1 [tilespmem:s2], [sflag:$0x1], $0x1, $0x38;
	[tilespmem:$0xF030] =	vst v63  }
0xc6: {  	_ =	swait.ge @!p1 [sflag:s0], $0x1  }
0xc7: {  	[sflag:s0] =	ssyncset.done @!p1 $0x0  }
0xc8: {  	[sflag:s0] =	ssyncadd.s32 @!p1 $0xFFFFFFFF;
	(ifvalue) =	ssetifvalue $0xFFFFFFFF;
	v3 =	vld [tilespmem:s25+$0x10];
	_ =	sdelay $0x3  }
.Ltmp6:
0xc9: {  	_ = 	snop;
	(pc) =	sbr.rel .LBB2_9-.Ltmp6, $3  }
0xca: {  	_ =	sdelay $0x1  }
0xcb: {  	(ifvalue) =	ssetifvalue $0xFFFFFFFF  }
0xcc: {  	[hbm4b:s1+s16] =	stream.indirect_vreg.scatter [tilespmem:s29], [sflag:$0x9], $0x1, v3, vm0, $0x4038;
	[tilespmem:$0xF030] =	vst v63  }
.LBB2_10:
0xcd: {  	_ =	sfence.sel $0x180000  }
0xce: {  	s0 =	simm.s32 $0x7;
	[bflag:$0x0] =	sbarrier.arrive $0xFFFF  }
0xcf: {  	s26 =	simm.s32 $0x8;
	[sflag:s0] =	ssyncpa.u1 $0x1  }
0xd0: {  	s28 =	simm.s32 $0x9;
	[sflag:s26] =	ssyncpa.u1 $0x1  }
0xd1: {  	[sflag:s28] =	ssyncpa.u1 $0x1  }
0xd2: {  	_ =	sfence.stream.spmem  }
0xd3: {  	s29 =	simm.s32 $0x3;
	[bflag:$0x0] =	sbarrier.arrive $0xFFFF  }
0xd4: {  	s30 =	simm.s32 $0x4;
	[sflag:s29] =	ssyncpa.u1 $0x1  }
0xd5: {  	s31 =	simm.s32 $0x3C;
	s2 =	stileid.u32;
	[sflag:s30] =	ssyncpa.u1 $0x1  }
0xd6: {  	p0 =	sne.s32 s2, $0x0;
	[sflag:s31] =	ssyncpa.u1 $0x1  }
0xd7: {  	s0 =	simm.s32 @p0 $0x1;
	_ =	sfence @p0  }
0xd8: {  	[sflag:s0] =	ssyncpa.u1 @p0 $0x1;
	s0 =	simm.s32 @p0 $0x2  }
0xd9: {  	[sflag:s0] =	ssyncpa.u1 @p0 $0x1  }
0xda: {  	_ =	strace @p0 $0x9000005F  }
0xdb: {  	[bflag:$0x2] =	sbarrier.arrive @p0 $0xFFFF  }
0xdc: {  	_ =	shalt @p0  }
.LBB2_11:
0xdd: {  	_ =	sfence.stream.spmem;
	s0 =	simm.s32 $0x5  }
0xde: {  	s2 =	simm.s32 $0x80;
	s3 =	simm.s32 $0xC0;
	[sflag:s0] =	ssyncpa.u1 $0x0  }
0xdf: {  	[tilespmem:s3], [sflag:$0x5] =	stream.linear.gather [spmem:s2], $0x20, $0x38;
	[tilespmem:$0xF030] =	vst v63  }
0xe0: {  	s2 =	simm.s32 $0x0;
	s3 =	simm.s32 $0xE0  }
0xe1: {  	[tilespmem:s3], [sflag:$0x5] =	stream.linear.gather [spmem:s2], $0x20, $0x38;
	[tilespmem:$0xF030] =	vst v63  }
.Ltmp7:
0xe2: {  	_ = 	snop;
	(pc) =	sbr.rel .LBB2_12-.Ltmp7, $4  }
0xe3: {  	_ =	swait.ge [sflag:s0], $0x40  }
0xe4: {  	[sflag:s0] =	ssyncset.done $0x0  }
0xe5: {  	s31 =	simm.s32 $0x6;
	[sflag:s0] =	ssyncadd.s32 $0xFFFFFFC0  }
0xe6: {  	s4 =	simm.s32 $0x0;
	[sflag:s31] =	ssyncpa.u1 $0x0  }
.LBB2_17:
0xe7: {  	p0 =	sgt.u32 s5, $0x27FF  }
0xe8: {  	s0 =	sshrl.u32 @!p0 s5, $0x3  }
0xe9: {  	s5 =	sand.u32 @!p0 $0x7, s5;
	s6 =	simm.s32 @!p0 $0xB0;
	s0 =	sadd.s32 @!p0 s1, s0  }
0xea: {  	[tilespmem:s6], [sflag:$0x6] =	stream.linear.gather @!p0 [hbm4b:s0+s5], $0x1, $0x38;
	[tilespmem:$0xF030] =	vst v63  }
0xeb: {  	s0 =	simm.s32 @!p0 $0x6  }
0xec: {  	_ =	swait.ge @!p0 [sflag:s0], $0x1  }
0xed: {  	[sflag:s0] =	ssyncset.done @!p0 $0x0  }
0xee: {  	[sflag:s0] =	ssyncadd.s32 @!p0 $0xFFFFFFFF  }
0xef: {  	v2 =	vmov @!p0 s4;
	v1 =	vld.msk @!p0 [tilespmem:$0xB0], $0x1;
	_ =	sdelay $0x3  }
0xf0: {  	s0 =	simm.s32 @!p0 $0xE0  }
0xf1: {  	[tilespmem:v2+s0+$0x0], v1 =	vst.idx.ret.add.f32.msk @!p0 $0x1, v1  }
0xf2: {  	[tilespmem:s2+$0xC0] =	vst.msk $0x1, v0  }
0xf3: {  	v0 =	vld.msk [tilespmem:s4+$0xE0], $0x1;
	_ =	sdelay $0x4  }
0xf4: {  	[tilespmem:s2+$0xE0] =	vst.msk $0x1, v0;
	s2 =	sadd.s32 $0x1, s2  }
.LBB2_19:
0xf5: {  	s4 =	sadd.s32 $0x1, s4  }
0xf6: {  	p0 =	sne.s32 s4, $0x20  }
.Ltmp8:
0xf7: {  	_ = 	snop;
	(pc) =	sbr.rel @!p0 .LBB2_20-.Ltmp8, $1  }
0xf8: {  	_ =	sdelay $0x3  }
.LBB2_12:
0xf9: {  	v0 =	vld.msk [tilespmem:s4+$0xC0], $0x1;
	_ =	sdelay $0x4  }
0xfa: {  	(v2sf) =	vpush v0, $0x0;
	_ =	sdelay $0xe  }
0xfb: {  	s5 =	spop (v2sf)  }
0xfc: {  	p0 =	seq.s32 s5, $0xFFFFFFFF  }
.Ltmp9:
0xfd: {  	_ = 	snop;
	(pc) =	sbr.rel @p0 .LBB2_19-.Ltmp9, $1  }
0xfe: {  	_ =	sdelay $0x3  }
0xff: {  	p0 =	slt.s32 s2, $0x1  }
.Ltmp10:
0x100: {  	_ = 	snop;
	(pc) =	sbr.rel @p0 .LBB2_17-.Ltmp10, $1  }
0x101: {  	_ =	sdelay $0x3  }
0x102: {  	s0 =	simm.s32 $0xC0;
	p0 =	por $0x0, $0x0  }
0x103: {  	v1 =	vld.msk @!p0 [tilespmem:s0+$0x0], $0x1;
	_ =	sdelay $0x4  }
0x104: {  	(v2sf) =	vpush @!p0 v1, $0x0;
	_ =	sdelay $0xd  }
0x105: {  	p2 =	sne.s32 s2, $0x1  }
.Ltmp11:
0x106: {  	s6 =	spop @!p0 (v2sf);
	(pc) =	sbr.rel @!p2 .LBB2_16-.Ltmp11, $4  }
0x107: {  	p1 =	seq.s32 @!p0 s5, s6  }
0x108: {  	s6 =	simm.s32 $0x0;
	p1 =	por !p1, p0  }
0x109: {  	s8 =	simm.s32 $0xFFFFFFFF;
	s6 =	simm.s32 @p1 $0xFFFFFFFF  }
0x10a: {  	s7 =	simm.s32 $0x1;
	s6 =	smov.u32 @p0 s8  }
.LBB2_15:
0x10b: {  	s8 =	smov.u32 s6;
	p0 =	sne.s32 s6, $0xFFFFFFFF  }
0x10c: {  	s0 =	sadd.s32 $0x1, s0;
	s6 =	smov.u32 s7;
	s7 =	sadd.s32 $0x1, s7  }
0x10d: {  	p1 =	sne.s32 s2, s7;
	v1 =	vld.msk @!p0 [tilespmem:s0+$0x0], $0x1;
	_ =	sdelay $0x4  }
0x10e: {  	(v2sf) =	vpush @!p0 v1, $0x0;
	_ =	sdelay $0xe  }
.Ltmp12:
0x10f: {  	s9 =	spop @!p0 (v2sf);
	(pc) =	sbr.rel @p1 .LBB2_15-.Ltmp12, $4  }
0x110: {  	p2 =	seq.s32 @!p0 s5, s9  }
0x111: {  	p2 =	por !p2, p0  }
0x112: {  	s6 =	simm.s32 @p2 $0xFFFFFFFF  }
0x113: {  	s6 =	smov.u32 @p0 s8  }
.LBB2_16:
0x114: {  	p0 =	sne.s32 s6, $0xFFFFFFFF  }
.Ltmp13:
0x115: {  	_ = 	snop;
	(pc) =	sbr.rel @!p0 .LBB2_17-.Ltmp13, $1  }
0x116: {  	_ =	sdelay $0x3  }
0x117: {  	v0 =	vld.msk [tilespmem:s4+$0xE0], $0x1;
	v1 =	vmov s6  }
.Ltmp14:
0x118: {  	_ = 	snop;
	(pc) =	sbr.rel .LBB2_19-.Ltmp14, $2  }
0x119: {  	_ =	sdelay $0x2  }
0x11a: {  	[tilespmem:v1+s3+$0x0], v0 =	vst.idx.ret.add.f32.msk $0x1, v0  }
.LBB2_20:
0x11b: {  	p0 =	slt.s32 s2, $0x1  }
.Ltmp15:
0x11c: {  	_ = 	snop;
	(pc) =	sbr.rel @p0 .LBB2_24-.Ltmp15, $3  }
0x11d: {  	_ =	sdelay $0x1  }
0x11e: {  	s0 =	simm.s32 $0x6  }
0x11f: {  	s3 =	simm.s32 $0x0;
	[sflag:s0] =	ssyncpa.u1 $0x1  }
0x120: {  	s0 =	simm.s32 $0xC0  }
0x121: {  	v0 =	vld.msk [tilespmem:s0+$0x0], $0x1;
	_ =	sdelay $0x4  }
0x122: {  	(v2sf) =	vpush v0, $0x0;
	_ =	sdelay $0xe  }
0x123: {  	s2 =	sadd.s32 $0xFFFFFFFF, s2;
	s4 =	spop (v2sf)  }
0x124: {  	p1 =	sne.s32 s2, $0x0;
	p0 =	sgt.u32 s4, $0x27FF  }
.Ltmp16:
0x125: {  	s5 =	sshrl.u32 @!p0 s4, $0x3;
	(pc) =	sbr.rel @!p1 .LBB2_23-.Ltmp16, $4  }
0x126: {  	s0 =	simm.s32 $0xE0;
	s4 =	sand.u32 @!p0 $0x7, s4;
	s5 =	sadd.s32 @!p0 s1, s5  }
0x127: {  	[hbm4b:s5+s4] =	stream.linear.scatter @!p0 [tilespmem:s0], [sflag:$0x5], $0x1, $0x38;
	[tilespmem:$0xF030] =	vst v63  }
0x128: {  	s5 =	simm.s32 $0x0  }
0x129: {  	s4 =	simm.s32 $0xC1;
	s5 =	simm.s32 @!p0 $0x4  }
.LBB2_22:
0x12a: {  	v0 =	vld.msk [tilespmem:s4+$0x0], $0x1;
	s2 =	sadd.s32 $0xFFFFFFFF, s2;
	s3 =	sadd.s32 s3, s5  }
0x12b: {  	p0 =	sne.s32 s2, $0x0;
	_ =	sdelay $0x3  }
0x12c: {  	(v2sf) =	vpush v0, $0x0;
	_ =	sdelay $0xe  }
.Ltmp17:
0x12d: {  	s6 =	spop (v2sf);
	(pc) =	sbr.rel @p0 .LBB2_22-.Ltmp17, $4  }
0x12e: {  	s5 =	simm.s32 $0x0;
	p1 =	sgt.u32 s6, $0x27FF  }
0x12f: {  	s0 =	sadd.s32 $0x1, s0;
	s5 =	simm.s32 @!p1 $0x4;
	s7 =	sshrl.u32 @!p1 s6, $0x3  }
0x130: {  	s4 =	sadd.s32 $0x1, s4;
	s6 =	sand.u32 @!p1 $0x7, s6;
	s7 =	sadd.s32 @!p1 s1, s7  }
0x131: {  	[hbm4b:s7+s6] =	stream.linear.scatter @!p1 [tilespmem:s0], [sflag:$0x5], $0x1, $0x38;
	[tilespmem:$0xF030] =	vst v63  }
.LBB2_23:
0x132: {  	s0 =	sadd.s32 s3, s5  }
0x133: {  	s3 =	sshrl.u32 s0, $0x2  }
.LBB2_24:
0x134: {  	s0 =	simm.s32 $0x5  }
0x135: {  	_ =	swait.ge [sflag:s0], s3  }
0x136: {  	s1 =	ssub.s32 $0x0, s3;
	[sflag:s0] =	ssyncset.done $0x0  }
0x137: {  	[sflag:s0] =	ssyncadd.s32 s1  }
0x138: {  	[sflag:s0] =	ssyncpa.u1 $0x1  }
0x139: {  	s29 =	simm.s32 $0x1;
	_ =	sfence  }
0x13a: {  	s30 =	simm.s32 $0x2;
	[sflag:s29] =	ssyncpa.u1 $0x1  }
0x13b: {  	[sflag:s30] =	ssyncpa.u1 $0x1  }
0x13c: {  	_ =	strace $0x9000005F  }
0x13d: {  	[bflag:$0x2] =	sbarrier.arrive $0xFFFF  }
0x13e: {  	s31 =	rddreg [dreg:$0x2]  }
0x13f: {  	s0 =	sadd.s32 $0x100000, s31  }
0x140: {  	[sflag:s0] =	ssyncadd.tile.s32 $0x1;
	_ =	shalt  }
.Lfunc_end2:
_tile_overlayer_lowered:
.L_overlay_start_2:
0x141: {  	(tag) =	ssettag $0x2  }
0x142: {  	s0 =	rddreg [dreg:$0x0];
	s2 =	stileid.u32  }
0x143: {  	s1 =	rddreg [dreg:$0x1];
	p0 =	sne.s32 s2, $0x0  }
0x144: {  	s3 =	rddreg [dreg:$0x2];
	[bflag:$0x3] =	sbarrier.arrive $0xFFFF;
	s2 =	simm.s32 @!p0 $0x1C01  }
0x145: {  	[timem:s3], [sflag:s2] =	dma.local @!p0 [hbm:s0], s1  }
0x146: {  	s0 =	simm.s32 @!p0 $0x1  }
0x147: {  	_ =	swait.ge @!p0 [sflag:s0], s1  }
0x148: {  	s1 =	ssub.s32 @!p0 $0x0, s1;
	[sflag:s0] =	ssyncset.done @!p0 $0x0  }
0x149: {  	[sflag:s0] =	ssyncadd.s32 @!p0 s1  }
0x14a: {  	[bflag:$0x3] =	sbarrier.arrive $0xFFFF  }
0x14b: {  	_ =	shalt  }

// kernel: scatter_offload_async_start.7
scs
__scs_entry_jumppad:
0x0: {  	(pc) =	sbr.rel $0x88, $3  }
0x1: {  	(tag) =	ssettag $0x0;
	lr =	simm.s32 $0x1  }
0x2: {  	[smem:$0x3F92] =	sst lr;
	_ =	strace $0xD0000000  }
0x3: {  	_ = 	snop  }
0x4: {  	_ = 	snop  }
0x5: {  	_ = 	snop  }
0x6: {  	_ = 	snop  }
0x7: {  	_ = 	snop  }
__scs_overlays_trampoline_lowered:
0x8: {  	[smem:$0x3FA1] =	sst s0  }
0x9: {  	[smem:$0x3FA2] =	sst s1  }
0xa: {  	[smem:$0x3FA3] =	sst s2  }
0xb: {  	[smem:$0x3FA4] =	sst s3  }
0xc: {  	[smem:$0x3FA5] =	sst s4  }
0xd: {  	[smem:$0x3FA6] =	sst s5  }
0xe: {  	[smem:$0x3FA7] =	sst s6  }
0xf: {  	[smem:$0x3FA8] =	sst s7  }
0x10: {  	[smem:$0x3FA9] =	sst s8  }
0x11: {  	[smem:$0x3FAA] =	sst s9;
	s0 =	simm.s32 @!p0 $0x0  }
0x12: {  	s1 =	sld [smem:$0x3F90];
	s0 =	simm.s32 @p0 $0x1  }
0x13: {  	[smem:$0x3FAB] =	sst s0;
	s0 =	simm.s32 @!p1 $0x0  }
0x14: {  	s2 =	sld [smem:$0x3F8F];
	s0 =	simm.s32 @p1 $0x1  }
0x15: {  	[smem:$0x3FAC] =	sst s0;
	s0 =	simm.s32 @!p2 $0x0  }
0x16: {  	s3 =	sld [smem:$0x3FDB];
	s0 =	simm.s32 @p2 $0x1  }
0x17: {  	s4 =	simm.s32 $0x1BF5;
	[smem:$0x3FAE] =	sst s0  }
0x18: {  	s0 =	sld [smem:$0x3F91];
	_ =	swait.ge [sflag:s4], $0x0  }
0x19: {  	s7 =	sld [smem:$0x3F92]  }
0x1a: {  	s8 =	sadd.s32 $0xFFFFE003, lr  }
0x1b: {  	s9 =	sadd.s32 $0xFFFFFEF7, lr;
	s5 =	simm.s32 $0xFFFFFFFF;
	p2 =	slt.u32 s8, $0xFFFFF086  }
0x1c: {  	p1 =	slt.u32 s9, $0xF7A;
	s5 =	simm.s32 @!p2 $0x0  }
0x1d: {  	s5 =	simm.s32 @p1 $0x1;
	p0 =	seq.s32 s7, s2  }
0x1e: {  	s7 =	smul.u32 @!p0 $0xF7A, s2;
	p2 =	seq.s32 @!p0 s5, $0x0  }
0x1f: {  	s9 =	smul.u32 $0xF7A, s1;
	s8 =	simm.s32 @!p0 $0x1BF5;
	p2 =	por !p2, p0  }
0x20: {  	[sflag:s8] =	ssyncset.s32 @!p0 $0xFFFFF086;
	s6 =	sadd.s32 @!p0 s3, s7;
	s7 =	simm.s32 @!p0 $0x108  }
0x21: {  	s3 =	sadd.s32 s3, s9;
	s6 =	sadd.s32 @!p0 $0x88, s6;
	s7 =	simm.s32 @p2 $0x1082  }
0x22: {  	[simem:s7], [sflag:s8] =	dma.local @!p0 [hbm:s6], $0xF7A  }
0x23: {  	s9 =	sor.u32 $0xD0000000, s2;
	s6 =	simm.s32 $0x108;
	_ =	swait.ge @!p0 [sflag:s8], $0x0  }
0x24: {  	s3 =	sadd.s32 $0x88, s3;
	s6 =	simm.s32 @!p1 $0x1082;
	[sflag:s4] =	ssyncset.s32 $0xFFFFF086  }
0x25: {  	[simem:s6], [sflag:s4] =	dma.local [hbm:s3], $0xF7A  }
0x26: {  	[smem:$0x3F92] =	sst s1;
	(tag) =	ssettag s2;
	_ =	strace s9  }
0x27: {  	s1 =	sld [smem:$0x3FA2]  }
0x28: {  	s2 =	sld [smem:$0x3FA3]  }
0x29: {  	s4 =	sld [smem:$0x3FA5]  }
0x2a: {  	p0 =	seq.s32 s5, $0x0;
	s5 =	sld [smem:$0x3FA6]  }
0x2b: {  	s6 =	sld [smem:$0x3FA7]  }
0x2c: {  	s7 =	sld [smem:$0x3FA8]  }
0x2d: {  	s3 =	simm.s32 $0x108;
	s8 =	sld [smem:$0x3FA9]  }
0x2e: {  	s3 =	simm.s32 @!p0 $0x1082;
	s9 =	sld [smem:$0x3FAA]  }
0x2f: {  	lr =	sadd.s32 s0, s3;
	s0 =	sld [smem:$0x3FA1]  }
0x30: {  	s3 =	sld [smem:$0x3FA4]  }
0x31: {  	[smem:$0x3FAD] =	sst s10  }
0x32: {  	s10 =	sld [smem:$0x3FAB];
	_ =	sdelay $0x3  }
0x33: {  	p0 =	seq.s32 s10, $0x1;
	s10 =	sld [smem:$0x3FAD];
	_ =	sdelay $0x3  }
0x34: {  	[smem:$0x3FAD] =	sst s10  }
0x35: {  	s10 =	sld [smem:$0x3FAC];
	_ =	sdelay $0x3  }
0x36: {  	p1 =	seq.s32 s10, $0x1;
	s10 =	sld [smem:$0x3FAD];
	_ =	sdelay $0x3  }
0x37: {  	[smem:$0x3FAD] =	sst s10  }
0x38: {  	s10 =	sld [smem:$0x3FAE]  }
0x39: {  	_ = 	snop;
	(pc) =	sbr.ind lr, $3  }
0x3a: {  	_ = 	snop  }
0x3b: {  	_ = 	snop  }
0x3c: {  	p2 =	seq.s32 s10, $0x1;
	s10 =	sld [smem:$0x3FAD]  }
0x3d: {  	_ =	shalt  }
0x3e: {  	_ =	shalt  }
0x3f: {  	_ =	shalt  }
0x40: {  	_ =	shalt  }
0x41: {  	_ =	shalt  }
0x42: {  	_ =	shalt  }
0x43: {  	_ =	shalt  }
0x44: {  	_ =	shalt  }
0x45: {  	_ =	shalt  }
0x46: {  	_ =	shalt  }
0x47: {  	_ =	shalt  }
0x48: {  	_ =	shalt  }
0x49: {  	_ =	shalt  }
0x4a: {  	_ =	shalt  }
0x4b: {  	_ =	shalt  }
0x4c: {  	_ =	shalt  }
0x4d: {  	_ =	shalt  }
0x4e: {  	_ =	shalt  }
0x4f: {  	_ =	shalt  }
0x50: {  	_ =	shalt  }
0x51: {  	_ =	shalt  }
0x52: {  	_ =	shalt  }
0x53: {  	_ =	shalt  }
0x54: {  	_ =	shalt  }
0x55: {  	_ =	shalt  }
0x56: {  	_ =	shalt  }
0x57: {  	_ =	shalt  }
0x58: {  	_ =	shalt  }
0x59: {  	_ =	shalt  }
0x5a: {  	_ =	shalt  }
0x5b: {  	_ =	shalt  }
0x5c: {  	_ =	shalt  }
0x5d: {  	_ =	shalt  }
0x5e: {  	_ =	shalt  }
0x5f: {  	_ =	shalt  }
0x60: {  	_ =	shalt  }
0x61: {  	_ =	shalt  }
0x62: {  	_ =	shalt  }
0x63: {  	_ =	shalt  }
0x64: {  	_ =	shalt  }
0x65: {  	_ =	shalt  }
0x66: {  	_ =	shalt  }
0x67: {  	_ =	shalt  }
0x68: {  	_ =	shalt  }
0x69: {  	_ =	shalt  }
0x6a: {  	_ =	shalt  }
0x6b: {  	_ =	shalt  }
0x6c: {  	_ =	shalt  }
0x6d: {  	_ =	shalt  }
0x6e: {  	_ =	shalt  }
0x6f: {  	_ =	shalt  }
0x70: {  	_ =	shalt  }
0x71: {  	_ =	shalt  }
0x72: {  	_ =	shalt  }
0x73: {  	_ =	shalt  }
0x74: {  	_ =	shalt  }
0x75: {  	_ =	shalt  }
0x76: {  	_ =	shalt  }
0x77: {  	_ =	shalt  }
0x78: {  	_ =	shalt  }
0x79: {  	_ =	shalt  }
0x7a: {  	_ =	shalt  }
0x7b: {  	_ =	shalt  }
0x7c: {  	_ =	shalt  }
0x7d: {  	_ =	shalt  }
0x7e: {  	_ =	shalt  }
0x7f: {  	_ =	shalt  }
0x80: {  	_ =	shalt  }
0x81: {  	_ =	shalt  }
0x82: {  	_ =	shalt  }
0x83: {  	_ =	shalt  }
0x84: {  	_ =	shalt  }
0x85: {  	_ =	shalt  }
0x86: {  	_ =	shalt  }
0x87: {  	_ =	shalt  }
.Lfunc_end0:
.L_simem_size_0:
called_computation.7_lowered:
.L_overlay_start_0:
0x88: {  	s0 =	sld [smem:$0x3FD9]  }
0x89: {  	s1 =	sld [smem:$0x3FFE];
	_ =	sdelay $0x3  }
0x8a: {  	s0 =	sadd.s32 s1, s0  }
0x8b: {  	[smem:$0x3FB9] =	sst s0  }
0x8c: {  	_ = 	snop  }
0x8d: {  	(tm) =	ssettm $0x1  }
0x8e: {  	s15 =	sld [smem:$0x3FFB];
	_ =	sdelay $0x3  }
0x8f: {  	_ =	strace s15  }
0x90: {  	s0 =	sld [smem:$0x3FFC];
	_ =	sdelay $0x3  }
0x91: {  	_ =	strace s0  }
0x92: {  	s0 =	sld [smem:$0x3FFD];
	_ =	sdelay $0x3  }
0x93: {  	_ =	strace s0  }
0x94: {  	_ =	strace $0x8FFFFFFF  }
0x95: {  	s16 =	sld [smem:$0x3FDB];
	_ =	sdelay $0x1  }
0x96: {  	s17 =	simm.s32 $_scs_section_size  }
0x97: {  	s2 =	simm.s32 $_size__tile_overlayer_lowered;
	s3 =	simm.s32 $_tile_overlayer_lowered  }
0x98: {  	s20 =	simm.s32 $0x1BFF;
	s19 =	sshll.u32 s3, $0x1;
	s0 =	sadd.s32 s17, s16  }
0x99: {  	s4 =	simm.s32 $0x0;
	s18 =	sshll.u32 s2, $0x1;
	s2 =	sadd.s32 s19, s0  }
0x9a: {  	[timem:s4], [sflag:s20] =	dma.local [hbm:s2], s18  }
0x9b: {  	_ =	swait.ge [sflag:s20], s18  }
0x9c: {  	s1 =	ssub.s32 $0x0, s18;
	[sflag:s20] =	ssyncset.done $0x0  }
0x9d: {  	[sflag:s20] =	ssyncadd.s32 s1;
	_ =	sdelay $0x1  }
0x9e: {  	s21 =	simm.s32 $0x1B8B  }
0x9f: {  	_ =	swait.ge [sflag:s21], $0x1  }
0xa0: {  	[sflag:s21] =	ssyncset.done $0x0  }
0xa1: {  	s23 =	simm.s32 $0x1B8E;
	s22 =	sld [smem:$0x3FFE];
	[sflag:s21] =	ssyncadd.s32 $0xFFFFFFFF  }
0xa2: {  	s24 =	simm.s32 $execute0_lowered;
	[smem:$0x3FD2] =	sst s23  }
0xa3: {  	s2 =	sshll.u32 s24, $0x1;
	_ =	strace $0x80000064;
	[dreg:$0x1] =	wrdreg $0xFFFFFFFF  }
0xa4: {  	s25 =	simm.s32 $_size_execute0_lowered;
	s0 =	sadd.s32 s0, s2;
	[dreg:$0x0] =	wrdreg $0x0  }
0xa5: {  	s2 =	sshll.u32 s25, $0x1;
	[dreg:$0x2] =	wrdreg s0  }
0xa6: {  	[dreg:$0x3] =	wrdreg s2  }
0xa7: {  	[dreg:$0x4] =	wrdreg $0xC0  }
0xa8: {  	_ =	task [dreg:s4], $0x5FFFF  }
0xa9: {  	[dreg:$0x1] =	wrdreg $0xFFFFFFFF  }
0xaa: {  	[dreg:$0x0] =	wrdreg $0x60  }
0xab: {  	[dreg:$0x2] =	wrdreg s22  }
0xac: {  	[dreg:$0x3] =	wrdreg $0x9  }
0xad: {  	_ =	task.clear_ibuf [dreg:s4], $0x4FFFF;
	_ =	strace $0x90000064  }
0xae: {  	s26 =	simm.s32 $0x9;
	_ =	strace $0x80000066  }
0xaf: {  	_ =	swait.ge [sflag:s26], $0x1  }
0xb0: {  	[sflag:s26] =	ssyncadd.s32 $0xFFFFFFFF  }
0xb1: {  	_ =	strace $0x90000066  }
0xb2: {  	_ =	sfence  }
0xb3: {  	s28 =	sld [smem:$0x0];
	_ =	sdelay $0x1  }
0xb4: {  	s29 =	srdreg.scid  }
0xb5: {  	s30 =	sshll.u32 s29, $0xD;
	s31 =	sshrl.u32 s29, $0x2  }
0xb6: {  	s1 =	sand.u32 $0x1, s29;
	s2 =	sand.u32 $0x4000, s30;
	s0 =	sadd.s32 s31, s28  }
0xb7: {  	s1 =	sor.u32 s2, s1;
	s0 =	sshll.u32 s0, $0x11  }
0xb8: {  	s0 =	sor.u32 s0, s1  }
0xb9: {  	s0 =	sadd.s32 $0x8F2B, s0  }
0xba: {  	[sflag:s0] =	ssyncadd.remote.s32 $0x1  }
0xbb: {  	_ =	sfence.sel $0xFFFF  }
0xbc: {  	[dreg:$0x0] =	wrdreg $0xFFFFFFFF;
	(pc) =	sbr.abs _section_cstart, $3  }
0xbd: {  	[dreg:$0x1] =	wrdreg $0xFFFFFFFF  }
0xbe: {  	_ =	task.clear_ibuf [dreg:s4], $0x2FFFF;
	_ =	strace $0x9FFFFFFF  }
0xbf: {  	(tm) =	ssettm $0x7FFFFFFF  }
tec
execute0_lowered:
.L_overlay_start_1:
0x0: {  	(tag) =	ssettag $0x1  }
0x1: {  	s0 =	rddreg [dreg:$0x0];
	_ =	strace $0x80000065;
	s1 =	simm.s32 $0x1  }
0x2: {  	s8 =	simm.s32 $0x208;
	v0 =	vimm.s32 $0x0;
	[sflag:s1] =	ssyncpa.u1 $0x0  }
0x3: {  	[tilespmem:s8+$0x70] =	vst v0  }
0x4: {  	[tilespmem:s8+$0x60] =	vst v0  }
0x5: {  	[tilespmem:s8+$0x50] =	vst v0  }
0x6: {  	[tilespmem:s8+$0x40] =	vst v0  }
0x7: {  	[tilespmem:s8+$0x30] =	vst v0  }
0x8: {  	s1 =	sadd.s32 $0x5BE800, s0;
	s10 =	sadd.s32 $0x34E00, s0;
	[tilespmem:s8+$0x20] =	vst v0  }
0x9: {  	s4 =	sadd.s32 $0x8E600, s0;
	s5 =	sadd.s32 $0x3A200, s0;
	s0 =	simm.s32 $0x40;
	[tilespmem:s8+$0x10] =	vst v0  }
.LBB2_1:
0xa: {  	s0 =	sadd.s32 $0x40, s0;
	[tilespmem:s8+$0x0] =	vst v0;
	s8 =	sadd.s32 $0x80, s8  }
0xb: {  	p0 =	slt.u32 s0, $0x3880;
	[tilespmem:s8+$0x70] =	vst v0  }
0xc: {  	[tilespmem:s8+$0x60] =	vst v0  }
.Ltmp0:
0xd: {  	[tilespmem:s8+$0x50] =	vst v0;
	(pc) =	sbr.rel @p0 .LBB2_1-.Ltmp0, $4  }
0xe: {  	[tilespmem:s8+$0x40] =	vst v0  }
0xf: {  	[tilespmem:s8+$0x30] =	vst v0  }
0x10: {  	[tilespmem:s8+$0x20] =	vst v0  }
0x11: {  	[tilespmem:s8+$0x10] =	vst v0  }
0x12: {  	s3 =	stileid.u32  }
0x13: {  	s0 =	smul.u32 $0x5E, s3  }
0x14: {  	s2 =	smin.u32 s3, $0xE  }
0x15: {  	s0 =	sadd.s32 s2, s0  }
0x16: {  	p0 =	slt.u32 s3, $0xE;
	s6 =	smul.u32 $0x70, s0;
	s0 =	simm.s32 $0x2990  }
0x17: {  	s0 =	simm.s32 @!p0 $0x2920  }
0x18: {  	s0 =	sadd.s32 s0, s6  }
0x19: {  	s7 =	smin.u32 s0, $0x29810  }
0x1a: {  	s0 =	ssub.s32 s7, s6  }
0x1b: {  	p0 =	sgt.s32 s0, $0x0  }
0x1c: {  	s26 =	simm.s32 $0x2;
	s0 =	simm.s32 @!p0 $0x0  }
0x1d: {  	s29 =	simm.s32 $0x7;
	s30 =	simm.s32 $0x8;
	s28 =	smulhi.u32 $0x92492493, s0  }
0x1e: {  	s31 =	simm.s32 $0x9;
	s11 =	simm.s32 $0x1;
	s21 =	simm.s32 $0x0  }
0x1f: {  	p1 =	por $0x0, $0x0;
	s15 =	simm.s32 $0x80;
	s2 =	sshrl.u32 s28, $0x6  }
0x20: {  	s16 =	simm.s32 $0x400;
	s17 =	simm.s32 $0xA;
	s9 =	smul.u32 $0x70, s2  }
.Ltmp1:
0x21: {  	[tilespmem:s8+$0x0] =	vst v0;
	v0 =	vimm.s32 $0xFFFFFFFF;
	s18 =	simm.s32 $0x0;
	[sflag:s26] =	ssyncpa.u1 $0x0;
	(pc) =	sbr.rel .LBB2_3-.Ltmp1, $4  }
0x22: {  	[tilespmem:$0xE408] =	vst v0;
	[sflag:s29] =	ssyncpa.u1 $0x0;
	p0 =	sne.s32 s0, s9;
	s0 =	simm.s32 $0x1  }
0x23: {  	s20 =	simm.s32 $0x0;
	[sflag:s30] =	ssyncpa.u1 $0x0;
	s0 =	simm.s32 @!p0 $0x0  }
0x24: {  	s13 =	sshll.u32 s3, $0x9;
	[sflag:s31] =	ssyncpa.u1 $0x0;
	s12 =	sadd.s32 s0, s2  }
0x25: {  	v0 =	vlaneseq.u32;
	s19 =	smov.u32 s6;
	p0 =	por $0x1, $0x1;
	s14 =	sadd.s32 $0x1, s12  }
.LBB2_24:
0x26: {  	s0 =	sshrl.u32 s30, $0x2  }
.LBB2_26:
0x27: {  	_ =	swait.ge [sflag:s17], s0  }
0x28: {  	s31 =	ssub.s32 $0x0, s0;
	v1 =	vmov s23;
	vm0 =	veq.s32 v0, $0x0;
	[sflag:s17] =	ssyncset.done $0x0  }
0x29: {  	vm15 =	veq.s32 v0, $0x2;
	v1 =	vsel vm0, s29, v1;
	[sflag:s17] =	ssyncadd.s32 s31  }
0x2a: {  	v1 =	vsel vm15, s21, v1;
	[sflag:s17] =	ssyncpa.u1 $0x1  }
0x2b: {  	[tilespmem:$0xE408] =	vst v1  }
.LBB2_27:
0x2c: {  	s0 =	sadd.s32 $0x70, s19  }
0x2d: {  	s2 =	smov.u32 s6;
	p2 =	slt.s32 s0, s7  }
0x2e: {  	s2 =	smov.u32 @p2 s0;
	p2 =	sne.s32 s20, s14  }
.Ltmp2:
0x2f: {  	_ = 	snop;
	(pc) =	sbr.rel @!p2 .LBB2_28-.Ltmp2, $4  }
0x30: {  	_ = 	snop  }
0x31: {  	s21 =	smov.u32 s18  }
0x32: {  	s31 =	sadd.s32 $0x1, s20;
	s18 =	smov.u32 s19;
	p0 =	por !p0, !p0  }
0x33: {  	p1 =	por !p1, !p1;
	s20 =	smov.u32 s31;
	s19 =	smov.u32 s2  }
.LBB2_3:
0x34: {  	p2 =	sge.u32 s20, s12  }
0x35: {  	s0 =	smulhi.u32 @!p2 $0xAAAAAAAB, s20  }
0x36: {  	s2 =	smov.u32 s19;
	p3 =	sgt.s32 @!p2 s19, $0x297A0  }
0x37: {  	s8 =	sshra.s32 @!p2 s19, $0x1F;
	p3 =	por !p3, p2;
	s0 =	sshrl.u32 @!p2 s0, $0x1  }
0x38: {  	s8 =	sand.u32 @!p2 s8, s19;
	s2 =	simm.s32 @p3 $0x297A0;
	s0 =	smul.u32 @!p2 $0x3, s0  }
0x39: {  	s2 =	ssub.s32 @!p2 s2, s8  }
0x3a: {  	s2 =	sadd.s32 @!p2 $0xFFFD6860, s2;
	s0 =	ssub.s32 @!p2 s20, s0  }
0x3b: {  	s8 =	sshll.u32 @!p2 s2, $0x2;
	p3 =	sgt.s32 @!p2 s2, $0x6F;
	s0 =	smul.u32 @!p2 $0x1C0, s0  }
0x3c: {  	s9 =	sand.u32 @!p2 $0x7, s19;
	s2 =	ssub.s32 @!p2 $0x1C0, s8;
	p3 =	por !p3, p2  }
0x3d: {  	s8 =	sshrl.u32 @!p2 s19, $0x3;
	s2 =	sshrl.u32 @!p2 s2, $0x2;
	s0 =	sshrl.u32 @!p2 s0, $0x2  }
0x3e: {  	s8 =	sadd.s32 @!p2 s5, s8;
	s2 =	simm.s32 @!p3 $0x0;
	s0 =	sadd.s32 @!p2 $0x10438, s0  }
0x3f: {  	[tilespmem:s0], [sflag:$0x8] =	stream.linear.gather @!p2 [hbm4b:s8+s9], s2, $0x38;
	[tilespmem:$0x1E668] =	vst v63  }
0x40: {  	s0 =	sadd.s32 $0xFFFFFFFF, s20  }
0x41: {  	p2 =	sge.u32 s0, s12  }
0x42: {  	p3 =	sgt.s32 @!p2 s18, $0x297A0  }
0x43: {  	s2 =	smov.u32 s18;
	s8 =	sshra.s32 @!p2 s18, $0x1F;
	p3 =	por !p3, p2  }
0x44: {  	s8 =	sand.u32 @!p2 s8, s18;
	s2 =	simm.s32 @p3 $0x297A0  }
0x45: {  	s2 =	ssub.s32 @!p2 s2, s8  }
0x46: {  	s2 =	sadd.s32 @!p2 $0xFFFD6860, s2  }
0x47: {  	s8 =	sshll.u32 @!p2 s2, $0x2  }
0x48: {  	p3 =	sgt.s32 @!p2 s2, $0x6F;
	s2 =	ssub.s32 @!p2 $0x1C0, s8  }
0x49: {  	p3 =	por !p3, p2;
	s2 =	sshrl.u32 @!p2 s2, $0x2  }
0x4a: {  	s9 =	simm.s32 @!p2 $0x8;
	s8 =	sand.u32 @!p2 $0x1, s0;
	s2 =	simm.s32 @!p3 $0x0  }
0x4b: {  	s8 =	smul.u32 @!p2 $0x1C0, s8;
	_ =	swait.ge @!p2 [sflag:s9], s2  }
0x4c: {  	s22 =	ssub.s32 @!p2 $0x0, s2;
	[sflag:s9] =	ssyncset.done @!p2 $0x0  }
0x4d: {  	s8 =	sshrl.u32 @!p2 s8, $0x2;
	[sflag:s9] =	ssyncadd.s32 @!p2 s22;
	s9 =	sshrl.u32 @!p2 s18, $0x3  }
0x4e: {  	s8 =	sor.u32 @!p2 $0x10588, s8;
	s22 =	sand.u32 @!p2 $0x7, s18;
	s9 =	sadd.s32 @!p2 s10, s9  }
0x4f: {  	[tilespmem:s8], [sflag:$0x9] =	stream.linear.gather @!p2 [hbm4b:s9+s22], s2, $0x38;
	[tilespmem:$0x1E668] =	vst v63  }
0x50: {  	s22 =	ssub.s32 @!p2 $0x29810, s18  }
0x51: {  	p3 =	slt.s32 @!p2 s22, $0x1  }
0x52: {  	p3 =	por p2, p3  }
.Ltmp3:
0x53: {  	_ = 	snop;
	(pc) =	sbr.rel @p3 .LBB2_9-.Ltmp3, $1  }
0x54: {  	_ =	sdelay $0x3  }
0x55: {  	s2 =	smulhi.u32 $0xAAAAAAAB, s0;
	_ =	sdelay $0x1  }
0x56: {  	s2 =	sshrl.u32 s2, $0x1  }
0x57: {  	s2 =	smul.u32 $0x3, s2;
	_ =	sdelay $0x1  }
0x58: {  	s29 =	ssub.s32 s0, s2  }
0x59: {  	s8 =	simm.s32 $0x1;
	s0 =	smul.u32 $0x1C0, s29  }
.Ltmp4:
0x5a: {  	s8 =	simm.s32 @!p0 $0x0;
	(pc) =	sbr.rel .LBB2_6-.Ltmp4, $4  }
0x5b: {  	s30 =	smul.u32 $0x1C000, s8  }
0x5c: {  	p3 =	slt.s32 @!p2 s22, $0x70;
	s0 =	sshrl.u32 s0, $0x2  }
0x5d: {  	p2 =	por !p3, p2;
	s2 =	sshrl.u32 s30, $0x2;
	s31 =	sadd.s32 $0x10438, s0  }
0x5e: {  	s22 =	simm.s32 @p2 $0x70;
	s23 =	sor.u32 $0x10668, s2;
	s0 =	simm.s32 $0x0;
	v1 =	vmov s31  }
.LBB2_5:
0x5f: {  	p2 =	sge.s32 s0, s22  }
.Ltmp5:
0x60: {  	_ = 	snop;
	(pc) =	sbr.rel @p2 .LBB2_9-.Ltmp5, $2  }
0x61: {  	_ =	sdelay $0x2  }
0x62: {  	s23 =	sadd.s32 $0x1000, s23  }
.LBB2_6:
0x63: {  	p2 =	sle.s32 s22, s0  }
.Ltmp6:
0x64: {  	_ = 	snop;
	(pc) =	sbr.rel @p2 .LBB2_5-.Ltmp6, $2  }
0x65: {  	_ =	sdelay $0x2  }
0x66: {  	s24 =	smov.u32 s0;
	s0 =	sadd.s32 $0x10, s0  }
0x67: {  	s2 =	ssub.s32 s22, s24  }
0x68: {  	p2 =	slt.s32 s2, $0x10  }
0x69: {  	s2 =	simm.s32 @!p2 $0x10  }
0x6a: {  	v2 =	vmov s2  }
0x6b: {  	vm0 =	vgt.s32 v2, v0;
	_ =	sdelay $0x5  }
0x6c: {  	v2 =	vld.idx.msk [tilespmem:v1+s24+$0x0 ss:$0x1], vm0;
	_ =	sdelay $0x2  }
0x6d: {  	p2 =	slt.s32 s0, s22;
	s2 =	smov.u32 s22  }
0x6e: {  	s8 =	smov.u32 s23;
	s25 =	simm.s32 $0x0;
	s2 =	smov.u32 @p2 s0  }
.LBB2_8:
0x6f: {  	(v2sf) =	vpush v2, s25;
	_ =	sdelay $0xe  }
0x70: {  	s25 =	sadd.s32 $0x1, s25;
	s9 =	spop (v2sf)  }
0x71: {  	s31 =	sadd.s32 s25, s24;
	s26 =	sshll.u32 s9, $0x8;
	s9 =	sshll.u32 s9, $0x7  }
0x72: {  	p2 =	slt.s32 s31, s2;
	s26 =	sand.u32 $0xFFFFF800, s26;
	s9 =	sand.u32 $0x380, s9  }
.Ltmp7:
0x73: {  	s9 =	sor.u32 s9, s26;
	(pc) =	sbr.rel @p2 .LBB2_8-.Ltmp7, $4  }
0x74: {  	s9 =	sshrl.u32 s9, $0x3  }
0x75: {  	s9 =	sadd.s32 s4, s9  }
0x76: {  	[tilespmem:s8], [sflag:$0x7] =	stream.strided.gather [hbm4b:s9+s15], $0x100, s16, s15, $0x38;
	[tilespmem:$0x1E668] =	vst v63  }
0x77: {  	s8 =	sadd.s32 $0x100, s8  }
.Ltmp8:
0x78: {  	_ = 	snop;
	(pc) =	sbr.rel .LBB2_5-.Ltmp8, $1  }
0x79: {  	_ =	sdelay $0x3  }
.LBB2_9:
0x7a: {  	p2 =	slt.u32 s20, $0x2  }
.Ltmp9:
0x7b: {  	_ = 	snop;
	(pc) =	sbr.rel @p2 .LBB2_27-.Ltmp9, $1  }
0x7c: {  	_ =	sdelay $0x3  }
0x7d: {  	p2 =	sgt.s32 s21, $0x297A0;
	s0 =	smov.u32 s21  }
0x7e: {  	s2 =	sshra.s32 s21, $0x1F;
	s8 =	ssub.s32 $0x29810, s21;
	s0 =	simm.s32 @!p2 $0x297A0  }
0x7f: {  	s2 =	sand.u32 s2, s21;
	p2 =	slt.s32 s8, $0x70;
	s9 =	smov.u32 s8  }
0x80: {  	s0 =	ssub.s32 s0, s2;
	s9 =	simm.s32 @!p2 $0x70  }
0x81: {  	s0 =	sadd.s32 $0xFFFD6860, s0;
	s25 =	sshll.u32 s9, $0x8  }
0x82: {  	s3 =	simm.s32 $0x7;
	s26 =	sshll.u32 s0, $0x2;
	s2 =	sand.u32 $0x3FFFFF00, s25  }
0x83: {  	p2 =	sgt.s32 s0, $0x6F;
	s28 =	ssub.s32 $0x1C0, s26;
	_ =	swait.ge [sflag:s3], s2  }
0x84: {  	s2 =	ssub.s32 $0x0, s2;
	[sflag:s3] =	ssyncset.done $0x0;
	s0 =	sshrl.u32 s28, $0x2  }
0x85: {  	s30 =	simm.s32 $0x9;
	[sflag:s3] =	ssyncadd.s32 s2;
	s0 =	simm.s32 @p2 $0x0  }
0x86: {  	_ =	swait.ge [sflag:s30], s0  }
0x87: {  	s0 =	ssub.s32 $0x0, s0;
	[sflag:s30] =	ssyncset.done $0x0  }
0x88: {  	[sflag:s30] =	ssyncadd.s32 s0  }
0x89: {  	v1 =	vld [tilespmem:$0xE408];
	_ =	sdelay $0x4  }
0x8a: {  	(v2sf) =	vpush v1, $0x0  }
0x8b: {  	(v2sf) =	vpush v1, $0x1  }
0x8c: {  	(v2sf) =	vpush v1, $0x2;
	_ =	sdelay $0x3  }
0x8d: {  	s0 =	sadd.s32 $0x70, s21  }
0x8e: {  	p2 =	slt.s32 s7, s0  }
0x8f: {  	s0 =	smov.u32 @p2 s7;
	p2 =	sgt.s32 s8, $0x0  }
0x90: {  	s25 =	ssub.s32 s0, s21;
	s8 =	simm.s32 @!p2 $0x0  }
0x91: {  	p2 =	slt.s32 s8, s25  }
0x92: {  	s25 =	smov.u32 @p2 s8  }
0x93: {  	s24 =	simm.s32 $0x1;
	p2 =	slt.s32 s25, $0x1  }
.Ltmp10:
0x94: {  	s24 =	simm.s32 @!p1 $0x0;
	(pc) =	sbr.rel @p2 .LBB2_14-.Ltmp10, $4  }
0x95: {  	s31 =	smul.u32 $0x1C0, s24  }
0x96: {  	s26 =	spop (v2sf)  }
0x97: {  	s0 =	sshrl.u32 s31, $0x2;
	s29 =	spop (v2sf)  }
0x98: {  	s22 =	sor.u32 $0x10588, s0;
	s21 =	spop (v2sf)  }
0x99: {  	s0 =	smin.u32 s25, $0x10  }
0x9a: {  	v1 =	vmov s0  }
0x9b: {  	vm1 =	vgt.u32 v1, v0  }
0x9c: {  	p3 =	sgt.s32 s25, $0x10  }
.Ltmp11:
0x9d: {  	_ = 	snop;
	(pc) =	sbr.rel @!p3 .LBB2_13-.Ltmp11, $2  }
0x9e: {  	_ =	sdelay $0x2  }
0x9f: {  	s23 =	simm.s32 $0x10;
	s28 =	sadd.s32 $0xFFFFFFF0, s25;
	s0 =	smov.u32 s22;
	vm0 =	vmmov vm1;
	v1 =	vld.msk [tilespmem:s22+$0x0 ss:$0x1], vm1  }
.LBB2_12:
0xa0: {  	s2 =	smin.u32 s28, $0x10;
	s23 =	sadd.s32 $0x10, s23  }
0xa1: {  	v2 =	vmov s2;
	p3 =	slt.s32 s23, s25  }
0xa2: {  	vm1 =	vgt.u32 v2, v0;
	_ =	sdelay $0x1  }
0xa3: {  	v2 =	vshll.u32 v1, $0x5;
	v1 =	vshll.u32 v1, $0x4  }
.Ltmp12:
0xa4: {  	v2 =	vand.u32 $0xFFFFFF00, v2;
	v1 =	vand.u32 $0x70, v1;
	(pc) =	sbr.rel @p3 .LBB2_12-.Ltmp12, $4  }
0xa5: {  	v1 =	vor.u32 v1, v2  }
0xa6: {  	[tilespmem:s0+$0x0] =	vst.msk vm0, v1;
	s0 =	sadd.s32 $0x10, s0;
	vm0 =	vmmov vm1  }
0xa7: {  	v1 =	vld.msk [tilespmem:s0+$0x0 ss:$0x1], vm1  }
0xa8: {  	s28 =	sadd.s32 $0xFFFFFFF0, s28  }
.LBB2_13:
0xa9: {  	_ =	sdelay $0x3  }
0xaa: {  	v2 =	vshll.u32 v1, $0x5;
	v1 =	vshll.u32 v1, $0x4  }
0xab: {  	v2 =	vand.u32 $0xFFFFFF00, v2;
	v1 =	vand.u32 $0x70, v1  }
0xac: {  	v1 =	vor.u32 v1, v2  }
0xad: {  	[tilespmem:s0+$0x0] =	vst.msk vm0, v1  }
.LBB2_14:
0xae: {  	s0 =	sand.u32 $0x1, s20  }
0xaf: {  	s0 =	smul.u32 $0x70, s0  }
0xb0: {  	p3 =	sne.s32 s29, $0xFFFFFFFF  }
0xb1: {  	v1 =	vld.msk @!p3 [tilespmem:s0+$0x10588], $0x1;
	_ =	sdelay $0x4  }
0xb2: {  	(v2sf) =	vpush @!p3 v1, $0x0;
	_ =	sdelay $0xc  }
.Ltmp13:
0xb3: {  	_ = 	snop;
	(pc) =	sbr.rel @p2 .LBB2_25-.Ltmp13, $4  }
0xb4: {  	_ = 	snop  }
0xb5: {  	s28 =	spop @!p3 (v2sf)  }
0xb6: {  	s21 =	simm.s32 @!p3 $0x0;
	s23 =	smov.u32 s28  }
0xb7: {  	[sflag:s17] =	ssyncpa.u1 $0x0;
	s28 =	smov.u32 @p3 s26;
	s23 =	smov.u32 @p3 s29  }
0xb8: {  	v1 =	vld.msk [tilespmem:s22+$0x0], $0x1;
	_ =	sdelay $0x4  }
0xb9: {  	(v2sf) =	vpush v1, $0x0;
	_ =	sdelay $0xd  }
0xba: {  	s17 =	smov.u32 s6  }
0xbb: {  	s6 =	smov.u32 s14;
	s14 =	smov.u32 s5;
	s30 =	spop (v2sf)  }
0xbc: {  	s5 =	smov.u32 s10;
	s0 =	smul.u32 $0x1C000, s24;
	p2 =	seq.s32 s28, s30  }
0xbd: {  	s2 =	smov.u32 s28;
	s25 =	ssub.s32 $0x0, s25;
	p3 =	sgt.s32 @!p2 s28, $0x0  }
0xbe: {  	s26 =	simm.s32 $0x0;
	s0 =	sshrl.u32 s0, $0x2;
	p3 =	por !p3, p2  }
0xbf: {  	s29 =	sadd.s32 $0x1, s25;
	s24 =	sor.u32 $0x106E8, s0;
	s2 =	simm.s32 @p3 $0x0  }
0xc0: {  	s0 =	simm.s32 @!p2 $0x1;
	p3 =	seq.s32 s29, $0x0;
	s2 =	smin.u32 @!p2 s2, $0x4EF70  }
.Ltmp14:
0xc1: {  	s9 =	simm.s32 @!p2 $0x7308;
	s8 =	sand.u32 @!p2 $0x7FFF8, s2;
	(pc) =	sbr.rel @p3 .LBB2_17-.Ltmp14, $4  }
0xc2: {  	s31 =	sadd.s32 @!p2 $0x80, s2;
	s10 =	sadd.s32 @!p2 s1, s8;
	s8 =	sand.u32 @!p2 $0x7, s2  }
0xc3: {  	[tilespmem:s9], [sflag:$0x2] =	stream.linear.gather @!p2 [hbm4b:s10+s8], $0x80, $0x38;
	[tilespmem:$0x1E668] =	vst v63  }
0xc4: {  	s0 =	smov.u32 @p2 s26;
	s9 =	sand.u32 @!p2 $0xFFFF8, s31  }
0xc5: {  	s2 =	simm.s32 @!p2 $0x7388;
	s31 =	sadd.s32 $0x1, s22;
	s9 =	sadd.s32 @!p2 s1, s9  }
.LBB2_16:
0xc6: {  	s10 =	smov.u32 s0  }
0xc7: {  	[tilespmem:s2], [sflag:$0x2] =	stream.linear.gather @!p2 [hbm4b:s9+s8], $0x80, $0x38;
	[tilespmem:$0x1E668] =	vst v63  }
0xc8: {  	s29 =	sadd.s32 $0x1, s29;
	s8 =	smov.u32 s30;
	v1 =	vld.msk [tilespmem:s31+$0x0], $0x1  }
0xc9: {  	p3 =	seq.s32 s29, $0x0;
	_ =	sdelay $0x3  }
0xca: {  	(v2sf) =	vpush v1, $0x0;
	_ =	sdelay $0xe  }
0xcb: {  	s30 =	spop (v2sf)  }
0xcc: {  	p2 =	seq.s32 s8, s30  }
0xcd: {  	p4 =	sgt.s32 @!p2 s8, $0x0;
	s2 =	sshll.u32 @!p2 s0, $0xA;
	s0 =	sadd.s32 @!p2 $0x1, s0  }
0xce: {  	p4 =	por !p4, p2;
	s2 =	sshra.s32 @!p2 s2, $0x2;
	s0 =	smov.u32 @p2 s10  }
0xcf: {  	s8 =	simm.s32 @p4 $0x0;
	s9 =	sadd.s32 @!p2 $0x7308, s2;
	s2 =	sadd.s32 @!p2 $0x7388, s2  }
.Ltmp15:
0xd0: {  	s8 =	smin.u32 @!p2 s8, $0x4EF70;
	(pc) =	sbr.rel @!p3 .LBB2_16-.Ltmp15, $4  }
0xd1: {  	s10 =	sand.u32 @!p2 $0x7FFF8, s8;
	s3 =	sadd.s32 @!p2 $0x80, s8  }
0xd2: {  	s8 =	sand.u32 @!p2 $0x7, s8;
	s10 =	sadd.s32 @!p2 s1, s10;
	s3 =	sand.u32 @!p2 $0xFFFF8, s3  }
0xd3: {  	[tilespmem:s9], [sflag:$0x2] =	stream.linear.gather @!p2 [hbm4b:s10+s8], $0x80, $0x38;
	[tilespmem:$0x1E668] =	vst v63  }
0xd4: {  	s31 =	sadd.s32 $0x1, s31;
	s9 =	sadd.s32 @!p2 s1, s3  }
.LBB2_17:
0xd5: {  	[tilespmem:s2], [sflag:$0x2] =	stream.linear.gather @!p2 [hbm4b:s9+s8], $0x80, $0x38;
	[tilespmem:$0x1E668] =	vst v63  }
.Ltmp16:
0xd6: {  	s0 =	sshll.u32 s0, $0x8;
	(pc) =	sbr.rel .LBB2_18-.Ltmp16, $4  }
0xd7: {  	s31 =	simm.s32 $0x2;
	s30 =	simm.s32 $0x0;
	s0 =	sand.u32 $0x3FFFFF00, s0  }
0xd8: {  	s10 =	smov.u32 s5;
	s5 =	smov.u32 s14;
	_ =	swait.ge [sflag:s31], s0  }
0xd9: {  	s14 =	smov.u32 s6;
	s0 =	ssub.s32 $0x0, s0;
	[sflag:s31] =	ssyncset.done $0x0  }
0xda: {  	s6 =	smov.u32 s17;
	s17 =	simm.s32 $0xA;
	[sflag:s31] =	ssyncadd.s32 s0  }
.LBB2_19:
0xdb: {  	v1 =	vld [tilespmem:s24+$0xFFFFFF80];
	_ =	sdelay $0x4  }
0xdc: {  	[tilespmem:s31+$0x208] =	vst.add.f32.msk $0xffff, v1  }
0xdd: {  	v1 =	vld [tilespmem:s24+$0xFFFFFF90];
	_ =	sdelay $0x4  }
0xde: {  	[tilespmem:s31+$0x218] =	vst.add.f32.msk $0xffff, v1  }
0xdf: {  	v1 =	vld [tilespmem:s24+$0xFFFFFFA0];
	_ =	sdelay $0x4  }
0xe0: {  	[tilespmem:s31+$0x228] =	vst.add.f32.msk $0xffff, v1  }
0xe1: {  	v1 =	vld [tilespmem:s24+$0xFFFFFFB0];
	_ =	sdelay $0x4  }
0xe2: {  	[tilespmem:s31+$0x238] =	vst.add.f32.msk $0xffff, v1  }
0xe3: {  	v1 =	vld [tilespmem:s24+$0xFFFFFFC0];
	_ =	sdelay $0x4  }
0xe4: {  	[tilespmem:s31+$0x248] =	vst.add.f32.msk $0xffff, v1  }
0xe5: {  	v1 =	vld [tilespmem:s24+$0xFFFFFFD0];
	_ =	sdelay $0x4  }
0xe6: {  	[tilespmem:s31+$0x258] =	vst.add.f32.msk $0xffff, v1  }
0xe7: {  	v1 =	vld [tilespmem:s24+$0xFFFFFFE0];
	_ =	sdelay $0x4  }
0xe8: {  	[tilespmem:s31+$0x268] =	vst.add.f32.msk $0xffff, v1  }
0xe9: {  	v1 =	vld [tilespmem:s24+$0xFFFFFFF0];
	_ =	sdelay $0x4  }
0xea: {  	[tilespmem:s31+$0x278] =	vst.add.f32.msk $0xffff, v1  }
0xeb: {  	v1 =	vld [tilespmem:s24+$0x0];
	_ =	sdelay $0x4  }
0xec: {  	[tilespmem:s31+$0x288] =	vst.add.f32.msk $0xffff, v1  }
0xed: {  	v1 =	vld [tilespmem:s24+$0x10];
	_ =	sdelay $0x4  }
0xee: {  	[tilespmem:s31+$0x298] =	vst.add.f32.msk $0xffff, v1  }
0xef: {  	v1 =	vld [tilespmem:s24+$0x20];
	_ =	sdelay $0x4  }
0xf0: {  	[tilespmem:s31+$0x2A8] =	vst.add.f32.msk $0xffff, v1  }
0xf1: {  	v1 =	vld [tilespmem:s24+$0x30];
	_ =	sdelay $0x4  }
0xf2: {  	[tilespmem:s31+$0x2B8] =	vst.add.f32.msk $0xffff, v1  }
0xf3: {  	v1 =	vld [tilespmem:s24+$0x40];
	_ =	sdelay $0x4  }
0xf4: {  	[tilespmem:s31+$0x2C8] =	vst.add.f32.msk $0xffff, v1  }
0xf5: {  	v1 =	vld [tilespmem:s24+$0x50];
	_ =	sdelay $0x4  }
0xf6: {  	[tilespmem:s31+$0x2D8] =	vst.add.f32.msk $0xffff, v1  }
0xf7: {  	v1 =	vld [tilespmem:s24+$0x60];
	_ =	sdelay $0x4  }
0xf8: {  	[tilespmem:s31+$0x2E8] =	vst.add.f32.msk $0xffff, v1  }
0xf9: {  	v1 =	vld [tilespmem:s24+$0x70];
	_ =	sdelay $0x4  }
0xfa: {  	[tilespmem:s31+$0x2F8] =	vst.add.f32.msk $0xffff, v1  }
.LBB2_23:
0xfb: {  	s25 =	sadd.s32 $0x1, s25  }
0xfc: {  	p2 =	seq.s32 s25, $0x0  }
.Ltmp17:
0xfd: {  	_ = 	snop;
	(pc) =	sbr.rel @p2 .LBB2_24-.Ltmp17, $2  }
0xfe: {  	_ =	sdelay $0x2  }
0xff: {  	s22 =	sadd.s32 $0x1, s22;
	s24 =	sadd.s32 $0x100, s24;
	s28 =	smov.u32 s29  }
.LBB2_18:
0x100: {  	v1 =	vld.msk [tilespmem:s22+$0x0], $0x1;
	_ =	sdelay $0x4  }
0x101: {  	(v2sf) =	vpush v1, $0x0;
	_ =	sdelay $0xe  }
0x102: {  	s29 =	spop (v2sf)  }
0x103: {  	p2 =	sne.s32 s28, s29  }
.Ltmp18:
0x104: {  	_ = 	snop;
	(pc) =	sbr.rel @!p2 .LBB2_19-.Ltmp18, $3  }
0x105: {  	_ =	sdelay $0x1  }
0x106: {  	s0 =	sshll.u32 s21, $0xA  }
0x107: {  	s31 =	sshra.s32 s0, $0x2  }
0x108: {  	p2 =	seq.s32 s28, s23  }
.Ltmp19:
0x109: {  	_ = 	snop;
	(pc) =	sbr.rel @!p2 .LBB2_21-.Ltmp19, $1  }
0x10a: {  	_ =	sdelay $0x3  }
.Ltmp20:
0x10b: {  	s0 =	sadd.s32 $0x208, s31;
	(pc) =	sbr.rel .LBB2_22-.Ltmp20, $4  }
0x10c: {  	[spmem:s13] =	stream.linear.scatter [tilespmem:s0], [sflag:$0x1], $0x100, $0x38;
	[tilespmem:$0x1E668] =	vst v63  }
0x10d: {  	_ =	swait.ge [sflag:s11], $0x100  }
0x10e: {  	[sflag:s11] =	ssyncset.done $0x0  }
0x10f: {  	[sflag:s11] =	ssyncadd.s32 $0xFFFFFF00  }
.LBB2_21:
0x110: {  	s0 =	sshll.u32 s26, $0xA  }
0x111: {  	s0 =	sshra.s32 s0, $0x2  }
0x112: {  	v1 =	vld [tilespmem:s0+$0x7308];
	_ =	sdelay $0x4  }
0x113: {  	[tilespmem:s31+$0x208] =	vst.add.f32.msk $0xffff, v1  }
0x114: {  	v1 =	vld [tilespmem:s0+$0x7318];
	_ =	sdelay $0x4  }
0x115: {  	[tilespmem:s31+$0x218] =	vst.add.f32.msk $0xffff, v1  }
0x116: {  	v1 =	vld [tilespmem:s0+$0x7328];
	_ =	sdelay $0x4  }
0x117: {  	[tilespmem:s31+$0x228] =	vst.add.f32.msk $0xffff, v1  }
0x118: {  	v1 =	vld [tilespmem:s0+$0x7338];
	_ =	sdelay $0x4  }
0x119: {  	[tilespmem:s31+$0x238] =	vst.add.f32.msk $0xffff, v1  }
0x11a: {  	v1 =	vld [tilespmem:s0+$0x7348];
	_ =	sdelay $0x4  }
0x11b: {  	[tilespmem:s31+$0x248] =	vst.add.f32.msk $0xffff, v1  }
0x11c: {  	v1 =	vld [tilespmem:s0+$0x7358];
	_ =	sdelay $0x4  }
0x11d: {  	[tilespmem:s31+$0x258] =	vst.add.f32.msk $0xffff, v1  }
0x11e: {  	v1 =	vld [tilespmem:s0+$0x7368];
	_ =	sdelay $0x4  }
0x11f: {  	[tilespmem:s31+$0x268] =	vst.add.f32.msk $0xffff, v1  }
0x120: {  	v1 =	vld [tilespmem:s0+$0x7378];
	_ =	sdelay $0x4  }
0x121: {  	[tilespmem:s31+$0x278] =	vst.add.f32.msk $0xffff, v1  }
0x122: {  	v1 =	vld [tilespmem:s0+$0x7388];
	_ =	sdelay $0x4  }
0x123: {  	[tilespmem:s31+$0x288] =	vst.add.f32.msk $0xffff, v1  }
0x124: {  	v1 =	vld [tilespmem:s0+$0x7398];
	_ =	sdelay $0x4  }
0x125: {  	[tilespmem:s31+$0x298] =	vst.add.f32.msk $0xffff, v1  }
0x126: {  	v1 =	vld [tilespmem:s0+$0x73A8];
	_ =	sdelay $0x4  }
0x127: {  	[tilespmem:s31+$0x2A8] =	vst.add.f32.msk $0xffff, v1  }
0x128: {  	v1 =	vld [tilespmem:s0+$0x73B8];
	_ =	sdelay $0x4  }
0x129: {  	[tilespmem:s31+$0x2B8] =	vst.add.f32.msk $0xffff, v1  }
0x12a: {  	v1 =	vld [tilespmem:s0+$0x73C8];
	_ =	sdelay $0x4  }
0x12b: {  	[tilespmem:s31+$0x2C8] =	vst.add.f32.msk $0xffff, v1  }
0x12c: {  	v1 =	vld [tilespmem:s0+$0x73D8];
	_ =	sdelay $0x4  }
0x12d: {  	[tilespmem:s31+$0x2D8] =	vst.add.f32.msk $0xffff, v1  }
0x12e: {  	v1 =	vld [tilespmem:s0+$0x73E8];
	_ =	sdelay $0x4  }
0x12f: {  	[tilespmem:s31+$0x2E8] =	vst.add.f32.msk $0xffff, v1  }
0x130: {  	v1 =	vld [tilespmem:s0+$0x73F8];
	_ =	sdelay $0x2  }
0x131: {  	p2 =	sgt.u32 s28, $0x4EF70  }
0x132: {  	s0 =	sand.u32 @!p2 $0x7FFF8, s28  }
0x133: {  	s2 =	sadd.s32 $0x208, s31;
	s3 =	sand.u32 @!p2 $0x7, s28;
	s0 =	sadd.s32 @!p2 s1, s0;
	[tilespmem:s31+$0x2F8] =	vst.add.f32.msk $0xffff, v1  }
0x134: {  	[hbm4b:s0+s3] =	stream.linear.scatter @!p2 [tilespmem:s2], [sflag:$0xA], $0x80, $0x38;
	[tilespmem:$0x1E668] =	vst v63  }
0x135: {  	s0 =	sadd.s32 @!p2 $0x80, s28  }
0x136: {  	s0 =	sand.u32 @!p2 $0xFFFF8, s0  }
0x137: {  	s2 =	sadd.s32 $0x288, s31;
	s0 =	sadd.s32 @!p2 s1, s0  }
0x138: {  	[hbm4b:s0+s3] =	stream.linear.scatter @!p2 [tilespmem:s2], [sflag:$0xA], $0x80, $0x38;
	[tilespmem:$0x1E668] =	vst v63  }
0x139: {  	s0 =	simm.s32 $0x0  }
0x13a: {  	s0 =	simm.s32 @!p2 $0x400  }
0x13b: {  	s30 =	sadd.s32 s0, s30  }
.LBB2_22:
0x13c: {  	s0 =	sadd.s32 $0x1, s21  }
0x13d: {  	s2 =	sshrl.u32 s0, $0x4  }
0x13e: {  	s2 =	smulhi.u32 $0x24924925, s2  }
0x13f: {  	v1 =	vld [tilespmem:s24+$0xFFFFFF80]  }
0x140: {  	s2 =	smul.u32 $0x70, s2;
	_ =	sdelay $0x1  }
0x141: {  	s21 =	ssub.s32 s0, s2  }
0x142: {  	s0 =	sshll.u32 s21, $0x8  }
0x143: {  	[tilespmem:s0+$0x208] =	vst v1  }
0x144: {  	v1 =	vld [tilespmem:s24+$0xFFFFFF90];
	_ =	sdelay $0x4  }
0x145: {  	[tilespmem:s0+$0x218] =	vst v1  }
0x146: {  	v1 =	vld [tilespmem:s24+$0xFFFFFFA0];
	_ =	sdelay $0x4  }
0x147: {  	[tilespmem:s0+$0x228] =	vst v1  }
0x148: {  	v1 =	vld [tilespmem:s24+$0xFFFFFFB0];
	_ =	sdelay $0x4  }
0x149: {  	[tilespmem:s0+$0x238] =	vst v1  }
0x14a: {  	v1 =	vld [tilespmem:s24+$0xFFFFFFC0];
	_ =	sdelay $0x4  }
0x14b: {  	[tilespmem:s0+$0x248] =	vst v1  }
0x14c: {  	v1 =	vld [tilespmem:s24+$0xFFFFFFD0];
	_ =	sdelay $0x4  }
0x14d: {  	[tilespmem:s0+$0x258] =	vst v1  }
0x14e: {  	v1 =	vld [tilespmem:s24+$0xFFFFFFE0];
	_ =	sdelay $0x4  }
0x14f: {  	[tilespmem:s0+$0x268] =	vst v1  }
0x150: {  	v1 =	vld [tilespmem:s24+$0xFFFFFFF0];
	_ =	sdelay $0x4  }
0x151: {  	[tilespmem:s0+$0x278] =	vst v1  }
0x152: {  	v1 =	vld [tilespmem:s24+$0x0];
	_ =	sdelay $0x4  }
0x153: {  	[tilespmem:s0+$0x288] =	vst v1  }
0x154: {  	v1 =	vld [tilespmem:s24+$0x10];
	_ =	sdelay $0x4  }
0x155: {  	[tilespmem:s0+$0x298] =	vst v1  }
0x156: {  	v1 =	vld [tilespmem:s24+$0x20];
	_ =	sdelay $0x4  }
0x157: {  	[tilespmem:s0+$0x2A8] =	vst v1  }
0x158: {  	v1 =	vld [tilespmem:s24+$0x30];
	_ =	sdelay $0x4  }
0x159: {  	[tilespmem:s0+$0x2B8] =	vst v1  }
0x15a: {  	v1 =	vld [tilespmem:s24+$0x40];
	_ =	sdelay $0x4  }
0x15b: {  	[tilespmem:s0+$0x2C8] =	vst v1  }
0x15c: {  	v1 =	vld [tilespmem:s24+$0x50];
	_ =	sdelay $0x4  }
0x15d: {  	[tilespmem:s0+$0x2D8] =	vst v1  }
0x15e: {  	v1 =	vld [tilespmem:s24+$0x60];
	_ =	sdelay $0x4  }
0x15f: {  	[tilespmem:s0+$0x2E8] =	vst v1  }
0x160: {  	v1 =	vld [tilespmem:s24+$0x70]  }
.Ltmp21:
0x161: {  	_ = 	snop;
	(pc) =	sbr.rel .LBB2_23-.Ltmp21, $2  }
0x162: {  	_ =	sdelay $0x2  }
0x163: {  	s26 =	sadd.s32 $0x1, s26;
	[tilespmem:s0+$0x2F8] =	vst v1  }
.LBB2_25:
.Ltmp22:
0x164: {  	(pc) =	sbr.rel .LBB2_26-.Ltmp22, $4  }
0x165: {  	_ = 	snop  }
0x166: {  	s0 =	simm.s32 $0x2  }
0x167: {  	_ =	swait.ge [sflag:s0], $0x0  }
0x168: {  	s29 =	smov.u32 s28;
	[sflag:s0] =	ssyncset.done $0x0;
	s0 =	simm.s32 $0x0  }
.LBB2_28:
0x169: {  	_ =	sfence.sel $0x180000  }
0x16a: {  	s0 =	simm.s32 $0x7;
	[bflag:$0x0] =	sbarrier.arrive $0xFFFF  }
0x16b: {  	s25 =	simm.s32 $0x8;
	[sflag:s0] =	ssyncpa.u1 $0x1  }
0x16c: {  	s26 =	simm.s32 $0x9;
	[sflag:s25] =	ssyncpa.u1 $0x1  }
0x16d: {  	s28 =	simm.s32 $0x2;
	[sflag:s26] =	ssyncpa.u1 $0x1  }
0x16e: {  	[sflag:s28] =	ssyncpa.u1 $0x1  }
0x16f: {  	v0 =	vld [tilespmem:$0xE408];
	_ =	sdelay $0x4  }
0x170: {  	(v2sf) =	vpush v0, $0x0  }
0x171: {  	(v2sf) =	vpush v0, $0x1;
	_ =	sdelay $0x1  }
0x172: {  	(v2sf) =	vpush v0, $0x2;
	_ =	sdelay $0xb  }
0x173: {  	s0 =	spop (v2sf)  }
0x174: {  	s2 =	spop (v2sf)  }
0x175: {  	s3 =	smov.u32 s0;
	p0 =	sne.s32 s0, s2  }
0x176: {  	s4 =	spop (v2sf);
	s3 =	simm.s32 @!p0 $0xFFFFFFFF  }
0x177: {  	v2 =	vimm.s32 $0x1;
	v3 =	vlaneseq.u32;
	p0 =	seq.s32 s4, $0xFFFFFFFF;
	v1 =	vmov s3  }
0x178: {  	s7 =	stileid.u32;
	v0 =	vperm.xlane v0, v2;
	p1 =	sne.s32 @!p0 s0, s2;
	v1 =	vperm.xlane v1, v3  }
0x179: {  	vm0 =	vcmask $0x3F04;
	s6 =	simm.s32 $0xE408;
	s0 =	simm.s32 @!p0 $0x1;
	p1 =	por !p1, p0  }
0x17a: {  	s3 =	sshll.u32 s7, $0x1;
	s2 =	sshll.u32 @!p0 s4, $0xA;
	s0 =	simm.s32 @p1 $0x0;
	v0 =	vsel vm0, v1, v0  }
0x17b: {  	s5 =	sor.u32 $0x2000, s3;
	s2 =	sshra.s32 @!p0 s2, $0x2;
	s0 =	sor.u32 @!p0 s0, s3;
	[tilespmem:$0xE408] =	vst v0  }
0x17c: {  	[spmem:s5] =	stream.linear.scatter [tilespmem:s6], [sflag:$0x1], $0x2, $0x38;
	[tilespmem:$0x1E668] =	vst v63  }
0x17d: {  	s2 =	sadd.s32 @!p0 $0x208, s2;
	s0 =	sshll.u32 @!p0 s0, $0x8  }
0x17e: {  	[spmem:s0] =	stream.linear.scatter @!p0 [tilespmem:s2], [sflag:$0x1], $0x100, $0x38;
	[tilespmem:$0x1E668] =	vst v63  }
0x17f: {  	s2 =	simm.s32 @!p0 $0x102  }
0x180: {  	s0 =	simm.s32 $0x1;
	s2 =	simm.s32 @p0 $0x2  }
0x181: {  	_ =	swait.ge [sflag:s0], s2  }
0x182: {  	s2 =	ssub.s32 $0x0, s2;
	[sflag:s0] =	ssyncset.done $0x0  }
0x183: {  	[sflag:s0] =	ssyncadd.s32 s2  }
0x184: {  	_ =	sfence.stream.spmem  }
0x185: {  	s29 =	simm.s32 $0x3;
	[bflag:$0x0] =	sbarrier.arrive $0xFFFF  }
0x186: {  	s30 =	simm.s32 $0x4;
	[sflag:s29] =	ssyncpa.u1 $0x1  }
0x187: {  	s31 =	simm.s32 $0x3C;
	[sflag:s30] =	ssyncpa.u1 $0x1  }
0x188: {  	p0 =	sne.s32 s7, $0x0;
	[sflag:s31] =	ssyncpa.u1 $0x1  }
0x189: {  	_ =	sfence @p0  }
0x18a: {  	[sflag:s0] =	ssyncpa.u1 @p0 $0x1  }
0x18b: {  	_ =	strace @p0 $0x90000065  }
0x18c: {  	[bflag:$0x2] =	sbarrier.arrive @p0 $0xFFFF  }
0x18d: {  	_ =	shalt @p0  }
.LBB2_29:
0x18e: {  	_ =	sfence.stream.spmem;
	s0 =	simm.s32 $0x5  }
0x18f: {  	s2 =	simm.s32 $0x2000;
	s3 =	simm.s32 $0xE418;
	[sflag:s0] =	ssyncpa.u1 $0x0  }
0x190: {  	[tilespmem:s3], [sflag:$0x5] =	stream.linear.gather [spmem:s2], $0x20, $0x38;
	[tilespmem:$0x1E668] =	vst v63  }
0x191: {  	s30 =	simm.s32 $0xE438;
	s2 =	simm.s32 $0x0  }
0x192: {  	[tilespmem:s30], [sflag:$0x5] =	stream.linear.gather [spmem:s2], $0x2000, $0x38;
	[tilespmem:$0x1E668] =	vst v63  }
.Ltmp23:
0x193: {  	_ = 	snop;
	(pc) =	sbr.rel .LBB2_30-.Ltmp23, $4  }
0x194: {  	_ =	swait.ge [sflag:s0], $0x2020  }
0x195: {  	[sflag:s0] =	ssyncset.done $0x0  }
0x196: {  	s31 =	simm.s32 $0x6;
	[sflag:s0] =	ssyncadd.s32 $0xFFFFDFE0  }
0x197: {  	s3 =	simm.s32 $0x0;
	[sflag:s31] =	ssyncpa.u1 $0x0  }
.LBB2_36:
0x198: {  	p0 =	slt.u32 s4, $0x4EF71  }
0x199: {  	s0 =	sand.u32 @p0 $0x7FFF8, s4  }
0x19a: {  	s5 =	sand.u32 @p0 $0x7, s4;
	s6 =	simm.s32 @p0 $0xE308;
	s0 =	sadd.s32 @p0 s1, s0  }
0x19b: {  	[tilespmem:s6], [sflag:$0x6] =	stream.linear.gather @p0 [hbm4b:s0+s5], $0x80, $0x38;
	[tilespmem:$0x1E668] =	vst v63  }
0x19c: {  	s0 =	sadd.s32 @p0 $0x80, s4  }
0x19d: {  	s0 =	sand.u32 @p0 $0xFFFF8, s0  }
0x19e: {  	s4 =	simm.s32 @p0 $0xE388;
	s0 =	sadd.s32 @p0 s1, s0  }
0x19f: {  	[tilespmem:s4], [sflag:$0x6] =	stream.linear.gather @p0 [hbm4b:s0+s5], $0x80, $0x38;
	[tilespmem:$0x1E668] =	vst v63  }
0x1a0: {  	s0 =	simm.s32 @p0 $0x6  }
0x1a1: {  	_ =	swait.ge @p0 [sflag:s0], $0x100  }
0x1a2: {  	[sflag:s0] =	ssyncset.done @p0 $0x0  }
0x1a3: {  	[sflag:s0] =	ssyncadd.s32 @p0 $0xFFFFFF00  }
0x1a4: {  	v1 =	vld @p0 [tilespmem:$0xE308];
	_ =	sdelay $0x2  }
0x1a5: {  	s0 =	sshll.u32 @p0 s3, $0xA  }
0x1a6: {  	s4 =	sshrl.u32 @p0 s0, $0x2  }
0x1a7: {  	[tilespmem:s4+$0xE438] =	vst.add.f32.msk @p0 $0xffff, v1  }
0x1a8: {  	v1 =	vld @p0 [tilespmem:$0xE318];
	_ =	sdelay $0x4  }
0x1a9: {  	[tilespmem:s4+$0xE448] =	vst.add.f32.msk @p0 $0xffff, v1  }
0x1aa: {  	v1 =	vld @p0 [tilespmem:$0xE328];
	_ =	sdelay $0x4  }
0x1ab: {  	[tilespmem:s4+$0xE458] =	vst.add.f32.msk @p0 $0xffff, v1  }
0x1ac: {  	v1 =	vld @p0 [tilespmem:$0xE338];
	_ =	sdelay $0x4  }
0x1ad: {  	[tilespmem:s4+$0xE468] =	vst.add.f32.msk @p0 $0xffff, v1  }
0x1ae: {  	v1 =	vld @p0 [tilespmem:$0xE348];
	_ =	sdelay $0x4  }
0x1af: {  	[tilespmem:s4+$0xE478] =	vst.add.f32.msk @p0 $0xffff, v1  }
0x1b0: {  	v1 =	vld @p0 [tilespmem:$0xE358];
	_ =	sdelay $0x4  }
0x1b1: {  	[tilespmem:s4+$0xE488] =	vst.add.f32.msk @p0 $0xffff, v1  }
0x1b2: {  	v1 =	vld @p0 [tilespmem:$0xE368];
	_ =	sdelay $0x4  }
0x1b3: {  	[tilespmem:s4+$0xE498] =	vst.add.f32.msk @p0 $0xffff, v1  }
0x1b4: {  	v1 =	vld @p0 [tilespmem:$0xE378];
	_ =	sdelay $0x4  }
0x1b5: {  	[tilespmem:s4+$0xE4A8] =	vst.add.f32.msk @p0 $0xffff, v1  }
0x1b6: {  	v1 =	vld @p0 [tilespmem:$0xE388];
	_ =	sdelay $0x4  }
0x1b7: {  	[tilespmem:s4+$0xE4B8] =	vst.add.f32.msk @p0 $0xffff, v1  }
0x1b8: {  	v1 =	vld @p0 [tilespmem:$0xE398];
	_ =	sdelay $0x4  }
0x1b9: {  	[tilespmem:s4+$0xE4C8] =	vst.add.f32.msk @p0 $0xffff, v1  }
0x1ba: {  	v1 =	vld @p0 [tilespmem:$0xE3A8];
	_ =	sdelay $0x4  }
0x1bb: {  	[tilespmem:s4+$0xE4D8] =	vst.add.f32.msk @p0 $0xffff, v1  }
0x1bc: {  	v1 =	vld @p0 [tilespmem:$0xE3B8];
	_ =	sdelay $0x4  }
0x1bd: {  	[tilespmem:s4+$0xE4E8] =	vst.add.f32.msk @p0 $0xffff, v1  }
0x1be: {  	v1 =	vld @p0 [tilespmem:$0xE3C8];
	_ =	sdelay $0x4  }
0x1bf: {  	[tilespmem:s4+$0xE4F8] =	vst.add.f32.msk @p0 $0xffff, v1  }
0x1c0: {  	v1 =	vld @p0 [tilespmem:$0xE3D8];
	_ =	sdelay $0x4  }
0x1c1: {  	[tilespmem:s4+$0xE508] =	vst.add.f32.msk @p0 $0xffff, v1  }
0x1c2: {  	v1 =	vld @p0 [tilespmem:$0xE3E8];
	_ =	sdelay $0x4  }
0x1c3: {  	[tilespmem:s4+$0xE518] =	vst.add.f32.msk @p0 $0xffff, v1  }
0x1c4: {  	v1 =	vld @p0 [tilespmem:$0xE3F8];
	_ =	sdelay $0x3  }
0x1c5: {  	s5 =	sshll.u32 @!p0 s3, $0xA  }
0x1c6: {  	s5 =	smov.u32 @p0 s0;
	[tilespmem:s4+$0xE528] =	vst.add.f32.msk @p0 $0xffff, v1  }
0x1c7: {  	s0 =	sshrl.u32 s5, $0x2;
	[tilespmem:s2+$0xE418] =	vst.msk $0x1, v0  }
0x1c8: {  	v0 =	vld [tilespmem:s0+$0xE438];
	_ =	sdelay $0x2  }
0x1c9: {  	s31 =	sshll.u32 s2, $0xA  }
0x1ca: {  	s4 =	sshra.s32 s31, $0x2  }
0x1cb: {  	[tilespmem:s4+$0xE438] =	vst v0  }
0x1cc: {  	v0 =	vld [tilespmem:s0+$0xE448];
	_ =	sdelay $0x4  }
0x1cd: {  	[tilespmem:s4+$0xE448] =	vst v0  }
0x1ce: {  	v0 =	vld [tilespmem:s0+$0xE458];
	_ =	sdelay $0x4  }
0x1cf: {  	[tilespmem:s4+$0xE458] =	vst v0  }
0x1d0: {  	v0 =	vld [tilespmem:s0+$0xE468];
	_ =	sdelay $0x4  }
0x1d1: {  	[tilespmem:s4+$0xE468] =	vst v0  }
0x1d2: {  	v0 =	vld [tilespmem:s0+$0xE478];
	_ =	sdelay $0x4  }
0x1d3: {  	[tilespmem:s4+$0xE478] =	vst v0  }
0x1d4: {  	v0 =	vld [tilespmem:s0+$0xE488];
	_ =	sdelay $0x4  }
0x1d5: {  	[tilespmem:s4+$0xE488] =	vst v0  }
0x1d6: {  	v0 =	vld [tilespmem:s0+$0xE498];
	_ =	sdelay $0x4  }
0x1d7: {  	[tilespmem:s4+$0xE498] =	vst v0  }
0x1d8: {  	v0 =	vld [tilespmem:s0+$0xE4A8];
	_ =	sdelay $0x4  }
0x1d9: {  	[tilespmem:s4+$0xE4A8] =	vst v0  }
0x1da: {  	v0 =	vld [tilespmem:s0+$0xE4B8];
	_ =	sdelay $0x4  }
0x1db: {  	[tilespmem:s4+$0xE4B8] =	vst v0  }
0x1dc: {  	v0 =	vld [tilespmem:s0+$0xE4C8];
	_ =	sdelay $0x4  }
0x1dd: {  	[tilespmem:s4+$0xE4C8] =	vst v0  }
0x1de: {  	v0 =	vld [tilespmem:s0+$0xE4D8];
	_ =	sdelay $0x4  }
0x1df: {  	[tilespmem:s4+$0xE4D8] =	vst v0  }
0x1e0: {  	v0 =	vld [tilespmem:s0+$0xE4E8];
	_ =	sdelay $0x4  }
0x1e1: {  	[tilespmem:s4+$0xE4E8] =	vst v0  }
0x1e2: {  	v0 =	vld [tilespmem:s0+$0xE4F8];
	_ =	sdelay $0x4  }
0x1e3: {  	[tilespmem:s4+$0xE4F8] =	vst v0  }
0x1e4: {  	v0 =	vld [tilespmem:s0+$0xE508];
	_ =	sdelay $0x4  }
0x1e5: {  	[tilespmem:s4+$0xE508] =	vst v0  }
0x1e6: {  	v0 =	vld [tilespmem:s0+$0xE518];
	_ =	sdelay $0x4  }
0x1e7: {  	[tilespmem:s4+$0xE518] =	vst v0  }
0x1e8: {  	v0 =	vld [tilespmem:s0+$0xE528];
	_ =	sdelay $0x4  }
0x1e9: {  	s2 =	sadd.s32 $0x1, s2;
	[tilespmem:s4+$0xE528] =	vst v0  }
.LBB2_37:
0x1ea: {  	s3 =	sadd.s32 $0x1, s3  }
0x1eb: {  	p0 =	sne.s32 s3, $0x20  }
.Ltmp24:
0x1ec: {  	_ = 	snop;
	(pc) =	sbr.rel @!p0 .LBB2_38-.Ltmp24, $1  }
0x1ed: {  	_ =	sdelay $0x3  }
.LBB2_30:
0x1ee: {  	v0 =	vld.msk [tilespmem:s3+$0xE418], $0x1;
	_ =	sdelay $0x4  }
0x1ef: {  	(v2sf) =	vpush v0, $0x0;
	_ =	sdelay $0xe  }
0x1f0: {  	s4 =	spop (v2sf)  }
0x1f1: {  	p0 =	seq.s32 s4, $0xFFFFFFFF  }
.Ltmp25:
0x1f2: {  	_ = 	snop;
	(pc) =	sbr.rel @p0 .LBB2_37-.Ltmp25, $1  }
0x1f3: {  	_ =	sdelay $0x3  }
0x1f4: {  	p0 =	slt.s32 s2, $0x1  }
.Ltmp26:
0x1f5: {  	_ = 	snop;
	(pc) =	sbr.rel @p0 .LBB2_36-.Ltmp26, $1  }
0x1f6: {  	_ =	sdelay $0x3  }
0x1f7: {  	s5 =	simm.s32 $0xE418;
	p0 =	por $0x0, $0x0  }
0x1f8: {  	v1 =	vld.msk @!p0 [tilespmem:s5+$0x0], $0x1;
	_ =	sdelay $0x4  }
0x1f9: {  	(v2sf) =	vpush @!p0 v1, $0x0;
	_ =	sdelay $0xd  }
0x1fa: {  	p2 =	sne.s32 s2, $0x1  }
.Ltmp27:
0x1fb: {  	s0 =	spop @!p0 (v2sf);
	(pc) =	sbr.rel @!p2 .LBB2_34-.Ltmp27, $4  }
0x1fc: {  	p1 =	seq.s32 @!p0 s4, s0  }
0x1fd: {  	s6 =	simm.s32 $0x0;
	p1 =	por !p1, p0  }
0x1fe: {  	s0 =	simm.s32 $0xFFFFFFFF;
	s6 =	simm.s32 @p1 $0xFFFFFFFF  }
0x1ff: {  	s7 =	simm.s32 $0x1;
	s6 =	smov.u32 @p0 s0  }
.LBB2_33:
0x200: {  	s0 =	smov.u32 s6;
	p0 =	sne.s32 s6, $0xFFFFFFFF  }
0x201: {  	s5 =	sadd.s32 $0x1, s5;
	s6 =	smov.u32 s7;
	s7 =	sadd.s32 $0x1, s7  }
0x202: {  	p1 =	sne.s32 s2, s7;
	v1 =	vld.msk @!p0 [tilespmem:s5+$0x0], $0x1;
	_ =	sdelay $0x4  }
0x203: {  	(v2sf) =	vpush @!p0 v1, $0x0;
	_ =	sdelay $0xe  }
.Ltmp28:
0x204: {  	s8 =	spop @!p0 (v2sf);
	(pc) =	sbr.rel @p1 .LBB2_33-.Ltmp28, $4  }
0x205: {  	p2 =	seq.s32 @!p0 s4, s8  }
0x206: {  	p2 =	por !p2, p0  }
0x207: {  	s6 =	simm.s32 @p2 $0xFFFFFFFF  }
0x208: {  	s6 =	smov.u32 @p0 s0  }
.LBB2_34:
0x209: {  	p0 =	seq.s32 s6, $0xFFFFFFFF  }
.Ltmp29:
0x20a: {  	_ = 	snop;
	(pc) =	sbr.rel @p0 .LBB2_36-.Ltmp29, $1  }
0x20b: {  	_ =	sdelay $0x3  }
0x20c: {  	s0 =	sshll.u32 s3, $0x8  }
0x20d: {  	s0 =	sand.u32 $0x3FFFFF00, s0  }
0x20e: {  	v0 =	vld [tilespmem:s0+$0xE438];
	_ =	sdelay $0x2  }
0x20f: {  	s4 =	sshll.u32 s6, $0xA  }
0x210: {  	s4 =	sshra.s32 s4, $0x2  }
0x211: {  	[tilespmem:s4+$0xE438] =	vst.add.f32.msk $0xffff, v0  }
0x212: {  	v0 =	vld [tilespmem:s0+$0xE448];
	_ =	sdelay $0x4  }
0x213: {  	[tilespmem:s4+$0xE448] =	vst.add.f32.msk $0xffff, v0  }
0x214: {  	v0 =	vld [tilespmem:s0+$0xE458];
	_ =	sdelay $0x4  }
0x215: {  	[tilespmem:s4+$0xE458] =	vst.add.f32.msk $0xffff, v0  }
0x216: {  	v0 =	vld [tilespmem:s0+$0xE468];
	_ =	sdelay $0x4  }
0x217: {  	[tilespmem:s4+$0xE468] =	vst.add.f32.msk $0xffff, v0  }
0x218: {  	v0 =	vld [tilespmem:s0+$0xE478];
	_ =	sdelay $0x4  }
0x219: {  	[tilespmem:s4+$0xE478] =	vst.add.f32.msk $0xffff, v0  }
0x21a: {  	v0 =	vld [tilespmem:s0+$0xE488];
	_ =	sdelay $0x4  }
0x21b: {  	[tilespmem:s4+$0xE488] =	vst.add.f32.msk $0xffff, v0  }
0x21c: {  	v0 =	vld [tilespmem:s0+$0xE498];
	_ =	sdelay $0x4  }
0x21d: {  	[tilespmem:s4+$0xE498] =	vst.add.f32.msk $0xffff, v0  }
0x21e: {  	v0 =	vld [tilespmem:s0+$0xE4A8];
	_ =	sdelay $0x4  }
0x21f: {  	[tilespmem:s4+$0xE4A8] =	vst.add.f32.msk $0xffff, v0  }
0x220: {  	v0 =	vld [tilespmem:s0+$0xE4B8];
	_ =	sdelay $0x4  }
0x221: {  	[tilespmem:s4+$0xE4B8] =	vst.add.f32.msk $0xffff, v0  }
0x222: {  	v0 =	vld [tilespmem:s0+$0xE4C8];
	_ =	sdelay $0x4  }
0x223: {  	[tilespmem:s4+$0xE4C8] =	vst.add.f32.msk $0xffff, v0  }
0x224: {  	v0 =	vld [tilespmem:s0+$0xE4D8];
	_ =	sdelay $0x4  }
0x225: {  	[tilespmem:s4+$0xE4D8] =	vst.add.f32.msk $0xffff, v0  }
0x226: {  	v0 =	vld [tilespmem:s0+$0xE4E8];
	_ =	sdelay $0x4  }
0x227: {  	[tilespmem:s4+$0xE4E8] =	vst.add.f32.msk $0xffff, v0  }
0x228: {  	v0 =	vld [tilespmem:s0+$0xE4F8];
	_ =	sdelay $0x4  }
0x229: {  	[tilespmem:s4+$0xE4F8] =	vst.add.f32.msk $0xffff, v0  }
0x22a: {  	v0 =	vld [tilespmem:s0+$0xE508];
	_ =	sdelay $0x4  }
0x22b: {  	[tilespmem:s4+$0xE508] =	vst.add.f32.msk $0xffff, v0  }
0x22c: {  	v0 =	vld [tilespmem:s0+$0xE518];
	_ =	sdelay $0x4  }
0x22d: {  	[tilespmem:s4+$0xE518] =	vst.add.f32.msk $0xffff, v0  }
0x22e: {  	v0 =	vld [tilespmem:s0+$0xE528]  }
.Ltmp30:
0x22f: {  	_ = 	snop;
	(pc) =	sbr.rel .LBB2_37-.Ltmp30, $2  }
0x230: {  	_ =	sdelay $0x2  }
0x231: {  	[tilespmem:s4+$0xE528] =	vst.add.f32.msk $0xffff, v0  }
.LBB2_38:
0x232: {  	p0 =	slt.s32 s2, $0x1  }
.Ltmp31:
0x233: {  	_ = 	snop;
	(pc) =	sbr.rel @p0 .LBB2_42-.Ltmp31, $3  }
0x234: {  	_ =	sdelay $0x1  }
0x235: {  	s0 =	simm.s32 $0x6  }
0x236: {  	[sflag:s0] =	ssyncpa.u1 $0x1;
	s0 =	simm.s32 $0x0  }
0x237: {  	s3 =	simm.s32 $0xE418  }
0x238: {  	v0 =	vld.msk [tilespmem:s3+$0x0], $0x1;
	_ =	sdelay $0x4  }
0x239: {  	(v2sf) =	vpush v0, $0x0;
	_ =	sdelay $0xe  }
0x23a: {  	s2 =	sadd.s32 $0xFFFFFFFF, s2;
	s4 =	spop (v2sf)  }
0x23b: {  	s5 =	simm.s32 $0xE438;
	p0 =	sne.s32 s2, $0x0;
	p1 =	sgt.u32 s4, $0x4EF70  }
.Ltmp32:
0x23c: {  	s3 =	simm.s32 $0xE538;
	s6 =	sand.u32 @!p1 $0x7FFF8, s4;
	(pc) =	sbr.rel @!p0 .LBB2_41-.Ltmp32, $4  }
0x23d: {  	s7 =	sadd.s32 @!p1 $0x80, s4;
	s8 =	sadd.s32 @!p1 s1, s6;
	s6 =	sand.u32 @!p1 $0x7, s4  }
0x23e: {  	[hbm4b:s8+s6] =	stream.linear.scatter @!p1 [tilespmem:s5], [sflag:$0x5], $0x80, $0x38;
	[tilespmem:$0x1E668] =	vst v63  }
0x23f: {  	s0 =	simm.s32 @!p1 $0x400;
	s4 =	simm.s32 $0xE419;
	s5 =	sand.u32 @!p1 $0xFFFF8, s7  }
0x240: {  	s7 =	simm.s32 @!p1 $0xE4B8;
	s8 =	sadd.s32 @!p1 s1, s5;
	s5 =	sadd.s32 $0x0, s0  }
.LBB2_40:
0x241: {  	[hbm4b:s8+s6] =	stream.linear.scatter @!p1 [tilespmem:s7], [sflag:$0x5], $0x80, $0x38;
	[tilespmem:$0x1E668] =	vst v63  }
0x242: {  	s2 =	sadd.s32 $0xFFFFFFFF, s2;
	s0 =	smov.u32 s3;
	v0 =	vld.msk [tilespmem:s4+$0x0], $0x1  }
0x243: {  	p0 =	sne.s32 s2, $0x0;
	_ =	sdelay $0x3  }
0x244: {  	(v2sf) =	vpush v0, $0x0;
	_ =	sdelay $0xe  }
0x245: {  	s3 =	sadd.s32 $0x100, s3;
	s9 =	simm.s32 $0x0;
	s6 =	spop (v2sf)  }
.Ltmp33:
0x246: {  	s4 =	sadd.s32 $0x1, s4;
	p1 =	sgt.u32 s6, $0x4EF70;
	(pc) =	sbr.rel @p0 .LBB2_40-.Ltmp33, $4  }
0x247: {  	s9 =	simm.s32 @!p1 $0x400;
	s7 =	sand.u32 @!p1 $0x7FFF8, s6;
	s8 =	sadd.s32 @!p1 $0x80, s6  }
0x248: {  	s6 =	sand.u32 @!p1 $0x7, s6;
	s7 =	sadd.s32 @!p1 s1, s7;
	s8 =	sand.u32 @!p1 $0xFFFF8, s8  }
0x249: {  	[hbm4b:s7+s6] =	stream.linear.scatter @!p1 [tilespmem:s0], [sflag:$0x5], $0x80, $0x38;
	[tilespmem:$0x1E668] =	vst v63  }
0x24a: {  	s5 =	sadd.s32 s5, s9;
	s7 =	sadd.s32 @!p1 $0x80, s0;
	s8 =	sadd.s32 @!p1 s1, s8  }
.LBB2_41:
0x24b: {  	[hbm4b:s8+s6] =	stream.linear.scatter @!p1 [tilespmem:s7], [sflag:$0x5], $0x80, $0x38;
	[tilespmem:$0x1E668] =	vst v63  }
0x24c: {  	s0 =	sshrl.u32 s5, $0x2  }
.LBB2_42:
0x24d: {  	s1 =	simm.s32 $0x5  }
0x24e: {  	_ =	swait.ge [sflag:s1], s0  }
0x24f: {  	s29 =	ssub.s32 $0x0, s0;
	[sflag:s1] =	ssyncset.done $0x0  }
0x250: {  	[sflag:s1] =	ssyncadd.s32 s29  }
0x251: {  	[sflag:s1] =	ssyncpa.u1 $0x1  }
0x252: {  	s30 =	simm.s32 $0x1;
	_ =	sfence  }
0x253: {  	[sflag:s30] =	ssyncpa.u1 $0x1  }
0x254: {  	_ =	strace $0x90000065  }
0x255: {  	[bflag:$0x2] =	sbarrier.arrive $0xFFFF  }
0x256: {  	s31 =	rddreg [dreg:$0x1]  }
0x257: {  	s0 =	sadd.s32 $0x100000, s31  }
0x258: {  	[sflag:s0] =	ssyncadd.tile.s32 $0x1;
	_ =	shalt  }
.Lfunc_end2:
_tile_overlayer_lowered:
.L_overlay_start_2:
0x259: {  	(tag) =	ssettag $0x2  }
0x25a: {  	s0 =	rddreg [dreg:$0x0];
	s2 =	stileid.u32  }
0x25b: {  	s1 =	rddreg [dreg:$0x1];
	p0 =	sne.s32 s2, $0x0  }
0x25c: {  	s3 =	rddreg [dreg:$0x2];
	[bflag:$0x3] =	sbarrier.arrive $0xFFFF;
	s2 =	simm.s32 @!p0 $0x1C01  }
0x25d: {  	[timem:s3], [sflag:s2] =	dma.local @!p0 [hbm:s0], s1  }
0x25e: {  	s0 =	simm.s32 @!p0 $0x1  }
0x25f: {  	_ =	swait.ge @!p0 [sflag:s0], s1  }
0x260: {  	s1 =	ssub.s32 @!p0 $0x0, s1;
	[sflag:s0] =	ssyncset.done @!p0 $0x0  }
0x261: {  	[sflag:s0] =	ssyncadd.s32 @!p0 s1  }
0x262: {  	[bflag:$0x3] =	sbarrier.arrive $0xFFFF  }
0x263: {  	_ =	shalt  }

// kernel: scatter_offload_async_start.8
scs
__scs_entry_jumppad:
0x0: {  	(pc) =	sbr.rel $0x88, $3  }
0x1: {  	(tag) =	ssettag $0x0;
	lr =	simm.s32 $0x1  }
0x2: {  	[smem:$0x3F92] =	sst lr;
	_ =	strace $0xD0000000  }
0x3: {  	_ = 	snop  }
0x4: {  	_ = 	snop  }
0x5: {  	_ = 	snop  }
0x6: {  	_ = 	snop  }
0x7: {  	_ = 	snop  }
__scs_overlays_trampoline_lowered:
0x8: {  	[smem:$0x3FA1] =	sst s0  }
0x9: {  	[smem:$0x3FA2] =	sst s1  }
0xa: {  	[smem:$0x3FA3] =	sst s2  }
0xb: {  	[smem:$0x3FA4] =	sst s3  }
0xc: {  	[smem:$0x3FA5] =	sst s4  }
0xd: {  	[smem:$0x3FA6] =	sst s5  }
0xe: {  	[smem:$0x3FA7] =	sst s6  }
0xf: {  	[smem:$0x3FA8] =	sst s7  }
0x10: {  	[smem:$0x3FA9] =	sst s8  }
0x11: {  	[smem:$0x3FAA] =	sst s9;
	s0 =	simm.s32 @!p0 $0x0  }
0x12: {  	s1 =	sld [smem:$0x3F90];
	s0 =	simm.s32 @p0 $0x1  }
0x13: {  	[smem:$0x3FAB] =	sst s0;
	s0 =	simm.s32 @!p1 $0x0  }
0x14: {  	s2 =	sld [smem:$0x3F8F];
	s0 =	simm.s32 @p1 $0x1  }
0x15: {  	[smem:$0x3FAC] =	sst s0;
	s0 =	simm.s32 @!p2 $0x0  }
0x16: {  	s3 =	sld [smem:$0x3FDB];
	s0 =	simm.s32 @p2 $0x1  }
0x17: {  	s4 =	simm.s32 $0x1BF5;
	[smem:$0x3FAE] =	sst s0  }
0x18: {  	s0 =	sld [smem:$0x3F91];
	_ =	swait.ge [sflag:s4], $0x0  }
0x19: {  	s7 =	sld [smem:$0x3F92]  }
0x1a: {  	s8 =	sadd.s32 $0xFFFFE003, lr  }
0x1b: {  	s9 =	sadd.s32 $0xFFFFFEF7, lr;
	s5 =	simm.s32 $0xFFFFFFFF;
	p2 =	slt.u32 s8, $0xFFFFF086  }
0x1c: {  	p1 =	slt.u32 s9, $0xF7A;
	s5 =	simm.s32 @!p2 $0x0  }
0x1d: {  	s5 =	simm.s32 @p1 $0x1;
	p0 =	seq.s32 s7, s2  }
0x1e: {  	s7 =	smul.u32 @!p0 $0xF7A, s2;
	p2 =	seq.s32 @!p0 s5, $0x0  }
0x1f: {  	s9 =	smul.u32 $0xF7A, s1;
	s8 =	simm.s32 @!p0 $0x1BF5;
	p2 =	por !p2, p0  }
0x20: {  	[sflag:s8] =	ssyncset.s32 @!p0 $0xFFFFF086;
	s6 =	sadd.s32 @!p0 s3, s7;
	s7 =	simm.s32 @!p0 $0x108  }
0x21: {  	s3 =	sadd.s32 s3, s9;
	s6 =	sadd.s32 @!p0 $0x88, s6;
	s7 =	simm.s32 @p2 $0x1082  }
0x22: {  	[simem:s7], [sflag:s8] =	dma.local @!p0 [hbm:s6], $0xF7A  }
0x23: {  	s9 =	sor.u32 $0xD0000000, s2;
	s6 =	simm.s32 $0x108;
	_ =	swait.ge @!p0 [sflag:s8], $0x0  }
0x24: {  	s3 =	sadd.s32 $0x88, s3;
	s6 =	simm.s32 @!p1 $0x1082;
	[sflag:s4] =	ssyncset.s32 $0xFFFFF086  }
0x25: {  	[simem:s6], [sflag:s4] =	dma.local [hbm:s3], $0xF7A  }
0x26: {  	[smem:$0x3F92] =	sst s1;
	(tag) =	ssettag s2;
	_ =	strace s9  }
0x27: {  	s1 =	sld [smem:$0x3FA2]  }
0x28: {  	s2 =	sld [smem:$0x3FA3]  }
0x29: {  	s4 =	sld [smem:$0x3FA5]  }
0x2a: {  	p0 =	seq.s32 s5, $0x0;
	s5 =	sld [smem:$0x3FA6]  }
0x2b: {  	s6 =	sld [smem:$0x3FA7]  }
0x2c: {  	s7 =	sld [smem:$0x3FA8]  }
0x2d: {  	s3 =	simm.s32 $0x108;
	s8 =	sld [smem:$0x3FA9]  }
0x2e: {  	s3 =	simm.s32 @!p0 $0x1082;
	s9 =	sld [smem:$0x3FAA]  }
0x2f: {  	lr =	sadd.s32 s0, s3;
	s0 =	sld [smem:$0x3FA1]  }
0x30: {  	s3 =	sld [smem:$0x3FA4]  }
0x31: {  	[smem:$0x3FAD] =	sst s10  }
0x32: {  	s10 =	sld [smem:$0x3FAB];
	_ =	sdelay $0x3  }
0x33: {  	p0 =	seq.s32 s10, $0x1;
	s10 =	sld [smem:$0x3FAD];
	_ =	sdelay $0x3  }
0x34: {  	[smem:$0x3FAD] =	sst s10  }
0x35: {  	s10 =	sld [smem:$0x3FAC];
	_ =	sdelay $0x3  }
0x36: {  	p1 =	seq.s32 s10, $0x1;
	s10 =	sld [smem:$0x3FAD];
	_ =	sdelay $0x3  }
0x37: {  	[smem:$0x3FAD] =	sst s10  }
0x38: {  	s10 =	sld [smem:$0x3FAE]  }
0x39: {  	_ = 	snop;
	(pc) =	sbr.ind lr, $3  }
0x3a: {  	_ = 	snop  }
0x3b: {  	_ = 	snop  }
0x3c: {  	p2 =	seq.s32 s10, $0x1;
	s10 =	sld [smem:$0x3FAD]  }
0x3d: {  	_ =	shalt  }
0x3e: {  	_ =	shalt  }
0x3f: {  	_ =	shalt  }
0x40: {  	_ =	shalt  }
0x41: {  	_ =	shalt  }
0x42: {  	_ =	shalt  }
0x43: {  	_ =	shalt  }
0x44: {  	_ =	shalt  }
0x45: {  	_ =	shalt  }
0x46: {  	_ =	shalt  }
0x47: {  	_ =	shalt  }
0x48: {  	_ =	shalt  }
0x49: {  	_ =	shalt  }
0x4a: {  	_ =	shalt  }
0x4b: {  	_ =	shalt  }
0x4c: {  	_ =	shalt  }
0x4d: {  	_ =	shalt  }
0x4e: {  	_ =	shalt  }
0x4f: {  	_ =	shalt  }
0x50: {  	_ =	shalt  }
0x51: {  	_ =	shalt  }
0x52: {  	_ =	shalt  }
0x53: {  	_ =	shalt  }
0x54: {  	_ =	shalt  }
0x55: {  	_ =	shalt  }
0x56: {  	_ =	shalt  }
0x57: {  	_ =	shalt  }
0x58: {  	_ =	shalt  }
0x59: {  	_ =	shalt  }
0x5a: {  	_ =	shalt  }
0x5b: {  	_ =	shalt  }
0x5c: {  	_ =	shalt  }
0x5d: {  	_ =	shalt  }
0x5e: {  	_ =	shalt  }
0x5f: {  	_ =	shalt  }
0x60: {  	_ =	shalt  }
0x61: {  	_ =	shalt  }
0x62: {  	_ =	shalt  }
0x63: {  	_ =	shalt  }
0x64: {  	_ =	shalt  }
0x65: {  	_ =	shalt  }
0x66: {  	_ =	shalt  }
0x67: {  	_ =	shalt  }
0x68: {  	_ =	shalt  }
0x69: {  	_ =	shalt  }
0x6a: {  	_ =	shalt  }
0x6b: {  	_ =	shalt  }
0x6c: {  	_ =	shalt  }
0x6d: {  	_ =	shalt  }
0x6e: {  	_ =	shalt  }
0x6f: {  	_ =	shalt  }
0x70: {  	_ =	shalt  }
0x71: {  	_ =	shalt  }
0x72: {  	_ =	shalt  }
0x73: {  	_ =	shalt  }
0x74: {  	_ =	shalt  }
0x75: {  	_ =	shalt  }
0x76: {  	_ =	shalt  }
0x77: {  	_ =	shalt  }
0x78: {  	_ =	shalt  }
0x79: {  	_ =	shalt  }
0x7a: {  	_ =	shalt  }
0x7b: {  	_ =	shalt  }
0x7c: {  	_ =	shalt  }
0x7d: {  	_ =	shalt  }
0x7e: {  	_ =	shalt  }
0x7f: {  	_ =	shalt  }
0x80: {  	_ =	shalt  }
0x81: {  	_ =	shalt  }
0x82: {  	_ =	shalt  }
0x83: {  	_ =	shalt  }
0x84: {  	_ =	shalt  }
0x85: {  	_ =	shalt  }
0x86: {  	_ =	shalt  }
0x87: {  	_ =	shalt  }
.Lfunc_end0:
.L_simem_size_0:
called_computation.8_lowered:
.L_overlay_start_0:
0x88: {  	s0 =	sld [smem:$0x3FD9]  }
0x89: {  	s1 =	sld [smem:$0x3FFE];
	_ =	sdelay $0x3  }
0x8a: {  	s0 =	sadd.s32 s1, s0  }
0x8b: {  	[smem:$0x3FB9] =	sst s0  }
0x8c: {  	_ = 	snop  }
0x8d: {  	(tm) =	ssettm $0x1  }
0x8e: {  	s15 =	sld [smem:$0x3FFB];
	_ =	sdelay $0x3  }
0x8f: {  	_ =	strace s15  }
0x90: {  	s0 =	sld [smem:$0x3FFC];
	_ =	sdelay $0x3  }
0x91: {  	_ =	strace s0  }
0x92: {  	s0 =	sld [smem:$0x3FFD];
	_ =	sdelay $0x3  }
0x93: {  	_ =	strace s0  }
0x94: {  	_ =	strace $0x8FFFFFFF  }
0x95: {  	s16 =	sld [smem:$0x3FDB];
	_ =	sdelay $0x1  }
0x96: {  	s17 =	simm.s32 $_scs_section_size  }
0x97: {  	s2 =	simm.s32 $_size__tile_overlayer_lowered;
	s3 =	simm.s32 $_tile_overlayer_lowered  }
0x98: {  	s20 =	simm.s32 $0x1BFF;
	s19 =	sshll.u32 s3, $0x1;
	s0 =	sadd.s32 s17, s16  }
0x99: {  	s4 =	simm.s32 $0x0;
	s18 =	sshll.u32 s2, $0x1;
	s2 =	sadd.s32 s19, s0  }
0x9a: {  	[timem:s4], [sflag:s20] =	dma.local [hbm:s2], s18  }
0x9b: {  	_ =	swait.ge [sflag:s20], s18  }
0x9c: {  	s1 =	ssub.s32 $0x0, s18;
	[sflag:s20] =	ssyncset.done $0x0  }
0x9d: {  	[sflag:s20] =	ssyncadd.s32 s1;
	_ =	sdelay $0x1  }
0x9e: {  	s21 =	simm.s32 $0x1B8B  }
0x9f: {  	_ =	swait.ge [sflag:s21], $0x1  }
0xa0: {  	[sflag:s21] =	ssyncset.done $0x0  }
0xa1: {  	s23 =	simm.s32 $0x1B8E;
	s22 =	sld [smem:$0x3FFE];
	[sflag:s21] =	ssyncadd.s32 $0xFFFFFFFF  }
0xa2: {  	s24 =	simm.s32 $execute0_lowered;
	[smem:$0x3FD2] =	sst s23  }
0xa3: {  	s2 =	sshll.u32 s24, $0x1;
	_ =	strace $0x80000061;
	[dreg:$0x1] =	wrdreg $0xFFFFFFFF  }
0xa4: {  	s25 =	simm.s32 $_size_execute0_lowered;
	s0 =	sadd.s32 s0, s2;
	[dreg:$0x0] =	wrdreg $0x0  }
0xa5: {  	s2 =	sshll.u32 s25, $0x1;
	[dreg:$0x2] =	wrdreg s0  }
0xa6: {  	[dreg:$0x3] =	wrdreg s2  }
0xa7: {  	[dreg:$0x4] =	wrdreg $0xC0  }
0xa8: {  	_ =	task [dreg:s4], $0x5FFFF  }
0xa9: {  	[dreg:$0x1] =	wrdreg $0xFFFFFFFF  }
0xaa: {  	[dreg:$0x0] =	wrdreg $0x60  }
0xab: {  	[dreg:$0x2] =	wrdreg s22  }
0xac: {  	[dreg:$0x3] =	wrdreg $0x9  }
0xad: {  	_ =	task.clear_ibuf [dreg:s4], $0x4FFFF;
	_ =	strace $0x90000061  }
0xae: {  	s26 =	simm.s32 $0x9;
	_ =	strace $0x80000063  }
0xaf: {  	_ =	swait.ge [sflag:s26], $0x1  }
0xb0: {  	[sflag:s26] =	ssyncadd.s32 $0xFFFFFFFF  }
0xb1: {  	_ =	strace $0x90000063  }
0xb2: {  	_ =	sfence  }
0xb3: {  	s28 =	sld [smem:$0x0];
	_ =	sdelay $0x1  }
0xb4: {  	s29 =	srdreg.scid  }
0xb5: {  	s30 =	sshll.u32 s29, $0xD;
	s31 =	sshrl.u32 s29, $0x2  }
0xb6: {  	s1 =	sand.u32 $0x1, s29;
	s2 =	sand.u32 $0x4000, s30;
	s0 =	sadd.s32 s31, s28  }
0xb7: {  	s1 =	sor.u32 s2, s1;
	s0 =	sshll.u32 s0, $0x11  }
0xb8: {  	s0 =	sor.u32 s0, s1  }
0xb9: {  	s0 =	sadd.s32 $0x8F2B, s0  }
0xba: {  	[sflag:s0] =	ssyncadd.remote.s32 $0x1  }
0xbb: {  	_ =	sfence.sel $0xFFFF  }
0xbc: {  	[dreg:$0x0] =	wrdreg $0xFFFFFFFF;
	(pc) =	sbr.abs _section_cstart, $3  }
0xbd: {  	[dreg:$0x1] =	wrdreg $0xFFFFFFFF  }
0xbe: {  	_ =	task.clear_ibuf [dreg:s4], $0x2FFFF;
	_ =	strace $0x9FFFFFFF  }
0xbf: {  	(tm) =	ssettm $0x7FFFFFFF  }
tec
execute0_lowered:
.L_overlay_start_1:
0x0: {  	(tag) =	ssettag $0x1  }
0x1: {  	s0 =	rddreg [dreg:$0x0]  }
0x2: {  	s6 =	stileid.u32;
	_ =	strace $0x80000062;
	s2 =	simm.s32 $0x1  }
0x3: {  	v1 =	vimm.s32 $0xFFFFFFFF;
	s1 =	smin.u32 s6, $0x9;
	[sflag:s2] =	ssyncpa.u1 $0x0  }
0x4: {  	s1 =	sadd.s32 s6, s1;
	[tilespmem:$0x10] =	vst v1  }
0x5: {  	v0 =	vimm.f32 $0.0e+00;
	p0 =	slt.u32 s6, $0x9;
	[tilespmem:$0x20] =	vst v1;
	s3 =	smul.u32 $0x1A90, s1;
	s1 =	simm.s32 $0x3520  }
0x6: {  	[tilespmem:$0x30] =	vst v0;
	s1 =	simm.s32 @!p0 $0x1A90  }
0x7: {  	[tilespmem:$0x40] =	vst v0;
	s1 =	sadd.s32 s1, s3  }
0x8: {  	[tilespmem:$0x50] =	vst v0;
	s4 =	smin.u32 s1, $0x29810  }
0x9: {  	s7 =	simm.s32 $0x2;
	[tilespmem:$0x60] =	vst v1;
	s9 =	ssub.s32 s4, s3  }
0xa: {  	s8 =	simm.s32 $0x8;
	s31 =	simm.s32 $0x9;
	[tilespmem:$0x70] =	vst v1;
	p0 =	sgt.s32 s9, $0x0  }
0xb: {  	s16 =	simm.s32 $0x0;
	s17 =	simm.s32 $0xF0;
	[tilespmem:$0x80] =	vst v1;
	s9 =	simm.s32 @!p0 $0x0  }
0xc: {  	s18 =	simm.s32 $0xFFFFFFFF;
	s19 =	simm.s32 $0xFFFFCBE0;
	v1 =	vimm.s32 $0x0;
	[tilespmem:$0xB0] =	vst v0;
	s5 =	smulhi.u32 $0x134679AD, s9  }
0xd: {  	s20 =	simm.s32 $0xFFFFFFFE;
	s21 =	simm.s32 $0xF;
	s25 =	simm.s32 $0x0;
	[tilespmem:$0x90] =	vst v1  }
0xe: {  	[tilespmem:$0xA0] =	vst v1;
	[sflag:s7] =	ssyncpa.u1 $0x0;
	s7 =	simm.s32 $0x7;
	s10 =	sshrl.u32 s5, $0x9  }
0xf: {  	s24 =	simm.s32 $0x0;
	[sflag:s7] =	ssyncpa.u1 $0x0;
	s11 =	smul.u32 $0x1A90, s10  }
0x10: {  	s14 =	sshllo.u32 s6, $0x1;
	[sflag:s8] =	ssyncpa.u1 $0x0;
	s23 =	smov.u32 s3  }
.Ltmp0:
0x11: {  	s1 =	sadd.s32 $0x3F600, s0;
	p0 =	sne.s32 s9, s11;
	(pc) =	sbr.rel .LBB2_1-.Ltmp0, $4  }
0x12: {  	s5 =	sadd.s32 $0x1F800, s0;
	s0 =	sadd.s32 $0x2A000, s0;
	s2 =	simm.s32 @!p0 $0x0  }
0x13: {  	[sflag:s31] =	ssyncpa.u1 $0x0;
	[dreg:$0x2] =	wrdreg s0;
	s9 =	sadd.s32 s2, s10  }
0x14: {  	vm0 =	vmmov $0xffff;
	v2 =	vlaneseq.u32;
	p0 =	por $0x0, $0x0;
	s10 =	sshll.u32 s6, $0x1;
	s11 =	sadd.s32 $0x1, s9  }
0x15: {  	vm1 =	vmxor vm1, vm1;
	vm2 =	vmmov $0x1;
	vm3 =	vcmask $0x3F3C;
	s12 =	sadd.s32 $0x2, s9;
	s13 =	sor.u32 $0x81, s10;
	s15 =	sor.u32 $0x80, s10  }
.LBB2_9:
0x16: {  	p1 =	slt.u32 s24, $0x3  }
0x17: {  	s0 =	simm.s32 @!p1 $0x2  }
0x18: {  	_ =	swait.ge @!p1 [sflag:s0], $0x1A90  }
0x19: {  	[sflag:s0] =	ssyncset.done @!p1 $0x0  }
0x1a: {  	[sflag:s0] =	ssyncadd.s32 @!p1 $0xFFFFE570;
	s0 =	simm.s32 @!p1 $0x9  }
0x1b: {  	_ =	swait.ge @!p1 [sflag:s0], $0x10  }
0x1c: {  	[sflag:s0] =	ssyncset.done @!p1 $0x0  }
0x1d: {  	[sflag:s0] =	ssyncadd.s32 @!p1 $0xFFFFFFF0;
	p1 =	sne.s32 s24, s12  }
.Ltmp1:
0x1e: {  	s2 =	sadd.s32 $0x1A90, s23;
	(pc) =	sbr.rel @!p1 .LBB2_10-.Ltmp1, $4  }
0x1f: {  	s6 =	smov.u32 s3;
	s31 =	sadd.s32 $0x1, s24;
	s17 =	sadd.s32 $0x1A90, s17  }
0x20: {  	s18 =	sadd.s32 $0x1, s18;
	s25 =	smov.u32 s23;
	p2 =	slt.s32 s2, s4  }
0x21: {  	p0 =	por !p0, !p0;
	s19 =	sadd.s32 $0x1A90, s19;
	s6 =	smov.u32 @p2 s2  }
0x22: {  	s20 =	sadd.s32 $0x1, s20;
	s23 =	smov.u32 s6;
	s24 =	smov.u32 s31  }
.LBB2_1:
0x23: {  	p1 =	sge.u32 s24, s9  }
0x24: {  	s0 =	smulhi.u32 @!p1 $0xAAAAAAAB, s24;
	_ =	sdelay $0x1  }
0x25: {  	s0 =	sshrl.u32 @!p1 s0, $0x1  }
0x26: {  	s0 =	smul.u32 @!p1 $0x3, s0;
	_ =	sdelay $0x1  }
0x27: {  	s0 =	ssub.s32 @!p1 s24, s0  }
0x28: {  	s0 =	smul.u32 @!p1 $0x6A40, s0;
	_ =	sdelay $0x1  }
0x29: {  	s2 =	sshrl.u32 @!p1 s23, $0x3;
	s0 =	sshrl.u32 @!p1 s0, $0x2  }
0x2a: {  	s22 =	sand.u32 @!p1 $0x7, s23;
	s2 =	sadd.s32 @!p1 s5, s2;
	s0 =	sadd.s32 @!p1 $0x100, s0  }
0x2b: {  	[tilespmem:s0], [sflag:$0x7] =	stream.linear.gather @!p1 [hbm4b:s2+s22], $0x1A90, $0x38;
	[tilespmem:$0xF030] =	vst v63  }
0x2c: {  	s0 =	sadd.s32 $0xFFFFFFFF, s24  }
0x2d: {  	p1 =	sge.u32 s0, s9  }
.Ltmp2:
0x2e: {  	_ = 	snop;
	(pc) =	sbr.rel @p1 .LBB2_5-.Ltmp2, $1  }
0x2f: {  	_ =	sdelay $0x3  }
0x30: {  	s2 =	smulhi.u32 $0xAAAAAAAB, s0;
	_ =	sdelay $0x1  }
0x31: {  	s2 =	sshrl.u32 s2, $0x1  }
0x32: {  	s2 =	smul.u32 $0x3, s2;
	_ =	sdelay $0x1  }
0x33: {  	s2 =	ssub.s32 s0, s2  }
0x34: {  	s2 =	smul.u32 $0x6A40, s2  }
0x35: {  	_ =	swait.ge [sflag:s7], $0x1A90  }
0x36: {  	[sflag:s7] =	ssyncset.done $0x0;
	s2 =	sshrl.u32 s2, $0x2  }
0x37: {  	[sflag:s7] =	ssyncadd.s32 $0xFFFFE570;
	(ifvalue) =	ssetifvalue $0xFFFFFFFF;
	v3 =	vld.msk [tilespmem:s2+$0x100 ss:$0x1], $0xffff;
	_ =	sdelay $0x2  }
0x38: {  	s30 =	smulhi.u32 $0xAAAAAAAB, s18;
	p1 =	sne.s32 s24, $0x1  }
0x39: {  	v4 =	vimm.s32 @!p1 $0x0  }
0x3a: {  	s2 =	sshrl.u32 s30, $0x1;
	v4 =	vperm.xlane @!p1 v3, v4  }
0x3b: {  	s22 =	sshll.u32 s24, $0x4;
	s2 =	smul.u32 $0xFFFEC140, s2;
	vm4 =	vlt.u32 v3, $0x278000  }
0x3c: {  	s22 =	sand.u32 $0x10, s22;
	v3 =	vnsel vm4, $0xFFFFFFFE, v3;
	vm4 =	vlt.u32 @!p1 v4, $0x278000  }
0x3d: {  	s2 =	sshra.s32 s2, $0x2;
	[tilespmem:s22+$0x60] =	vst v3;
	v3 =	vnsel @!p1 vm4, $0xFFFFFFFE, v4  }
0x3e: {  	s28 =	sadd.s32 s2, s17;
	[tilespmem:$0x80] =	vst @!p1 v3  }
0x3f: {  	v3 =	vld.msk [tilespmem:s28+$0x0 ss:$0x1], $0xffff;
	_ =	sdelay $0x4  }
0x40: {  	(xrf1) =	vunique.msk.u32 $0xffff, v3;
	_ =	sdelay $0xd  }
0x41: {  	v4 =	vimm.s32 $0xFFFFFFFF;
	v5, _, _ =	vpop (xrf1)  }
0x42: {  	vm5 =	vne.s32 v3, v4;
	vm4 =	veq.s32 v5, v2  }
0x43: {  	vm6 =	vlt.u32 v3, $0x278000;
	vm4 =	vmand vm5, vm4  }
0x44: {  	vm4 =	vmand vm6, vm4  }
0x45: {  	v4 =	vnsel vm4, $0xFFFFFFFF, v3  }
0x46: {  	s31 =	sand.u32 $0x1, s0  }
0x47: {  	s0 =	simm.s32 $0x1A90;
	p1 =	seq.s32 s31, $0x1  }
0x48: {  	s0 =	simm.s32 @!p1 $0x0  }
0x49: {  	s26 =	sadd.s32 $0x6B30, s0;
	(ifvalue) =	ssetifvalue $0xFFFFFFFF  }
0x4a: {  	v3 =	vperm.xlane v3, v1;
	[tilespmem:s26], [sflag:$0x8] =	stream.indirect_vreg.gather [hbm4b:s1+s16], $0x1, v4, vm0, $0x4038;
	v4 =	vnsel vm6, $0xFFFFFFFE, v4;
	[tilespmem:$0xF030] =	vst v63  }
0x4b: {  	s2 =	simm.s32 $0x0;
	s22 =	sadd.s32 $0xFFFFFFF0, s28;
	[tilespmem:s28+$0x0] =	vst v4  }
.LBB2_3:
0x4c: {  	v4 =	vld.msk [tilespmem:s22+$0x0 ss:$0x1], $0xffff;
	s2 =	sadd.s32 $0x10, s2;
	v5 =	vmov v3;
	s28 =	smov.u32 s22  }
0x4d: {  	p1 =	slt.u32 s2, $0x1A80;
	_ =	sdelay $0x4  }
0x4e: {  	v3 =	vperm.xlane v4, v1;
	(xrf1) =	vunique.msk.u32 $0xffff, v4;
	_ =	sdelay $0xd  }
0x4f: {  	v6, _, _ =	vpop (xrf1)  }
0x50: {  	vm5 =	vne.s32 v4, v5;
	vm4 =	veq.s32 v6, v2  }
0x51: {  	vm6 =	vlt.u32 v4, $0x278000;
	vm4 =	vmand vm5, vm4  }
0x52: {  	vm4 =	vmand vm6, vm4  }
0x53: {  	v4 =	vnsel vm4, $0xFFFFFFFF, v4  }
.Ltmp3:
0x54: {  	v5 =	vnsel vm6, $0xFFFFFFFE, v4;
	(pc) =	sbr.rel @p1 .LBB2_3-.Ltmp3, $3  }
0x55: {  	_ =	sdelay $0x1  }
0x56: {  	s22 =	sadd.s32 $0xFFFFFFF0, s22;
	s26 =	sadd.s32 $0xFFFFFFF0, s26;
	(ifvalue) =	ssetifvalue $0xFFFFFFFF  }
0x57: {  	[tilespmem:s26], [sflag:$0x8] =	stream.indirect_vreg.gather [hbm4b:s1+s16], $0x1, v4, vm0, $0x4038;
	[tilespmem:s28+$0x0] =	vst v5  }
0x58: {  	s2 =	sshrl.u32 s25, $0x3;
	s6 =	rddreg [dreg:$0x2]  }
0x59: {  	s0 =	sadd.s32 $0x85D0, s0;
	s2 =	sadd.s32 s6, s2  }
0x5a: {  	[tilespmem:s0], [sflag:$0x8] =	stream.linear.gather [hbm:s2], $0x1A90, $0x38;
	[tilespmem:$0xF030] =	vst v63  }
.LBB2_5:
0x5b: {  	p1 =	slt.u32 s24, $0x2  }
0x5c: {  	p2 =	sge.u32 @!p1 s24, s12  }
0x5d: {  	p1 =	por p1, p2  }
.Ltmp4:
0x5e: {  	_ = 	snop;
	(pc) =	sbr.rel @p1 .LBB2_9-.Ltmp4, $1  }
0x5f: {  	_ =	sdelay $0x3  }
0x60: {  	s0 =	sadd.s32 $0xFFFFFFFE, s24  }
0x61: {  	s2 =	smulhi.u32 $0xAAAAAAAB, s0;
	_ =	sdelay $0x1  }
0x62: {  	s2 =	sshrl.u32 s2, $0x1  }
0x63: {  	s2 =	smul.u32 $0x3, s2;
	_ =	sdelay $0x1  }
0x64: {  	s0 =	ssub.s32 s0, s2  }
0x65: {  	_ =	swait.ge [sflag:s8], $0x3520;
	s0 =	smul.u32 $0x1A90, s0  }
0x66: {  	p1 =	sne.s32 s24, s11;
	[sflag:s8] =	ssyncset.done $0x0  }
0x67: {  	[sflag:s8] =	ssyncadd.s32 $0xFFFFCAE0;
	s2 =	sadd.s32 @!p1 $0x1B8F, s0  }
0x68: {  	[spmem:s13] =	stream.linear.scatter @!p1 [tilespmem:s2], [sflag:$0x1], $0x1, $0x38;
	[tilespmem:$0xF030] =	vst v63  }
0x69: {  	s2 =	simm.s32 @!p1 $0x1  }
0x6a: {  	_ =	swait.ge @!p1 [sflag:s2], $0x1  }
0x6b: {  	s22 =	sshll.u32 s24, $0x4;
	[sflag:s2] =	ssyncset.done @!p1 $0x0  }
0x6c: {  	s25 =	sand.u32 $0x10, s22;
	[sflag:s2] =	ssyncadd.s32 @!p1 $0xFFFFFFFF  }
0x6d: {  	s2 =	sxor.u32 $0x10, s25;
	v4 =	vld [tilespmem:s25+$0x10]  }
0x6e: {  	v5 =	vld [tilespmem:s2+$0x60]  }
0x6f: {  	v3 =	vld [tilespmem:$0x80];
	_ =	sdelay $0x2  }
0x70: {  	(v2sf) =	vpush v4, $0x0  }
0x71: {  	(v2sf) =	vpush v5, $0x0  }
0x72: {  	(v2sf) =	vpush v3, $0x0;
	_ =	sdelay $0xc  }
0x73: {  	s6 =	spop (v2sf)  }
0x74: {  	s28 =	spop (v2sf)  }
0x75: {  	s26 =	spop (v2sf)  }
0x76: {  	p2 =	seq.s32 s6, s28;
	p3 =	seq.s32 s26, s6  }
0x77: {  	p3 =	por p2, p3  }
0x78: {  	s6 =	sand.u32 $0x1, s24;
	v4 =	vpsel p3, $0xFFFFFFFF, v4  }
0x79: {  	s28 =	smul.u32 $0x1A90, s6;
	[tilespmem:s25+$0x10] =	vst.msk $0x1, v4  }
0x7a: {  	v4 =	vld [tilespmem:$0x30]  }
0x7b: {  	v5 =	vld [tilespmem:s28+$0x85D0]  }
0x7c: {  	v6 =	vld [tilespmem:s25+$0x40];
	_ =	sdelay $0x3  }
0x7d: {  	vm4 =	vmmov vm1;
	v5 =	vadd.f32 v5, v4  }
0x7e: {  	vm5 =	vmmov vm2;
	vm4 =	vmmov @p2 vm2;
	v4 =	vadd.f32 v6, v4  }
0x7f: {  	s22 =	sshll.u32 s6, $0x4;
	vm5 =	vmmov @p3 vm1;
	[tilespmem:s28+$0x85D0] =	vst.msk vm4, v5  }
0x80: {  	[tilespmem:s22+$0xF010] =	vst.msk vm5, v4  }
0x81: {  	v4 =	vld [tilespmem:s28+$0x6B30];
	_ =	sdelay $0x3  }
0x82: {  	v5 =	vimm.f32 $0.0e+00  }
0x83: {  	v4 =	vshift.insert v4, v5, s21  }
0x84: {  	s29 =	sor.u32 $0x40, s2  }
0x85: {  	[tilespmem:s29+$0x0] =	vst.msk $0x1, v4  }
0x86: {  	[tilespmem:s28+$0x6B3F] =	vst.msk $0x1, v5  }
0x87: {  	v4 =	vld [tilespmem:s0+$0x1B80];
	_ =	sdelay $0x1  }
0x88: {  	s29 =	smulhi.u32 $0xAAAAAAAB, s20;
	s0 =	simm.s32 $0x1  }
0x89: {  	s0 =	simm.s32 @!p0 $0x0  }
0x8a: {  	s29 =	sshrl.u32 s29, $0x1;
	s0 =	smul.u32 $0x6A40, s0  }
0x8b: {  	s29 =	smul.u32 $0xFFFEC140, s29;
	v4 =	vshift.insert v4, v1, s21  }
0x8c: {  	s0 =	sshrl.u32 s0, $0x2  }
0x8d: {  	s29 =	sshra.s32 s29, $0x2;
	s30 =	sadd.s32 $0x85D0, s0;
	[tilespmem:s2+$0x10] =	vst.msk $0x1, v4  }
0x8e: {  	s6 =	sadd.s32 s29, s19;
	v6 =	vld [tilespmem:s30+$0x0]  }
0x8f: {  	v7 =	vld [tilespmem:s6+$0x0];
	_ =	sdelay $0x3  }
0x90: {  	v5 =	vadd.f32 v6, v5  }
0x91: {  	vm4 =	vne.s32 v7, $0xFFFFFFFF  }
0x92: {  	(xrf2) =	vadd.seg.scan.f32 vm4, v5;
	_ =	sdelay $0x3  }
0x93: {  	s31 =	sadd.s32 $0x50B0, s0;
	v5 =	vperm.xlane v4, v1  }
0x94: {  	v6 =	vld [tilespmem:s31+$0x0]  }
0x95: {  	vm5 =	veq.s32 v7, v3;
	vm6 =	veq.s32 v7, v5  }
0x96: {  	vm7 =	vgt.u32 v7, $0xFFFFFFFD;
	vm6 =	vmor vm6, vm5  }
0x97: {  	vm6 =	vmor vm6, vm7  }
0x98: {  	v9 =	vld [tilespmem:$0xA0];
	v7 =	vsel vm6, $0xFFFFFFFF, v7  }
0x99: {  	v10 =	vld [tilespmem:$0x90];
	v6 =	vsel vm5, $0x0, v6;
	v8, _, _ =	vpop (xrf2)  }
0x9a: {  	v6 =	vadd.f32 v8, v6  }
0x9b: {  	s0 =	sadd.s32 $0xBAF0, s0  }
0x9c: {  	vm4 =	vmand vm4, vm3;
	[tilespmem:s0+$0x0] =	vst v6;
	(ifvalue) =	ssetifvalue $0xFFFFFFFF  }
0x9d: {  	vm6 =	veq.s32 v9, $0x1;
	[hbm4b:s1+s16] =	stream.indirect_vreg.scatter [tilespmem:s0], [sflag:$0x2], $0x1, v7, vm0, $0x4038;
	v7 =	vsel vm4, $0x0, v8;
	[tilespmem:$0xF030] =	vst v63  }
0x9e: {  	s29 =	sadd.s32 $0xF010, s22;
	s22 =	sadd.s32 $0x10, s6;
	s2 =	simm.s32 $0x0;
	vm4 =	vmor vm6, vm5;
	v6 =	vsel vm5, v8, v10;
	v7 =	vshift.insert v7, v0, s21  }
.LBB2_7:
0x9f: {  	v8 =	vld [tilespmem:s22+$0x0];
	s30 =	sadd.s32 $0x10, s30  }
0xa0: {  	s31 =	sadd.s32 $0x10, s31;
	v9 =	vld [tilespmem:s30+$0x0]  }
0xa1: {  	s2 =	sadd.s32 $0x10, s2;
	v10 =	vld [tilespmem:s31+$0x0]  }
0xa2: {  	p2 =	slt.u32 s2, $0x1A80;
	_ =	sdelay $0x2  }
0xa3: {  	v7 =	vadd.f32 v9, v7  }
0xa4: {  	vm5 =	vne.s32 v8, $0xFFFFFFFF  }
0xa5: {  	vm6 =	vmand vm5, vm3;
	(xrf2) =	vadd.seg.scan.f32 vm5, v7;
	_ =	sdelay $0x5  }
0xa6: {  	vm7 =	veq.s32 v8, v5;
	vm5 =	veq.s32 v8, v3  }
0xa7: {  	vm8 =	vgt.u32 v8, $0xFFFFFFFD;
	vm4 =	vmor vm4, vm5;
	vm7 =	vmor vm7, vm5  }
0xa8: {  	vm7 =	vmor vm7, vm8  }
0xa9: {  	v8 =	vsel vm7, $0xFFFFFFFF, v8  }
.Ltmp5:
0xaa: {  	v7 =	vsel vm5, $0x0, v10;
	v9, _, _ =	vpop (xrf2);
	(pc) =	sbr.rel @p2 .LBB2_7-.Ltmp5, $4  }
0xab: {  	v6 =	vsel vm5, v9, v6;
	v10 =	vadd.f32 v9, v7;
	v7 =	vsel vm6, $0x0, v9  }
0xac: {  	s0 =	sadd.s32 $0x10, s0;
	v7 =	vshift.insert v7, v0, s21  }
0xad: {  	s22 =	sadd.s32 $0x10, s22;
	[tilespmem:s0+$0x0] =	vst v10;
	(ifvalue) =	ssetifvalue $0xFFFFFFFF  }
0xae: {  	[hbm4b:s1+s16] =	stream.indirect_vreg.scatter [tilespmem:s0], [sflag:$0x2], $0x1, v8, vm0, $0x4038;
	[tilespmem:$0xF030] =	vst v63  }
0xaf: {  	v3 =	vld [tilespmem:s28+$0xD570];
	_ =	sdelay $0x4  }
0xb0: {  	v3 =	vshift.insert v3, v0, s21  }
0xb1: {  	s0 =	simm.s32 $0x30  }
0xb2: {  	[tilespmem:s0+$0x0] =	vst.msk $0x1, v3  }
0xb3: {  	v3 =	vsel vm4, $0x1, v1;
	[tilespmem:$0x90] =	vst v6  }
0xb4: {  	s0 =	sadd.s32 @!p1 $0xD57F, s28;
	[tilespmem:$0xA0] =	vst v3  }
0xb5: {  	[spmem:s14] =	stream.linear.scatter @!p1 [tilespmem:s0], [sflag:$0x1], $0x1, $0x38;
	[tilespmem:$0xF030] =	vst v63  }
0xb6: {  	s0 =	simm.s32 @!p1 $0x1  }
0xb7: {  	v3 =	vmctz.xlane @!p1 vm4;
	_ =	swait.ge @!p1 [sflag:s0], $0x1  }
0xb8: {  	(v2sf) =	vpush @!p1 v4, $0x0  }
0xb9: {  	(v2sf) =	vpush @!p1 v3, $0x0;
	_ =	sdelay $0xd  }
0xba: {  	s2 =	spop @!p1 (v2sf)  }
0xbb: {  	s6 =	spop @!p1 (v2sf)  }
0xbc: {  	p2 =	sne.s32 @!p1 s26, s2;
	p3 =	slt.s32 @!p1 s6, $0xF  }
0xbd: {  	[sflag:s0] =	ssyncset.done @!p1 $0x0;
	p2 =	por p2, p1;
	p3 =	por !p3, p1  }
0xbe: {  	[sflag:s0] =	ssyncadd.s32 @!p1 $0xFFFFFFFF;
	v3 =	vimm.s32 @!p2 $0xFFFFFFFF;
	s6 =	simm.s32 @p3 $0xF  }
0xbf: {  	[tilespmem:$0x80] =	vst @!p2 v3;
	s2 =	sadd.s32 @!p1 $0x90, s6  }
0xc0: {  	[spmem:s10] =	stream.linear.scatter @!p1 [tilespmem:s2], [sflag:$0x1], $0x1, $0x38;
	[tilespmem:$0xF030] =	vst v63  }
0xc1: {  	_ =	swait.ge @!p1 [sflag:s0], $0x1  }
0xc2: {  	[sflag:s0] =	ssyncset.done @!p1 $0x0  }
0xc3: {  	s2 =	simm.s32 @!p1 $0x80;
	[sflag:s0] =	ssyncadd.s32 @!p1 $0xFFFFFFFF  }
0xc4: {  	[spmem:s15] =	stream.linear.scatter @!p1 [tilespmem:s2], [sflag:$0x1], $0x1, $0x38;
	[tilespmem:$0xF030] =	vst v63  }
0xc5: {  	_ =	swait.ge @!p1 [sflag:s0], $0x1  }
0xc6: {  	[sflag:s0] =	ssyncset.done @!p1 $0x0  }
0xc7: {  	[sflag:s0] =	ssyncadd.s32 @!p1 $0xFFFFFFFF;
	(ifvalue) =	ssetifvalue $0xFFFFFFFF;
	v3 =	vld [tilespmem:s25+$0x10];
	_ =	sdelay $0x3  }
.Ltmp6:
0xc8: {  	_ = 	snop;
	(pc) =	sbr.rel .LBB2_9-.Ltmp6, $3  }
0xc9: {  	_ =	sdelay $0x1  }
0xca: {  	(ifvalue) =	ssetifvalue $0xFFFFFFFF  }
0xcb: {  	[hbm4b:s1+s16] =	stream.indirect_vreg.scatter [tilespmem:s29], [sflag:$0x9], $0x1, v3, vm0, $0x4038;
	[tilespmem:$0xF030] =	vst v63  }
.LBB2_10:
0xcc: {  	_ =	sfence.sel $0x180000  }
0xcd: {  	s0 =	simm.s32 $0x7;
	[bflag:$0x0] =	sbarrier.arrive $0xFFFF  }
0xce: {  	s26 =	simm.s32 $0x8;
	[sflag:s0] =	ssyncpa.u1 $0x1  }
0xcf: {  	s28 =	simm.s32 $0x9;
	[sflag:s26] =	ssyncpa.u1 $0x1  }
0xd0: {  	[sflag:s28] =	ssyncpa.u1 $0x1  }
0xd1: {  	_ =	sfence.stream.spmem  }
0xd2: {  	s29 =	simm.s32 $0x3;
	[bflag:$0x0] =	sbarrier.arrive $0xFFFF  }
0xd3: {  	s30 =	simm.s32 $0x4;
	[sflag:s29] =	ssyncpa.u1 $0x1  }
0xd4: {  	s31 =	simm.s32 $0x3C;
	s2 =	stileid.u32;
	[sflag:s30] =	ssyncpa.u1 $0x1  }
0xd5: {  	p0 =	sne.s32 s2, $0x0;
	[sflag:s31] =	ssyncpa.u1 $0x1  }
0xd6: {  	s0 =	simm.s32 @p0 $0x1;
	_ =	sfence @p0  }
0xd7: {  	[sflag:s0] =	ssyncpa.u1 @p0 $0x1;
	s0 =	simm.s32 @p0 $0x2  }
0xd8: {  	[sflag:s0] =	ssyncpa.u1 @p0 $0x1  }
0xd9: {  	_ =	strace @p0 $0x90000062  }
0xda: {  	[bflag:$0x2] =	sbarrier.arrive @p0 $0xFFFF  }
0xdb: {  	_ =	shalt @p0  }
.LBB2_11:
0xdc: {  	_ =	sfence.stream.spmem;
	s0 =	simm.s32 $0x5  }
0xdd: {  	s2 =	simm.s32 $0x80;
	s3 =	simm.s32 $0xC0;
	[sflag:s0] =	ssyncpa.u1 $0x0  }
0xde: {  	[tilespmem:s3], [sflag:$0x5] =	stream.linear.gather [spmem:s2], $0x20, $0x38;
	[tilespmem:$0xF030] =	vst v63  }
0xdf: {  	s2 =	simm.s32 $0x0;
	s3 =	simm.s32 $0xE0  }
0xe0: {  	[tilespmem:s3], [sflag:$0x5] =	stream.linear.gather [spmem:s2], $0x20, $0x38;
	[tilespmem:$0xF030] =	vst v63  }
.Ltmp7:
0xe1: {  	_ = 	snop;
	(pc) =	sbr.rel .LBB2_12-.Ltmp7, $4  }
0xe2: {  	_ =	swait.ge [sflag:s0], $0x40  }
0xe3: {  	[sflag:s0] =	ssyncset.done $0x0  }
0xe4: {  	s31 =	simm.s32 $0x6;
	[sflag:s0] =	ssyncadd.s32 $0xFFFFFFC0  }
0xe5: {  	s4 =	simm.s32 $0x0;
	[sflag:s31] =	ssyncpa.u1 $0x0  }
.LBB2_17:
0xe6: {  	p0 =	sgt.u32 s5, $0x277FFF  }
0xe7: {  	s0 =	sshrl.u32 @!p0 s5, $0x3  }
0xe8: {  	s5 =	sand.u32 @!p0 $0x7, s5;
	s6 =	simm.s32 @!p0 $0xB0;
	s0 =	sadd.s32 @!p0 s1, s0  }
0xe9: {  	[tilespmem:s6], [sflag:$0x6] =	stream.linear.gather @!p0 [hbm4b:s0+s5], $0x1, $0x38;
	[tilespmem:$0xF030] =	vst v63  }
0xea: {  	s0 =	simm.s32 @!p0 $0x6  }
0xeb: {  	_ =	swait.ge @!p0 [sflag:s0], $0x1  }
0xec: {  	[sflag:s0] =	ssyncset.done @!p0 $0x0  }
0xed: {  	[sflag:s0] =	ssyncadd.s32 @!p0 $0xFFFFFFFF  }
0xee: {  	v2 =	vmov @!p0 s4;
	v1 =	vld.msk @!p0 [tilespmem:$0xB0], $0x1;
	_ =	sdelay $0x3  }
0xef: {  	s0 =	simm.s32 @!p0 $0xE0  }
0xf0: {  	[tilespmem:v2+s0+$0x0], v1 =	vst.idx.ret.add.f32.msk @!p0 $0x1, v1  }
0xf1: {  	[tilespmem:s2+$0xC0] =	vst.msk $0x1, v0  }
0xf2: {  	v0 =	vld.msk [tilespmem:s4+$0xE0], $0x1;
	_ =	sdelay $0x4  }
0xf3: {  	[tilespmem:s2+$0xE0] =	vst.msk $0x1, v0;
	s2 =	sadd.s32 $0x1, s2  }
.LBB2_19:
0xf4: {  	s4 =	sadd.s32 $0x1, s4  }
0xf5: {  	p0 =	sne.s32 s4, $0x20  }
.Ltmp8:
0xf6: {  	_ = 	snop;
	(pc) =	sbr.rel @!p0 .LBB2_20-.Ltmp8, $1  }
0xf7: {  	_ =	sdelay $0x3  }
.LBB2_12:
0xf8: {  	v0 =	vld.msk [tilespmem:s4+$0xC0], $0x1;
	_ =	sdelay $0x4  }
0xf9: {  	(v2sf) =	vpush v0, $0x0;
	_ =	sdelay $0xe  }
0xfa: {  	s5 =	spop (v2sf)  }
0xfb: {  	p0 =	seq.s32 s5, $0xFFFFFFFF  }
.Ltmp9:
0xfc: {  	_ = 	snop;
	(pc) =	sbr.rel @p0 .LBB2_19-.Ltmp9, $1  }
0xfd: {  	_ =	sdelay $0x3  }
0xfe: {  	p0 =	slt.s32 s2, $0x1  }
.Ltmp10:
0xff: {  	_ = 	snop;
	(pc) =	sbr.rel @p0 .LBB2_17-.Ltmp10, $1  }
0x100: {  	_ =	sdelay $0x3  }
0x101: {  	s0 =	simm.s32 $0xC0;
	p0 =	por $0x0, $0x0  }
0x102: {  	v1 =	vld.msk @!p0 [tilespmem:s0+$0x0], $0x1;
	_ =	sdelay $0x4  }
0x103: {  	(v2sf) =	vpush @!p0 v1, $0x0;
	_ =	sdelay $0xd  }
0x104: {  	p2 =	sne.s32 s2, $0x1  }
.Ltmp11:
0x105: {  	s6 =	spop @!p0 (v2sf);
	(pc) =	sbr.rel @!p2 .LBB2_16-.Ltmp11, $4  }
0x106: {  	p1 =	seq.s32 @!p0 s5, s6  }
0x107: {  	s6 =	simm.s32 $0x0;
	p1 =	por !p1, p0  }
0x108: {  	s8 =	simm.s32 $0xFFFFFFFF;
	s6 =	simm.s32 @p1 $0xFFFFFFFF  }
0x109: {  	s7 =	simm.s32 $0x1;
	s6 =	smov.u32 @p0 s8  }
.LBB2_15:
0x10a: {  	s8 =	smov.u32 s6;
	p0 =	sne.s32 s6, $0xFFFFFFFF  }
0x10b: {  	s0 =	sadd.s32 $0x1, s0;
	s6 =	smov.u32 s7;
	s7 =	sadd.s32 $0x1, s7  }
0x10c: {  	p1 =	sne.s32 s2, s7;
	v1 =	vld.msk @!p0 [tilespmem:s0+$0x0], $0x1;
	_ =	sdelay $0x4  }
0x10d: {  	(v2sf) =	vpush @!p0 v1, $0x0;
	_ =	sdelay $0xe  }
.Ltmp12:
0x10e: {  	s9 =	spop @!p0 (v2sf);
	(pc) =	sbr.rel @p1 .LBB2_15-.Ltmp12, $4  }
0x10f: {  	p2 =	seq.s32 @!p0 s5, s9  }
0x110: {  	p2 =	por !p2, p0  }
0x111: {  	s6 =	simm.s32 @p2 $0xFFFFFFFF  }
0x112: {  	s6 =	smov.u32 @p0 s8  }
.LBB2_16:
0x113: {  	p0 =	sne.s32 s6, $0xFFFFFFFF  }
.Ltmp13:
0x114: {  	_ = 	snop;
	(pc) =	sbr.rel @!p0 .LBB2_17-.Ltmp13, $1  }
0x115: {  	_ =	sdelay $0x3  }
0x116: {  	v0 =	vld.msk [tilespmem:s4+$0xE0], $0x1;
	v1 =	vmov s6  }
.Ltmp14:
0x117: {  	_ = 	snop;
	(pc) =	sbr.rel .LBB2_19-.Ltmp14, $2  }
0x118: {  	_ =	sdelay $0x2  }
0x119: {  	[tilespmem:v1+s3+$0x0], v0 =	vst.idx.ret.add.f32.msk $0x1, v0  }
.LBB2_20:
0x11a: {  	p0 =	slt.s32 s2, $0x1  }
.Ltmp15:
0x11b: {  	_ = 	snop;
	(pc) =	sbr.rel @p0 .LBB2_24-.Ltmp15, $3  }
0x11c: {  	_ =	sdelay $0x1  }
0x11d: {  	s0 =	simm.s32 $0x6  }
0x11e: {  	s3 =	simm.s32 $0x0;
	[sflag:s0] =	ssyncpa.u1 $0x1  }
0x11f: {  	s0 =	simm.s32 $0xC0  }
0x120: {  	v0 =	vld.msk [tilespmem:s0+$0x0], $0x1;
	_ =	sdelay $0x4  }
0x121: {  	(v2sf) =	vpush v0, $0x0;
	_ =	sdelay $0xe  }
0x122: {  	s2 =	sadd.s32 $0xFFFFFFFF, s2;
	s4 =	spop (v2sf)  }
0x123: {  	p1 =	sne.s32 s2, $0x0;
	p0 =	sgt.u32 s4, $0x277FFF  }
.Ltmp16:
0x124: {  	s5 =	sshrl.u32 @!p0 s4, $0x3;
	(pc) =	sbr.rel @!p1 .LBB2_23-.Ltmp16, $4  }
0x125: {  	s0 =	simm.s32 $0xE0;
	s4 =	sand.u32 @!p0 $0x7, s4;
	s5 =	sadd.s32 @!p0 s1, s5  }
0x126: {  	[hbm4b:s5+s4] =	stream.linear.scatter @!p0 [tilespmem:s0], [sflag:$0x5], $0x1, $0x38;
	[tilespmem:$0xF030] =	vst v63  }
0x127: {  	s5 =	simm.s32 $0x0  }
0x128: {  	s4 =	simm.s32 $0xC1;
	s5 =	simm.s32 @!p0 $0x4  }
.LBB2_22:
0x129: {  	v0 =	vld.msk [tilespmem:s4+$0x0], $0x1;
	s2 =	sadd.s32 $0xFFFFFFFF, s2;
	s3 =	sadd.s32 s3, s5  }
0x12a: {  	p0 =	sne.s32 s2, $0x0;
	_ =	sdelay $0x3  }
0x12b: {  	(v2sf) =	vpush v0, $0x0;
	_ =	sdelay $0xe  }
.Ltmp17:
0x12c: {  	s6 =	spop (v2sf);
	(pc) =	sbr.rel @p0 .LBB2_22-.Ltmp17, $4  }
0x12d: {  	s5 =	simm.s32 $0x0;
	p1 =	sgt.u32 s6, $0x277FFF  }
0x12e: {  	s0 =	sadd.s32 $0x1, s0;
	s5 =	simm.s32 @!p1 $0x4;
	s7 =	sshrl.u32 @!p1 s6, $0x3  }
0x12f: {  	s4 =	sadd.s32 $0x1, s4;
	s6 =	sand.u32 @!p1 $0x7, s6;
	s7 =	sadd.s32 @!p1 s1, s7  }
0x130: {  	[hbm4b:s7+s6] =	stream.linear.scatter @!p1 [tilespmem:s0], [sflag:$0x5], $0x1, $0x38;
	[tilespmem:$0xF030] =	vst v63  }
.LBB2_23:
0x131: {  	s0 =	sadd.s32 s3, s5  }
0x132: {  	s3 =	sshrl.u32 s0, $0x2  }
.LBB2_24:
0x133: {  	s0 =	simm.s32 $0x5  }
0x134: {  	_ =	swait.ge [sflag:s0], s3  }
0x135: {  	s1 =	ssub.s32 $0x0, s3;
	[sflag:s0] =	ssyncset.done $0x0  }
0x136: {  	[sflag:s0] =	ssyncadd.s32 s1  }
0x137: {  	[sflag:s0] =	ssyncpa.u1 $0x1  }
0x138: {  	s29 =	simm.s32 $0x1;
	_ =	sfence  }
0x139: {  	s30 =	simm.s32 $0x2;
	[sflag:s29] =	ssyncpa.u1 $0x1  }
0x13a: {  	[sflag:s30] =	ssyncpa.u1 $0x1  }
0x13b: {  	_ =	strace $0x90000062  }
0x13c: {  	[bflag:$0x2] =	sbarrier.arrive $0xFFFF  }
0x13d: {  	s31 =	rddreg [dreg:$0x1]  }
0x13e: {  	s0 =	sadd.s32 $0x100000, s31  }
0x13f: {  	[sflag:s0] =	ssyncadd.tile.s32 $0x1;
	_ =	shalt  }
.Lfunc_end2:
_tile_overlayer_lowered:
.L_overlay_start_2:
0x140: {  	(tag) =	ssettag $0x2  }
0x141: {  	s0 =	rddreg [dreg:$0x0];
	s2 =	stileid.u32  }
0x142: {  	s1 =	rddreg [dreg:$0x1];
	p0 =	sne.s32 s2, $0x0  }
0x143: {  	s3 =	rddreg [dreg:$0x2];
	[bflag:$0x3] =	sbarrier.arrive $0xFFFF;
	s2 =	simm.s32 @!p0 $0x1C01  }
0x144: {  	[timem:s3], [sflag:s2] =	dma.local @!p0 [hbm:s0], s1  }
0x145: {  	s0 =	simm.s32 @!p0 $0x1  }
0x146: {  	_ =	swait.ge @!p0 [sflag:s0], s1  }
0x147: {  	s1 =	ssub.s32 @!p0 $0x0, s1;
	[sflag:s0] =	ssyncset.done @!p0 $0x0  }
0x148: {  	[sflag:s0] =	ssyncadd.s32 @!p0 s1  }
0x149: {  	[bflag:$0x3] =	sbarrier.arrive $0xFFFF  }
0x14a: {  	_ =	shalt  }

// kernel: scatter_offload_async_start
scs
__scs_entry_jumppad:
0x0: {  	(pc) =	sbr.rel $0x88, $3  }
0x1: {  	(tag) =	ssettag $0x0;
	lr =	simm.s32 $0x1  }
0x2: {  	[smem:$0x3F92] =	sst lr;
	_ =	strace $0xD0000000  }
0x3: {  	_ = 	snop  }
0x4: {  	_ = 	snop  }
0x5: {  	_ = 	snop  }
0x6: {  	_ = 	snop  }
0x7: {  	_ = 	snop  }
__scs_overlays_trampoline_lowered:
0x8: {  	[smem:$0x3FA1] =	sst s0  }
0x9: {  	[smem:$0x3FA2] =	sst s1  }
0xa: {  	[smem:$0x3FA3] =	sst s2  }
0xb: {  	[smem:$0x3FA4] =	sst s3  }
0xc: {  	[smem:$0x3FA5] =	sst s4  }
0xd: {  	[smem:$0x3FA6] =	sst s5  }
0xe: {  	[smem:$0x3FA7] =	sst s6  }
0xf: {  	[smem:$0x3FA8] =	sst s7  }
0x10: {  	[smem:$0x3FA9] =	sst s8  }
0x11: {  	[smem:$0x3FAA] =	sst s9;
	s0 =	simm.s32 @!p0 $0x0  }
0x12: {  	s1 =	sld [smem:$0x3F90];
	s0 =	simm.s32 @p0 $0x1  }
0x13: {  	[smem:$0x3FAB] =	sst s0;
	s0 =	simm.s32 @!p1 $0x0  }
0x14: {  	s2 =	sld [smem:$0x3F8F];
	s0 =	simm.s32 @p1 $0x1  }
0x15: {  	[smem:$0x3FAC] =	sst s0;
	s0 =	simm.s32 @!p2 $0x0  }
0x16: {  	s3 =	sld [smem:$0x3FDB];
	s0 =	simm.s32 @p2 $0x1  }
0x17: {  	s4 =	simm.s32 $0x1BF5;
	[smem:$0x3FAE] =	sst s0  }
0x18: {  	s0 =	sld [smem:$0x3F91];
	_ =	swait.ge [sflag:s4], $0x0  }
0x19: {  	s7 =	sld [smem:$0x3F92]  }
0x1a: {  	s8 =	sadd.s32 $0xFFFFE003, lr  }
0x1b: {  	s9 =	sadd.s32 $0xFFFFFEF7, lr;
	s5 =	simm.s32 $0xFFFFFFFF;
	p2 =	slt.u32 s8, $0xFFFFF086  }
0x1c: {  	p1 =	slt.u32 s9, $0xF7A;
	s5 =	simm.s32 @!p2 $0x0  }
0x1d: {  	s5 =	simm.s32 @p1 $0x1;
	p0 =	seq.s32 s7, s2  }
0x1e: {  	s7 =	smul.u32 @!p0 $0xF7A, s2;
	p2 =	seq.s32 @!p0 s5, $0x0  }
0x1f: {  	s9 =	smul.u32 $0xF7A, s1;
	s8 =	simm.s32 @!p0 $0x1BF5;
	p2 =	por !p2, p0  }
0x20: {  	[sflag:s8] =	ssyncset.s32 @!p0 $0xFFFFF086;
	s6 =	sadd.s32 @!p0 s3, s7;
	s7 =	simm.s32 @!p0 $0x108  }
0x21: {  	s3 =	sadd.s32 s3, s9;
	s6 =	sadd.s32 @!p0 $0x88, s6;
	s7 =	simm.s32 @p2 $0x1082  }
0x22: {  	[simem:s7], [sflag:s8] =	dma.local @!p0 [hbm:s6], $0xF7A  }
0x23: {  	s9 =	sor.u32 $0xD0000000, s2;
	s6 =	simm.s32 $0x108;
	_ =	swait.ge @!p0 [sflag:s8], $0x0  }
0x24: {  	s3 =	sadd.s32 $0x88, s3;
	s6 =	simm.s32 @!p1 $0x1082;
	[sflag:s4] =	ssyncset.s32 $0xFFFFF086  }
0x25: {  	[simem:s6], [sflag:s4] =	dma.local [hbm:s3], $0xF7A  }
0x26: {  	[smem:$0x3F92] =	sst s1;
	(tag) =	ssettag s2;
	_ =	strace s9  }
0x27: {  	s1 =	sld [smem:$0x3FA2]  }
0x28: {  	s2 =	sld [smem:$0x3FA3]  }
0x29: {  	s4 =	sld [smem:$0x3FA5]  }
0x2a: {  	p0 =	seq.s32 s5, $0x0;
	s5 =	sld [smem:$0x3FA6]  }
0x2b: {  	s6 =	sld [smem:$0x3FA7]  }
0x2c: {  	s7 =	sld [smem:$0x3FA8]  }
0x2d: {  	s3 =	simm.s32 $0x108;
	s8 =	sld [smem:$0x3FA9]  }
0x2e: {  	s3 =	simm.s32 @!p0 $0x1082;
	s9 =	sld [smem:$0x3FAA]  }
0x2f: {  	lr =	sadd.s32 s0, s3;
	s0 =	sld [smem:$0x3FA1]  }
0x30: {  	s3 =	sld [smem:$0x3FA4]  }
0x31: {  	[smem:$0x3FAD] =	sst s10  }
0x32: {  	s10 =	sld [smem:$0x3FAB];
	_ =	sdelay $0x3  }
0x33: {  	p0 =	seq.s32 s10, $0x1;
	s10 =	sld [smem:$0x3FAD];
	_ =	sdelay $0x3  }
0x34: {  	[smem:$0x3FAD] =	sst s10  }
0x35: {  	s10 =	sld [smem:$0x3FAC];
	_ =	sdelay $0x3  }
0x36: {  	p1 =	seq.s32 s10, $0x1;
	s10 =	sld [smem:$0x3FAD];
	_ =	sdelay $0x3  }
0x37: {  	[smem:$0x3FAD] =	sst s10  }
0x38: {  	s10 =	sld [smem:$0x3FAE]  }
0x39: {  	_ = 	snop;
	(pc) =	sbr.ind lr, $3  }
0x3a: {  	_ = 	snop  }
0x3b: {  	_ = 	snop  }
0x3c: {  	p2 =	seq.s32 s10, $0x1;
	s10 =	sld [smem:$0x3FAD]  }
0x3d: {  	_ =	shalt  }
0x3e: {  	_ =	shalt  }
0x3f: {  	_ =	shalt  }
0x40: {  	_ =	shalt  }
0x41: {  	_ =	shalt  }
0x42: {  	_ =	shalt  }
0x43: {  	_ =	shalt  }
0x44: {  	_ =	shalt  }
0x45: {  	_ =	shalt  }
0x46: {  	_ =	shalt  }
0x47: {  	_ =	shalt  }
0x48: {  	_ =	shalt  }
0x49: {  	_ =	shalt  }
0x4a: {  	_ =	shalt  }
0x4b: {  	_ =	shalt  }
0x4c: {  	_ =	shalt  }
0x4d: {  	_ =	shalt  }
0x4e: {  	_ =	shalt  }
0x4f: {  	_ =	shalt  }
0x50: {  	_ =	shalt  }
0x51: {  	_ =	shalt  }
0x52: {  	_ =	shalt  }
0x53: {  	_ =	shalt  }
0x54: {  	_ =	shalt  }
0x55: {  	_ =	shalt  }
0x56: {  	_ =	shalt  }
0x57: {  	_ =	shalt  }
0x58: {  	_ =	shalt  }
0x59: {  	_ =	shalt  }
0x5a: {  	_ =	shalt  }
0x5b: {  	_ =	shalt  }
0x5c: {  	_ =	shalt  }
0x5d: {  	_ =	shalt  }
0x5e: {  	_ =	shalt  }
0x5f: {  	_ =	shalt  }
0x60: {  	_ =	shalt  }
0x61: {  	_ =	shalt  }
0x62: {  	_ =	shalt  }
0x63: {  	_ =	shalt  }
0x64: {  	_ =	shalt  }
0x65: {  	_ =	shalt  }
0x66: {  	_ =	shalt  }
0x67: {  	_ =	shalt  }
0x68: {  	_ =	shalt  }
0x69: {  	_ =	shalt  }
0x6a: {  	_ =	shalt  }
0x6b: {  	_ =	shalt  }
0x6c: {  	_ =	shalt  }
0x6d: {  	_ =	shalt  }
0x6e: {  	_ =	shalt  }
0x6f: {  	_ =	shalt  }
0x70: {  	_ =	shalt  }
0x71: {  	_ =	shalt  }
0x72: {  	_ =	shalt  }
0x73: {  	_ =	shalt  }
0x74: {  	_ =	shalt  }
0x75: {  	_ =	shalt  }
0x76: {  	_ =	shalt  }
0x77: {  	_ =	shalt  }
0x78: {  	_ =	shalt  }
0x79: {  	_ =	shalt  }
0x7a: {  	_ =	shalt  }
0x7b: {  	_ =	shalt  }
0x7c: {  	_ =	shalt  }
0x7d: {  	_ =	shalt  }
0x7e: {  	_ =	shalt  }
0x7f: {  	_ =	shalt  }
0x80: {  	_ =	shalt  }
0x81: {  	_ =	shalt  }
0x82: {  	_ =	shalt  }
0x83: {  	_ =	shalt  }
0x84: {  	_ =	shalt  }
0x85: {  	_ =	shalt  }
0x86: {  	_ =	shalt  }
0x87: {  	_ =	shalt  }
.Lfunc_end0:
.L_simem_size_0:
called_computation_lowered:
.L_overlay_start_0:
0x88: {  	s0 =	sld [smem:$0x3FD9]  }
0x89: {  	s1 =	sld [smem:$0x3FFE];
	_ =	sdelay $0x3  }
0x8a: {  	s0 =	sadd.s32 s1, s0  }
0x8b: {  	[smem:$0x3FB9] =	sst s0  }
0x8c: {  	_ = 	snop  }
0x8d: {  	s0 =	sld [smem:$0x3FD0];
	_ =	sdelay $0x2  }
0x8e: {  	s12 =	simm.s32 $0xB;
	s2 =	simm.s32 $0x10  }
0x8f: {  	[smem:s2], [sflag:s12] =	dma.local [hbm:s0], $0x1  }
0x90: {  	_ =	swait.eq [sflag:s12], $0x1  }
0x91: {  	[sflag:s12] =	ssyncset.done $0x0  }
0x92: {  	[sflag:s12] =	ssyncadd.s32 $0xFFFFFFFF  }
0x93: {  	s13 =	sld [smem:$0x10];
	(tm) =	ssettm $0x1  }
0x94: {  	s14 =	sld [smem:$0x3FFB];
	_ =	sdelay $0x3  }
0x95: {  	_ =	strace s14  }
0x96: {  	s0 =	sld [smem:$0x3FFC];
	_ =	sdelay $0x3  }
0x97: {  	_ =	strace s0  }
0x98: {  	s0 =	sld [smem:$0x3FFD];
	_ =	sdelay $0x3  }
0x99: {  	_ =	strace s0  }
0x9a: {  	_ =	strace $0x8FFFFFFF  }
0x9b: {  	s15 =	sld [smem:$0x3FDB];
	_ =	sdelay $0x1  }
0x9c: {  	s16 =	simm.s32 $_scs_section_size  }
0x9d: {  	s3 =	simm.s32 $_size__tile_overlayer_lowered;
	s4 =	simm.s32 $_tile_overlayer_lowered  }
0x9e: {  	s5 =	simm.s32 $0x1BFF;
	s17 =	sshll.u32 s4, $0x1;
	s2 =	sadd.s32 s16, s15  }
0x9f: {  	s18 =	simm.s32 $0x0;
	s3 =	sshll.u32 s3, $0x1;
	s4 =	sadd.s32 s17, s2  }
0xa0: {  	[timem:s18], [sflag:s5] =	dma.local [hbm:s4], s3  }
0xa1: {  	_ =	swait.ge [sflag:s5], s3  }
0xa2: {  	s3 =	ssub.s32 $0x0, s3;
	[sflag:s5] =	ssyncset.done $0x0  }
0xa3: {  	[sflag:s5] =	ssyncadd.s32 s3;
	_ =	sdelay $0x1  }
0xa4: {  	s19 =	simm.s32 $0x1B8B  }
0xa5: {  	_ =	swait.ge [sflag:s19], $0x1  }
0xa6: {  	[sflag:s19] =	ssyncset.done $0x0  }
0xa7: {  	s21 =	simm.s32 $0x1B8E;
	s20 =	sld [smem:$0x3FFE];
	[sflag:s19] =	ssyncadd.s32 $0xFFFFFFFF  }
0xa8: {  	s22 =	simm.s32 $execute0_lowered;
	[smem:$0x3FD2] =	sst s21  }
0xa9: {  	s4 =	sshll.u32 s22, $0x1;
	_ =	strace $0x80000046;
	[dreg:$0x1] =	wrdreg $0xFFFFFFFF  }
0xaa: {  	s23 =	simm.s32 $_size_execute0_lowered;
	s4 =	sadd.s32 s2, s4;
	[dreg:$0x0] =	wrdreg $0x0  }
0xab: {  	s5 =	sshll.u32 s23, $0x1;
	[dreg:$0x2] =	wrdreg s4  }
0xac: {  	[dreg:$0x3] =	wrdreg s5  }
0xad: {  	[dreg:$0x4] =	wrdreg $0xC0  }
0xae: {  	s24 =	simm.s32 $execute1_lowered;
	_ =	task [dreg:s18], $0x5FFFF  }
0xaf: {  	s4 =	sshll.u32 s24, $0x1;
	[dreg:$0x1] =	wrdreg $0xFFFFFFFF  }
0xb0: {  	s2 =	sadd.s32 s2, s4;
	[dreg:$0x0] =	wrdreg $0x60  }
0xb1: {  	[dreg:$0x2] =	wrdreg s2  }
0xb2: {  	[dreg:$0x3] =	wrdreg s13  }
0xb3: {  	[dreg:$0x4] =	wrdreg s20  }
0xb4: {  	[dreg:$0x5] =	wrdreg $0x9  }
0xb5: {  	_ =	task.clear_ibuf [dreg:s18], $0x6FFFF;
	_ =	strace $0x90000046  }
0xb6: {  	s25 =	simm.s32 $0x9;
	_ =	strace $0x80000048  }
0xb7: {  	_ =	swait.ge [sflag:s25], $0x1  }
0xb8: {  	[sflag:s25] =	ssyncadd.s32 $0xFFFFFFFF  }
0xb9: {  	_ =	strace $0x90000048  }
0xba: {  	_ =	strace $0x80000049;
	[dreg:$0x1] =	wrdreg $0xFFFFFFFF  }
0xbb: {  	[dreg:$0x0] =	wrdreg $0x2030  }
0xbc: {  	[dreg:$0x2] =	wrdreg s20  }
0xbd: {  	[dreg:$0x3] =	wrdreg $0xA  }
0xbe: {  	_ =	task.clear_ibuf [dreg:s18], $0x4FFFF;
	_ =	strace $0x90000049  }
0xbf: {  	s26 =	simm.s32 $0xA;
	_ =	strace $0x8000004B  }
0xc0: {  	_ =	swait.ge [sflag:s26], $0x1  }
0xc1: {  	[sflag:s26] =	ssyncadd.s32 $0xFFFFFFFF  }
0xc2: {  	_ =	strace $0x9000004B  }
0xc3: {  	_ =	sfence  }
0xc4: {  	s28 =	sld [smem:$0x0];
	_ =	sdelay $0x1  }
0xc5: {  	s29 =	srdreg.scid  }
0xc6: {  	s30 =	sshll.u32 s29, $0xD;
	s31 =	sshrl.u32 s29, $0x2  }
0xc7: {  	s3 =	sand.u32 $0x4000, s30;
	s2 =	sand.u32 $0x1, s29;
	s1 =	sadd.s32 s31, s28  }
0xc8: {  	s2 =	sor.u32 s3, s2;
	s1 =	sshll.u32 s1, $0x11  }
0xc9: {  	s1 =	sor.u32 s1, s2  }
0xca: {  	s1 =	sadd.s32 $0x8F2B, s1  }
0xcb: {  	[sflag:s1] =	ssyncadd.remote.s32 $0x1  }
0xcc: {  	_ =	sfence.sel $0xFFFF  }
0xcd: {  	[dreg:$0x0] =	wrdreg $0xFFFFFFFF;
	(pc) =	sbr.abs _section_cstart, $3  }
0xce: {  	[dreg:$0x1] =	wrdreg $0xFFFFFFFF  }
0xcf: {  	_ =	task.clear_ibuf [dreg:s18], $0x2FFFF;
	_ =	strace $0x9FFFFFFF  }
0xd0: {  	(tm) =	ssettm $0x7FFFFFFF  }
0xd1: {  	_ =	shalt  }
tec
execute0_lowered:
.L_overlay_start_1:
0x0: {  	(tag) =	ssettag $0x1  }
0x1: {  	s2 =	rddreg [dreg:$0x0]  }
0x2: {  	s5 =	rddreg [dreg:$0x1]  }
0x3: {  	s4 =	rddreg [dreg:$0x2]  }
0x4: {  	s0 =	rddreg [dreg:$0x3];
	s3 =	stileid.u32  }
0x5: {  	[bflag:$0x3] =	sbarrier.arrive $0xFFFF;
	s1 =	simm.s32 $_size_execute1_lowered;
	p0 =	sne.s32 s3, $0x0  }
0x6: {  	s1 =	sshll.u32 s1, $0x1;
	s6 =	simm.s32 @!p0 $0x1C3F;
	s7 =	simm.s32 @!p0 $0x4060  }
0x7: {  	[timem:s7], [sflag:s6] =	dma.local @!p0 [hbm:s2], s1  }
.Ltmp0:
0x8: {  	s30 =	simm.s32 $0x2;
	s8 =	simm.s32 $0x780;
	(pc) =	sbr.rel .LBB2_1-.Ltmp0, $4  }
0x9: {  	s10 =	simm.s32 $0x0;
	s9 =	simm.s32 $0x0;
	s2 =	smul.u32 $0x280, s3  }
0xa: {  	s4 =	sadd.s32 $0x34800, s4;
	s3 =	simm.s32 $0x1;
	_ =	strace $0x80000047  }
0xb: {  	s6 =	simm.s32 $0x0;
	[sflag:s3] =	ssyncpa.u1 $0x0;
	s31 =	sshrl.u32 s2, $0x3  }
0xc: {  	s7 =	simm.s32 $0x280;
	[sflag:s30] =	ssyncpa.u1 $0x0;
	s5 =	sadd.s32 s31, s5  }
.LBB2_8:
0xd: {  	p1 =	seq.s32 s9, $0x2  }
.Ltmp1:
0xe: {  	_ = 	snop;
	(pc) =	sbr.rel @p1 .LBB2_10-.Ltmp1, $1  }
0xf: {  	_ =	sdelay $0x3  }
.LBB2_9:
0x10: {  	s9 =	sadd.s32 $0x1, s9;
	s10 =	smov.u32 s2  }
.LBB2_1:
0x11: {  	p1 =	sne.s32 s9, $0x0  }
.Ltmp2:
0x12: {  	_ = 	snop;
	(pc) =	sbr.rel @!p1 .LBB2_2-.Ltmp2, $1  }
0x13: {  	_ =	sdelay $0x3  }
0x14: {  	s11 =	sand.u32 $0x1, s9  }
0x15: {  	p1 =	seq.s32 s11, $0x0  }
.Ltmp3:
0x16: {  	_ = 	snop;
	(pc) =	sbr.rel @p1 .LBB2_8-.Ltmp3, $1  }
0x17: {  	_ =	sdelay $0x3  }
0x18: {  	_ =	swait.ge [sflag:s3], $0x280  }
0x19: {  	[sflag:s3] =	ssyncset.done $0x0  }
0x1a: {  	s11 =	simm.s32 $0x0;
	p1 =	por $0x1, $0x1;
	[sflag:s3] =	ssyncadd.s32 $0xFFFFFD80  }
.LBB2_5:
0x1b: {  	v0 =	vld [tilespmem:s11+$0x280]  }
0x1c: {  	v1 =	vld [tilespmem:s11+$0x290]  }
0x1d: {  	v2 =	vld [tilespmem:s11+$0x2A0]  }
0x1e: {  	v3 =	vld [tilespmem:s11+$0x2B0]  }
0x1f: {  	v4 =	vld [tilespmem:s11+$0x2C0]  }
0x20: {  	v53 =	vld [tilespmem:s11+$0x2D0];
	[tilespmem:s11+$0x780] =	vst v0  }
0x21: {  	v54 =	vld [tilespmem:s11+$0x2E0];
	[tilespmem:s11+$0x790] =	vst v1  }
0x22: {  	v55 =	vld [tilespmem:s11+$0x2F0];
	[tilespmem:s11+$0x7A0] =	vst v2  }
0x23: {  	v56 =	vld [tilespmem:s11+$0x300];
	[tilespmem:s11+$0x7B0] =	vst v3  }
0x24: {  	v57 =	vld [tilespmem:s11+$0x310];
	[tilespmem:s11+$0x7C0] =	vst v4  }
0x25: {  	v58 =	vld [tilespmem:s11+$0x320];
	[tilespmem:s11+$0x7D0] =	vst v53  }
0x26: {  	v59 =	vld [tilespmem:s11+$0x330];
	[tilespmem:s11+$0x7E0] =	vst v54  }
0x27: {  	v60 =	vld [tilespmem:s11+$0x340];
	[tilespmem:s11+$0x7F0] =	vst v55  }
0x28: {  	v61 =	vld [tilespmem:s11+$0x350];
	[tilespmem:s11+$0x800] =	vst v56  }
0x29: {  	v62 =	vld [tilespmem:s11+$0x360];
	[tilespmem:s11+$0x810] =	vst v57  }
0x2a: {  	v63 =	vld [tilespmem:s11+$0x370];
	p2 =	por p1, p1;
	[tilespmem:s11+$0x820] =	vst v58  }
.Ltmp4:
0x2b: {  	[tilespmem:s11+$0x830] =	vst v59;
	(pc) =	sbr.rel @p2 .LBB2_5-.Ltmp4, $4  }
0x2c: {  	[tilespmem:s11+$0x840] =	vst v60  }
0x2d: {  	[tilespmem:s11+$0x850] =	vst v61  }
0x2e: {  	s12 =	simm.s32 $0x1F0;
	s13 =	simm.s32 $0x980;
	[tilespmem:s11+$0x860] =	vst v62  }
0x2f: {  	s14 =	simm.s32 $0x480;
	p1 =	por $0x0, $0x0;
	[tilespmem:s11+$0x870] =	vst v63;
	s11 =	simm.s32 $0x100  }
.LBB2_6:
0x30: {  	s12 =	sadd.s32 $0x10, s12  }
0x31: {  	v0 =	vld [tilespmem:s14+$0x0];
	p1 =	slt.u32 s12, $0x270  }
.Ltmp5:
0x32: {  	_ = 	snop;
	(pc) =	sbr.rel @p1 .LBB2_6-.Ltmp5, $2  }
0x33: {  	_ =	sdelay $0x2  }
0x34: {  	s14 =	sadd.s32 $0x10, s14;
	[tilespmem:s13+$0x0] =	vst v0;
	s13 =	sadd.s32 $0x10, s13  }
.Ltmp6:
0x35: {  	(pc) =	sbr.rel .LBB2_8-.Ltmp6, $4  }
0x36: {  	_ = 	snop  }
0x37: {  	s10 =	sshrl.u32 s10, $0x3  }
0x38: {  	s10 =	sadd.s32 s4, s10  }
0x39: {  	[hbm4b:s10+s6] =	stream.linear.scatter [tilespmem:s8], [sflag:$0x2], $0x280, $0x38;
	[tilespmem:$0xA00] =	vst v63  }
.LBB2_2:
.Ltmp7:
0x3a: {  	(pc) =	sbr.rel .LBB2_9-.Ltmp7, $2  }
0x3b: {  	_ =	sdelay $0x2  }
0x3c: {  	[tilespmem:s7], [sflag:$0x1] =	stream.linear.gather [hbm4b:s5+s6], $0x280, $0x38;
	[tilespmem:$0xA00] =	vst v63  }
.LBB2_10:
0x3d: {  	s2 =	simm.s32 $0x2  }
0x3e: {  	_ =	swait.ge [sflag:s2], $0x280  }
0x3f: {  	[sflag:s2] =	ssyncset.done $0x0  }
0x40: {  	[sflag:s2] =	ssyncadd.s32 $0xFFFFFD80  }
0x41: {  	_ =	sfence.sel $0x180000  }
0x42: {  	s3 =	simm.s32 $0x1;
	[bflag:$0x0] =	sbarrier.arrive $0xFFFF  }
0x43: {  	[sflag:s3] =	ssyncpa.u1 $0x1  }
0x44: {  	[sflag:s2] =	ssyncpa.u1 $0x1  }
0x45: {  	_ =	strace $0x90000047  }
0x46: {  	s0 =	sadd.s32 @!p0 $0x100000, s0;
	[bflag:$0x2] =	sbarrier.arrive $0xFFFF  }
0x47: {  	[sflag:s0] =	ssyncadd.tile.s32 @!p0 $0x1;
	s0 =	simm.s32 @!p0 $0x3F  }
0x48: {  	_ =	swait.ge @!p0 [sflag:s0], s1  }
0x49: {  	s1 =	ssub.s32 @!p0 $0x0, s1;
	[sflag:s0] =	ssyncset.done @!p0 $0x0  }
0x4a: {  	[sflag:s0] =	ssyncadd.s32 @!p0 s1  }
0x4b: {  	[bflag:$0x3] =	sbarrier.arrive $0xFFFF  }
0x4c: {  	_ =	shalt  }
.Lfunc_end2:
execute1_lowered:
.L_overlay_start_2:
0x4d: {  	(tag) =	ssettag $0x2  }
0x4e: {  	s0 =	rddreg [dreg:$0x0]  }
0x4f: {  	s6 =	stileid.u32;
	_ =	strace $0x8000004A;
	s2 =	simm.s32 $0x1  }
0x50: {  	v1 =	vimm.s32 $0xFFFFFFFF;
	s1 =	smin.u32 s6, $0x9;
	[sflag:s2] =	ssyncpa.u1 $0x0  }
0x51: {  	s1 =	sadd.s32 s6, s1;
	[tilespmem:$0x10] =	vst v1  }
0x52: {  	v0 =	vimm.f32 $0.0e+00;
	p0 =	slt.u32 s6, $0x9;
	[tilespmem:$0x20] =	vst v1;
	s3 =	smul.u32 $0x1A90, s1;
	s1 =	simm.s32 $0x3520  }
0x53: {  	[tilespmem:$0x30] =	vst v0;
	s1 =	simm.s32 @!p0 $0x1A90  }
0x54: {  	[tilespmem:$0x40] =	vst v0;
	s1 =	sadd.s32 s1, s3  }
0x55: {  	[tilespmem:$0x50] =	vst v0;
	s4 =	smin.u32 s1, $0x29810  }
0x56: {  	s7 =	simm.s32 $0x2;
	[tilespmem:$0x60] =	vst v1;
	s9 =	ssub.s32 s4, s3  }
0x57: {  	s8 =	simm.s32 $0x8;
	s31 =	simm.s32 $0x9;
	[tilespmem:$0x70] =	vst v1;
	p0 =	sgt.s32 s9, $0x0  }
0x58: {  	s16 =	simm.s32 $0x0;
	s17 =	simm.s32 $0xF0;
	[tilespmem:$0x80] =	vst v1;
	s9 =	simm.s32 @!p0 $0x0  }
0x59: {  	s18 =	simm.s32 $0xFFFFFFFF;
	s19 =	simm.s32 $0xFFFFCBE0;
	v1 =	vimm.s32 $0x0;
	[tilespmem:$0xB0] =	vst v0;
	s5 =	smulhi.u32 $0x134679AD, s9  }
0x5a: {  	s20 =	simm.s32 $0xFFFFFFFE;
	s21 =	simm.s32 $0xF;
	s25 =	simm.s32 $0x0;
	[tilespmem:$0x90] =	vst v1  }
0x5b: {  	[tilespmem:$0xA0] =	vst v1;
	[sflag:s7] =	ssyncpa.u1 $0x0;
	s7 =	simm.s32 $0x7;
	s10 =	sshrl.u32 s5, $0x9  }
0x5c: {  	s24 =	simm.s32 $0x0;
	[sflag:s7] =	ssyncpa.u1 $0x0;
	s11 =	smul.u32 $0x1A90, s10  }
0x5d: {  	s14 =	sshllo.u32 s6, $0x1;
	[sflag:s8] =	ssyncpa.u1 $0x0;
	s23 =	smov.u32 s3  }
.Ltmp8:
0x5e: {  	s1 =	sadd.s32 $0x34800, s0;
	p0 =	sne.s32 s9, s11;
	(pc) =	sbr.rel .LBB3_1-.Ltmp8, $4  }
0x5f: {  	s5 =	sadd.s32 $0x2A000, s0;
	s0 =	sadd.s32 $0x2F400, s0;
	s2 =	simm.s32 @!p0 $0x0  }
0x60: {  	[sflag:s31] =	ssyncpa.u1 $0x0;
	[dreg:$0x2] =	wrdreg s0;
	s9 =	sadd.s32 s2, s10  }
0x61: {  	vm0 =	vmmov $0xffff;
	v2 =	vlaneseq.u32;
	p0 =	por $0x0, $0x0;
	s10 =	sshll.u32 s6, $0x1;
	s11 =	sadd.s32 $0x1, s9  }
0x62: {  	vm1 =	vmxor vm1, vm1;
	vm2 =	vmmov $0x1;
	vm3 =	vcmask $0x3F3C;
	s12 =	sadd.s32 $0x2, s9;
	s13 =	sor.u32 $0x81, s10;
	s15 =	sor.u32 $0x80, s10  }
.LBB3_9:
0x63: {  	p1 =	slt.u32 s24, $0x3  }
0x64: {  	s0 =	simm.s32 @!p1 $0x2  }
0x65: {  	_ =	swait.ge @!p1 [sflag:s0], $0x1A90  }
0x66: {  	[sflag:s0] =	ssyncset.done @!p1 $0x0  }
0x67: {  	[sflag:s0] =	ssyncadd.s32 @!p1 $0xFFFFE570;
	s0 =	simm.s32 @!p1 $0x9  }
0x68: {  	_ =	swait.ge @!p1 [sflag:s0], $0x10  }
0x69: {  	[sflag:s0] =	ssyncset.done @!p1 $0x0  }
0x6a: {  	[sflag:s0] =	ssyncadd.s32 @!p1 $0xFFFFFFF0;
	p1 =	sne.s32 s24, s12  }
.Ltmp9:
0x6b: {  	s2 =	sadd.s32 $0x1A90, s23;
	(pc) =	sbr.rel @!p1 .LBB3_10-.Ltmp9, $4  }
0x6c: {  	s6 =	smov.u32 s3;
	s31 =	sadd.s32 $0x1, s24;
	s17 =	sadd.s32 $0x1A90, s17  }
0x6d: {  	s18 =	sadd.s32 $0x1, s18;
	s25 =	smov.u32 s23;
	p2 =	slt.s32 s2, s4  }
0x6e: {  	p0 =	por !p0, !p0;
	s19 =	sadd.s32 $0x1A90, s19;
	s6 =	smov.u32 @p2 s2  }
0x6f: {  	s20 =	sadd.s32 $0x1, s20;
	s23 =	smov.u32 s6;
	s24 =	smov.u32 s31  }
.LBB3_1:
0x70: {  	p1 =	sge.u32 s24, s9  }
0x71: {  	s0 =	smulhi.u32 @!p1 $0xAAAAAAAB, s24;
	_ =	sdelay $0x1  }
0x72: {  	s0 =	sshrl.u32 @!p1 s0, $0x1  }
0x73: {  	s0 =	smul.u32 @!p1 $0x3, s0;
	_ =	sdelay $0x1  }
0x74: {  	s0 =	ssub.s32 @!p1 s24, s0  }
0x75: {  	s0 =	smul.u32 @!p1 $0x6A40, s0;
	_ =	sdelay $0x1  }
0x76: {  	s2 =	sshrl.u32 @!p1 s23, $0x3;
	s0 =	sshrl.u32 @!p1 s0, $0x2  }
0x77: {  	s22 =	sand.u32 @!p1 $0x7, s23;
	s2 =	sadd.s32 @!p1 s5, s2;
	s0 =	sadd.s32 @!p1 $0x100, s0  }
0x78: {  	[tilespmem:s0], [sflag:$0x7] =	stream.linear.gather @!p1 [hbm4b:s2+s22], $0x1A90, $0x38;
	[tilespmem:$0xF030] =	vst v63  }
0x79: {  	s0 =	sadd.s32 $0xFFFFFFFF, s24  }
0x7a: {  	p1 =	sge.u32 s0, s9  }
.Ltmp10:
0x7b: {  	_ = 	snop;
	(pc) =	sbr.rel @p1 .LBB3_5-.Ltmp10, $1  }
0x7c: {  	_ =	sdelay $0x3  }
0x7d: {  	s2 =	smulhi.u32 $0xAAAAAAAB, s0;
	_ =	sdelay $0x1  }
0x7e: {  	s2 =	sshrl.u32 s2, $0x1  }
0x7f: {  	s2 =	smul.u32 $0x3, s2;
	_ =	sdelay $0x1  }
0x80: {  	s2 =	ssub.s32 s0, s2  }
0x81: {  	s2 =	smul.u32 $0x6A40, s2  }
0x82: {  	_ =	swait.ge [sflag:s7], $0x1A90  }
0x83: {  	[sflag:s7] =	ssyncset.done $0x0;
	s2 =	sshrl.u32 s2, $0x2  }
0x84: {  	[sflag:s7] =	ssyncadd.s32 $0xFFFFE570;
	(ifvalue) =	ssetifvalue $0xFFFFFFFF;
	v3 =	vld.msk [tilespmem:s2+$0x100 ss:$0x1], $0xffff;
	_ =	sdelay $0x2  }
0x85: {  	s30 =	smulhi.u32 $0xAAAAAAAB, s18;
	p1 =	sne.s32 s24, $0x1  }
0x86: {  	v4 =	vimm.s32 @!p1 $0x0  }
0x87: {  	s2 =	sshrl.u32 s30, $0x1;
	v4 =	vperm.xlane @!p1 v3, v4  }
0x88: {  	s22 =	sshll.u32 s24, $0x4;
	s2 =	smul.u32 $0xFFFEC140, s2;
	vm4 =	vlt.u32 v3, $0x2800  }
0x89: {  	s22 =	sand.u32 $0x10, s22;
	v3 =	vnsel vm4, $0xFFFFFFFE, v3;
	vm4 =	vlt.u32 @!p1 v4, $0x2800  }
0x8a: {  	s2 =	sshra.s32 s2, $0x2;
	[tilespmem:s22+$0x60] =	vst v3;
	v3 =	vnsel @!p1 vm4, $0xFFFFFFFE, v4  }
0x8b: {  	s28 =	sadd.s32 s2, s17;
	[tilespmem:$0x80] =	vst @!p1 v3  }
0x8c: {  	v3 =	vld.msk [tilespmem:s28+$0x0 ss:$0x1], $0xffff;
	_ =	sdelay $0x4  }
0x8d: {  	(xrf1) =	vunique.msk.u32 $0xffff, v3;
	_ =	sdelay $0xd  }
0x8e: {  	v4 =	vimm.s32 $0xFFFFFFFF;
	v5, _, _ =	vpop (xrf1)  }
0x8f: {  	vm5 =	vne.s32 v3, v4;
	vm4 =	veq.s32 v5, v2  }
0x90: {  	vm6 =	vlt.u32 v3, $0x2800;
	vm4 =	vmand vm5, vm4  }
0x91: {  	vm4 =	vmand vm6, vm4  }
0x92: {  	v4 =	vnsel vm4, $0xFFFFFFFF, v3  }
0x93: {  	s31 =	sand.u32 $0x1, s0  }
0x94: {  	s0 =	simm.s32 $0x1A90;
	p1 =	seq.s32 s31, $0x1  }
0x95: {  	s0 =	simm.s32 @!p1 $0x0  }
0x96: {  	s26 =	sadd.s32 $0x6B30, s0;
	(ifvalue) =	ssetifvalue $0xFFFFFFFF  }
0x97: {  	v3 =	vperm.xlane v3, v1;
	[tilespmem:s26], [sflag:$0x8] =	stream.indirect_vreg.gather [hbm4b:s1+s16], $0x1, v4, vm0, $0x4038;
	v4 =	vnsel vm6, $0xFFFFFFFE, v4;
	[tilespmem:$0xF030] =	vst v63  }
0x98: {  	s2 =	simm.s32 $0x0;
	s22 =	sadd.s32 $0xFFFFFFF0, s28;
	[tilespmem:s28+$0x0] =	vst v4  }
.LBB3_3:
0x99: {  	v4 =	vld.msk [tilespmem:s22+$0x0 ss:$0x1], $0xffff;
	s2 =	sadd.s32 $0x10, s2;
	v5 =	vmov v3;
	s28 =	smov.u32 s22  }
0x9a: {  	p1 =	slt.u32 s2, $0x1A80;
	_ =	sdelay $0x4  }
0x9b: {  	v3 =	vperm.xlane v4, v1;
	(xrf1) =	vunique.msk.u32 $0xffff, v4;
	_ =	sdelay $0xd  }
0x9c: {  	v6, _, _ =	vpop (xrf1)  }
0x9d: {  	vm5 =	vne.s32 v4, v5;
	vm4 =	veq.s32 v6, v2  }
0x9e: {  	vm6 =	vlt.u32 v4, $0x2800;
	vm4 =	vmand vm5, vm4  }
0x9f: {  	vm4 =	vmand vm6, vm4  }
0xa0: {  	v4 =	vnsel vm4, $0xFFFFFFFF, v4  }
.Ltmp11:
0xa1: {  	v5 =	vnsel vm6, $0xFFFFFFFE, v4;
	(pc) =	sbr.rel @p1 .LBB3_3-.Ltmp11, $3  }
0xa2: {  	_ =	sdelay $0x1  }
0xa3: {  	s22 =	sadd.s32 $0xFFFFFFF0, s22;
	s26 =	sadd.s32 $0xFFFFFFF0, s26;
	(ifvalue) =	ssetifvalue $0xFFFFFFFF  }
0xa4: {  	[tilespmem:s26], [sflag:$0x8] =	stream.indirect_vreg.gather [hbm4b:s1+s16], $0x1, v4, vm0, $0x4038;
	[tilespmem:s28+$0x0] =	vst v5  }
0xa5: {  	s2 =	sshrl.u32 s25, $0x3;
	s6 =	rddreg [dreg:$0x2]  }
0xa6: {  	s0 =	sadd.s32 $0x85D0, s0;
	s2 =	sadd.s32 s6, s2  }
0xa7: {  	[tilespmem:s0], [sflag:$0x8] =	stream.linear.gather [hbm:s2], $0x1A90, $0x38;
	[tilespmem:$0xF030] =	vst v63  }
.LBB3_5:
0xa8: {  	p1 =	slt.u32 s24, $0x2  }
0xa9: {  	p2 =	sge.u32 @!p1 s24, s12  }
0xaa: {  	p1 =	por p1, p2  }
.Ltmp12:
0xab: {  	_ = 	snop;
	(pc) =	sbr.rel @p1 .LBB3_9-.Ltmp12, $1  }
0xac: {  	_ =	sdelay $0x3  }
0xad: {  	s0 =	sadd.s32 $0xFFFFFFFE, s24  }
0xae: {  	s2 =	smulhi.u32 $0xAAAAAAAB, s0;
	_ =	sdelay $0x1  }
0xaf: {  	s2 =	sshrl.u32 s2, $0x1  }
0xb0: {  	s2 =	smul.u32 $0x3, s2;
	_ =	sdelay $0x1  }
0xb1: {  	s0 =	ssub.s32 s0, s2  }
0xb2: {  	_ =	swait.ge [sflag:s8], $0x3520;
	s0 =	smul.u32 $0x1A90, s0  }
0xb3: {  	p1 =	sne.s32 s24, s11;
	[sflag:s8] =	ssyncset.done $0x0  }
0xb4: {  	[sflag:s8] =	ssyncadd.s32 $0xFFFFCAE0;
	s2 =	sadd.s32 @!p1 $0x1B8F, s0  }
0xb5: {  	[spmem:s13] =	stream.linear.scatter @!p1 [tilespmem:s2], [sflag:$0x1], $0x1, $0x38;
	[tilespmem:$0xF030] =	vst v63  }
0xb6: {  	s2 =	simm.s32 @!p1 $0x1  }
0xb7: {  	_ =	swait.ge @!p1 [sflag:s2], $0x1  }
0xb8: {  	s22 =	sshll.u32 s24, $0x4;
	[sflag:s2] =	ssyncset.done @!p1 $0x0  }
0xb9: {  	s25 =	sand.u32 $0x10, s22;
	[sflag:s2] =	ssyncadd.s32 @!p1 $0xFFFFFFFF  }
0xba: {  	s2 =	sxor.u32 $0x10, s25;
	v4 =	vld [tilespmem:s25+$0x10]  }
0xbb: {  	v5 =	vld [tilespmem:s2+$0x60]  }
0xbc: {  	v3 =	vld [tilespmem:$0x80];
	_ =	sdelay $0x2  }
0xbd: {  	(v2sf) =	vpush v4, $0x0  }
0xbe: {  	(v2sf) =	vpush v5, $0x0  }
0xbf: {  	(v2sf) =	vpush v3, $0x0;
	_ =	sdelay $0xc  }
0xc0: {  	s6 =	spop (v2sf)  }
0xc1: {  	s28 =	spop (v2sf)  }
0xc2: {  	s26 =	spop (v2sf)  }
0xc3: {  	p2 =	seq.s32 s6, s28;
	p3 =	seq.s32 s26, s6  }
0xc4: {  	p3 =	por p2, p3  }
0xc5: {  	s6 =	sand.u32 $0x1, s24;
	v4 =	vpsel p3, $0xFFFFFFFF, v4  }
0xc6: {  	s28 =	smul.u32 $0x1A90, s6;
	[tilespmem:s25+$0x10] =	vst.msk $0x1, v4  }
0xc7: {  	v4 =	vld [tilespmem:$0x30]  }
0xc8: {  	v5 =	vld [tilespmem:s28+$0x85D0]  }
0xc9: {  	v6 =	vld [tilespmem:s25+$0x40];
	_ =	sdelay $0x3  }
0xca: {  	vm4 =	vmmov vm1;
	v5 =	vadd.f32 v5, v4  }
0xcb: {  	vm5 =	vmmov vm2;
	vm4 =	vmmov @p2 vm2;
	v4 =	vadd.f32 v6, v4  }
0xcc: {  	s22 =	sshll.u32 s6, $0x4;
	vm5 =	vmmov @p3 vm1;
	[tilespmem:s28+$0x85D0] =	vst.msk vm4, v5  }
0xcd: {  	[tilespmem:s22+$0xF010] =	vst.msk vm5, v4  }
0xce: {  	v4 =	vld [tilespmem:s28+$0x6B30];
	_ =	sdelay $0x3  }
0xcf: {  	v5 =	vimm.f32 $0.0e+00  }
0xd0: {  	v4 =	vshift.insert v4, v5, s21  }
0xd1: {  	s29 =	sor.u32 $0x40, s2  }
0xd2: {  	[tilespmem:s29+$0x0] =	vst.msk $0x1, v4  }
0xd3: {  	[tilespmem:s28+$0x6B3F] =	vst.msk $0x1, v5  }
0xd4: {  	v4 =	vld [tilespmem:s0+$0x1B80];
	_ =	sdelay $0x1  }
0xd5: {  	s29 =	smulhi.u32 $0xAAAAAAAB, s20;
	s0 =	simm.s32 $0x1  }
0xd6: {  	s0 =	simm.s32 @!p0 $0x0  }
0xd7: {  	s29 =	sshrl.u32 s29, $0x1;
	s0 =	smul.u32 $0x6A40, s0  }
0xd8: {  	s29 =	smul.u32 $0xFFFEC140, s29;
	v4 =	vshift.insert v4, v1, s21  }
0xd9: {  	s0 =	sshrl.u32 s0, $0x2  }
0xda: {  	s29 =	sshra.s32 s29, $0x2;
	s30 =	sadd.s32 $0x85D0, s0;
	[tilespmem:s2+$0x10] =	vst.msk $0x1, v4  }
0xdb: {  	s6 =	sadd.s32 s29, s19;
	v6 =	vld [tilespmem:s30+$0x0]  }
0xdc: {  	v7 =	vld [tilespmem:s6+$0x0];
	_ =	sdelay $0x3  }
0xdd: {  	v5 =	vadd.f32 v6, v5  }
0xde: {  	vm4 =	vne.s32 v7, $0xFFFFFFFF  }
0xdf: {  	(xrf2) =	vadd.seg.scan.f32 vm4, v5;
	_ =	sdelay $0x3  }
0xe0: {  	s31 =	sadd.s32 $0x50B0, s0;
	v5 =	vperm.xlane v4, v1  }
0xe1: {  	v6 =	vld [tilespmem:s31+$0x0]  }
0xe2: {  	vm5 =	veq.s32 v7, v3;
	vm6 =	veq.s32 v7, v5  }
0xe3: {  	vm7 =	vgt.u32 v7, $0xFFFFFFFD;
	vm6 =	vmor vm6, vm5  }
0xe4: {  	vm6 =	vmor vm6, vm7  }
0xe5: {  	v9 =	vld [tilespmem:$0xA0];
	v7 =	vsel vm6, $0xFFFFFFFF, v7  }
0xe6: {  	v10 =	vld [tilespmem:$0x90];
	v6 =	vsel vm5, $0x0, v6;
	v8, _, _ =	vpop (xrf2)  }
0xe7: {  	v6 =	vadd.f32 v8, v6  }
0xe8: {  	s0 =	sadd.s32 $0xBAF0, s0  }
0xe9: {  	vm4 =	vmand vm4, vm3;
	[tilespmem:s0+$0x0] =	vst v6;
	(ifvalue) =	ssetifvalue $0xFFFFFFFF  }
0xea: {  	vm6 =	veq.s32 v9, $0x1;
	[hbm4b:s1+s16] =	stream.indirect_vreg.scatter [tilespmem:s0], [sflag:$0x2], $0x1, v7, vm0, $0x4038;
	v7 =	vsel vm4, $0x0, v8;
	[tilespmem:$0xF030] =	vst v63  }
0xeb: {  	s29 =	sadd.s32 $0xF010, s22;
	s22 =	sadd.s32 $0x10, s6;
	s2 =	simm.s32 $0x0;
	vm4 =	vmor vm6, vm5;
	v6 =	vsel vm5, v8, v10;
	v7 =	vshift.insert v7, v0, s21  }
.LBB3_7:
0xec: {  	v8 =	vld [tilespmem:s22+$0x0];
	s30 =	sadd.s32 $0x10, s30  }
0xed: {  	s31 =	sadd.s32 $0x10, s31;
	v9 =	vld [tilespmem:s30+$0x0]  }
0xee: {  	s2 =	sadd.s32 $0x10, s2;
	v10 =	vld [tilespmem:s31+$0x0]  }
0xef: {  	p2 =	slt.u32 s2, $0x1A80;
	_ =	sdelay $0x2  }
0xf0: {  	v7 =	vadd.f32 v9, v7  }
0xf1: {  	vm5 =	vne.s32 v8, $0xFFFFFFFF  }
0xf2: {  	vm6 =	vmand vm5, vm3;
	(xrf2) =	vadd.seg.scan.f32 vm5, v7;
	_ =	sdelay $0x5  }
0xf3: {  	vm7 =	veq.s32 v8, v5;
	vm5 =	veq.s32 v8, v3  }
0xf4: {  	vm8 =	vgt.u32 v8, $0xFFFFFFFD;
	vm4 =	vmor vm4, vm5;
	vm7 =	vmor vm7, vm5  }
0xf5: {  	vm7 =	vmor vm7, vm8  }
0xf6: {  	v8 =	vsel vm7, $0xFFFFFFFF, v8  }
.Ltmp13:
0xf7: {  	v7 =	vsel vm5, $0x0, v10;
	v9, _, _ =	vpop (xrf2);
	(pc) =	sbr.rel @p2 .LBB3_7-.Ltmp13, $4  }
0xf8: {  	v6 =	vsel vm5, v9, v6;
	v10 =	vadd.f32 v9, v7;
	v7 =	vsel vm6, $0x0, v9  }
0xf9: {  	s0 =	sadd.s32 $0x10, s0;
	v7 =	vshift.insert v7, v0, s21  }
0xfa: {  	s22 =	sadd.s32 $0x10, s22;
	[tilespmem:s0+$0x0] =	vst v10;
	(ifvalue) =	ssetifvalue $0xFFFFFFFF  }
0xfb: {  	[hbm4b:s1+s16] =	stream.indirect_vreg.scatter [tilespmem:s0], [sflag:$0x2], $0x1, v8, vm0, $0x4038;
	[tilespmem:$0xF030] =	vst v63  }
0xfc: {  	v3 =	vld [tilespmem:s28+$0xD570];
	_ =	sdelay $0x4  }
0xfd: {  	v3 =	vshift.insert v3, v0, s21  }
0xfe: {  	s0 =	simm.s32 $0x30  }
0xff: {  	[tilespmem:s0+$0x0] =	vst.msk $0x1, v3  }
0x100: {  	v3 =	vsel vm4, $0x1, v1;
	[tilespmem:$0x90] =	vst v6  }
0x101: {  	s0 =	sadd.s32 @!p1 $0xD57F, s28;
	[tilespmem:$0xA0] =	vst v3  }
0x102: {  	[spmem:s14] =	stream.linear.scatter @!p1 [tilespmem:s0], [sflag:$0x1], $0x1, $0x38;
	[tilespmem:$0xF030] =	vst v63  }
0x103: {  	s0 =	simm.s32 @!p1 $0x1  }
0x104: {  	v3 =	vmctz.xlane @!p1 vm4;
	_ =	swait.ge @!p1 [sflag:s0], $0x1  }
0x105: {  	(v2sf) =	vpush @!p1 v4, $0x0  }
0x106: {  	(v2sf) =	vpush @!p1 v3, $0x0;
	_ =	sdelay $0xd  }
0x107: {  	s2 =	spop @!p1 (v2sf)  }
0x108: {  	s6 =	spop @!p1 (v2sf)  }
0x109: {  	p2 =	sne.s32 @!p1 s26, s2;
	p3 =	slt.s32 @!p1 s6, $0xF  }
0x10a: {  	[sflag:s0] =	ssyncset.done @!p1 $0x0;
	p2 =	por p2, p1;
	p3 =	por !p3, p1  }
0x10b: {  	[sflag:s0] =	ssyncadd.s32 @!p1 $0xFFFFFFFF;
	v3 =	vimm.s32 @!p2 $0xFFFFFFFF;
	s6 =	simm.s32 @p3 $0xF  }
0x10c: {  	[tilespmem:$0x80] =	vst @!p2 v3;
	s2 =	sadd.s32 @!p1 $0x90, s6  }
0x10d: {  	[spmem:s10] =	stream.linear.scatter @!p1 [tilespmem:s2], [sflag:$0x1], $0x1, $0x38;
	[tilespmem:$0xF030] =	vst v63  }
0x10e: {  	_ =	swait.ge @!p1 [sflag:s0], $0x1  }
0x10f: {  	[sflag:s0] =	ssyncset.done @!p1 $0x0  }
0x110: {  	s2 =	simm.s32 @!p1 $0x80;
	[sflag:s0] =	ssyncadd.s32 @!p1 $0xFFFFFFFF  }
0x111: {  	[spmem:s15] =	stream.linear.scatter @!p1 [tilespmem:s2], [sflag:$0x1], $0x1, $0x38;
	[tilespmem:$0xF030] =	vst v63  }
0x112: {  	_ =	swait.ge @!p1 [sflag:s0], $0x1  }
0x113: {  	[sflag:s0] =	ssyncset.done @!p1 $0x0  }
0x114: {  	[sflag:s0] =	ssyncadd.s32 @!p1 $0xFFFFFFFF;
	(ifvalue) =	ssetifvalue $0xFFFFFFFF;
	v3 =	vld [tilespmem:s25+$0x10];
	_ =	sdelay $0x3  }
.Ltmp14:
0x115: {  	_ = 	snop;
	(pc) =	sbr.rel .LBB3_9-.Ltmp14, $3  }
0x116: {  	_ =	sdelay $0x1  }
0x117: {  	(ifvalue) =	ssetifvalue $0xFFFFFFFF  }
0x118: {  	[hbm4b:s1+s16] =	stream.indirect_vreg.scatter [tilespmem:s29], [sflag:$0x9], $0x1, v3, vm0, $0x4038;
	[tilespmem:$0xF030] =	vst v63  }
.LBB3_10:
0x119: {  	_ =	sfence.sel $0x180000  }
0x11a: {  	s0 =	simm.s32 $0x7;
	[bflag:$0x0] =	sbarrier.arrive $0xFFFF  }
0x11b: {  	s26 =	simm.s32 $0x8;
	[sflag:s0] =	ssyncpa.u1 $0x1  }
0x11c: {  	s28 =	simm.s32 $0x9;
	[sflag:s26] =	ssyncpa.u1 $0x1  }
0x11d: {  	[sflag:s28] =	ssyncpa.u1 $0x1  }
0x11e: {  	_ =	sfence.stream.spmem  }
0x11f: {  	s29 =	simm.s32 $0x3;
	[bflag:$0x0] =	sbarrier.arrive $0xFFFF  }
0x120: {  	s30 =	simm.s32 $0x4;
	[sflag:s29] =	ssyncpa.u1 $0x1  }
0x121: {  	s31 =	simm.s32 $0x3C;
	s2 =	stileid.u32;
	[sflag:s30] =	ssyncpa.u1 $0x1  }
0x122: {  	p0 =	sne.s32 s2, $0x0;
	[sflag:s31] =	ssyncpa.u1 $0x1  }
0x123: {  	s0 =	simm.s32 @p0 $0x1;
	_ =	sfence @p0  }
0x124: {  	[sflag:s0] =	ssyncpa.u1 @p0 $0x1;
	s0 =	simm.s32 @p0 $0x2  }
0x125: {  	[sflag:s0] =	ssyncpa.u1 @p0 $0x1  }
0x126: {  	_ =	strace @p0 $0x9000004A  }
0x127: {  	[bflag:$0x2] =	sbarrier.arrive @p0 $0xFFFF  }
0x128: {  	_ =	shalt @p0  }
.LBB3_11:
0x129: {  	_ =	sfence.stream.spmem;
	s0 =	simm.s32 $0x5  }
0x12a: {  	s2 =	simm.s32 $0x80;
	s3 =	simm.s32 $0xC0;
	[sflag:s0] =	ssyncpa.u1 $0x0  }
0x12b: {  	[tilespmem:s3], [sflag:$0x5] =	stream.linear.gather [spmem:s2], $0x20, $0x38;
	[tilespmem:$0xF030] =	vst v63  }
0x12c: {  	s2 =	simm.s32 $0x0;
	s3 =	simm.s32 $0xE0  }
0x12d: {  	[tilespmem:s3], [sflag:$0x5] =	stream.linear.gather [spmem:s2], $0x20, $0x38;
	[tilespmem:$0xF030] =	vst v63  }
.Ltmp15:
0x12e: {  	_ = 	snop;
	(pc) =	sbr.rel .LBB3_12-.Ltmp15, $4  }
0x12f: {  	_ =	swait.ge [sflag:s0], $0x40  }
0x130: {  	[sflag:s0] =	ssyncset.done $0x0  }
0x131: {  	s31 =	simm.s32 $0x6;
	[sflag:s0] =	ssyncadd.s32 $0xFFFFFFC0  }
0x132: {  	s4 =	simm.s32 $0x0;
	[sflag:s31] =	ssyncpa.u1 $0x0  }
.LBB3_17:
0x133: {  	p0 =	sgt.u32 s5, $0x27FF  }
0x134: {  	s0 =	sshrl.u32 @!p0 s5, $0x3  }
0x135: {  	s5 =	sand.u32 @!p0 $0x7, s5;
	s6 =	simm.s32 @!p0 $0xB0;
	s0 =	sadd.s32 @!p0 s1, s0  }
0x136: {  	[tilespmem:s6], [sflag:$0x6] =	stream.linear.gather @!p0 [hbm4b:s0+s5], $0x1, $0x38;
	[tilespmem:$0xF030] =	vst v63  }
0x137: {  	s0 =	simm.s32 @!p0 $0x6  }
0x138: {  	_ =	swait.ge @!p0 [sflag:s0], $0x1  }
0x139: {  	[sflag:s0] =	ssyncset.done @!p0 $0x0  }
0x13a: {  	[sflag:s0] =	ssyncadd.s32 @!p0 $0xFFFFFFFF  }
0x13b: {  	v2 =	vmov @!p0 s4;
	v1 =	vld.msk @!p0 [tilespmem:$0xB0], $0x1;
	_ =	sdelay $0x3  }
0x13c: {  	s0 =	simm.s32 @!p0 $0xE0  }
0x13d: {  	[tilespmem:v2+s0+$0x0], v1 =	vst.idx.ret.add.f32.msk @!p0 $0x1, v1  }
0x13e: {  	[tilespmem:s2+$0xC0] =	vst.msk $0x1, v0  }
0x13f: {  	v0 =	vld.msk [tilespmem:s4+$0xE0], $0x1;
	_ =	sdelay $0x4  }
0x140: {  	[tilespmem:s2+$0xE0] =	vst.msk $0x1, v0;
	s2 =	sadd.s32 $0x1, s2  }
.LBB3_19:
0x141: {  	s4 =	sadd.s32 $0x1, s4  }
0x142: {  	p0 =	sne.s32 s4, $0x20  }
.Ltmp16:
0x143: {  	_ = 	snop;
	(pc) =	sbr.rel @!p0 .LBB3_20-.Ltmp16, $1  }
0x144: {  	_ =	sdelay $0x3  }
.LBB3_12:
0x145: {  	v0 =	vld.msk [tilespmem:s4+$0xC0], $0x1;
	_ =	sdelay $0x4  }
0x146: {  	(v2sf) =	vpush v0, $0x0;
	_ =	sdelay $0xe  }
0x147: {  	s5 =	spop (v2sf)  }
0x148: {  	p0 =	seq.s32 s5, $0xFFFFFFFF  }
.Ltmp17:
0x149: {  	_ = 	snop;
	(pc) =	sbr.rel @p0 .LBB3_19-.Ltmp17, $1  }
0x14a: {  	_ =	sdelay $0x3  }
0x14b: {  	p0 =	slt.s32 s2, $0x1  }
.Ltmp18:
0x14c: {  	_ = 	snop;
	(pc) =	sbr.rel @p0 .LBB3_17-.Ltmp18, $1  }
0x14d: {  	_ =	sdelay $0x3  }
0x14e: {  	s0 =	simm.s32 $0xC0;
	p0 =	por $0x0, $0x0  }
0x14f: {  	v1 =	vld.msk @!p0 [tilespmem:s0+$0x0], $0x1;
	_ =	sdelay $0x4  }
0x150: {  	(v2sf) =	vpush @!p0 v1, $0x0;
	_ =	sdelay $0xd  }
0x151: {  	p2 =	sne.s32 s2, $0x1  }
.Ltmp19:
0x152: {  	s6 =	spop @!p0 (v2sf);
	(pc) =	sbr.rel @!p2 .LBB3_16-.Ltmp19, $4  }
0x153: {  	p1 =	seq.s32 @!p0 s5, s6  }
0x154: {  	s6 =	simm.s32 $0x0;
	p1 =	por !p1, p0  }
0x155: {  	s8 =	simm.s32 $0xFFFFFFFF;
	s6 =	simm.s32 @p1 $0xFFFFFFFF  }
0x156: {  	s7 =	simm.s32 $0x1;
	s6 =	smov.u32 @p0 s8  }
.LBB3_15:
0x157: {  	s8 =	smov.u32 s6;
	p0 =	sne.s32 s6, $0xFFFFFFFF  }
0x158: {  	s0 =	sadd.s32 $0x1, s0;
	s6 =	smov.u32 s7;
	s7 =	sadd.s32 $0x1, s7  }
0x159: {  	p1 =	sne.s32 s2, s7;
	v1 =	vld.msk @!p0 [tilespmem:s0+$0x0], $0x1;
	_ =	sdelay $0x4  }
0x15a: {  	(v2sf) =	vpush @!p0 v1, $0x0;
	_ =	sdelay $0xe  }
.Ltmp20:
0x15b: {  	s9 =	spop @!p0 (v2sf);
	(pc) =	sbr.rel @p1 .LBB3_15-.Ltmp20, $4  }
0x15c: {  	p2 =	seq.s32 @!p0 s5, s9  }
0x15d: {  	p2 =	por !p2, p0  }
0x15e: {  	s6 =	simm.s32 @p2 $0xFFFFFFFF  }
0x15f: {  	s6 =	smov.u32 @p0 s8  }
.LBB3_16:
0x160: {  	p0 =	sne.s32 s6, $0xFFFFFFFF  }
.Ltmp21:
0x161: {  	_ = 	snop;
	(pc) =	sbr.rel @!p0 .LBB3_17-.Ltmp21, $1  }
0x162: {  	_ =	sdelay $0x3  }
0x163: {  	v0 =	vld.msk [tilespmem:s4+$0xE0], $0x1;
	v1 =	vmov s6  }
.Ltmp22:
0x164: {  	_ = 	snop;
	(pc) =	sbr.rel .LBB3_19-.Ltmp22, $2  }
0x165: {  	_ =	sdelay $0x2  }
0x166: {  	[tilespmem:v1+s3+$0x0], v0 =	vst.idx.ret.add.f32.msk $0x1, v0  }
.LBB3_20:
0x167: {  	p0 =	slt.s32 s2, $0x1  }
.Ltmp23:
0x168: {  	_ = 	snop;
	(pc) =	sbr.rel @p0 .LBB3_24-.Ltmp23, $3  }
0x169: {  	_ =	sdelay $0x1  }
0x16a: {  	s0 =	simm.s32 $0x6  }
0x16b: {  	s3 =	simm.s32 $0x0;
	[sflag:s0] =	ssyncpa.u1 $0x1  }
0x16c: {  	s0 =	simm.s32 $0xC0  }
0x16d: {  	v0 =	vld.msk [tilespmem:s0+$0x0], $0x1;
	_ =	sdelay $0x4  }
0x16e: {  	(v2sf) =	vpush v0, $0x0;
	_ =	sdelay $0xe  }
0x16f: {  	s2 =	sadd.s32 $0xFFFFFFFF, s2;
	s4 =	spop (v2sf)  }
0x170: {  	p1 =	sne.s32 s2, $0x0;
	p0 =	sgt.u32 s4, $0x27FF  }
.Ltmp24:
0x171: {  	s5 =	sshrl.u32 @!p0 s4, $0x3;
	(pc) =	sbr.rel @!p1 .LBB3_23-.Ltmp24, $4  }
0x172: {  	s0 =	simm.s32 $0xE0;
	s4 =	sand.u32 @!p0 $0x7, s4;
	s5 =	sadd.s32 @!p0 s1, s5  }
0x173: {  	[hbm4b:s5+s4] =	stream.linear.scatter @!p0 [tilespmem:s0], [sflag:$0x5], $0x1, $0x38;
	[tilespmem:$0xF030] =	vst v63  }
0x174: {  	s5 =	simm.s32 $0x0  }
0x175: {  	s4 =	simm.s32 $0xC1;
	s5 =	simm.s32 @!p0 $0x4  }
.LBB3_22:
0x176: {  	v0 =	vld.msk [tilespmem:s4+$0x0], $0x1;
	s2 =	sadd.s32 $0xFFFFFFFF, s2;
	s3 =	sadd.s32 s3, s5  }
0x177: {  	p0 =	sne.s32 s2, $0x0;
	_ =	sdelay $0x3  }
0x178: {  	(v2sf) =	vpush v0, $0x0;
	_ =	sdelay $0xe  }
.Ltmp25:
0x179: {  	s6 =	spop (v2sf);
	(pc) =	sbr.rel @p0 .LBB3_22-.Ltmp25, $4  }
0x17a: {  	s5 =	simm.s32 $0x0;
	p1 =	sgt.u32 s6, $0x27FF  }
0x17b: {  	s0 =	sadd.s32 $0x1, s0;
	s5 =	simm.s32 @!p1 $0x4;
	s7 =	sshrl.u32 @!p1 s6, $0x3  }
0x17c: {  	s4 =	sadd.s32 $0x1, s4;
	s6 =	sand.u32 @!p1 $0x7, s6;
	s7 =	sadd.s32 @!p1 s1, s7  }
0x17d: {  	[hbm4b:s7+s6] =	stream.linear.scatter @!p1 [tilespmem:s0], [sflag:$0x5], $0x1, $0x38;
	[tilespmem:$0xF030] =	vst v63  }
.LBB3_23:
0x17e: {  	s0 =	sadd.s32 s3, s5  }
0x17f: {  	s3 =	sshrl.u32 s0, $0x2  }
.LBB3_24:
0x180: {  	s0 =	simm.s32 $0x5  }
0x181: {  	_ =	swait.ge [sflag:s0], s3  }
0x182: {  	s1 =	ssub.s32 $0x0, s3;
	[sflag:s0] =	ssyncset.done $0x0  }
0x183: {  	[sflag:s0] =	ssyncadd.s32 s1  }
0x184: {  	[sflag:s0] =	ssyncpa.u1 $0x1  }
0x185: {  	s29 =	simm.s32 $0x1;
	_ =	sfence  }
0x186: {  	s30 =	simm.s32 $0x2;
	[sflag:s29] =	ssyncpa.u1 $0x1  }
0x187: {  	[sflag:s30] =	ssyncpa.u1 $0x1  }
0x188: {  	_ =	strace $0x9000004A  }
0x189: {  	[bflag:$0x2] =	sbarrier.arrive $0xFFFF  }
0x18a: {  	s31 =	rddreg [dreg:$0x1]  }
0x18b: {  	s0 =	sadd.s32 $0x100000, s31  }
0x18c: {  	[sflag:s0] =	ssyncadd.tile.s32 $0x1;
	_ =	shalt  }
.Lfunc_end3:
_tile_overlayer_lowered:
.L_overlay_start_3:
0x18d: {  	(tag) =	ssettag $0x3  }
0x18e: {  	s0 =	rddreg [dreg:$0x0];
	s2 =	stileid.u32  }
0x18f: {  	s1 =	rddreg [dreg:$0x1];
	p0 =	sne.s32 s2, $0x0  }
0x190: {  	s3 =	rddreg [dreg:$0x2];
	[bflag:$0x3] =	sbarrier.arrive $0xFFFF;
	s2 =	simm.s32 @!p0 $0x1C01  }
0x191: {  	[timem:s3], [sflag:s2] =	dma.local @!p0 [hbm:s0], s1  }
0x192: {  	s0 =	simm.s32 @!p0 $0x1  }
0x193: {  	_ =	swait.ge @!p0 [sflag:s0], s1  }
0x194: {  	s1 =	ssub.s32 @!p0 $0x0, s1;
	[sflag:s0] =	ssyncset.done @!p0 $0x0  }
0x195: {  	[sflag:s0] =	ssyncadd.s32 @!p0 s1  }
0x196: {  	[bflag:$0x3] =	sbarrier.arrive $0xFFFF  }
0x197: {  	_ =	shalt  }

</sc_bundles>
